<compile_context>
chip_gen: v7x
topology: tpu7x:2x2x1
jax: 0.10.2.dev20260603
libtpu: 0.0.44.dev20260713+nightly
codegen_flags: <defaults>
</compile_context>

<pallas_src>
import jax
import jax.numpy as jnp
from jax import lax
from jax.experimental import pallas as pl
from jax.experimental.pallas import tpu as pltpu
from jax.experimental.pallas import tpu_sc as plsc

N = 100000
G = 256
R = 200
H = 128
CD = 64
C = 14

CBLK = 5120
NBLK_H = 10
HALF0 = NBLK_H * CBLK
T_ROWS = C * G
SAC = T_ROWS
T_ROWS_P = T_ROWS + 128
CH = 128
NW = 32
ROWS_PER_TILE = T_ROWS_P // 16

SPLIT = HALF0 // CH
NFULL1 = (N - HALF0) // CH
TAIL = N - HALF0 - NFULL1 * CH
ITERS0 = 13
ITERS1 = 12


def _make_router_body(ncols):
    def body(posT_ref, batch_ref, wl_ref, ci_ref, cidx_ref, cnt_ref):
        p = posT_ref[...]
        wl = wl_ref[...]
        logits = lax.dot_general(wl, p, (((1,), (0,)), ((), ())),
                                 preferred_element_type=jnp.float32)
        m = jnp.max(logits, axis=0, keepdims=True)
        iota = lax.broadcasted_iota(jnp.int32, logits.shape, 0)
        idx = jnp.min(jnp.where(logits == m, iota, C), axis=0)
        b = batch_ref[...]
        ci_ref[...] = idx
        cidx_ref[...] = idx * G + b
        col = (pl.program_id(0) * CBLK
               + lax.broadcasted_iota(jnp.int32, (1, CBLK), 1))
        valid = col < ncols
        seg = lax.broadcasted_iota(jnp.int32, (G, CBLK), 0)
        eq = ((b[None, :] == seg) & valid).astype(jnp.float32)
        part = jnp.sum(eq, axis=1, keepdims=True)

        @pl.when(pl.program_id(0) == 0)
        def _():
            cnt_ref[...] = part

        @pl.when(pl.program_id(0) != 0)
        def _():
            cnt_ref[...] += part

    return body


def _router(posT, batch2d, wl, off, ncols):
    return pl.pallas_call(
        _make_router_body(ncols),
        grid=(NBLK_H,),
        in_specs=[
            pl.BlockSpec((R, CBLK), lambda i: (0, i + off)),
            pl.BlockSpec((CBLK,), lambda i: (i + off,)),
            pl.BlockSpec((C, R), lambda i: (0, 0)),
        ],
        out_specs=[
            pl.BlockSpec((CBLK,), lambda i: (i,)),
            pl.BlockSpec((CBLK,), lambda i: (i,)),
            pl.BlockSpec((G, 1), lambda i: (0, 0)),
        ],
        out_shape=[
            jax.ShapeDtypeStruct((ncols,), jnp.int32),
            jax.ShapeDtypeStruct((ncols,), jnp.int32),
            jax.ShapeDtypeStruct((G, 1), jnp.float32),
        ],
    )(posT, batch2d, wl)


def _make_sc_body(row_base, nfull, tail_tl, niters):
    def body(x_hbm, idx_hbm, out_hbm,
             idx_v, dat_v, sd0, sd1, sd2, si0, si1, si2, table):
        cid = lax.axis_index("c")
        sid = lax.axis_index("s")
        wid = sid * 2 + cid
        sems = ((sd0, si0), (sd1, si1), (sd2, si2))

        z = jnp.zeros((16,), jnp.float32)

        def zrow(r, carry):
            for k in range(H // 16):
                dat_v[0, r, pl.ds(k * 16, 16)] = z
            return carry

        lax.fori_loop(0, CH, zrow, 0)
        base = sid * ROWS_PER_TILE
        sl = pl.ds(base, ROWS_PER_TILE)
        pltpu.sync_copy(dat_v.at[0], table.at[pl.ds(base, CH)])
        pltpu.sync_copy(dat_v.at[0, pl.ds(0, ROWS_PER_TILE - CH)],
                        table.at[pl.ds(base + CH, ROWS_PER_TILE - CH)])
        plsc.subcore_barrier()

        def row0(tl):
            r = jnp.where(tl < nfull, row_base + tl * CH, 0)
            if tail_tl is not None:
                r = jnp.where(tl == tail_tl, row_base + tail_tl * CH - (CH - TAIL), r)
            return r

        def start(j, b):
            tl = wid + NW * j
            return (pltpu.async_copy(x_hbm.at[pl.ds(row0(tl), CH)],
                                     dat_v.at[b], sems[b][0]),
                    pltpu.async_copy(idx_hbm.at[tl], idx_v.at[b],
                                     sems[b][1]))

        pend = {}
        for j in range(min(3, niters)):
            pend[j] = start(j, j % 3)
        for j in range(niters):
            b = j % 3
            hd, hi = pend.pop(j)
            hd.wait()
            hi.wait()
            pltpu.sync_copy(dat_v.at[b], table.at[idx_v.at[b]], add=True)
            if j + 3 < niters:
                pend[j + 3] = start(j + 3, b)

        plsc.subcore_barrier()
        pltpu.sync_copy(table.at[sl], out_hbm.at[cid, sl])

    return body


def _sc_scatter(x, idx_pad, row_base, nfull, tail_tl, niters):
    mesh = plsc.VectorSubcoreMesh(core_axis_name="c", subcore_axis_name="s")
    f = pl.kernel(
        _make_sc_body(row_base, nfull, tail_tl, niters),
        mesh=mesh,
        out_type=jax.ShapeDtypeStruct((2, T_ROWS_P, H), jnp.float32),
        scratch_types=[
            pltpu.VMEM((3, CH), jnp.int32),
            pltpu.VMEM((3, CH, H), jnp.float32),
            pltpu.SemaphoreType.DMA,
            pltpu.SemaphoreType.DMA,
            pltpu.SemaphoreType.DMA,
            pltpu.SemaphoreType.DMA,
            pltpu.SemaphoreType.DMA,
            pltpu.SemaphoreType.DMA,
            pltpu.VMEM_SHARED((T_ROWS_P, H), jnp.float32),
        ],
    )
    return f(x, idx_pad)


def _mlp_body(ta_ref, tb_ref, cnt_ref, w1_ref, b1_ref, g1_ref, bt1_ref,
              w2_ref, b2_ref, g2_ref, bt2_ref, out_ref):
    denom = jnp.maximum(cnt_ref[...], 1.0)
    halves = []
    for k in range(2):
        t = (ta_ref[0, pl.ds(k * G, G)] + ta_ref[1, pl.ds(k * G, G)]
             + tb_ref[0, pl.ds(k * G, G)] + tb_ref[1, pl.ds(k * G, G)])
        pooled = t / denom
        h = lax.dot_general(pooled, w1_ref[k], (((1,), (1,)), ((), ())),
                            preferred_element_type=jnp.float32) + b1_ref[k]
        m = jnp.mean(h, axis=0, keepdims=True)
        cen = h - m
        v = jnp.mean(cen * cen, axis=0, keepdims=True)
        h1 = g1_ref[k] * cen / jnp.sqrt(v + 1e-5) + bt1_ref[k]
        h1 = jnp.where(h1 >= 0, h1, 0.01 * h1)
        h2 = lax.dot_general(h1, w2_ref[k], (((1,), (1,)), ((), ())),
                             preferred_element_type=jnp.float32) + b2_ref[k]
        m2 = jnp.mean(h2, axis=0, keepdims=True)
        cen2 = h2 - m2
        v2 = jnp.mean(cen2 * cen2, axis=0, keepdims=True)
        h2n = g2_ref[k] * cen2 / jnp.sqrt(v2 + 1e-5) + bt2_ref[k]
        halves.append(jnp.where(h2n >= 0, h2n, 0.01 * h2n))
    out_ref[...] = jnp.concatenate(halves, axis=1)


def _mlp(ta, tb, counts, W1, b1, g1, bt1, W2, b2, g2, bt2):
    return pl.pallas_call(
        _mlp_body,
        grid=(C // 2,),
        in_specs=[
            pl.BlockSpec((2, 2 * G, H), lambda i: (0, i, 0)),
            pl.BlockSpec((2, 2 * G, H), lambda i: (0, i, 0)),
            pl.BlockSpec((G, 1), lambda i: (0, 0)),
            pl.BlockSpec((2, H, H), lambda i: (i, 0, 0)),
            pl.BlockSpec((2, 1, H), lambda i: (i, 0, 0)),
            pl.BlockSpec((2, 1, H), lambda i: (i, 0, 0)),
            pl.BlockSpec((2, 1, H), lambda i: (i, 0, 0)),
            pl.BlockSpec((2, CD, H), lambda i: (i, 0, 0)),
            pl.BlockSpec((2, 1, CD), lambda i: (i, 0, 0)),
            pl.BlockSpec((2, 1, CD), lambda i: (i, 0, 0)),
            pl.BlockSpec((2, 1, CD), lambda i: (i, 0, 0)),
        ],
        out_specs=pl.BlockSpec((G, 2 * CD), lambda i: (0, i)),
        out_shape=jax.ShapeDtypeStruct((G, C * CD), jnp.float32),
    )(ta, tb, counts, W1,
      b1.reshape(C, 1, H), g1.reshape(C, 1, H), bt1.reshape(C, 1, H),
      W2,
      b2.reshape(C, 1, CD), g2.reshape(C, 1, CD), bt2.reshape(C, 1, CD))


def kernel(x, batch, pos, size, Wl, W1, b1, g1, bt1, W2, b2, g2, bt2):
    batch32 = batch.astype(jnp.int32)
    batch1d = batch32
    posT = pos.T
    zeros_tbl = jnp.zeros((T_ROWS, H), jnp.float32)

    ci0, cidx0, counts0 = _router(posT, batch1d, Wl, 0, HALF0)
    idx_pad0 = jnp.concatenate(
        [cidx0,
         jnp.full((ITERS0 * NW * CH - HALF0,), SAC, jnp.int32)]
    ).reshape(ITERS0 * NW, CH)
    tables0 = _sc_scatter(x, idx_pad0, 0, SPLIT, None, ITERS0)

    ci1, cidx1, counts1 = _router(posT, batch1d, Wl, NBLK_H, N - HALF0)
    cidx1f = cidx1
    idx_pad1 = jnp.concatenate(
        [cidx1f[:NFULL1 * CH],
         jnp.full((CH - TAIL,), SAC, jnp.int32),
         cidx1f[NFULL1 * CH:],
         jnp.full((ITERS1 * NW * CH - (NFULL1 + 1) * CH,), SAC, jnp.int32)]
    ).reshape(ITERS1 * NW, CH)
    tables1 = _sc_scatter(x, idx_pad1, HALF0, NFULL1,
                          NFULL1, ITERS1)

    counts = counts0 + counts1
    out = _mlp(tables0, tables1, counts,
               W1, b1, g1, bt1, W2, b2, g2, bt2)
    ci = jnp.concatenate([ci0, ci1])
    return (out, ci)

# --- scband reference (transcript-rebuilt; emitter-appended) ---
"""Pipeline reference for scband-global-cluster-pool-85306640433592 (READ-ONLY COPY).

The authoritative reference and input builder live on the scoring server;
editing this copy changes nothing except your own understanding.
"""

import jax, jax.numpy as jnp
import numpy as np

N = 100000
G = 256
R = 200
H = 128
CD = 64
C = 14


def _bn(h, gamma, beta, eps=1e-5):
    # BatchNorm1d in training mode: biased batch statistics over axis 0
    m = jnp.mean(h, axis=0, keepdims=True)
    v = jnp.var(h, axis=0, keepdims=True)
    return gamma * (h - m) / jnp.sqrt(v + eps) + beta


def _lrelu(h):
    return jax.nn.leaky_relu(h, negative_slope=0.01)


def setup_inputs(seed: int = 0) -> dict:
    key = jax.random.key(seed)
    ks = jax.random.split(key, 8)
    x = jax.random.normal(ks[0], (N, H), dtype=jnp.float32)
    pos = jax.random.normal(ks[1], (N, R), dtype=jnp.float32)
    batch = jnp.sort(jax.random.randint(ks[2], (N,), 0, G, dtype=jnp.int64))
    # learned params
    Wl = jax.random.normal(ks[3], (C, R), dtype=jnp.float32) * (1.0 / np.sqrt(R))
    W1 = jax.random.normal(ks[4], (C, H, H), dtype=jnp.float32) * np.sqrt(2.0 / H)
    b1 = jnp.zeros((C, H), dtype=jnp.float32)
    g1 = jnp.ones((C, H), dtype=jnp.float32)
    bt1 = jnp.zeros((C, H), dtype=jnp.float32)
    W2 = jax.random.normal(ks[5], (C, CD, H), dtype=jnp.float32) * np.sqrt(2.0 / H)
    b2 = jnp.zeros((C, CD), dtype=jnp.float32)
    g2 = jnp.ones((C, CD), dtype=jnp.float32)
    bt2 = jnp.zeros((C, CD), dtype=jnp.float32)
    return {"x": x, "batch": batch, "pos": pos, "size": G,
            "Wl": Wl, "W1": W1, "b1": b1, "g1": g1, "bt1": bt1,
            "W2": W2, "b2": b2, "g2": g2, "bt2": bt2}


def reference(x, batch, pos, size, Wl, W1, b1, g1, bt1, W2, b2, g2, bt2):
    # router: softmax(Linear(pos)) then hard argmax cluster assignment
    cluster_probs = jax.nn.softmax(pos @ Wl.T, axis=-1)
    cluster_indices = jnp.argmax(cluster_probs, axis=-1)
    # scatter 'mean' divides by the number of scattered elements per segment
    # (all nodes of the graph, since masked zeros are still scattered)
    num_segments = G
    counts = jax.ops.segment_sum(jnp.ones((x.shape[0],), dtype=x.dtype), batch, num_segments=num_segments)
    counts = counts + jnp.zeros((), dtype=x.dtype) * size
    denom = jnp.maximum(counts, 1.0)[:, None]
    reps = []
    for i in range(C):
        mask = (cluster_indices == i).astype(x.dtype)[:, None]
        cluster_features = x * mask
        pooled = jax.ops.segment_sum(cluster_features, batch, num_segments=num_segments) / denom
        h1 = _lrelu(_bn(pooled @ W1[i].T + b1[i], g1[i], bt1[i]))
        # dropout treated as identity (eval / deterministic reference)
        h2 = _lrelu(_bn(h1 @ W2[i].T + b2[i], g2[i], bt2[i]))
        reps.append(h2)
    out = jnp.concatenate(reps, axis=1)
    return (out, cluster_indices)

if __name__ == "__main__":
    import jax
    _d = setup_inputs()
    print(jax.jit(kernel)(*tuple(_d.values())))

</pallas_src>

<mosaic_0001>
#map = affine_map<(d0, d1) -> (0, 0)>
#map1 = affine_map<(d0, d1) -> (0, 0, 0)>
module attributes {stable_mosaic.version = 14 : i64} {
  func.func @body(%arg0: i32, %arg1: i32, %arg2: memref<100000x128xf32, #tpu.memory_space<hbm>>, %arg3: memref<384x128xi32, #tpu.memory_space<hbm>>, %arg4: memref<2x3712x128xf32, #tpu.memory_space<hbm>>, %arg5: memref<3x128xi32, #tpu.memory_space<vmem>>, %arg6: memref<3x128x128xf32, #tpu.memory_space<vmem>>, %arg7: memref<!tpu.dma_semaphore, #tpu.memory_space<semaphore_mem>>, %arg8: memref<!tpu.dma_semaphore, #tpu.memory_space<semaphore_mem>>, %arg9: memref<!tpu.dma_semaphore, #tpu.memory_space<semaphore_mem>>, %arg10: memref<!tpu.dma_semaphore, #tpu.memory_space<semaphore_mem>>, %arg11: memref<!tpu.dma_semaphore, #tpu.memory_space<semaphore_mem>>, %arg12: memref<!tpu.dma_semaphore, #tpu.memory_space<semaphore_mem>>, %arg13: memref<3712x128xf32, #tpu.memory_space<vmem_shared>>) attributes {dimension_semantics = [#tpu.dimension_semantics<core_parallel>, #tpu.dimension_semantics<subcore_parallel>], iteration_bounds = array<i64: 2, 16>, scalar_prefetch = 0 : i64, scratch_operands = 9 : i64, tpu.core_type = #tpu.core_type<sc_vector_subcore>, window_params = [{transform_indices = #map}, {transform_indices = #map}, {transform_indices = #map1}]} {
    %mul3A = arith.constant 2 : i32
    %mul3A_0 = arith.muli %arg1, %mul3A : i32
    %add3A = arith.addi %mul3A_0, %arg0 : i32
    %broadcast_in_dim3A = arith.constant 0.000000e+00 : f32
    %broadcast_in_dim3A_1 = vector.broadcast %broadcast_in_dim3A : f32 to vector<16xf32>
    %scan3A = arith.constant 0 : i32
    %scan3A_2 = arith.constant 0 : i32
    %scan3A_3 = arith.constant 128 : i32
    %scan3A_4 = arith.addi %scan3A_2, %scan3A_3 : i32
    %scan3A_5 = arith.constant 1 : i32
    scf.for %scan3A_823 = %scan3A_2 to %scan3A_4 step %scan3A_5  : i32 {
      %swap3A = arith.constant 0 : i32
      %swap3A_824 = arith.index_cast %swap3A : i32 to index
      %swap3A_825 = arith.index_cast %scan3A_823 : i32 to index
      %swap3A_826 = arith.constant 0 : index
      %swap3A_827 = tpu.vector_load %arg6[%swap3A_824, %swap3A_825, %swap3A_826] {strides = array<i32>} : memref<3x128x128xf32, #tpu.memory_space<vmem>>, vector<1x1x16xf32>,
      %swap3A_828 = vector.shape_cast %swap3A_827 : vector<1x1x16xf32> to vector<16xf32>
      %swap3A_829 = vector.shape_cast %broadcast_in_dim3A_1 : vector<16xf32> to vector<1x1x16xf32>
      tpu.vector_store %arg6[%swap3A_824, %swap3A_825, %swap3A_826], %swap3A_829 {strides = array<i32>} : memref<3x128x128xf32, #tpu.memory_space<vmem>>, vector<1x1x16xf32>,
      %swap3A_830 = arith.constant 0 : i32
      %swap3A_831 = arith.index_cast %swap3A_830 : i32 to index
      %swap3A_832 = arith.index_cast %scan3A_823 : i32 to index
      %swap3A_833 = arith.constant 16 : index
      %swap3A_834 = tpu.vector_load %arg6[%swap3A_831, %swap3A_832, %swap3A_833] {strides = array<i32>} : memref<3x128x128xf32, #tpu.memory_space<vmem>>, vector<1x1x16xf32>,
      %swap3A_835 = vector.shape_cast %swap3A_834 : vector<1x1x16xf32> to vector<16xf32>
      %swap3A_836 = vector.shape_cast %broadcast_in_dim3A_1 : vector<16xf32> to vector<1x1x16xf32>
      tpu.vector_store %arg6[%swap3A_831, %swap3A_832, %swap3A_833], %swap3A_836 {strides = array<i32>} : memref<3x128x128xf32, #tpu.memory_space<vmem>>, vector<1x1x16xf32>,
      %swap3A_837 = arith.constant 0 : i32
      %swap3A_838 = arith.index_cast %swap3A_837 : i32 to index
      %swap3A_839 = arith.index_cast %scan3A_823 : i32 to index
      %swap3A_840 = arith.constant 32 : index
      %swap3A_841 = tpu.vector_load %arg6[%swap3A_838, %swap3A_839, %swap3A_840] {strides = array<i32>} : memref<3x128x128xf32, #tpu.memory_space<vmem>>, vector<1x1x16xf32>,
      %swap3A_842 = vector.shape_cast %swap3A_841 : vector<1x1x16xf32> to vector<16xf32>
      %swap3A_843 = vector.shape_cast %broadcast_in_dim3A_1 : vector<16xf32> to vector<1x1x16xf32>
      tpu.vector_store %arg6[%swap3A_838, %swap3A_839, %swap3A_840], %swap3A_843 {strides = array<i32>} : memref<3x128x128xf32, #tpu.memory_space<vmem>>, vector<1x1x16xf32>,
      %swap3A_844 = arith.constant 0 : i32
      %swap3A_845 = arith.index_cast %swap3A_844 : i32 to index
      %swap3A_846 = arith.index_cast %scan3A_823 : i32 to index
      %swap3A_847 = arith.constant 48 : index
      %swap3A_848 = tpu.vector_load %arg6[%swap3A_845, %swap3A_846, %swap3A_847] {strides = array<i32>} : memref<3x128x128xf32, #tpu.memory_space<vmem>>, vector<1x1x16xf32>,
      %swap3A_849 = vector.shape_cast %swap3A_848 : vector<1x1x16xf32> to vector<16xf32>
      %swap3A_850 = vector.shape_cast %broadcast_in_dim3A_1 : vector<16xf32> to vector<1x1x16xf32>
      tpu.vector_store %arg6[%swap3A_845, %swap3A_846, %swap3A_847], %swap3A_850 {strides = array<i32>} : memref<3x128x128xf32, #tpu.memory_space<vmem>>, vector<1x1x16xf32>,
      %swap3A_851 = arith.constant 0 : i32
      %swap3A_852 = arith.index_cast %swap3A_851 : i32 to index
      %swap3A_853 = arith.index_cast %scan3A_823 : i32 to index
      %swap3A_854 = arith.constant 64 : index
      %swap3A_855 = tpu.vector_load %arg6[%swap3A_852, %swap3A_853, %swap3A_854] {strides = array<i32>} : memref<3x128x128xf32, #tpu.memory_space<vmem>>, vector<1x1x16xf32>,
      %swap3A_856 = vector.shape_cast %swap3A_855 : vector<1x1x16xf32> to vector<16xf32>
      %swap3A_857 = vector.shape_cast %broadcast_in_dim3A_1 : vector<16xf32> to vector<1x1x16xf32>
      tpu.vector_store %arg6[%swap3A_852, %swap3A_853, %swap3A_854], %swap3A_857 {strides = array<i32>} : memref<3x128x128xf32, #tpu.memory_space<vmem>>, vector<1x1x16xf32>,
      %swap3A_858 = arith.constant 0 : i32
      %swap3A_859 = arith.index_cast %swap3A_858 : i32 to index
      %swap3A_860 = arith.index_cast %scan3A_823 : i32 to index
      %swap3A_861 = arith.constant 80 : index
      %swap3A_862 = tpu.vector_load %arg6[%swap3A_859, %swap3A_860, %swap3A_861] {strides = array<i32>} : memref<3x128x128xf32, #tpu.memory_space<vmem>>, vector<1x1x16xf32>,
      %swap3A_863 = vector.shape_cast %swap3A_862 : vector<1x1x16xf32> to vector<16xf32>
      %swap3A_864 = vector.shape_cast %broadcast_in_dim3A_1 : vector<16xf32> to vector<1x1x16xf32>
      tpu.vector_store %arg6[%swap3A_859, %swap3A_860, %swap3A_861], %swap3A_864 {strides = array<i32>} : memref<3x128x128xf32, #tpu.memory_space<vmem>>, vector<1x1x16xf32>,
      %swap3A_865 = arith.constant 0 : i32
      %swap3A_866 = arith.index_cast %swap3A_865 : i32 to index
      %swap3A_867 = arith.index_cast %scan3A_823 : i32 to index
      %swap3A_868 = arith.constant 96 : index
      %swap3A_869 = tpu.vector_load %arg6[%swap3A_866, %swap3A_867, %swap3A_868] {strides = array<i32>} : memref<3x128x128xf32, #tpu.memory_space<vmem>>, vector<1x1x16xf32>,
      %swap3A_870 = vector.shape_cast %swap3A_869 : vector<1x1x16xf32> to vector<16xf32>
      %swap3A_871 = vector.shape_cast %broadcast_in_dim3A_1 : vector<16xf32> to vector<1x1x16xf32>
      tpu.vector_store %arg6[%swap3A_866, %swap3A_867, %swap3A_868], %swap3A_871 {strides = array<i32>} : memref<3x128x128xf32, #tpu.memory_space<vmem>>, vector<1x1x16xf32>,
      %swap3A_872 = arith.constant 0 : i32
      %swap3A_873 = arith.index_cast %swap3A_872 : i32 to index
      %swap3A_874 = arith.index_cast %scan3A_823 : i32 to index
      %swap3A_875 = arith.constant 112 : index
      %swap3A_876 = tpu.vector_load %arg6[%swap3A_873, %swap3A_874, %swap3A_875] {strides = array<i32>} : memref<3x128x128xf32, #tpu.memory_space<vmem>>, vector<1x1x16xf32>,
      %swap3A_877 = vector.shape_cast %swap3A_876 : vector<1x1x16xf32> to vector<16xf32>
      %swap3A_878 = vector.shape_cast %broadcast_in_dim3A_1 : vector<16xf32> to vector<1x1x16xf32>
      tpu.vector_store %arg6[%swap3A_873, %swap3A_874, %swap3A_875], %swap3A_878 {strides = array<i32>} : memref<3x128x128xf32, #tpu.memory_space<vmem>>, vector<1x1x16xf32>,
    }
    %scan3A_6 = arith.constant 128 : i32
    %mul3A_7 = arith.constant 232 : i32
    %mul3A_8 = arith.muli %arg1, %mul3A_7 : i32
    %run_scoped3A = arith.constant 0 : i32
    "tpu.region"() ({
      %run_scoped3A_823 = tpu.sem_alloc : memref<!tpu.dma_semaphore, #tpu.memory_space<semaphore_mem>>
      %dma_start3A_824 = arith.constant 0 : i32
      %dma_start3A_825 = arith.constant 0 : i32
      %dma_start3A_826 = tpu.memref_slice %arg6[%run_scoped3A, %dma_start3A_824, %dma_start3A_825] : memref<3x128x128xf32, #tpu.memory_space<vmem>> -> memref<1x128x128xf32, #tpu.memory_space<vmem>>
      %dma_start3A_827 = tpu.memref_squeeze %dma_start3A_826 : memref<1x128x128xf32, #tpu.memory_space<vmem>> -> memref<128x128xf32, #tpu.memory_space<vmem>>
      %dma_start3A_828 = arith.constant 0 : i32
      %dma_start3A_829 = tpu.memref_slice %arg13[%mul3A_8, %dma_start3A_828] : memref<3712x128xf32, #tpu.memory_space<vmem_shared>> -> memref<128x128xf32, #tpu.memory_space<vmem_shared>>
      %dma_start3A_830 = arith.constant 0 : i32
      %dma_start3A_831 = tpu.memref_slice %arg13[%mul3A_8, %dma_start3A_830] : memref<3712x128xf32, #tpu.memory_space<vmem_shared>> -> memref<128x128xf32, #tpu.memory_space<vmem_shared>>
      %dma_start3A_832 = arith.constant 0 : i32
      %dma_start3A_833 = arith.constant 0 : i32
      %dma_start3A_834 = tpu.memref_slice %arg6[%run_scoped3A, %dma_start3A_832, %dma_start3A_833] : memref<3x128x128xf32, #tpu.memory_space<vmem>> -> memref<1x128x128xf32, #tpu.memory_space<vmem>>
      %dma_start3A_835 = tpu.memref_squeeze %dma_start3A_834 : memref<1x128x128xf32, #tpu.memory_space<vmem>> -> memref<128x128xf32, #tpu.memory_space<vmem>>
      tpu.enqueue_dma source(%dma_start3A_835 : memref<128x128xf32, #tpu.memory_space<vmem>>) target(%dma_start3A_831 : memref<128x128xf32, #tpu.memory_space<vmem_shared>>) target_semaphore(%run_scoped3A_823 : memref<!tpu.dma_semaphore, #tpu.memory_space<semaphore_mem>>)
      %dma_wait3A_836 = arith.constant 0 : i32
      %dma_wait3A_837 = arith.constant 0 : i32
      %dma_wait3A_838 = tpu.memref_slice %arg6[%run_scoped3A, %dma_wait3A_836, %dma_wait3A_837] : memref<3x128x128xf32, #tpu.memory_space<vmem>> -> memref<1x128x128xf32, #tpu.memory_space<vmem>>
      %dma_wait3A_839 = tpu.memref_squeeze %dma_wait3A_838 : memref<1x128x128xf32, #tpu.memory_space<vmem>> -> memref<128x128xf32, #tpu.memory_space<vmem>>
      %dma_wait3A_840 = arith.constant 0 : i32
      %dma_wait3A_841 = tpu.memref_slice %arg13[%mul3A_8, %dma_wait3A_840] : memref<3712x128xf32, #tpu.memory_space<vmem_shared>> -> memref<128x128xf32, #tpu.memory_space<vmem_shared>>
      %dma_wait3A_842 = arith.constant 0 : i32
      %dma_wait3A_843 = tpu.memref_slice %arg13[%mul3A_8, %dma_wait3A_842] : memref<3712x128xf32, #tpu.memory_space<vmem_shared>> -> memref<128x128xf32, #tpu.memory_space<vmem_shared>>
      %dma_wait3A_844 = arith.constant 0 : i32
      %dma_wait3A_845 = arith.constant 0 : i32
      %dma_wait3A_846 = tpu.memref_slice %arg6[%run_scoped3A, %dma_wait3A_844, %dma_wait3A_845] : memref<3x128x128xf32, #tpu.memory_space<vmem>> -> memref<1x128x128xf32, #tpu.memory_space<vmem>>
      %dma_wait3A_847 = tpu.memref_squeeze %dma_wait3A_846 : memref<1x128x128xf32, #tpu.memory_space<vmem>> -> memref<128x128xf32, #tpu.memory_space<vmem>>
      tpu.wait_dma2 semaphore(%run_scoped3A_823 : memref<!tpu.dma_semaphore, #tpu.memory_space<semaphore_mem>>) src(%dma_wait3A_847 : memref<128x128xf32, #tpu.memory_space<vmem>>) dst(%dma_wait3A_843 : memref<128x128xf32, #tpu.memory_space<vmem_shared>>)
      tpu.yield
    }) : () -> ()
    %add3A_9 = arith.constant 128 : i32
    %add3A_10 = arith.addi %mul3A_8, %add3A_9 : i32
    %run_scoped3A_11 = arith.constant 0 : i32
    "tpu.region"() ({
      %run_scoped3A_823 = tpu.sem_alloc : memref<!tpu.dma_semaphore, #tpu.memory_space<semaphore_mem>>
      %dma_start3A_824 = arith.constant 0 : i32
      %dma_start3A_825 = arith.constant 0 : i32
      %dma_start3A_826 = tpu.memref_slice %arg6[%run_scoped3A_11, %dma_start3A_824, %dma_start3A_825] : memref<3x128x128xf32, #tpu.memory_space<vmem>> -> memref<1x104x128xf32, #tpu.memory_space<vmem>>
      %dma_start3A_827 = tpu.memref_squeeze %dma_start3A_826 : memref<1x104x128xf32, #tpu.memory_space<vmem>> -> memref<104x128xf32, #tpu.memory_space<vmem>>
      %dma_start3A_828 = arith.constant 0 : i32
      %dma_start3A_829 = tpu.memref_slice %arg13[%add3A_10, %dma_start3A_828] : memref<3712x128xf32, #tpu.memory_space<vmem_shared>> -> memref<104x128xf32, #tpu.memory_space<vmem_shared>>
      %dma_start3A_830 = arith.constant 0 : i32
      %dma_start3A_831 = tpu.memref_slice %arg13[%add3A_10, %dma_start3A_830] : memref<3712x128xf32, #tpu.memory_space<vmem_shared>> -> memref<104x128xf32, #tpu.memory_space<vmem_shared>>
      %dma_start3A_832 = arith.constant 0 : i32
      %dma_start3A_833 = arith.constant 0 : i32
      %dma_start3A_834 = tpu.memref_slice %arg6[%run_scoped3A_11, %dma_start3A_832, %dma_start3A_833] : memref<3x128x128xf32, #tpu.memory_space<vmem>> -> memref<1x104x128xf32, #tpu.memory_space<vmem>>
      %dma_start3A_835 = tpu.memref_squeeze %dma_start3A_834 : memref<1x104x128xf32, #tpu.memory_space<vmem>> -> memref<104x128xf32, #tpu.memory_space<vmem>>
      tpu.enqueue_dma source(%dma_start3A_835 : memref<104x128xf32, #tpu.memory_space<vmem>>) target(%dma_start3A_831 : memref<104x128xf32, #tpu.memory_space<vmem_shared>>) target_semaphore(%run_scoped3A_823 : memref<!tpu.dma_semaphore, #tpu.memory_space<semaphore_mem>>)
      %dma_wait3A_836 = arith.constant 0 : i32
      %dma_wait3A_837 = arith.constant 0 : i32
      %dma_wait3A_838 = tpu.memref_slice %arg6[%run_scoped3A_11, %dma_wait3A_836, %dma_wait3A_837] : memref<3x128x128xf32, #tpu.memory_space<vmem>> -> memref<1x104x128xf32, #tpu.memory_space<vmem>>
      %dma_wait3A_839 = tpu.memref_squeeze %dma_wait3A_838 : memref<1x104x128xf32, #tpu.memory_space<vmem>> -> memref<104x128xf32, #tpu.memory_space<vmem>>
      %dma_wait3A_840 = arith.constant 0 : i32
      %dma_wait3A_841 = tpu.memref_slice %arg13[%add3A_10, %dma_wait3A_840] : memref<3712x128xf32, #tpu.memory_space<vmem_shared>> -> memref<104x128xf32, #tpu.memory_space<vmem_shared>>
      %dma_wait3A_842 = arith.constant 0 : i32
      %dma_wait3A_843 = tpu.memref_slice %arg13[%add3A_10, %dma_wait3A_842] : memref<3712x128xf32, #tpu.memory_space<vmem_shared>> -> memref<104x128xf32, #tpu.memory_space<vmem_shared>>
      %dma_wait3A_844 = arith.constant 0 : i32
      %dma_wait3A_845 = arith.constant 0 : i32
      %dma_wait3A_846 = tpu.memref_slice %arg6[%run_scoped3A_11, %dma_wait3A_844, %dma_wait3A_845] : memref<3x128x128xf32, #tpu.memory_space<vmem>> -> memref<1x104x128xf32, #tpu.memory_space<vmem>>
      %dma_wait3A_847 = tpu.memref_squeeze %dma_wait3A_846 : memref<1x104x128xf32, #tpu.memory_space<vmem>> -> memref<104x128xf32, #tpu.memory_space<vmem>>
      tpu.wait_dma2 semaphore(%run_scoped3A_823 : memref<!tpu.dma_semaphore, #tpu.memory_space<semaphore_mem>>) src(%dma_wait3A_847 : memref<104x128xf32, #tpu.memory_space<vmem>>) dst(%dma_wait3A_843 : memref<104x128xf32, #tpu.memory_space<vmem_shared>>)
      tpu.yield
    }) : () -> ()
    %barrier3A = arith.constant 0 : index
    tpu.barrier barrier_id(%barrier3A)
    %add3A_12 = arith.constant 0 : i32
    %add3A_13 = arith.addi %add3A, %add3A_12 : i32
    %lt3A = arith.constant 381 : i32
    %lt3A_14 = arith.cmpi slt, %add3A_13, %lt3A : i32
    %mul3A_15 = arith.constant 128 : i32
    %mul3A_16 = arith.muli %add3A_13, %mul3A_15 : i32
    %add3A_17 = arith.constant 51200 : i32
    %add3A_18 = arith.addi %add3A_17, %mul3A_16 : i32
    %jit3A = arith.constant 0 : i32
    %select_n3A = arith.select %lt3A_14, %add3A_18, %jit3A : i32
    %eq3A = arith.constant 381 : i32
    %eq3A_19 = arith.cmpi eq, %add3A_13, %eq3A : i32
    %jit3A_20 = arith.constant 99872 : i32
    %select_n3A_21 = arith.select %eq3A_19, %jit3A_20, %select_n3A : i32
    %dma_start3A = arith.constant 0 : i32
    %dma_start3A_22 = arith.constant 0 : i32
    %dma_start3A_23 = arith.constant 0 : i32
    %dma_start3A_24 = tpu.memref_slice %arg6[%dma_start3A, %dma_start3A_22, %dma_start3A_23] : memref<3x128x128xf32, #tpu.memory_space<vmem>> -> memref<1x128x128xf32, #tpu.memory_space<vmem>>
    %dma_start3A_25 = tpu.memref_squeeze %dma_start3A_24 : memref<1x128x128xf32, #tpu.memory_space<vmem>> -> memref<128x128xf32, #tpu.memory_space<vmem>>
    %dma_start3A_26 = arith.constant 0 : i32
    %dma_start3A_27 = tpu.memref_slice %arg2[%select_n3A_21, %dma_start3A_26] : memref<100000x128xf32, #tpu.memory_space<hbm>> -> memref<128x128xf32, #tpu.memory_space<hbm>>
    %dma_start3A_28 = arith.constant 0 : i32
    %dma_start3A_29 = arith.constant 0 : i32
    %dma_start3A_30 = tpu.memref_slice %arg6[%dma_start3A, %dma_start3A_28, %dma_start3A_29] : memref<3x128x128xf32, #tpu.memory_space<vmem>> -> memref<1x128x128xf32, #tpu.memory_space<vmem>>
    %dma_start3A_31 = tpu.memref_squeeze %dma_start3A_30 : memref<1x128x128xf32, #tpu.memory_space<vmem>> -> memref<128x128xf32, #tpu.memory_space<vmem>>
    %dma_start3A_32 = arith.constant 0 : i32
    %dma_start3A_33 = tpu.memref_slice %arg2[%select_n3A_21, %dma_start3A_32] : memref<100000x128xf32, #tpu.memory_space<hbm>> -> memref<128x128xf32, #tpu.memory_space<hbm>>
    tpu.enqueue_dma source(%dma_start3A_33 : memref<128x128xf32, #tpu.memory_space<hbm>>) target(%dma_start3A_31 : memref<128x128xf32, #tpu.memory_space<vmem>>) target_semaphore(%arg7 : memref<!tpu.dma_semaphore, #tpu.memory_space<semaphore_mem>>)
    %dma_start3A_34 = arith.constant 0 : i32
    %dma_start3A_35 = arith.constant 0 : i32
    %dma_start3A_36 = tpu.memref_slice %arg5[%dma_start3A_34, %dma_start3A_35] : memref<3x128xi32, #tpu.memory_space<vmem>> -> memref<1x128xi32, #tpu.memory_space<vmem>>
    %dma_start3A_37 = tpu.memref_squeeze %dma_start3A_36 : memref<1x128xi32, #tpu.memory_space<vmem>> -> memref<128xi32, #tpu.memory_space<vmem>>
    %dma_start3A_38 = arith.constant 0 : i32
    %dma_start3A_39 = tpu.memref_slice %arg3[%add3A_13, %dma_start3A_38] : memref<384x128xi32, #tpu.memory_space<hbm>> -> memref<1x128xi32, #tpu.memory_space<hbm>>
    %dma_start3A_40 = tpu.memref_squeeze %dma_start3A_39 : memref<1x128xi32, #tpu.memory_space<hbm>> -> memref<128xi32, #tpu.memory_space<hbm>>
    %dma_start3A_41 = arith.constant 0 : i32
    %dma_start3A_42 = tpu.memref_slice %arg5[%dma_start3A_34, %dma_start3A_41] : memref<3x128xi32, #tpu.memory_space<vmem>> -> memref<1x128xi32, #tpu.memory_space<vmem>>
    %dma_start3A_43 = tpu.memref_squeeze %dma_start3A_42 : memref<1x128xi32, #tpu.memory_space<vmem>> -> memref<128xi32, #tpu.memory_space<vmem>>
    %dma_start3A_44 = arith.constant 0 : i32
    %dma_start3A_45 = tpu.memref_slice %arg3[%add3A_13, %dma_start3A_44] : memref<384x128xi32, #tpu.memory_space<hbm>> -> memref<1x128xi32, #tpu.memory_space<hbm>>
    %dma_start3A_46 = tpu.memref_squeeze %dma_start3A_45 : memref<1x128xi32, #tpu.memory_space<hbm>> -> memref<128xi32, #tpu.memory_space<hbm>>
    tpu.enqueue_dma source(%dma_start3A_46 : memref<128xi32, #tpu.memory_space<hbm>>) target(%dma_start3A_43 : memref<128xi32, #tpu.memory_space<vmem>>) target_semaphore(%arg10 : memref<!tpu.dma_semaphore, #tpu.memory_space<semaphore_mem>>)
    %add3A_47 = arith.constant 32 : i32
    %add3A_48 = arith.addi %add3A, %add3A_47 : i32
    %lt3A_49 = arith.constant 381 : i32
    %lt3A_50 = arith.cmpi slt, %add3A_48, %lt3A_49 : i32
    %mul3A_51 = arith.constant 128 : i32
    %mul3A_52 = arith.muli %add3A_48, %mul3A_51 : i32
    %add3A_53 = arith.constant 51200 : i32
    %add3A_54 = arith.addi %add3A_53, %mul3A_52 : i32
    %jit3A_55 = arith.constant 0 : i32
    %select_n3A_56 = arith.select %lt3A_50, %add3A_54, %jit3A_55 : i32
    %eq3A_57 = arith.constant 381 : i32
    %eq3A_58 = arith.cmpi eq, %add3A_48, %eq3A_57 : i32
    %jit3A_59 = arith.constant 99872 : i32
    %select_n3A_60 = arith.select %eq3A_58, %jit3A_59, %select_n3A_56 : i32
    %dma_start3A_61 = arith.constant 1 : i32
    %dma_start3A_62 = arith.constant 0 : i32
    %dma_start3A_63 = arith.constant 0 : i32
    %dma_start3A_64 = tpu.memref_slice %arg6[%dma_start3A_61, %dma_start3A_62, %dma_start3A_63] : memref<3x128x128xf32, #tpu.memory_space<vmem>> -> memref<1x128x128xf32, #tpu.memory_space<vmem>>
    %dma_start3A_65 = tpu.memref_squeeze %dma_start3A_64 : memref<1x128x128xf32, #tpu.memory_space<vmem>> -> memref<128x128xf32, #tpu.memory_space<vmem>>
    %dma_start3A_66 = arith.constant 0 : i32
    %dma_start3A_67 = tpu.memref_slice %arg2[%select_n3A_60, %dma_start3A_66] : memref<100000x128xf32, #tpu.memory_space<hbm>> -> memref<128x128xf32, #tpu.memory_space<hbm>>
    %dma_start3A_68 = arith.constant 0 : i32
    %dma_start3A_69 = arith.constant 0 : i32
    %dma_start3A_70 = tpu.memref_slice %arg6[%dma_start3A_61, %dma_start3A_68, %dma_start3A_69] : memref<3x128x128xf32, #tpu.memory_space<vmem>> -> memref<1x128x128xf32, #tpu.memory_space<vmem>>
    %dma_start3A_71 = tpu.memref_squeeze %dma_start3A_70 : memref<1x128x128xf32, #tpu.memory_space<vmem>> -> memref<128x128xf32, #tpu.memory_space<vmem>>
    %dma_start3A_72 = arith.constant 0 : i32
    %dma_start3A_73 = tpu.memref_slice %arg2[%select_n3A_60, %dma_start3A_72] : memref<100000x128xf32, #tpu.memory_space<hbm>> -> memref<128x128xf32, #tpu.memory_space<hbm>>
    tpu.enqueue_dma source(%dma_start3A_73 : memref<128x128xf32, #tpu.memory_space<hbm>>) target(%dma_start3A_71 : memref<128x128xf32, #tpu.memory_space<vmem>>) target_semaphore(%arg8 : memref<!tpu.dma_semaphore, #tpu.memory_space<semaphore_mem>>)
    %dma_start3A_74 = arith.constant 1 : i32
    %dma_start3A_75 = arith.constant 0 : i32
    %dma_start3A_76 = tpu.memref_slice %arg5[%dma_start3A_74, %dma_start3A_75] : memref<3x128xi32, #tpu.memory_space<vmem>> -> memref<1x128xi32, #tpu.memory_space<vmem>>
    %dma_start3A_77 = tpu.memref_squeeze %dma_start3A_76 : memref<1x128xi32, #tpu.memory_space<vmem>> -> memref<128xi32, #tpu.memory_space<vmem>>
    %dma_start3A_78 = arith.constant 0 : i32
    %dma_start3A_79 = tpu.memref_slice %arg3[%add3A_48, %dma_start3A_78] : memref<384x128xi32, #tpu.memory_space<hbm>> -> memref<1x128xi32, #tpu.memory_space<hbm>>
    %dma_start3A_80 = tpu.memref_squeeze %dma_start3A_79 : memref<1x128xi32, #tpu.memory_space<hbm>> -> memref<128xi32, #tpu.memory_space<hbm>>
    %dma_start3A_81 = arith.constant 0 : i32
    %dma_start3A_82 = tpu.memref_slice %arg5[%dma_start3A_74, %dma_start3A_81] : memref<3x128xi32, #tpu.memory_space<vmem>> -> memref<1x128xi32, #tpu.memory_space<vmem>>
    %dma_start3A_83 = tpu.memref_squeeze %dma_start3A_82 : memref<1x128xi32, #tpu.memory_space<vmem>> -> memref<128xi32, #tpu.memory_space<vmem>>
    %dma_start3A_84 = arith.constant 0 : i32
    %dma_start3A_85 = tpu.memref_slice %arg3[%add3A_48, %dma_start3A_84] : memref<384x128xi32, #tpu.memory_space<hbm>> -> memref<1x128xi32, #tpu.memory_space<hbm>>
    %dma_start3A_86 = tpu.memref_squeeze %dma_start3A_85 : memref<1x128xi32, #tpu.memory_space<hbm>> -> memref<128xi32, #tpu.memory_space<hbm>>
    tpu.enqueue_dma source(%dma_start3A_86 : memref<128xi32, #tpu.memory_space<hbm>>) target(%dma_start3A_83 : memref<128xi32, #tpu.memory_space<vmem>>) target_semaphore(%arg11 : memref<!tpu.dma_semaphore, #tpu.memory_space<semaphore_mem>>)
    %add3A_87 = arith.constant 64 : i32
    %add3A_88 = arith.addi %add3A, %add3A_87 : i32
    %lt3A_89 = arith.constant 381 : i32
    %lt3A_90 = arith.cmpi slt, %add3A_88, %lt3A_89 : i32
    %mul3A_91 = arith.constant 128 : i32
    %mul3A_92 = arith.muli %add3A_88, %mul3A_91 : i32
    %add3A_93 = arith.constant 51200 : i32
    %add3A_94 = arith.addi %add3A_93, %mul3A_92 : i32
    %jit3A_95 = arith.constant 0 : i32
    %select_n3A_96 = arith.select %lt3A_90, %add3A_94, %jit3A_95 : i32
    %eq3A_97 = arith.constant 381 : i32
    %eq3A_98 = arith.cmpi eq, %add3A_88, %eq3A_97 : i32
    %jit3A_99 = arith.constant 99872 : i32
    %select_n3A_100 = arith.select %eq3A_98, %jit3A_99, %select_n3A_96 : i32
    %dma_start3A_101 = arith.constant 2 : i32
    %dma_start3A_102 = arith.constant 0 : i32
    %dma_start3A_103 = arith.constant 0 : i32
    %dma_start3A_104 = tpu.memref_slice %arg6[%dma_start3A_101, %dma_start3A_102, %dma_start3A_103] : memref<3x128x128xf32, #tpu.memory_space<vmem>> -> memref<1x128x128xf32, #tpu.memory_space<vmem>>
    %dma_start3A_105 = tpu.memref_squeeze %dma_start3A_104 : memref<1x128x128xf32, #tpu.memory_space<vmem>> -> memref<128x128xf32, #tpu.memory_space<vmem>>
    %dma_start3A_106 = arith.constant 0 : i32
    %dma_start3A_107 = tpu.memref_slice %arg2[%select_n3A_100, %dma_start3A_106] : memref<100000x128xf32, #tpu.memory_space<hbm>> -> memref<128x128xf32, #tpu.memory_space<hbm>>
    %dma_start3A_108 = arith.constant 0 : i32
    %dma_start3A_109 = arith.constant 0 : i32
    %dma_start3A_110 = tpu.memref_slice %arg6[%dma_start3A_101, %dma_start3A_108, %dma_start3A_109] : memref<3x128x128xf32, #tpu.memory_space<vmem>> -> memref<1x128x128xf32, #tpu.memory_space<vmem>>
    %dma_start3A_111 = tpu.memref_squeeze %dma_start3A_110 : memref<1x128x128xf32, #tpu.memory_space<vmem>> -> memref<128x128xf32, #tpu.memory_space<vmem>>
    %dma_start3A_112 = arith.constant 0 : i32
    %dma_start3A_113 = tpu.memref_slice %arg2[%select_n3A_100, %dma_start3A_112] : memref<100000x128xf32, #tpu.memory_space<hbm>> -> memref<128x128xf32, #tpu.memory_space<hbm>>
    tpu.enqueue_dma source(%dma_start3A_113 : memref<128x128xf32, #tpu.memory_space<hbm>>) target(%dma_start3A_111 : memref<128x128xf32, #tpu.memory_space<vmem>>) target_semaphore(%arg9 : memref<!tpu.dma_semaphore, #tpu.memory_space<semaphore_mem>>)
    %dma_start3A_114 = arith.constant 2 : i32
    %dma_start3A_115 = arith.constant 0 : i32
    %dma_start3A_116 = tpu.memref_slice %arg5[%dma_start3A_114, %dma_start3A_115] : memref<3x128xi32, #tpu.memory_space<vmem>> -> memref<1x128xi32, #tpu.memory_space<vmem>>
    %dma_start3A_117 = tpu.memref_squeeze %dma_start3A_116 : memref<1x128xi32, #tpu.memory_space<vmem>> -> memref<128xi32, #tpu.memory_space<vmem>>
    %dma_start3A_118 = arith.constant 0 : i32
    %dma_start3A_119 = tpu.memref_slice %arg3[%add3A_88, %dma_start3A_118] : memref<384x128xi32, #tpu.memory_space<hbm>> -> memref<1x128xi32, #tpu.memory_space<hbm>>
    %dma_start3A_120 = tpu.memref_squeeze %dma_start3A_119 : memref<1x128xi32, #tpu.memory_space<hbm>> -> memref<128xi32, #tpu.memory_space<hbm>>
    %dma_start3A_121 = arith.constant 0 : i32
    %dma_start3A_122 = tpu.memref_slice %arg5[%dma_start3A_114, %dma_start3A_121] : memref<3x128xi32, #tpu.memory_space<vmem>> -> memref<1x128xi32, #tpu.memory_space<vmem>>
    %dma_start3A_123 = tpu.memref_squeeze %dma_start3A_122 : memref<1x128xi32, #tpu.memory_space<vmem>> -> memref<128xi32, #tpu.memory_space<vmem>>
    %dma_start3A_124 = arith.constant 0 : i32
    %dma_start3A_125 = tpu.memref_slice %arg3[%add3A_88, %dma_start3A_124] : memref<384x128xi32, #tpu.memory_space<hbm>> -> memref<1x128xi32, #tpu.memory_space<hbm>>
    %dma_start3A_126 = tpu.memref_squeeze %dma_start3A_125 : memref<1x128xi32, #tpu.memory_space<hbm>> -> memref<128xi32, #tpu.memory_space<hbm>>
    tpu.enqueue_dma source(%dma_start3A_126 : memref<128xi32, #tpu.memory_space<hbm>>) target(%dma_start3A_123 : memref<128xi32, #tpu.memory_space<vmem>>) target_semaphore(%arg12 : memref<!tpu.dma_semaphore, #tpu.memory_space<semaphore_mem>>)
    %dma_wait3A = arith.constant 0 : i32
    %dma_wait3A_127 = arith.constant 0 : i32
    %dma_wait3A_128 = arith.constant 0 : i32
    %dma_wait3A_129 = tpu.memref_slice %arg6[%dma_wait3A, %dma_wait3A_127, %dma_wait3A_128] : memref<3x128x128xf32, #tpu.memory_space<vmem>> -> memref<1x128x128xf32, #tpu.memory_space<vmem>>
    %dma_wait3A_130 = tpu.memref_squeeze %dma_wait3A_129 : memref<1x128x128xf32, #tpu.memory_space<vmem>> -> memref<128x128xf32, #tpu.memory_space<vmem>>
    %dma_wait3A_131 = arith.constant 0 : i32
    %dma_wait3A_132 = tpu.memref_slice %arg2[%select_n3A_21, %dma_wait3A_131] : memref<100000x128xf32, #tpu.memory_space<hbm>> -> memref<128x128xf32, #tpu.memory_space<hbm>>
    %dma_wait3A_133 = arith.constant 0 : i32
    %dma_wait3A_134 = arith.constant 0 : i32
    %dma_wait3A_135 = tpu.memref_slice %arg6[%dma_wait3A, %dma_wait3A_133, %dma_wait3A_134] : memref<3x128x128xf32, #tpu.memory_space<vmem>> -> memref<1x128x128xf32, #tpu.memory_space<vmem>>
    %dma_wait3A_136 = tpu.memref_squeeze %dma_wait3A_135 : memref<1x128x128xf32, #tpu.memory_space<vmem>> -> memref<128x128xf32, #tpu.memory_space<vmem>>
    %dma_wait3A_137 = arith.constant 0 : i32
    %dma_wait3A_138 = tpu.memref_slice %arg2[%select_n3A_21, %dma_wait3A_137] : memref<100000x128xf32, #tpu.memory_space<hbm>> -> memref<128x128xf32, #tpu.memory_space<hbm>>
    tpu.wait_dma2 semaphore(%arg7 : memref<!tpu.dma_semaphore, #tpu.memory_space<semaphore_mem>>) src(%dma_wait3A_138 : memref<128x128xf32, #tpu.memory_space<hbm>>) dst(%dma_wait3A_136 : memref<128x128xf32, #tpu.memory_space<vmem>>)
    %dma_wait3A_139 = arith.constant 0 : i32
    %dma_wait3A_140 = arith.constant 0 : i32
    %dma_wait3A_141 = tpu.memref_slice %arg5[%dma_wait3A_139, %dma_wait3A_140] : memref<3x128xi32, #tpu.memory_space<vmem>> -> memref<1x128xi32, #tpu.memory_space<vmem>>
    %dma_wait3A_142 = tpu.memref_squeeze %dma_wait3A_141 : memref<1x128xi32, #tpu.memory_space<vmem>> -> memref<128xi32, #tpu.memory_space<vmem>>
    %dma_wait3A_143 = arith.constant 0 : i32
    %dma_wait3A_144 = tpu.memref_slice %arg3[%add3A_13, %dma_wait3A_143] : memref<384x128xi32, #tpu.memory_space<hbm>> -> memref<1x128xi32, #tpu.memory_space<hbm>>
    %dma_wait3A_145 = tpu.memref_squeeze %dma_wait3A_144 : memref<1x128xi32, #tpu.memory_space<hbm>> -> memref<128xi32, #tpu.memory_space<hbm>>
    %dma_wait3A_146 = arith.constant 0 : i32
    %dma_wait3A_147 = tpu.memref_slice %arg5[%dma_wait3A_139, %dma_wait3A_146] : memref<3x128xi32, #tpu.memory_space<vmem>> -> memref<1x128xi32, #tpu.memory_space<vmem>>
    %dma_wait3A_148 = tpu.memref_squeeze %dma_wait3A_147 : memref<1x128xi32, #tpu.memory_space<vmem>> -> memref<128xi32, #tpu.memory_space<vmem>>
    %dma_wait3A_149 = arith.constant 0 : i32
    %dma_wait3A_150 = tpu.memref_slice %arg3[%add3A_13, %dma_wait3A_149] : memref<384x128xi32, #tpu.memory_space<hbm>> -> memref<1x128xi32, #tpu.memory_space<hbm>>
    %dma_wait3A_151 = tpu.memref_squeeze %dma_wait3A_150 : memref<1x128xi32, #tpu.memory_space<hbm>> -> memref<128xi32, #tpu.memory_space<hbm>>
    tpu.wait_dma2 semaphore(%arg10 : memref<!tpu.dma_semaphore, #tpu.memory_space<semaphore_mem>>) src(%dma_wait3A_151 : memref<128xi32, #tpu.memory_space<hbm>>) dst(%dma_wait3A_148 : memref<128xi32, #tpu.memory_space<vmem>>)
    %run_scoped3A_152 = arith.constant 0 : i32
    %run_scoped3A_153 = arith.constant 0 : i32
    "tpu.region"() ({
      %run_scoped3A_823 = tpu.sem_alloc : memref<!tpu.dma_semaphore, #tpu.memory_space<semaphore_mem>>
      %dma_start3A_824 = arith.constant 0 : i32
      %dma_start3A_825 = arith.constant 0 : i32
      %dma_start3A_826 = tpu.memref_slice %arg6[%run_scoped3A_152, %dma_start3A_824, %dma_start3A_825] : memref<3x128x128xf32, #tpu.memory_space<vmem>> -> memref<1x128x128xf32, #tpu.memory_space<vmem>>
      %dma_start3A_827 = tpu.memref_squeeze %dma_start3A_826 : memref<1x128x128xf32, #tpu.memory_space<vmem>> -> memref<128x128xf32, #tpu.memory_space<vmem>>
      %dma_start3A_828 = arith.constant 0 : i32
      %dma_start3A_829 = tpu.memref_slice %arg5[%run_scoped3A_153, %dma_start3A_828] : memref<3x128xi32, #tpu.memory_space<vmem>> -> memref<1x128xi32, #tpu.memory_space<vmem>>
      %dma_start3A_830 = tpu.memref_squeeze %dma_start3A_829 : memref<1x128xi32, #tpu.memory_space<vmem>> -> memref<128xi32, #tpu.memory_space<vmem>>
      %dma_start3A_831 = arith.constant 0 : i32
      %dma_start3A_832 = arith.constant 0 : i32
      %dma_start3A_833 = tpu.memref_slice %arg13[%dma_start3A_831, %dma_start3A_832] : memref<3712x128xf32, #tpu.memory_space<vmem_shared>> -> memref<3712x128xf32, #tpu.memory_space<vmem_shared>>
      tpu.enqueue_indirect_dma source(%dma_start3A_827 : memref<128x128xf32, #tpu.memory_space<vmem>>) target(%dma_start3A_833 : memref<3712x128xf32, #tpu.memory_space<vmem_shared>>) offsets(%dma_start3A_830 : memref<128xi32, #tpu.memory_space<vmem>>) semaphore(%run_scoped3A_823 : memref<!tpu.dma_semaphore, #tpu.memory_space<semaphore_mem>>) {add = true}
      %dma_wait3A_834 = arith.constant 0 : i32
      %dma_wait3A_835 = arith.constant 0 : i32
      %dma_wait3A_836 = tpu.memref_slice %arg6[%run_scoped3A_152, %dma_wait3A_834, %dma_wait3A_835] : memref<3x128x128xf32, #tpu.memory_space<vmem>> -> memref<1x128x128xf32, #tpu.memory_space<vmem>>
      %dma_wait3A_837 = tpu.memref_squeeze %dma_wait3A_836 : memref<1x128x128xf32, #tpu.memory_space<vmem>> -> memref<128x128xf32, #tpu.memory_space<vmem>>
      %dma_wait3A_838 = arith.constant 0 : i32
      %dma_wait3A_839 = tpu.memref_slice %arg5[%run_scoped3A_153, %dma_wait3A_838] : memref<3x128xi32, #tpu.memory_space<vmem>> -> memref<1x128xi32, #tpu.memory_space<vmem>>
      %dma_wait3A_840 = tpu.memref_squeeze %dma_wait3A_839 : memref<1x128xi32, #tpu.memory_space<vmem>> -> memref<128xi32, #tpu.memory_space<vmem>>
      %dma_wait3A_841 = arith.constant 0 : i32
      %dma_wait3A_842 = arith.constant 0 : i32
      %dma_wait3A_843 = tpu.memref_slice %arg13[%dma_wait3A_841, %dma_wait3A_842] : memref<3712x128xf32, #tpu.memory_space<vmem_shared>> -> memref<3712x128xf32, #tpu.memory_space<vmem_shared>>
      tpu.wait_indirect_dma semaphore(%run_scoped3A_823 : memref<!tpu.dma_semaphore, #tpu.memory_space<semaphore_mem>>) src(%dma_wait3A_837 : memref<128x128xf32, #tpu.memory_space<vmem>>) dst(%dma_wait3A_843 : memref<3712x128xf32, #tpu.memory_space<vmem_shared>>)
      tpu.yield
    }) : () -> ()
    %add3A_154 = arith.constant 96 : i32
    %add3A_155 = arith.addi %add3A, %add3A_154 : i32
    %lt3A_156 = arith.constant 381 : i32
    %lt3A_157 = arith.cmpi slt, %add3A_155, %lt3A_156 : i32
    %mul3A_158 = arith.constant 128 : i32
    %mul3A_159 = arith.muli %add3A_155, %mul3A_158 : i32
    %add3A_160 = arith.constant 51200 : i32
    %add3A_161 = arith.addi %add3A_160, %mul3A_159 : i32
    %jit3A_162 = arith.constant 0 : i32
    %select_n3A_163 = arith.select %lt3A_157, %add3A_161, %jit3A_162 : i32
    %eq3A_164 = arith.constant 381 : i32
    %eq3A_165 = arith.cmpi eq, %add3A_155, %eq3A_164 : i32
    %jit3A_166 = arith.constant 99872 : i32
    %select_n3A_167 = arith.select %eq3A_165, %jit3A_166, %select_n3A_163 : i32
    %dma_start3A_168 = arith.constant 0 : i32
    %dma_start3A_169 = arith.constant 0 : i32
    %dma_start3A_170 = arith.constant 0 : i32
    %dma_start3A_171 = tpu.memref_slice %arg6[%dma_start3A_168, %dma_start3A_169, %dma_start3A_170] : memref<3x128x128xf32, #tpu.memory_space<vmem>> -> memref<1x128x128xf32, #tpu.memory_space<vmem>>
    %dma_start3A_172 = tpu.memref_squeeze %dma_start3A_171 : memref<1x128x128xf32, #tpu.memory_space<vmem>> -> memref<128x128xf32, #tpu.memory_space<vmem>>
    %dma_start3A_173 = arith.constant 0 : i32
    %dma_start3A_174 = tpu.memref_slice %arg2[%select_n3A_167, %dma_start3A_173] : memref<100000x128xf32, #tpu.memory_space<hbm>> -> memref<128x128xf32, #tpu.memory_space<hbm>>
    %dma_start3A_175 = arith.constant 0 : i32
    %dma_start3A_176 = arith.constant 0 : i32
    %dma_start3A_177 = tpu.memref_slice %arg6[%dma_start3A_168, %dma_start3A_175, %dma_start3A_176] : memref<3x128x128xf32, #tpu.memory_space<vmem>> -> memref<1x128x128xf32, #tpu.memory_space<vmem>>
    %dma_start3A_178 = tpu.memref_squeeze %dma_start3A_177 : memref<1x128x128xf32, #tpu.memory_space<vmem>> -> memref<128x128xf32, #tpu.memory_space<vmem>>
    %dma_start3A_179 = arith.constant 0 : i32
    %dma_start3A_180 = tpu.memref_slice %arg2[%select_n3A_167, %dma_start3A_179] : memref<100000x128xf32, #tpu.memory_space<hbm>> -> memref<128x128xf32, #tpu.memory_space<hbm>>
    tpu.enqueue_dma source(%dma_start3A_180 : memref<128x128xf32, #tpu.memory_space<hbm>>) target(%dma_start3A_178 : memref<128x128xf32, #tpu.memory_space<vmem>>) target_semaphore(%arg7 : memref<!tpu.dma_semaphore, #tpu.memory_space<semaphore_mem>>)
    %dma_start3A_181 = arith.constant 0 : i32
    %dma_start3A_182 = arith.constant 0 : i32
    %dma_start3A_183 = tpu.memref_slice %arg5[%dma_start3A_181, %dma_start3A_182] : memref<3x128xi32, #tpu.memory_space<vmem>> -> memref<1x128xi32, #tpu.memory_space<vmem>>
    %dma_start3A_184 = tpu.memref_squeeze %dma_start3A_183 : memref<1x128xi32, #tpu.memory_space<vmem>> -> memref<128xi32, #tpu.memory_space<vmem>>
    %dma_start3A_185 = arith.constant 0 : i32
    %dma_start3A_186 = tpu.memref_slice %arg3[%add3A_155, %dma_start3A_185] : memref<384x128xi32, #tpu.memory_space<hbm>> -> memref<1x128xi32, #tpu.memory_space<hbm>>
    %dma_start3A_187 = tpu.memref_squeeze %dma_start3A_186 : memref<1x128xi32, #tpu.memory_space<hbm>> -> memref<128xi32, #tpu.memory_space<hbm>>
    %dma_start3A_188 = arith.constant 0 : i32
    %dma_start3A_189 = tpu.memref_slice %arg5[%dma_start3A_181, %dma_start3A_188] : memref<3x128xi32, #tpu.memory_space<vmem>> -> memref<1x128xi32, #tpu.memory_space<vmem>>
    %dma_start3A_190 = tpu.memref_squeeze %dma_start3A_189 : memref<1x128xi32, #tpu.memory_space<vmem>> -> memref<128xi32, #tpu.memory_space<vmem>>
    %dma_start3A_191 = arith.constant 0 : i32
    %dma_start3A_192 = tpu.memref_slice %arg3[%add3A_155, %dma_start3A_191] : memref<384x128xi32, #tpu.memory_space<hbm>> -> memref<1x128xi32, #tpu.memory_space<hbm>>
    %dma_start3A_193 = tpu.memref_squeeze %dma_start3A_192 : memref<1x128xi32, #tpu.memory_space<hbm>> -> memref<128xi32, #tpu.memory_space<hbm>>
    tpu.enqueue_dma source(%dma_start3A_193 : memref<128xi32, #tpu.memory_space<hbm>>) target(%dma_start3A_190 : memref<128xi32, #tpu.memory_space<vmem>>) target_semaphore(%arg10 : memref<!tpu.dma_semaphore, #tpu.memory_space<semaphore_mem>>)
    %dma_wait3A_194 = arith.constant 1 : i32
    %dma_wait3A_195 = arith.constant 0 : i32
    %dma_wait3A_196 = arith.constant 0 : i32
    %dma_wait3A_197 = tpu.memref_slice %arg6[%dma_wait3A_194, %dma_wait3A_195, %dma_wait3A_196] : memref<3x128x128xf32, #tpu.memory_space<vmem>> -> memref<1x128x128xf32, #tpu.memory_space<vmem>>
    %dma_wait3A_198 = tpu.memref_squeeze %dma_wait3A_197 : memref<1x128x128xf32, #tpu.memory_space<vmem>> -> memref<128x128xf32, #tpu.memory_space<vmem>>
    %dma_wait3A_199 = arith.constant 0 : i32
    %dma_wait3A_200 = tpu.memref_slice %arg2[%select_n3A_60, %dma_wait3A_199] : memref<100000x128xf32, #tpu.memory_space<hbm>> -> memref<128x128xf32, #tpu.memory_space<hbm>>
    %dma_wait3A_201 = arith.constant 0 : i32
    %dma_wait3A_202 = arith.constant 0 : i32
    %dma_wait3A_203 = tpu.memref_slice %arg6[%dma_wait3A_194, %dma_wait3A_201, %dma_wait3A_202] : memref<3x128x128xf32, #tpu.memory_space<vmem>> -> memref<1x128x128xf32, #tpu.memory_space<vmem>>
    %dma_wait3A_204 = tpu.memref_squeeze %dma_wait3A_203 : memref<1x128x128xf32, #tpu.memory_space<vmem>> -> memref<128x128xf32, #tpu.memory_space<vmem>>
    %dma_wait3A_205 = arith.constant 0 : i32
    %dma_wait3A_206 = tpu.memref_slice %arg2[%select_n3A_60, %dma_wait3A_205] : memref<100000x128xf32, #tpu.memory_space<hbm>> -> memref<128x128xf32, #tpu.memory_space<hbm>>
    tpu.wait_dma2 semaphore(%arg8 : memref<!tpu.dma_semaphore, #tpu.memory_space<semaphore_mem>>) src(%dma_wait3A_206 : memref<128x128xf32, #tpu.memory_space<hbm>>) dst(%dma_wait3A_204 : memref<128x128xf32, #tpu.memory_space<vmem>>)
    %dma_wait3A_207 = arith.constant 1 : i32
    %dma_wait3A_208 = arith.constant 0 : i32
    %dma_wait3A_209 = tpu.memref_slice %arg5[%dma_wait3A_207, %dma_wait3A_208] : memref<3x128xi32, #tpu.memory_space<vmem>> -> memref<1x128xi32, #tpu.memory_space<vmem>>
    %dma_wait3A_210 = tpu.memref_squeeze %dma_wait3A_209 : memref<1x128xi32, #tpu.memory_space<vmem>> -> memref<128xi32, #tpu.memory_space<vmem>>
    %dma_wait3A_211 = arith.constant 0 : i32
    %dma_wait3A_212 = tpu.memref_slice %arg3[%add3A_48, %dma_wait3A_211] : memref<384x128xi32, #tpu.memory_space<hbm>> -> memref<1x128xi32, #tpu.memory_space<hbm>>
    %dma_wait3A_213 = tpu.memref_squeeze %dma_wait3A_212 : memref<1x128xi32, #tpu.memory_space<hbm>> -> memref<128xi32, #tpu.memory_space<hbm>>
    %dma_wait3A_214 = arith.constant 0 : i32
    %dma_wait3A_215 = tpu.memref_slice %arg5[%dma_wait3A_207, %dma_wait3A_214] : memref<3x128xi32, #tpu.memory_space<vmem>> -> memref<1x128xi32, #tpu.memory_space<vmem>>
    %dma_wait3A_216 = tpu.memref_squeeze %dma_wait3A_215 : memref<1x128xi32, #tpu.memory_space<vmem>> -> memref<128xi32, #tpu.memory_space<vmem>>
    %dma_wait3A_217 = arith.constant 0 : i32
    %dma_wait3A_218 = tpu.memref_slice %arg3[%add3A_48, %dma_wait3A_217] : memref<384x128xi32, #tpu.memory_space<hbm>> -> memref<1x128xi32, #tpu.memory_space<hbm>>
    %dma_wait3A_219 = tpu.memref_squeeze %dma_wait3A_218 : memref<1x128xi32, #tpu.memory_space<hbm>> -> memref<128xi32, #tpu.memory_space<hbm>>
    tpu.wait_dma2 semaphore(%arg11 : memref<!tpu.dma_semaphore, #tpu.memory_space<semaphore_mem>>) src(%dma_wait3A_219 : memref<128xi32, #tpu.memory_space<hbm>>) dst(%dma_wait3A_216 : memref<128xi32, #tpu.memory_space<vmem>>)
    %run_scoped3A_220 = arith.constant 1 : i32
    %run_scoped3A_221 = arith.constant 1 : i32
    "tpu.region"() ({
      %run_scoped3A_823 = tpu.sem_alloc : memref<!tpu.dma_semaphore, #tpu.memory_space<semaphore_mem>>
      %dma_start3A_824 = arith.constant 0 : i32
      %dma_start3A_825 = arith.constant 0 : i32
      %dma_start3A_826 = tpu.memref_slice %arg6[%run_scoped3A_220, %dma_start3A_824, %dma_start3A_825] : memref<3x128x128xf32, #tpu.memory_space<vmem>> -> memref<1x128x128xf32, #tpu.memory_space<vmem>>
      %dma_start3A_827 = tpu.memref_squeeze %dma_start3A_826 : memref<1x128x128xf32, #tpu.memory_space<vmem>> -> memref<128x128xf32, #tpu.memory_space<vmem>>
      %dma_start3A_828 = arith.constant 0 : i32
      %dma_start3A_829 = tpu.memref_slice %arg5[%run_scoped3A_221, %dma_start3A_828] : memref<3x128xi32, #tpu.memory_space<vmem>> -> memref<1x128xi32, #tpu.memory_space<vmem>>
      %dma_start3A_830 = tpu.memref_squeeze %dma_start3A_829 : memref<1x128xi32, #tpu.memory_space<vmem>> -> memref<128xi32, #tpu.memory_space<vmem>>
      %dma_start3A_831 = arith.constant 0 : i32
      %dma_start3A_832 = arith.constant 0 : i32
      %dma_start3A_833 = tpu.memref_slice %arg13[%dma_start3A_831, %dma_start3A_832] : memref<3712x128xf32, #tpu.memory_space<vmem_shared>> -> memref<3712x128xf32, #tpu.memory_space<vmem_shared>>
      tpu.enqueue_indirect_dma source(%dma_start3A_827 : memref<128x128xf32, #tpu.memory_space<vmem>>) target(%dma_start3A_833 : memref<3712x128xf32, #tpu.memory_space<vmem_shared>>) offsets(%dma_start3A_830 : memref<128xi32, #tpu.memory_space<vmem>>) semaphore(%run_scoped3A_823 : memref<!tpu.dma_semaphore, #tpu.memory_space<semaphore_mem>>) {add = true}
      %dma_wait3A_834 = arith.constant 0 : i32
      %dma_wait3A_835 = arith.constant 0 : i32
      %dma_wait3A_836 = tpu.memref_slice %arg6[%run_scoped3A_220, %dma_wait3A_834, %dma_wait3A_835] : memref<3x128x128xf32, #tpu.memory_space<vmem>> -> memref<1x128x128xf32, #tpu.memory_space<vmem>>
      %dma_wait3A_837 = tpu.memref_squeeze %dma_wait3A_836 : memref<1x128x128xf32, #tpu.memory_space<vmem>> -> memref<128x128xf32, #tpu.memory_space<vmem>>
      %dma_wait3A_838 = arith.constant 0 : i32
      %dma_wait3A_839 = tpu.memref_slice %arg5[%run_scoped3A_221, %dma_wait3A_838] : memref<3x128xi32, #tpu.memory_space<vmem>> -> memref<1x128xi32, #tpu.memory_space<vmem>>
      %dma_wait3A_840 = tpu.memref_squeeze %dma_wait3A_839 : memref<1x128xi32, #tpu.memory_space<vmem>> -> memref<128xi32, #tpu.memory_space<vmem>>
      %dma_wait3A_841 = arith.constant 0 : i32
      %dma_wait3A_842 = arith.constant 0 : i32
      %dma_wait3A_843 = tpu.memref_slice %arg13[%dma_wait3A_841, %dma_wait3A_842] : memref<3712x128xf32, #tpu.memory_space<vmem_shared>> -> memref<3712x128xf32, #tpu.memory_space<vmem_shared>>
      tpu.wait_indirect_dma semaphore(%run_scoped3A_823 : memref<!tpu.dma_semaphore, #tpu.memory_space<semaphore_mem>>) src(%dma_wait3A_837 : memref<128x128xf32, #tpu.memory_space<vmem>>) dst(%dma_wait3A_843 : memref<3712x128xf32, #tpu.memory_space<vmem_shared>>)
      tpu.yield
    }) : () -> ()
    %add3A_222 = arith.constant 128 : i32
    %add3A_223 = arith.addi %add3A, %add3A_222 : i32
    %lt3A_224 = arith.constant 381 : i32
    %lt3A_225 = arith.cmpi slt, %add3A_223, %lt3A_224 : i32
    %mul3A_226 = arith.constant 128 : i32
    %mul3A_227 = arith.muli %add3A_223, %mul3A_226 : i32
    %add3A_228 = arith.constant 51200 : i32
    %add3A_229 = arith.addi %add3A_228, %mul3A_227 : i32
    %jit3A_230 = arith.constant 0 : i32
    %select_n3A_231 = arith.select %lt3A_225, %add3A_229, %jit3A_230 : i32
    %eq3A_232 = arith.constant 381 : i32
    %eq3A_233 = arith.cmpi eq, %add3A_223, %eq3A_232 : i32
    %jit3A_234 = arith.constant 99872 : i32
    %select_n3A_235 = arith.select %eq3A_233, %jit3A_234, %select_n3A_231 : i32
    %dma_start3A_236 = arith.constant 1 : i32
    %dma_start3A_237 = arith.constant 0 : i32
    %dma_start3A_238 = arith.constant 0 : i32
    %dma_start3A_239 = tpu.memref_slice %arg6[%dma_start3A_236, %dma_start3A_237, %dma_start3A_238] : memref<3x128x128xf32, #tpu.memory_space<vmem>> -> memref<1x128x128xf32, #tpu.memory_space<vmem>>
    %dma_start3A_240 = tpu.memref_squeeze %dma_start3A_239 : memref<1x128x128xf32, #tpu.memory_space<vmem>> -> memref<128x128xf32, #tpu.memory_space<vmem>>
    %dma_start3A_241 = arith.constant 0 : i32
    %dma_start3A_242 = tpu.memref_slice %arg2[%select_n3A_235, %dma_start3A_241] : memref<100000x128xf32, #tpu.memory_space<hbm>> -> memref<128x128xf32, #tpu.memory_space<hbm>>
    %dma_start3A_243 = arith.constant 0 : i32
    %dma_start3A_244 = arith.constant 0 : i32
    %dma_start3A_245 = tpu.memref_slice %arg6[%dma_start3A_236, %dma_start3A_243, %dma_start3A_244] : memref<3x128x128xf32, #tpu.memory_space<vmem>> -> memref<1x128x128xf32, #tpu.memory_space<vmem>>
    %dma_start3A_246 = tpu.memref_squeeze %dma_start3A_245 : memref<1x128x128xf32, #tpu.memory_space<vmem>> -> memref<128x128xf32, #tpu.memory_space<vmem>>
    %dma_start3A_247 = arith.constant 0 : i32
    %dma_start3A_248 = tpu.memref_slice %arg2[%select_n3A_235, %dma_start3A_247] : memref<100000x128xf32, #tpu.memory_space<hbm>> -> memref<128x128xf32, #tpu.memory_space<hbm>>
    tpu.enqueue_dma source(%dma_start3A_248 : memref<128x128xf32, #tpu.memory_space<hbm>>) target(%dma_start3A_246 : memref<128x128xf32, #tpu.memory_space<vmem>>) target_semaphore(%arg8 : memref<!tpu.dma_semaphore, #tpu.memory_space<semaphore_mem>>)
    %dma_start3A_249 = arith.constant 1 : i32
    %dma_start3A_250 = arith.constant 0 : i32
    %dma_start3A_251 = tpu.memref_slice %arg5[%dma_start3A_249, %dma_start3A_250] : memref<3x128xi32, #tpu.memory_space<vmem>> -> memref<1x128xi32, #tpu.memory_space<vmem>>
    %dma_start3A_252 = tpu.memref_squeeze %dma_start3A_251 : memref<1x128xi32, #tpu.memory_space<vmem>> -> memref<128xi32, #tpu.memory_space<vmem>>
    %dma_start3A_253 = arith.constant 0 : i32
    %dma_start3A_254 = tpu.memref_slice %arg3[%add3A_223, %dma_start3A_253] : memref<384x128xi32, #tpu.memory_space<hbm>> -> memref<1x128xi32, #tpu.memory_space<hbm>>
    %dma_start3A_255 = tpu.memref_squeeze %dma_start3A_254 : memref<1x128xi32, #tpu.memory_space<hbm>> -> memref<128xi32, #tpu.memory_space<hbm>>
    %dma_start3A_256 = arith.constant 0 : i32
    %dma_start3A_257 = tpu.memref_slice %arg5[%dma_start3A_249, %dma_start3A_256] : memref<3x128xi32, #tpu.memory_space<vmem>> -> memref<1x128xi32, #tpu.memory_space<vmem>>
    %dma_start3A_258 = tpu.memref_squeeze %dma_start3A_257 : memref<1x128xi32, #tpu.memory_space<vmem>> -> memref<128xi32, #tpu.memory_space<vmem>>
    %dma_start3A_259 = arith.constant 0 : i32
    %dma_start3A_260 = tpu.memref_slice %arg3[%add3A_223, %dma_start3A_259] : memref<384x128xi32, #tpu.memory_space<hbm>> -> memref<1x128xi32, #tpu.memory_space<hbm>>
    %dma_start3A_261 = tpu.memref_squeeze %dma_start3A_260 : memref<1x128xi32, #tpu.memory_space<hbm>> -> memref<128xi32, #tpu.memory_space<hbm>>
    tpu.enqueue_dma source(%dma_start3A_261 : memref<128xi32, #tpu.memory_space<hbm>>) target(%dma_start3A_258 : memref<128xi32, #tpu.memory_space<vmem>>) target_semaphore(%arg11 : memref<!tpu.dma_semaphore, #tpu.memory_space<semaphore_mem>>)
    %dma_wait3A_262 = arith.constant 2 : i32
    %dma_wait3A_263 = arith.constant 0 : i32
    %dma_wait3A_264 = arith.constant 0 : i32
    %dma_wait3A_265 = tpu.memref_slice %arg6[%dma_wait3A_262, %dma_wait3A_263, %dma_wait3A_264] : memref<3x128x128xf32, #tpu.memory_space<vmem>> -> memref<1x128x128xf32, #tpu.memory_space<vmem>>
    %dma_wait3A_266 = tpu.memref_squeeze %dma_wait3A_265 : memref<1x128x128xf32, #tpu.memory_space<vmem>> -> memref<128x128xf32, #tpu.memory_space<vmem>>
    %dma_wait3A_267 = arith.constant 0 : i32
    %dma_wait3A_268 = tpu.memref_slice %arg2[%select_n3A_100, %dma_wait3A_267] : memref<100000x128xf32, #tpu.memory_space<hbm>> -> memref<128x128xf32, #tpu.memory_space<hbm>>
    %dma_wait3A_269 = arith.constant 0 : i32
    %dma_wait3A_270 = arith.constant 0 : i32
    %dma_wait3A_271 = tpu.memref_slice %arg6[%dma_wait3A_262, %dma_wait3A_269, %dma_wait3A_270] : memref<3x128x128xf32, #tpu.memory_space<vmem>> -> memref<1x128x128xf32, #tpu.memory_space<vmem>>
    %dma_wait3A_272 = tpu.memref_squeeze %dma_wait3A_271 : memref<1x128x128xf32, #tpu.memory_space<vmem>> -> memref<128x128xf32, #tpu.memory_space<vmem>>
    %dma_wait3A_273 = arith.constant 0 : i32
    %dma_wait3A_274 = tpu.memref_slice %arg2[%select_n3A_100, %dma_wait3A_273] : memref<100000x128xf32, #tpu.memory_space<hbm>> -> memref<128x128xf32, #tpu.memory_space<hbm>>
    tpu.wait_dma2 semaphore(%arg9 : memref<!tpu.dma_semaphore, #tpu.memory_space<semaphore_mem>>) src(%dma_wait3A_274 : memref<128x128xf32, #tpu.memory_space<hbm>>) dst(%dma_wait3A_272 : memref<128x128xf32, #tpu.memory_space<vmem>>)
    %dma_wait3A_275 = arith.constant 2 : i32
    %dma_wait3A_276 = arith.constant 0 : i32
    %dma_wait3A_277 = tpu.memref_slice %arg5[%dma_wait3A_275, %dma_wait3A_276] : memref<3x128xi32, #tpu.memory_space<vmem>> -> memref<1x128xi32, #tpu.memory_space<vmem>>
    %dma_wait3A_278 = tpu.memref_squeeze %dma_wait3A_277 : memref<1x128xi32, #tpu.memory_space<vmem>> -> memref<128xi32, #tpu.memory_space<vmem>>
    %dma_wait3A_279 = arith.constant 0 : i32
    %dma_wait3A_280 = tpu.memref_slice %arg3[%add3A_88, %dma_wait3A_279] : memref<384x128xi32, #tpu.memory_space<hbm>> -> memref<1x128xi32, #tpu.memory_space<hbm>>
    %dma_wait3A_281 = tpu.memref_squeeze %dma_wait3A_280 : memref<1x128xi32, #tpu.memory_space<hbm>> -> memref<128xi32, #tpu.memory_space<hbm>>
    %dma_wait3A_282 = arith.constant 0 : i32
    %dma_wait3A_283 = tpu.memref_slice %arg5[%dma_wait3A_275, %dma_wait3A_282] : memref<3x128xi32, #tpu.memory_space<vmem>> -> memref<1x128xi32, #tpu.memory_space<vmem>>
    %dma_wait3A_284 = tpu.memref_squeeze %dma_wait3A_283 : memref<1x128xi32, #tpu.memory_space<vmem>> -> memref<128xi32, #tpu.memory_space<vmem>>
    %dma_wait3A_285 = arith.constant 0 : i32
    %dma_wait3A_286 = tpu.memref_slice %arg3[%add3A_88, %dma_wait3A_285] : memref<384x128xi32, #tpu.memory_space<hbm>> -> memref<1x128xi32, #tpu.memory_space<hbm>>
    %dma_wait3A_287 = tpu.memref_squeeze %dma_wait3A_286 : memref<1x128xi32, #tpu.memory_space<hbm>> -> memref<128xi32, #tpu.memory_space<hbm>>
    tpu.wait_dma2 semaphore(%arg12 : memref<!tpu.dma_semaphore, #tpu.memory_space<semaphore_mem>>) src(%dma_wait3A_287 : memref<128xi32, #tpu.memory_space<hbm>>) dst(%dma_wait3A_284 : memref<128xi32, #tpu.memory_space<vmem>>)
    %run_scoped3A_288 = arith.constant 2 : i32
    %run_scoped3A_289 = arith.constant 2 : i32
    "tpu.region"() ({
      %run_scoped3A_823 = tpu.sem_alloc : memref<!tpu.dma_semaphore, #tpu.memory_space<semaphore_mem>>
      %dma_start3A_824 = arith.constant 0 : i32
      %dma_start3A_825 = arith.constant 0 : i32
      %dma_start3A_826 = tpu.memref_slice %arg6[%run_scoped3A_288, %dma_start3A_824, %dma_start3A_825] : memref<3x128x128xf32, #tpu.memory_space<vmem>> -> memref<1x128x128xf32, #tpu.memory_space<vmem>>
      %dma_start3A_827 = tpu.memref_squeeze %dma_start3A_826 : memref<1x128x128xf32, #tpu.memory_space<vmem>> -> memref<128x128xf32, #tpu.memory_space<vmem>>
      %dma_start3A_828 = arith.constant 0 : i32
      %dma_start3A_829 = tpu.memref_slice %arg5[%run_scoped3A_289, %dma_start3A_828] : memref<3x128xi32, #tpu.memory_space<vmem>> -> memref<1x128xi32, #tpu.memory_space<vmem>>
      %dma_start3A_830 = tpu.memref_squeeze %dma_start3A_829 : memref<1x128xi32, #tpu.memory_space<vmem>> -> memref<128xi32, #tpu.memory_space<vmem>>
      %dma_start3A_831 = arith.constant 0 : i32
      %dma_start3A_832 = arith.constant 0 : i32
      %dma_start3A_833 = tpu.memref_slice %arg13[%dma_start3A_831, %dma_start3A_832] : memref<3712x128xf32, #tpu.memory_space<vmem_shared>> -> memref<3712x128xf32, #tpu.memory_space<vmem_shared>>
      tpu.enqueue_indirect_dma source(%dma_start3A_827 : memref<128x128xf32, #tpu.memory_space<vmem>>) target(%dma_start3A_833 : memref<3712x128xf32, #tpu.memory_space<vmem_shared>>) offsets(%dma_start3A_830 : memref<128xi32, #tpu.memory_space<vmem>>) semaphore(%run_scoped3A_823 : memref<!tpu.dma_semaphore, #tpu.memory_space<semaphore_mem>>) {add = true}
      %dma_wait3A_834 = arith.constant 0 : i32
      %dma_wait3A_835 = arith.constant 0 : i32
      %dma_wait3A_836 = tpu.memref_slice %arg6[%run_scoped3A_288, %dma_wait3A_834, %dma_wait3A_835] : memref<3x128x128xf32, #tpu.memory_space<vmem>> -> memref<1x128x128xf32, #tpu.memory_space<vmem>>
      %dma_wait3A_837 = tpu.memref_squeeze %dma_wait3A_836 : memref<1x128x128xf32, #tpu.memory_space<vmem>> -> memref<128x128xf32, #tpu.memory_space<vmem>>
      %dma_wait3A_838 = arith.constant 0 : i32
      %dma_wait3A_839 = tpu.memref_slice %arg5[%run_scoped3A_289, %dma_wait3A_838] : memref<3x128xi32, #tpu.memory_space<vmem>> -> memref<1x128xi32, #tpu.memory_space<vmem>>
      %dma_wait3A_840 = tpu.memref_squeeze %dma_wait3A_839 : memref<1x128xi32, #tpu.memory_space<vmem>> -> memref<128xi32, #tpu.memory_space<vmem>>
      %dma_wait3A_841 = arith.constant 0 : i32
      %dma_wait3A_842 = arith.constant 0 : i32
      %dma_wait3A_843 = tpu.memref_slice %arg13[%dma_wait3A_841, %dma_wait3A_842] : memref<3712x128xf32, #tpu.memory_space<vmem_shared>> -> memref<3712x128xf32, #tpu.memory_space<vmem_shared>>
      tpu.wait_indirect_dma semaphore(%run_scoped3A_823 : memref<!tpu.dma_semaphore, #tpu.memory_space<semaphore_mem>>) src(%dma_wait3A_837 : memref<128x128xf32, #tpu.memory_space<vmem>>) dst(%dma_wait3A_843 : memref<3712x128xf32, #tpu.memory_space<vmem_shared>>)
      tpu.yield
    }) : () -> ()
    %add3A_290 = arith.constant 160 : i32
    %add3A_291 = arith.addi %add3A, %add3A_290 : i32
    %lt3A_292 = arith.constant 381 : i32
    %lt3A_293 = arith.cmpi slt, %add3A_291, %lt3A_292 : i32
    %mul3A_294 = arith.constant 128 : i32
    %mul3A_295 = arith.muli %add3A_291, %mul3A_294 : i32
    %add3A_296 = arith.constant 51200 : i32
    %add3A_297 = arith.addi %add3A_296, %mul3A_295 : i32
    %jit3A_298 = arith.constant 0 : i32
    %select_n3A_299 = arith.select %lt3A_293, %add3A_297, %jit3A_298 : i32
    %eq3A_300 = arith.constant 381 : i32
    %eq3A_301 = arith.cmpi eq, %add3A_291, %eq3A_300 : i32
    %jit3A_302 = arith.constant 99872 : i32
    %select_n3A_303 = arith.select %eq3A_301, %jit3A_302, %select_n3A_299 : i32
    %dma_start3A_304 = arith.constant 2 : i32
    %dma_start3A_305 = arith.constant 0 : i32
    %dma_start3A_306 = arith.constant 0 : i32
    %dma_start3A_307 = tpu.memref_slice %arg6[%dma_start3A_304, %dma_start3A_305, %dma_start3A_306] : memref<3x128x128xf32, #tpu.memory_space<vmem>> -> memref<1x128x128xf32, #tpu.memory_space<vmem>>
    %dma_start3A_308 = tpu.memref_squeeze %dma_start3A_307 : memref<1x128x128xf32, #tpu.memory_space<vmem>> -> memref<128x128xf32, #tpu.memory_space<vmem>>
    %dma_start3A_309 = arith.constant 0 : i32
    %dma_start3A_310 = tpu.memref_slice %arg2[%select_n3A_303, %dma_start3A_309] : memref<100000x128xf32, #tpu.memory_space<hbm>> -> memref<128x128xf32, #tpu.memory_space<hbm>>
    %dma_start3A_311 = arith.constant 0 : i32
    %dma_start3A_312 = arith.constant 0 : i32
    %dma_start3A_313 = tpu.memref_slice %arg6[%dma_start3A_304, %dma_start3A_311, %dma_start3A_312] : memref<3x128x128xf32, #tpu.memory_space<vmem>> -> memref<1x128x128xf32, #tpu.memory_space<vmem>>
    %dma_start3A_314 = tpu.memref_squeeze %dma_start3A_313 : memref<1x128x128xf32, #tpu.memory_space<vmem>> -> memref<128x128xf32, #tpu.memory_space<vmem>>
    %dma_start3A_315 = arith.constant 0 : i32
    %dma_start3A_316 = tpu.memref_slice %arg2[%select_n3A_303, %dma_start3A_315] : memref<100000x128xf32, #tpu.memory_space<hbm>> -> memref<128x128xf32, #tpu.memory_space<hbm>>
    tpu.enqueue_dma source(%dma_start3A_316 : memref<128x128xf32, #tpu.memory_space<hbm>>) target(%dma_start3A_314 : memref<128x128xf32, #tpu.memory_space<vmem>>) target_semaphore(%arg9 : memref<!tpu.dma_semaphore, #tpu.memory_space<semaphore_mem>>)
    %dma_start3A_317 = arith.constant 2 : i32
    %dma_start3A_318 = arith.constant 0 : i32
    %dma_start3A_319 = tpu.memref_slice %arg5[%dma_start3A_317, %dma_start3A_318] : memref<3x128xi32, #tpu.memory_space<vmem>> -> memref<1x128xi32, #tpu.memory_space<vmem>>
    %dma_start3A_320 = tpu.memref_squeeze %dma_start3A_319 : memref<1x128xi32, #tpu.memory_space<vmem>> -> memref<128xi32, #tpu.memory_space<vmem>>
    %dma_start3A_321 = arith.constant 0 : i32
    %dma_start3A_322 = tpu.memref_slice %arg3[%add3A_291, %dma_start3A_321] : memref<384x128xi32, #tpu.memory_space<hbm>> -> memref<1x128xi32, #tpu.memory_space<hbm>>
    %dma_start3A_323 = tpu.memref_squeeze %dma_start3A_322 : memref<1x128xi32, #tpu.memory_space<hbm>> -> memref<128xi32, #tpu.memory_space<hbm>>
    %dma_start3A_324 = arith.constant 0 : i32
    %dma_start3A_325 = tpu.memref_slice %arg5[%dma_start3A_317, %dma_start3A_324] : memref<3x128xi32, #tpu.memory_space<vmem>> -> memref<1x128xi32, #tpu.memory_space<vmem>>
    %dma_start3A_326 = tpu.memref_squeeze %dma_start3A_325 : memref<1x128xi32, #tpu.memory_space<vmem>> -> memref<128xi32, #tpu.memory_space<vmem>>
    %dma_start3A_327 = arith.constant 0 : i32
    %dma_start3A_328 = tpu.memref_slice %arg3[%add3A_291, %dma_start3A_327] : memref<384x128xi32, #tpu.memory_space<hbm>> -> memref<1x128xi32, #tpu.memory_space<hbm>>
    %dma_start3A_329 = tpu.memref_squeeze %dma_start3A_328 : memref<1x128xi32, #tpu.memory_space<hbm>> -> memref<128xi32, #tpu.memory_space<hbm>>
    tpu.enqueue_dma source(%dma_start3A_329 : memref<128xi32, #tpu.memory_space<hbm>>) target(%dma_start3A_326 : memref<128xi32, #tpu.memory_space<vmem>>) target_semaphore(%arg12 : memref<!tpu.dma_semaphore, #tpu.memory_space<semaphore_mem>>)
    %dma_wait3A_330 = arith.constant 0 : i32
    %dma_wait3A_331 = arith.constant 0 : i32
    %dma_wait3A_332 = arith.constant 0 : i32
    %dma_wait3A_333 = tpu.memref_slice %arg6[%dma_wait3A_330, %dma_wait3A_331, %dma_wait3A_332] : memref<3x128x128xf32, #tpu.memory_space<vmem>> -> memref<1x128x128xf32, #tpu.memory_space<vmem>>
    %dma_wait3A_334 = tpu.memref_squeeze %dma_wait3A_333 : memref<1x128x128xf32, #tpu.memory_space<vmem>> -> memref<128x128xf32, #tpu.memory_space<vmem>>
    %dma_wait3A_335 = arith.constant 0 : i32
    %dma_wait3A_336 = tpu.memref_slice %arg2[%select_n3A_167, %dma_wait3A_335] : memref<100000x128xf32, #tpu.memory_space<hbm>> -> memref<128x128xf32, #tpu.memory_space<hbm>>
    %dma_wait3A_337 = arith.constant 0 : i32
    %dma_wait3A_338 = arith.constant 0 : i32
    %dma_wait3A_339 = tpu.memref_slice %arg6[%dma_wait3A_330, %dma_wait3A_337, %dma_wait3A_338] : memref<3x128x128xf32, #tpu.memory_space<vmem>> -> memref<1x128x128xf32, #tpu.memory_space<vmem>>
    %dma_wait3A_340 = tpu.memref_squeeze %dma_wait3A_339 : memref<1x128x128xf32, #tpu.memory_space<vmem>> -> memref<128x128xf32, #tpu.memory_space<vmem>>
    %dma_wait3A_341 = arith.constant 0 : i32
    %dma_wait3A_342 = tpu.memref_slice %arg2[%select_n3A_167, %dma_wait3A_341] : memref<100000x128xf32, #tpu.memory_space<hbm>> -> memref<128x128xf32, #tpu.memory_space<hbm>>
    tpu.wait_dma2 semaphore(%arg7 : memref<!tpu.dma_semaphore, #tpu.memory_space<semaphore_mem>>) src(%dma_wait3A_342 : memref<128x128xf32, #tpu.memory_space<hbm>>) dst(%dma_wait3A_340 : memref<128x128xf32, #tpu.memory_space<vmem>>)
    %dma_wait3A_343 = arith.constant 0 : i32
    %dma_wait3A_344 = arith.constant 0 : i32
    %dma_wait3A_345 = tpu.memref_slice %arg5[%dma_wait3A_343, %dma_wait3A_344] : memref<3x128xi32, #tpu.memory_space<vmem>> -> memref<1x128xi32, #tpu.memory_space<vmem>>
    %dma_wait3A_346 = tpu.memref_squeeze %dma_wait3A_345 : memref<1x128xi32, #tpu.memory_space<vmem>> -> memref<128xi32, #tpu.memory_space<vmem>>
    %dma_wait3A_347 = arith.constant 0 : i32
    %dma_wait3A_348 = tpu.memref_slice %arg3[%add3A_155, %dma_wait3A_347] : memref<384x128xi32, #tpu.memory_space<hbm>> -> memref<1x128xi32, #tpu.memory_space<hbm>>
    %dma_wait3A_349 = tpu.memref_squeeze %dma_wait3A_348 : memref<1x128xi32, #tpu.memory_space<hbm>> -> memref<128xi32, #tpu.memory_space<hbm>>
    %dma_wait3A_350 = arith.constant 0 : i32
    %dma_wait3A_351 = tpu.memref_slice %arg5[%dma_wait3A_343, %dma_wait3A_350] : memref<3x128xi32, #tpu.memory_space<vmem>> -> memref<1x128xi32, #tpu.memory_space<vmem>>
    %dma_wait3A_352 = tpu.memref_squeeze %dma_wait3A_351 : memref<1x128xi32, #tpu.memory_space<vmem>> -> memref<128xi32, #tpu.memory_space<vmem>>
    %dma_wait3A_353 = arith.constant 0 : i32
    %dma_wait3A_354 = tpu.memref_slice %arg3[%add3A_155, %dma_wait3A_353] : memref<384x128xi32, #tpu.memory_space<hbm>> -> memref<1x128xi32, #tpu.memory_space<hbm>>
    %dma_wait3A_355 = tpu.memref_squeeze %dma_wait3A_354 : memref<1x128xi32, #tpu.memory_space<hbm>> -> memref<128xi32, #tpu.memory_space<hbm>>
    tpu.wait_dma2 semaphore(%arg10 : memref<!tpu.dma_semaphore, #tpu.memory_space<semaphore_mem>>) src(%dma_wait3A_355 : memref<128xi32, #tpu.memory_space<hbm>>) dst(%dma_wait3A_352 : memref<128xi32, #tpu.memory_space<vmem>>)
    %run_scoped3A_356 = arith.constant 0 : i32
    %run_scoped3A_357 = arith.constant 0 : i32
    "tpu.region"() ({
      %run_scoped3A_823 = tpu.sem_alloc : memref<!tpu.dma_semaphore, #tpu.memory_space<semaphore_mem>>
      %dma_start3A_824 = arith.constant 0 : i32
      %dma_start3A_825 = arith.constant 0 : i32
      %dma_start3A_826 = tpu.memref_slice %arg6[%run_scoped3A_356, %dma_start3A_824, %dma_start3A_825] : memref<3x128x128xf32, #tpu.memory_space<vmem>> -> memref<1x128x128xf32, #tpu.memory_space<vmem>>
      %dma_start3A_827 = tpu.memref_squeeze %dma_start3A_826 : memref<1x128x128xf32, #tpu.memory_space<vmem>> -> memref<128x128xf32, #tpu.memory_space<vmem>>
      %dma_start3A_828 = arith.constant 0 : i32
      %dma_start3A_829 = tpu.memref_slice %arg5[%run_scoped3A_357, %dma_start3A_828] : memref<3x128xi32, #tpu.memory_space<vmem>> -> memref<1x128xi32, #tpu.memory_space<vmem>>
      %dma_start3A_830 = tpu.memref_squeeze %dma_start3A_829 : memref<1x128xi32, #tpu.memory_space<vmem>> -> memref<128xi32, #tpu.memory_space<vmem>>
      %dma_start3A_831 = arith.constant 0 : i32
      %dma_start3A_832 = arith.constant 0 : i32
      %dma_start3A_833 = tpu.memref_slice %arg13[%dma_start3A_831, %dma_start3A_832] : memref<3712x128xf32, #tpu.memory_space<vmem_shared>> -> memref<3712x128xf32, #tpu.memory_space<vmem_shared>>
      tpu.enqueue_indirect_dma source(%dma_start3A_827 : memref<128x128xf32, #tpu.memory_space<vmem>>) target(%dma_start3A_833 : memref<3712x128xf32, #tpu.memory_space<vmem_shared>>) offsets(%dma_start3A_830 : memref<128xi32, #tpu.memory_space<vmem>>) semaphore(%run_scoped3A_823 : memref<!tpu.dma_semaphore, #tpu.memory_space<semaphore_mem>>) {add = true}
      %dma_wait3A_834 = arith.constant 0 : i32
      %dma_wait3A_835 = arith.constant 0 : i32
      %dma_wait3A_836 = tpu.memref_slice %arg6[%run_scoped3A_356, %dma_wait3A_834, %dma_wait3A_835] : memref<3x128x128xf32, #tpu.memory_space<vmem>> -> memref<1x128x128xf32, #tpu.memory_space<vmem>>
      %dma_wait3A_837 = tpu.memref_squeeze %dma_wait3A_836 : memref<1x128x128xf32, #tpu.memory_space<vmem>> -> memref<128x128xf32, #tpu.memory_space<vmem>>
      %dma_wait3A_838 = arith.constant 0 : i32
      %dma_wait3A_839 = tpu.memref_slice %arg5[%run_scoped3A_357, %dma_wait3A_838] : memref<3x128xi32, #tpu.memory_space<vmem>> -> memref<1x128xi32, #tpu.memory_space<vmem>>
      %dma_wait3A_840 = tpu.memref_squeeze %dma_wait3A_839 : memref<1x128xi32, #tpu.memory_space<vmem>> -> memref<128xi32, #tpu.memory_space<vmem>>
      %dma_wait3A_841 = arith.constant 0 : i32
      %dma_wait3A_842 = arith.constant 0 : i32
      %dma_wait3A_843 = tpu.memref_slice %arg13[%dma_wait3A_841, %dma_wait3A_842] : memref<3712x128xf32, #tpu.memory_space<vmem_shared>> -> memref<3712x128xf32, #tpu.memory_space<vmem_shared>>
      tpu.wait_indirect_dma semaphore(%run_scoped3A_823 : memref<!tpu.dma_semaphore, #tpu.memory_space<semaphore_mem>>) src(%dma_wait3A_837 : memref<128x128xf32, #tpu.memory_space<vmem>>) dst(%dma_wait3A_843 : memref<3712x128xf32, #tpu.memory_space<vmem_shared>>)
      tpu.yield
    }) : () -> ()
    %add3A_358 = arith.constant 192 : i32
    %add3A_359 = arith.addi %add3A, %add3A_358 : i32
    %lt3A_360 = arith.constant 381 : i32
    %lt3A_361 = arith.cmpi slt, %add3A_359, %lt3A_360 : i32
    %mul3A_362 = arith.constant 128 : i32
    %mul3A_363 = arith.muli %add3A_359, %mul3A_362 : i32
    %add3A_364 = arith.constant 51200 : i32
    %add3A_365 = arith.addi %add3A_364, %mul3A_363 : i32
    %jit3A_366 = arith.constant 0 : i32
    %select_n3A_367 = arith.select %lt3A_361, %add3A_365, %jit3A_366 : i32
    %eq3A_368 = arith.constant 381 : i32
    %eq3A_369 = arith.cmpi eq, %add3A_359, %eq3A_368 : i32
    %jit3A_370 = arith.constant 99872 : i32
    %select_n3A_371 = arith.select %eq3A_369, %jit3A_370, %select_n3A_367 : i32
    %dma_start3A_372 = arith.constant 0 : i32
    %dma_start3A_373 = arith.constant 0 : i32
    %dma_start3A_374 = arith.constant 0 : i32
    %dma_start3A_375 = tpu.memref_slice %arg6[%dma_start3A_372, %dma_start3A_373, %dma_start3A_374] : memref<3x128x128xf32, #tpu.memory_space<vmem>> -> memref<1x128x128xf32, #tpu.memory_space<vmem>>
    %dma_start3A_376 = tpu.memref_squeeze %dma_start3A_375 : memref<1x128x128xf32, #tpu.memory_space<vmem>> -> memref<128x128xf32, #tpu.memory_space<vmem>>
    %dma_start3A_377 = arith.constant 0 : i32
    %dma_start3A_378 = tpu.memref_slice %arg2[%select_n3A_371, %dma_start3A_377] : memref<100000x128xf32, #tpu.memory_space<hbm>> -> memref<128x128xf32, #tpu.memory_space<hbm>>
    %dma_start3A_379 = arith.constant 0 : i32
    %dma_start3A_380 = arith.constant 0 : i32
    %dma_start3A_381 = tpu.memref_slice %arg6[%dma_start3A_372, %dma_start3A_379, %dma_start3A_380] : memref<3x128x128xf32, #tpu.memory_space<vmem>> -> memref<1x128x128xf32, #tpu.memory_space<vmem>>
    %dma_start3A_382 = tpu.memref_squeeze %dma_start3A_381 : memref<1x128x128xf32, #tpu.memory_space<vmem>> -> memref<128x128xf32, #tpu.memory_space<vmem>>
    %dma_start3A_383 = arith.constant 0 : i32
    %dma_start3A_384 = tpu.memref_slice %arg2[%select_n3A_371, %dma_start3A_383] : memref<100000x128xf32, #tpu.memory_space<hbm>> -> memref<128x128xf32, #tpu.memory_space<hbm>>
    tpu.enqueue_dma source(%dma_start3A_384 : memref<128x128xf32, #tpu.memory_space<hbm>>) target(%dma_start3A_382 : memref<128x128xf32, #tpu.memory_space<vmem>>) target_semaphore(%arg7 : memref<!tpu.dma_semaphore, #tpu.memory_space<semaphore_mem>>)
    %dma_start3A_385 = arith.constant 0 : i32
    %dma_start3A_386 = arith.constant 0 : i32
    %dma_start3A_387 = tpu.memref_slice %arg5[%dma_start3A_385, %dma_start3A_386] : memref<3x128xi32, #tpu.memory_space<vmem>> -> memref<1x128xi32, #tpu.memory_space<vmem>>
    %dma_start3A_388 = tpu.memref_squeeze %dma_start3A_387 : memref<1x128xi32, #tpu.memory_space<vmem>> -> memref<128xi32, #tpu.memory_space<vmem>>
    %dma_start3A_389 = arith.constant 0 : i32
    %dma_start3A_390 = tpu.memref_slice %arg3[%add3A_359, %dma_start3A_389] : memref<384x128xi32, #tpu.memory_space<hbm>> -> memref<1x128xi32, #tpu.memory_space<hbm>>
    %dma_start3A_391 = tpu.memref_squeeze %dma_start3A_390 : memref<1x128xi32, #tpu.memory_space<hbm>> -> memref<128xi32, #tpu.memory_space<hbm>>
    %dma_start3A_392 = arith.constant 0 : i32
    %dma_start3A_393 = tpu.memref_slice %arg5[%dma_start3A_385, %dma_start3A_392] : memref<3x128xi32, #tpu.memory_space<vmem>> -> memref<1x128xi32, #tpu.memory_space<vmem>>
    %dma_start3A_394 = tpu.memref_squeeze %dma_start3A_393 : memref<1x128xi32, #tpu.memory_space<vmem>> -> memref<128xi32, #tpu.memory_space<vmem>>
    %dma_start3A_395 = arith.constant 0 : i32
    %dma_start3A_396 = tpu.memref_slice %arg3[%add3A_359, %dma_start3A_395] : memref<384x128xi32, #tpu.memory_space<hbm>> -> memref<1x128xi32, #tpu.memory_space<hbm>>
    %dma_start3A_397 = tpu.memref_squeeze %dma_start3A_396 : memref<1x128xi32, #tpu.memory_space<hbm>> -> memref<128xi32, #tpu.memory_space<hbm>>
    tpu.enqueue_dma source(%dma_start3A_397 : memref<128xi32, #tpu.memory_space<hbm>>) target(%dma_start3A_394 : memref<128xi32, #tpu.memory_space<vmem>>) target_semaphore(%arg10 : memref<!tpu.dma_semaphore, #tpu.memory_space<semaphore_mem>>)
    %dma_wait3A_398 = arith.constant 1 : i32
    %dma_wait3A_399 = arith.constant 0 : i32
    %dma_wait3A_400 = arith.constant 0 : i32
    %dma_wait3A_401 = tpu.memref_slice %arg6[%dma_wait3A_398, %dma_wait3A_399, %dma_wait3A_400] : memref<3x128x128xf32, #tpu.memory_space<vmem>> -> memref<1x128x128xf32, #tpu.memory_space<vmem>>
    %dma_wait3A_402 = tpu.memref_squeeze %dma_wait3A_401 : memref<1x128x128xf32, #tpu.memory_space<vmem>> -> memref<128x128xf32, #tpu.memory_space<vmem>>
    %dma_wait3A_403 = arith.constant 0 : i32
    %dma_wait3A_404 = tpu.memref_slice %arg2[%select_n3A_235, %dma_wait3A_403] : memref<100000x128xf32, #tpu.memory_space<hbm>> -> memref<128x128xf32, #tpu.memory_space<hbm>>
    %dma_wait3A_405 = arith.constant 0 : i32
    %dma_wait3A_406 = arith.constant 0 : i32
    %dma_wait3A_407 = tpu.memref_slice %arg6[%dma_wait3A_398, %dma_wait3A_405, %dma_wait3A_406] : memref<3x128x128xf32, #tpu.memory_space<vmem>> -> memref<1x128x128xf32, #tpu.memory_space<vmem>>
    %dma_wait3A_408 = tpu.memref_squeeze %dma_wait3A_407 : memref<1x128x128xf32, #tpu.memory_space<vmem>> -> memref<128x128xf32, #tpu.memory_space<vmem>>
    %dma_wait3A_409 = arith.constant 0 : i32
    %dma_wait3A_410 = tpu.memref_slice %arg2[%select_n3A_235, %dma_wait3A_409] : memref<100000x128xf32, #tpu.memory_space<hbm>> -> memref<128x128xf32, #tpu.memory_space<hbm>>
    tpu.wait_dma2 semaphore(%arg8 : memref<!tpu.dma_semaphore, #tpu.memory_space<semaphore_mem>>) src(%dma_wait3A_410 : memref<128x128xf32, #tpu.memory_space<hbm>>) dst(%dma_wait3A_408 : memref<128x128xf32, #tpu.memory_space<vmem>>)
    %dma_wait3A_411 = arith.constant 1 : i32
    %dma_wait3A_412 = arith.constant 0 : i32
    %dma_wait3A_413 = tpu.memref_slice %arg5[%dma_wait3A_411, %dma_wait3A_412] : memref<3x128xi32, #tpu.memory_space<vmem>> -> memref<1x128xi32, #tpu.memory_space<vmem>>
    %dma_wait3A_414 = tpu.memref_squeeze %dma_wait3A_413 : memref<1x128xi32, #tpu.memory_space<vmem>> -> memref<128xi32, #tpu.memory_space<vmem>>
    %dma_wait3A_415 = arith.constant 0 : i32
    %dma_wait3A_416 = tpu.memref_slice %arg3[%add3A_223, %dma_wait3A_415] : memref<384x128xi32, #tpu.memory_space<hbm>> -> memref<1x128xi32, #tpu.memory_space<hbm>>
    %dma_wait3A_417 = tpu.memref_squeeze %dma_wait3A_416 : memref<1x128xi32, #tpu.memory_space<hbm>> -> memref<128xi32, #tpu.memory_space<hbm>>
    %dma_wait3A_418 = arith.constant 0 : i32
    %dma_wait3A_419 = tpu.memref_slice %arg5[%dma_wait3A_411, %dma_wait3A_418] : memref<3x128xi32, #tpu.memory_space<vmem>> -> memref<1x128xi32, #tpu.memory_space<vmem>>
    %dma_wait3A_420 = tpu.memref_squeeze %dma_wait3A_419 : memref<1x128xi32, #tpu.memory_space<vmem>> -> memref<128xi32, #tpu.memory_space<vmem>>
    %dma_wait3A_421 = arith.constant 0 : i32
    %dma_wait3A_422 = tpu.memref_slice %arg3[%add3A_223, %dma_wait3A_421] : memref<384x128xi32, #tpu.memory_space<hbm>> -> memref<1x128xi32, #tpu.memory_space<hbm>>
    %dma_wait3A_423 = tpu.memref_squeeze %dma_wait3A_422 : memref<1x128xi32, #tpu.memory_space<hbm>> -> memref<128xi32, #tpu.memory_space<hbm>>
    tpu.wait_dma2 semaphore(%arg11 : memref<!tpu.dma_semaphore, #tpu.memory_space<semaphore_mem>>) src(%dma_wait3A_423 : memref<128xi32, #tpu.memory_space<hbm>>) dst(%dma_wait3A_420 : memref<128xi32, #tpu.memory_space<vmem>>)
    %run_scoped3A_424 = arith.constant 1 : i32
    %run_scoped3A_425 = arith.constant 1 : i32
    "tpu.region"() ({
      %run_scoped3A_823 = tpu.sem_alloc : memref<!tpu.dma_semaphore, #tpu.memory_space<semaphore_mem>>
      %dma_start3A_824 = arith.constant 0 : i32
      %dma_start3A_825 = arith.constant 0 : i32
      %dma_start3A_826 = tpu.memref_slice %arg6[%run_scoped3A_424, %dma_start3A_824, %dma_start3A_825] : memref<3x128x128xf32, #tpu.memory_space<vmem>> -> memref<1x128x128xf32, #tpu.memory_space<vmem>>
      %dma_start3A_827 = tpu.memref_squeeze %dma_start3A_826 : memref<1x128x128xf32, #tpu.memory_space<vmem>> -> memref<128x128xf32, #tpu.memory_space<vmem>>
      %dma_start3A_828 = arith.constant 0 : i32
      %dma_start3A_829 = tpu.memref_slice %arg5[%run_scoped3A_425, %dma_start3A_828] : memref<3x128xi32, #tpu.memory_space<vmem>> -> memref<1x128xi32, #tpu.memory_space<vmem>>
      %dma_start3A_830 = tpu.memref_squeeze %dma_start3A_829 : memref<1x128xi32, #tpu.memory_space<vmem>> -> memref<128xi32, #tpu.memory_space<vmem>>
      %dma_start3A_831 = arith.constant 0 : i32
      %dma_start3A_832 = arith.constant 0 : i32
      %dma_start3A_833 = tpu.memref_slice %arg13[%dma_start3A_831, %dma_start3A_832] : memref<3712x128xf32, #tpu.memory_space<vmem_shared>> -> memref<3712x128xf32, #tpu.memory_space<vmem_shared>>
      tpu.enqueue_indirect_dma source(%dma_start3A_827 : memref<128x128xf32, #tpu.memory_space<vmem>>) target(%dma_start3A_833 : memref<3712x128xf32, #tpu.memory_space<vmem_shared>>) offsets(%dma_start3A_830 : memref<128xi32, #tpu.memory_space<vmem>>) semaphore(%run_scoped3A_823 : memref<!tpu.dma_semaphore, #tpu.memory_space<semaphore_mem>>) {add = true}
      %dma_wait3A_834 = arith.constant 0 : i32
      %dma_wait3A_835 = arith.constant 0 : i32
      %dma_wait3A_836 = tpu.memref_slice %arg6[%run_scoped3A_424, %dma_wait3A_834, %dma_wait3A_835] : memref<3x128x128xf32, #tpu.memory_space<vmem>> -> memref<1x128x128xf32, #tpu.memory_space<vmem>>
      %dma_wait3A_837 = tpu.memref_squeeze %dma_wait3A_836 : memref<1x128x128xf32, #tpu.memory_space<vmem>> -> memref<128x128xf32, #tpu.memory_space<vmem>>
      %dma_wait3A_838 = arith.constant 0 : i32
      %dma_wait3A_839 = tpu.memref_slice %arg5[%run_scoped3A_425, %dma_wait3A_838] : memref<3x128xi32, #tpu.memory_space<vmem>> -> memref<1x128xi32, #tpu.memory_space<vmem>>
      %dma_wait3A_840 = tpu.memref_squeeze %dma_wait3A_839 : memref<1x128xi32, #tpu.memory_space<vmem>> -> memref<128xi32, #tpu.memory_space<vmem>>
      %dma_wait3A_841 = arith.constant 0 : i32
      %dma_wait3A_842 = arith.constant 0 : i32
      %dma_wait3A_843 = tpu.memref_slice %arg13[%dma_wait3A_841, %dma_wait3A_842] : memref<3712x128xf32, #tpu.memory_space<vmem_shared>> -> memref<3712x128xf32, #tpu.memory_space<vmem_shared>>
      tpu.wait_indirect_dma semaphore(%run_scoped3A_823 : memref<!tpu.dma_semaphore, #tpu.memory_space<semaphore_mem>>) src(%dma_wait3A_837 : memref<128x128xf32, #tpu.memory_space<vmem>>) dst(%dma_wait3A_843 : memref<3712x128xf32, #tpu.memory_space<vmem_shared>>)
      tpu.yield
    }) : () -> ()
    %add3A_426 = arith.constant 224 : i32
    %add3A_427 = arith.addi %add3A, %add3A_426 : i32
    %lt3A_428 = arith.constant 381 : i32
    %lt3A_429 = arith.cmpi slt, %add3A_427, %lt3A_428 : i32
    %mul3A_430 = arith.constant 128 : i32
    %mul3A_431 = arith.muli %add3A_427, %mul3A_430 : i32
    %add3A_432 = arith.constant 51200 : i32
    %add3A_433 = arith.addi %add3A_432, %mul3A_431 : i32
    %jit3A_434 = arith.constant 0 : i32
    %select_n3A_435 = arith.select %lt3A_429, %add3A_433, %jit3A_434 : i32
    %eq3A_436 = arith.constant 381 : i32
    %eq3A_437 = arith.cmpi eq, %add3A_427, %eq3A_436 : i32
    %jit3A_438 = arith.constant 99872 : i32
    %select_n3A_439 = arith.select %eq3A_437, %jit3A_438, %select_n3A_435 : i32
    %dma_start3A_440 = arith.constant 1 : i32
    %dma_start3A_441 = arith.constant 0 : i32
    %dma_start3A_442 = arith.constant 0 : i32
    %dma_start3A_443 = tpu.memref_slice %arg6[%dma_start3A_440, %dma_start3A_441, %dma_start3A_442] : memref<3x128x128xf32, #tpu.memory_space<vmem>> -> memref<1x128x128xf32, #tpu.memory_space<vmem>>
    %dma_start3A_444 = tpu.memref_squeeze %dma_start3A_443 : memref<1x128x128xf32, #tpu.memory_space<vmem>> -> memref<128x128xf32, #tpu.memory_space<vmem>>
    %dma_start3A_445 = arith.constant 0 : i32
    %dma_start3A_446 = tpu.memref_slice %arg2[%select_n3A_439, %dma_start3A_445] : memref<100000x128xf32, #tpu.memory_space<hbm>> -> memref<128x128xf32, #tpu.memory_space<hbm>>
    %dma_start3A_447 = arith.constant 0 : i32
    %dma_start3A_448 = arith.constant 0 : i32
    %dma_start3A_449 = tpu.memref_slice %arg6[%dma_start3A_440, %dma_start3A_447, %dma_start3A_448] : memref<3x128x128xf32, #tpu.memory_space<vmem>> -> memref<1x128x128xf32, #tpu.memory_space<vmem>>
    %dma_start3A_450 = tpu.memref_squeeze %dma_start3A_449 : memref<1x128x128xf32, #tpu.memory_space<vmem>> -> memref<128x128xf32, #tpu.memory_space<vmem>>
    %dma_start3A_451 = arith.constant 0 : i32
    %dma_start3A_452 = tpu.memref_slice %arg2[%select_n3A_439, %dma_start3A_451] : memref<100000x128xf32, #tpu.memory_space<hbm>> -> memref<128x128xf32, #tpu.memory_space<hbm>>
    tpu.enqueue_dma source(%dma_start3A_452 : memref<128x128xf32, #tpu.memory_space<hbm>>) target(%dma_start3A_450 : memref<128x128xf32, #tpu.memory_space<vmem>>) target_semaphore(%arg8 : memref<!tpu.dma_semaphore, #tpu.memory_space<semaphore_mem>>)
    %dma_start3A_453 = arith.constant 1 : i32
    %dma_start3A_454 = arith.constant 0 : i32
    %dma_start3A_455 = tpu.memref_slice %arg5[%dma_start3A_453, %dma_start3A_454] : memref<3x128xi32, #tpu.memory_space<vmem>> -> memref<1x128xi32, #tpu.memory_space<vmem>>
    %dma_start3A_456 = tpu.memref_squeeze %dma_start3A_455 : memref<1x128xi32, #tpu.memory_space<vmem>> -> memref<128xi32, #tpu.memory_space<vmem>>
    %dma_start3A_457 = arith.constant 0 : i32
    %dma_start3A_458 = tpu.memref_slice %arg3[%add3A_427, %dma_start3A_457] : memref<384x128xi32, #tpu.memory_space<hbm>> -> memref<1x128xi32, #tpu.memory_space<hbm>>
    %dma_start3A_459 = tpu.memref_squeeze %dma_start3A_458 : memref<1x128xi32, #tpu.memory_space<hbm>> -> memref<128xi32, #tpu.memory_space<hbm>>
    %dma_start3A_460 = arith.constant 0 : i32
    %dma_start3A_461 = tpu.memref_slice %arg5[%dma_start3A_453, %dma_start3A_460] : memref<3x128xi32, #tpu.memory_space<vmem>> -> memref<1x128xi32, #tpu.memory_space<vmem>>
    %dma_start3A_462 = tpu.memref_squeeze %dma_start3A_461 : memref<1x128xi32, #tpu.memory_space<vmem>> -> memref<128xi32, #tpu.memory_space<vmem>>
    %dma_start3A_463 = arith.constant 0 : i32
    %dma_start3A_464 = tpu.memref_slice %arg3[%add3A_427, %dma_start3A_463] : memref<384x128xi32, #tpu.memory_space<hbm>> -> memref<1x128xi32, #tpu.memory_space<hbm>>
    %dma_start3A_465 = tpu.memref_squeeze %dma_start3A_464 : memref<1x128xi32, #tpu.memory_space<hbm>> -> memref<128xi32, #tpu.memory_space<hbm>>
    tpu.enqueue_dma source(%dma_start3A_465 : memref<128xi32, #tpu.memory_space<hbm>>) target(%dma_start3A_462 : memref<128xi32, #tpu.memory_space<vmem>>) target_semaphore(%arg11 : memref<!tpu.dma_semaphore, #tpu.memory_space<semaphore_mem>>)
    %dma_wait3A_466 = arith.constant 2 : i32
    %dma_wait3A_467 = arith.constant 0 : i32
    %dma_wait3A_468 = arith.constant 0 : i32
    %dma_wait3A_469 = tpu.memref_slice %arg6[%dma_wait3A_466, %dma_wait3A_467, %dma_wait3A_468] : memref<3x128x128xf32, #tpu.memory_space<vmem>> -> memref<1x128x128xf32, #tpu.memory_space<vmem>>
    %dma_wait3A_470 = tpu.memref_squeeze %dma_wait3A_469 : memref<1x128x128xf32, #tpu.memory_space<vmem>> -> memref<128x128xf32, #tpu.memory_space<vmem>>
    %dma_wait3A_471 = arith.constant 0 : i32
    %dma_wait3A_472 = tpu.memref_slice %arg2[%select_n3A_303, %dma_wait3A_471] : memref<100000x128xf32, #tpu.memory_space<hbm>> -> memref<128x128xf32, #tpu.memory_space<hbm>>
    %dma_wait3A_473 = arith.constant 0 : i32
    %dma_wait3A_474 = arith.constant 0 : i32
    %dma_wait3A_475 = tpu.memref_slice %arg6[%dma_wait3A_466, %dma_wait3A_473, %dma_wait3A_474] : memref<3x128x128xf32, #tpu.memory_space<vmem>> -> memref<1x128x128xf32, #tpu.memory_space<vmem>>
    %dma_wait3A_476 = tpu.memref_squeeze %dma_wait3A_475 : memref<1x128x128xf32, #tpu.memory_space<vmem>> -> memref<128x128xf32, #tpu.memory_space<vmem>>
    %dma_wait3A_477 = arith.constant 0 : i32
    %dma_wait3A_478 = tpu.memref_slice %arg2[%select_n3A_303, %dma_wait3A_477] : memref<100000x128xf32, #tpu.memory_space<hbm>> -> memref<128x128xf32, #tpu.memory_space<hbm>>
    tpu.wait_dma2 semaphore(%arg9 : memref<!tpu.dma_semaphore, #tpu.memory_space<semaphore_mem>>) src(%dma_wait3A_478 : memref<128x128xf32, #tpu.memory_space<hbm>>) dst(%dma_wait3A_476 : memref<128x128xf32, #tpu.memory_space<vmem>>)
    %dma_wait3A_479 = arith.constant 2 : i32
    %dma_wait3A_480 = arith.constant 0 : i32
    %dma_wait3A_481 = tpu.memref_slice %arg5[%dma_wait3A_479, %dma_wait3A_480] : memref<3x128xi32, #tpu.memory_space<vmem>> -> memref<1x128xi32, #tpu.memory_space<vmem>>
    %dma_wait3A_482 = tpu.memref_squeeze %dma_wait3A_481 : memref<1x128xi32, #tpu.memory_space<vmem>> -> memref<128xi32, #tpu.memory_space<vmem>>
    %dma_wait3A_483 = arith.constant 0 : i32
    %dma_wait3A_484 = tpu.memref_slice %arg3[%add3A_291, %dma_wait3A_483] : memref<384x128xi32, #tpu.memory_space<hbm>> -> memref<1x128xi32, #tpu.memory_space<hbm>>
    %dma_wait3A_485 = tpu.memref_squeeze %dma_wait3A_484 : memref<1x128xi32, #tpu.memory_space<hbm>> -> memref<128xi32, #tpu.memory_space<hbm>>
    %dma_wait3A_486 = arith.constant 0 : i32
    %dma_wait3A_487 = tpu.memref_slice %arg5[%dma_wait3A_479, %dma_wait3A_486] : memref<3x128xi32, #tpu.memory_space<vmem>> -> memref<1x128xi32, #tpu.memory_space<vmem>>
    %dma_wait3A_488 = tpu.memref_squeeze %dma_wait3A_487 : memref<1x128xi32, #tpu.memory_space<vmem>> -> memref<128xi32, #tpu.memory_space<vmem>>
    %dma_wait3A_489 = arith.constant 0 : i32
    %dma_wait3A_490 = tpu.memref_slice %arg3[%add3A_291, %dma_wait3A_489] : memref<384x128xi32, #tpu.memory_space<hbm>> -> memref<1x128xi32, #tpu.memory_space<hbm>>
    %dma_wait3A_491 = tpu.memref_squeeze %dma_wait3A_490 : memref<1x128xi32, #tpu.memory_space<hbm>> -> memref<128xi32, #tpu.memory_space<hbm>>
    tpu.wait_dma2 semaphore(%arg12 : memref<!tpu.dma_semaphore, #tpu.memory_space<semaphore_mem>>) src(%dma_wait3A_491 : memref<128xi32, #tpu.memory_space<hbm>>) dst(%dma_wait3A_488 : memref<128xi32, #tpu.memory_space<vmem>>)
    %run_scoped3A_492 = arith.constant 2 : i32
    %run_scoped3A_493 = arith.constant 2 : i32
    "tpu.region"() ({
      %run_scoped3A_823 = tpu.sem_alloc : memref<!tpu.dma_semaphore, #tpu.memory_space<semaphore_mem>>
      %dma_start3A_824 = arith.constant 0 : i32
      %dma_start3A_825 = arith.constant 0 : i32
      %dma_start3A_826 = tpu.memref_slice %arg6[%run_scoped3A_492, %dma_start3A_824, %dma_start3A_825] : memref<3x128x128xf32, #tpu.memory_space<vmem>> -> memref<1x128x128xf32, #tpu.memory_space<vmem>>
      %dma_start3A_827 = tpu.memref_squeeze %dma_start3A_826 : memref<1x128x128xf32, #tpu.memory_space<vmem>> -> memref<128x128xf32, #tpu.memory_space<vmem>>
      %dma_start3A_828 = arith.constant 0 : i32
      %dma_start3A_829 = tpu.memref_slice %arg5[%run_scoped3A_493, %dma_start3A_828] : memref<3x128xi32, #tpu.memory_space<vmem>> -> memref<1x128xi32, #tpu.memory_space<vmem>>
      %dma_start3A_830 = tpu.memref_squeeze %dma_start3A_829 : memref<1x128xi32, #tpu.memory_space<vmem>> -> memref<128xi32, #tpu.memory_space<vmem>>
      %dma_start3A_831 = arith.constant 0 : i32
      %dma_start3A_832 = arith.constant 0 : i32
      %dma_start3A_833 = tpu.memref_slice %arg13[%dma_start3A_831, %dma_start3A_832] : memref<3712x128xf32, #tpu.memory_space<vmem_shared>> -> memref<3712x128xf32, #tpu.memory_space<vmem_shared>>
      tpu.enqueue_indirect_dma source(%dma_start3A_827 : memref<128x128xf32, #tpu.memory_space<vmem>>) target(%dma_start3A_833 : memref<3712x128xf32, #tpu.memory_space<vmem_shared>>) offsets(%dma_start3A_830 : memref<128xi32, #tpu.memory_space<vmem>>) semaphore(%run_scoped3A_823 : memref<!tpu.dma_semaphore, #tpu.memory_space<semaphore_mem>>) {add = true}
      %dma_wait3A_834 = arith.constant 0 : i32
      %dma_wait3A_835 = arith.constant 0 : i32
      %dma_wait3A_836 = tpu.memref_slice %arg6[%run_scoped3A_492, %dma_wait3A_834, %dma_wait3A_835] : memref<3x128x128xf32, #tpu.memory_space<vmem>> -> memref<1x128x128xf32, #tpu.memory_space<vmem>>
      %dma_wait3A_837 = tpu.memref_squeeze %dma_wait3A_836 : memref<1x128x128xf32, #tpu.memory_space<vmem>> -> memref<128x128xf32, #tpu.memory_space<vmem>>
      %dma_wait3A_838 = arith.constant 0 : i32
      %dma_wait3A_839 = tpu.memref_slice %arg5[%run_scoped3A_493, %dma_wait3A_838] : memref<3x128xi32, #tpu.memory_space<vmem>> -> memref<1x128xi32, #tpu.memory_space<vmem>>
      %dma_wait3A_840 = tpu.memref_squeeze %dma_wait3A_839 : memref<1x128xi32, #tpu.memory_space<vmem>> -> memref<128xi32, #tpu.memory_space<vmem>>
      %dma_wait3A_841 = arith.constant 0 : i32
      %dma_wait3A_842 = arith.constant 0 : i32
      %dma_wait3A_843 = tpu.memref_slice %arg13[%dma_wait3A_841, %dma_wait3A_842] : memref<3712x128xf32, #tpu.memory_space<vmem_shared>> -> memref<3712x128xf32, #tpu.memory_space<vmem_shared>>
      tpu.wait_indirect_dma semaphore(%run_scoped3A_823 : memref<!tpu.dma_semaphore, #tpu.memory_space<semaphore_mem>>) src(%dma_wait3A_837 : memref<128x128xf32, #tpu.memory_space<vmem>>) dst(%dma_wait3A_843 : memref<3712x128xf32, #tpu.memory_space<vmem_shared>>)
      tpu.yield
    }) : () -> ()
    %add3A_494 = arith.constant 256 : i32
    %add3A_495 = arith.addi %add3A, %add3A_494 : i32
    %lt3A_496 = arith.constant 381 : i32
    %lt3A_497 = arith.cmpi slt, %add3A_495, %lt3A_496 : i32
    %mul3A_498 = arith.constant 128 : i32
    %mul3A_499 = arith.muli %add3A_495, %mul3A_498 : i32
    %add3A_500 = arith.constant 51200 : i32
    %add3A_501 = arith.addi %add3A_500, %mul3A_499 : i32
    %jit3A_502 = arith.constant 0 : i32
    %select_n3A_503 = arith.select %lt3A_497, %add3A_501, %jit3A_502 : i32
    %eq3A_504 = arith.constant 381 : i32
    %eq3A_505 = arith.cmpi eq, %add3A_495, %eq3A_504 : i32
    %jit3A_506 = arith.constant 99872 : i32
    %select_n3A_507 = arith.select %eq3A_505, %jit3A_506, %select_n3A_503 : i32
    %dma_start3A_508 = arith.constant 2 : i32
    %dma_start3A_509 = arith.constant 0 : i32
    %dma_start3A_510 = arith.constant 0 : i32
    %dma_start3A_511 = tpu.memref_slice %arg6[%dma_start3A_508, %dma_start3A_509, %dma_start3A_510] : memref<3x128x128xf32, #tpu.memory_space<vmem>> -> memref<1x128x128xf32, #tpu.memory_space<vmem>>
    %dma_start3A_512 = tpu.memref_squeeze %dma_start3A_511 : memref<1x128x128xf32, #tpu.memory_space<vmem>> -> memref<128x128xf32, #tpu.memory_space<vmem>>
    %dma_start3A_513 = arith.constant 0 : i32
    %dma_start3A_514 = tpu.memref_slice %arg2[%select_n3A_507, %dma_start3A_513] : memref<100000x128xf32, #tpu.memory_space<hbm>> -> memref<128x128xf32, #tpu.memory_space<hbm>>
    %dma_start3A_515 = arith.constant 0 : i32
    %dma_start3A_516 = arith.constant 0 : i32
    %dma_start3A_517 = tpu.memref_slice %arg6[%dma_start3A_508, %dma_start3A_515, %dma_start3A_516] : memref<3x128x128xf32, #tpu.memory_space<vmem>> -> memref<1x128x128xf32, #tpu.memory_space<vmem>>
    %dma_start3A_518 = tpu.memref_squeeze %dma_start3A_517 : memref<1x128x128xf32, #tpu.memory_space<vmem>> -> memref<128x128xf32, #tpu.memory_space<vmem>>
    %dma_start3A_519 = arith.constant 0 : i32
    %dma_start3A_520 = tpu.memref_slice %arg2[%select_n3A_507, %dma_start3A_519] : memref<100000x128xf32, #tpu.memory_space<hbm>> -> memref<128x128xf32, #tpu.memory_space<hbm>>
    tpu.enqueue_dma source(%dma_start3A_520 : memref<128x128xf32, #tpu.memory_space<hbm>>) target(%dma_start3A_518 : memref<128x128xf32, #tpu.memory_space<vmem>>) target_semaphore(%arg9 : memref<!tpu.dma_semaphore, #tpu.memory_space<semaphore_mem>>)
    %dma_start3A_521 = arith.constant 2 : i32
    %dma_start3A_522 = arith.constant 0 : i32
    %dma_start3A_523 = tpu.memref_slice %arg5[%dma_start3A_521, %dma_start3A_522] : memref<3x128xi32, #tpu.memory_space<vmem>> -> memref<1x128xi32, #tpu.memory_space<vmem>>
    %dma_start3A_524 = tpu.memref_squeeze %dma_start3A_523 : memref<1x128xi32, #tpu.memory_space<vmem>> -> memref<128xi32, #tpu.memory_space<vmem>>
    %dma_start3A_525 = arith.constant 0 : i32
    %dma_start3A_526 = tpu.memref_slice %arg3[%add3A_495, %dma_start3A_525] : memref<384x128xi32, #tpu.memory_space<hbm>> -> memref<1x128xi32, #tpu.memory_space<hbm>>
    %dma_start3A_527 = tpu.memref_squeeze %dma_start3A_526 : memref<1x128xi32, #tpu.memory_space<hbm>> -> memref<128xi32, #tpu.memory_space<hbm>>
    %dma_start3A_528 = arith.constant 0 : i32
    %dma_start3A_529 = tpu.memref_slice %arg5[%dma_start3A_521, %dma_start3A_528] : memref<3x128xi32, #tpu.memory_space<vmem>> -> memref<1x128xi32, #tpu.memory_space<vmem>>
    %dma_start3A_530 = tpu.memref_squeeze %dma_start3A_529 : memref<1x128xi32, #tpu.memory_space<vmem>> -> memref<128xi32, #tpu.memory_space<vmem>>
    %dma_start3A_531 = arith.constant 0 : i32
    %dma_start3A_532 = tpu.memref_slice %arg3[%add3A_495, %dma_start3A_531] : memref<384x128xi32, #tpu.memory_space<hbm>> -> memref<1x128xi32, #tpu.memory_space<hbm>>
    %dma_start3A_533 = tpu.memref_squeeze %dma_start3A_532 : memref<1x128xi32, #tpu.memory_space<hbm>> -> memref<128xi32, #tpu.memory_space<hbm>>
    tpu.enqueue_dma source(%dma_start3A_533 : memref<128xi32, #tpu.memory_space<hbm>>) target(%dma_start3A_530 : memref<128xi32, #tpu.memory_space<vmem>>) target_semaphore(%arg12 : memref<!tpu.dma_semaphore, #tpu.memory_space<semaphore_mem>>)
    %dma_wait3A_534 = arith.constant 0 : i32
    %dma_wait3A_535 = arith.constant 0 : i32
    %dma_wait3A_536 = arith.constant 0 : i32
    %dma_wait3A_537 = tpu.memref_slice %arg6[%dma_wait3A_534, %dma_wait3A_535, %dma_wait3A_536] : memref<3x128x128xf32, #tpu.memory_space<vmem>> -> memref<1x128x128xf32, #tpu.memory_space<vmem>>
    %dma_wait3A_538 = tpu.memref_squeeze %dma_wait3A_537 : memref<1x128x128xf32, #tpu.memory_space<vmem>> -> memref<128x128xf32, #tpu.memory_space<vmem>>
    %dma_wait3A_539 = arith.constant 0 : i32
    %dma_wait3A_540 = tpu.memref_slice %arg2[%select_n3A_371, %dma_wait3A_539] : memref<100000x128xf32, #tpu.memory_space<hbm>> -> memref<128x128xf32, #tpu.memory_space<hbm>>
    %dma_wait3A_541 = arith.constant 0 : i32
    %dma_wait3A_542 = arith.constant 0 : i32
    %dma_wait3A_543 = tpu.memref_slice %arg6[%dma_wait3A_534, %dma_wait3A_541, %dma_wait3A_542] : memref<3x128x128xf32, #tpu.memory_space<vmem>> -> memref<1x128x128xf32, #tpu.memory_space<vmem>>
    %dma_wait3A_544 = tpu.memref_squeeze %dma_wait3A_543 : memref<1x128x128xf32, #tpu.memory_space<vmem>> -> memref<128x128xf32, #tpu.memory_space<vmem>>
    %dma_wait3A_545 = arith.constant 0 : i32
    %dma_wait3A_546 = tpu.memref_slice %arg2[%select_n3A_371, %dma_wait3A_545] : memref<100000x128xf32, #tpu.memory_space<hbm>> -> memref<128x128xf32, #tpu.memory_space<hbm>>
    tpu.wait_dma2 semaphore(%arg7 : memref<!tpu.dma_semaphore, #tpu.memory_space<semaphore_mem>>) src(%dma_wait3A_546 : memref<128x128xf32, #tpu.memory_space<hbm>>) dst(%dma_wait3A_544 : memref<128x128xf32, #tpu.memory_space<vmem>>)
    %dma_wait3A_547 = arith.constant 0 : i32
    %dma_wait3A_548 = arith.constant 0 : i32
    %dma_wait3A_549 = tpu.memref_slice %arg5[%dma_wait3A_547, %dma_wait3A_548] : memref<3x128xi32, #tpu.memory_space<vmem>> -> memref<1x128xi32, #tpu.memory_space<vmem>>
    %dma_wait3A_550 = tpu.memref_squeeze %dma_wait3A_549 : memref<1x128xi32, #tpu.memory_space<vmem>> -> memref<128xi32, #tpu.memory_space<vmem>>
    %dma_wait3A_551 = arith.constant 0 : i32
    %dma_wait3A_552 = tpu.memref_slice %arg3[%add3A_359, %dma_wait3A_551] : memref<384x128xi32, #tpu.memory_space<hbm>> -> memref<1x128xi32, #tpu.memory_space<hbm>>
    %dma_wait3A_553 = tpu.memref_squeeze %dma_wait3A_552 : memref<1x128xi32, #tpu.memory_space<hbm>> -> memref<128xi32, #tpu.memory_space<hbm>>
    %dma_wait3A_554 = arith.constant 0 : i32
    %dma_wait3A_555 = tpu.memref_slice %arg5[%dma_wait3A_547, %dma_wait3A_554] : memref<3x128xi32, #tpu.memory_space<vmem>> -> memref<1x128xi32, #tpu.memory_space<vmem>>
    %dma_wait3A_556 = tpu.memref_squeeze %dma_wait3A_555 : memref<1x128xi32, #tpu.memory_space<vmem>> -> memref<128xi32, #tpu.memory_space<vmem>>
    %dma_wait3A_557 = arith.constant 0 : i32
    %dma_wait3A_558 = tpu.memref_slice %arg3[%add3A_359, %dma_wait3A_557] : memref<384x128xi32, #tpu.memory_space<hbm>> -> memref<1x128xi32, #tpu.memory_space<hbm>>
    %dma_wait3A_559 = tpu.memref_squeeze %dma_wait3A_558 : memref<1x128xi32, #tpu.memory_space<hbm>> -> memref<128xi32, #tpu.memory_space<hbm>>
    tpu.wait_dma2 semaphore(%arg10 : memref<!tpu.dma_semaphore, #tpu.memory_space<semaphore_mem>>) src(%dma_wait3A_559 : memref<128xi32, #tpu.memory_space<hbm>>) dst(%dma_wait3A_556 : memref<128xi32, #tpu.memory_space<vmem>>)
    %run_scoped3A_560 = arith.constant 0 : i32
    %run_scoped3A_561 = arith.constant 0 : i32
    "tpu.region"() ({
      %run_scoped3A_823 = tpu.sem_alloc : memref<!tpu.dma_semaphore, #tpu.memory_space<semaphore_mem>>
      %dma_start3A_824 = arith.constant 0 : i32
      %dma_start3A_825 = arith.constant 0 : i32
      %dma_start3A_826 = tpu.memref_slice %arg6[%run_scoped3A_560, %dma_start3A_824, %dma_start3A_825] : memref<3x128x128xf32, #tpu.memory_space<vmem>> -> memref<1x128x128xf32, #tpu.memory_space<vmem>>
      %dma_start3A_827 = tpu.memref_squeeze %dma_start3A_826 : memref<1x128x128xf32, #tpu.memory_space<vmem>> -> memref<128x128xf32, #tpu.memory_space<vmem>>
      %dma_start3A_828 = arith.constant 0 : i32
      %dma_start3A_829 = tpu.memref_slice %arg5[%run_scoped3A_561, %dma_start3A_828] : memref<3x128xi32, #tpu.memory_space<vmem>> -> memref<1x128xi32, #tpu.memory_space<vmem>>
      %dma_start3A_830 = tpu.memref_squeeze %dma_start3A_829 : memref<1x128xi32, #tpu.memory_space<vmem>> -> memref<128xi32, #tpu.memory_space<vmem>>
      %dma_start3A_831 = arith.constant 0 : i32
      %dma_start3A_832 = arith.constant 0 : i32
      %dma_start3A_833 = tpu.memref_slice %arg13[%dma_start3A_831, %dma_start3A_832] : memref<3712x128xf32, #tpu.memory_space<vmem_shared>> -> memref<3712x128xf32, #tpu.memory_space<vmem_shared>>
      tpu.enqueue_indirect_dma source(%dma_start3A_827 : memref<128x128xf32, #tpu.memory_space<vmem>>) target(%dma_start3A_833 : memref<3712x128xf32, #tpu.memory_space<vmem_shared>>) offsets(%dma_start3A_830 : memref<128xi32, #tpu.memory_space<vmem>>) semaphore(%run_scoped3A_823 : memref<!tpu.dma_semaphore, #tpu.memory_space<semaphore_mem>>) {add = true}
      %dma_wait3A_834 = arith.constant 0 : i32
      %dma_wait3A_835 = arith.constant 0 : i32
      %dma_wait3A_836 = tpu.memref_slice %arg6[%run_scoped3A_560, %dma_wait3A_834, %dma_wait3A_835] : memref<3x128x128xf32, #tpu.memory_space<vmem>> -> memref<1x128x128xf32, #tpu.memory_space<vmem>>
      %dma_wait3A_837 = tpu.memref_squeeze %dma_wait3A_836 : memref<1x128x128xf32, #tpu.memory_space<vmem>> -> memref<128x128xf32, #tpu.memory_space<vmem>>
      %dma_wait3A_838 = arith.constant 0 : i32
      %dma_wait3A_839 = tpu.memref_slice %arg5[%run_scoped3A_561, %dma_wait3A_838] : memref<3x128xi32, #tpu.memory_space<vmem>> -> memref<1x128xi32, #tpu.memory_space<vmem>>
      %dma_wait3A_840 = tpu.memref_squeeze %dma_wait3A_839 : memref<1x128xi32, #tpu.memory_space<vmem>> -> memref<128xi32, #tpu.memory_space<vmem>>
      %dma_wait3A_841 = arith.constant 0 : i32
      %dma_wait3A_842 = arith.constant 0 : i32
      %dma_wait3A_843 = tpu.memref_slice %arg13[%dma_wait3A_841, %dma_wait3A_842] : memref<3712x128xf32, #tpu.memory_space<vmem_shared>> -> memref<3712x128xf32, #tpu.memory_space<vmem_shared>>
      tpu.wait_indirect_dma semaphore(%run_scoped3A_823 : memref<!tpu.dma_semaphore, #tpu.memory_space<semaphore_mem>>) src(%dma_wait3A_837 : memref<128x128xf32, #tpu.memory_space<vmem>>) dst(%dma_wait3A_843 : memref<3712x128xf32, #tpu.memory_space<vmem_shared>>)
      tpu.yield
    }) : () -> ()
    %add3A_562 = arith.constant 288 : i32
    %add3A_563 = arith.addi %add3A, %add3A_562 : i32
    %lt3A_564 = arith.constant 381 : i32
    %lt3A_565 = arith.cmpi slt, %add3A_563, %lt3A_564 : i32
    %mul3A_566 = arith.constant 128 : i32
    %mul3A_567 = arith.muli %add3A_563, %mul3A_566 : i32
    %add3A_568 = arith.constant 51200 : i32
    %add3A_569 = arith.addi %add3A_568, %mul3A_567 : i32
    %jit3A_570 = arith.constant 0 : i32
    %select_n3A_571 = arith.select %lt3A_565, %add3A_569, %jit3A_570 : i32
    %eq3A_572 = arith.constant 381 : i32
    %eq3A_573 = arith.cmpi eq, %add3A_563, %eq3A_572 : i32
    %jit3A_574 = arith.constant 99872 : i32
    %select_n3A_575 = arith.select %eq3A_573, %jit3A_574, %select_n3A_571 : i32
    %dma_start3A_576 = arith.constant 0 : i32
    %dma_start3A_577 = arith.constant 0 : i32
    %dma_start3A_578 = arith.constant 0 : i32
    %dma_start3A_579 = tpu.memref_slice %arg6[%dma_start3A_576, %dma_start3A_577, %dma_start3A_578] : memref<3x128x128xf32, #tpu.memory_space<vmem>> -> memref<1x128x128xf32, #tpu.memory_space<vmem>>
    %dma_start3A_580 = tpu.memref_squeeze %dma_start3A_579 : memref<1x128x128xf32, #tpu.memory_space<vmem>> -> memref<128x128xf32, #tpu.memory_space<vmem>>
    %dma_start3A_581 = arith.constant 0 : i32
    %dma_start3A_582 = tpu.memref_slice %arg2[%select_n3A_575, %dma_start3A_581] : memref<100000x128xf32, #tpu.memory_space<hbm>> -> memref<128x128xf32, #tpu.memory_space<hbm>>
    %dma_start3A_583 = arith.constant 0 : i32
    %dma_start3A_584 = arith.constant 0 : i32
    %dma_start3A_585 = tpu.memref_slice %arg6[%dma_start3A_576, %dma_start3A_583, %dma_start3A_584] : memref<3x128x128xf32, #tpu.memory_space<vmem>> -> memref<1x128x128xf32, #tpu.memory_space<vmem>>
    %dma_start3A_586 = tpu.memref_squeeze %dma_start3A_585 : memref<1x128x128xf32, #tpu.memory_space<vmem>> -> memref<128x128xf32, #tpu.memory_space<vmem>>
    %dma_start3A_587 = arith.constant 0 : i32
    %dma_start3A_588 = tpu.memref_slice %arg2[%select_n3A_575, %dma_start3A_587] : memref<100000x128xf32, #tpu.memory_space<hbm>> -> memref<128x128xf32, #tpu.memory_space<hbm>>
    tpu.enqueue_dma source(%dma_start3A_588 : memref<128x128xf32, #tpu.memory_space<hbm>>) target(%dma_start3A_586 : memref<128x128xf32, #tpu.memory_space<vmem>>) target_semaphore(%arg7 : memref<!tpu.dma_semaphore, #tpu.memory_space<semaphore_mem>>)
    %dma_start3A_589 = arith.constant 0 : i32
    %dma_start3A_590 = arith.constant 0 : i32
    %dma_start3A_591 = tpu.memref_slice %arg5[%dma_start3A_589, %dma_start3A_590] : memref<3x128xi32, #tpu.memory_space<vmem>> -> memref<1x128xi32, #tpu.memory_space<vmem>>
    %dma_start3A_592 = tpu.memref_squeeze %dma_start3A_591 : memref<1x128xi32, #tpu.memory_space<vmem>> -> memref<128xi32, #tpu.memory_space<vmem>>
    %dma_start3A_593 = arith.constant 0 : i32
    %dma_start3A_594 = tpu.memref_slice %arg3[%add3A_563, %dma_start3A_593] : memref<384x128xi32, #tpu.memory_space<hbm>> -> memref<1x128xi32, #tpu.memory_space<hbm>>
    %dma_start3A_595 = tpu.memref_squeeze %dma_start3A_594 : memref<1x128xi32, #tpu.memory_space<hbm>> -> memref<128xi32, #tpu.memory_space<hbm>>
    %dma_start3A_596 = arith.constant 0 : i32
    %dma_start3A_597 = tpu.memref_slice %arg5[%dma_start3A_589, %dma_start3A_596] : memref<3x128xi32, #tpu.memory_space<vmem>> -> memref<1x128xi32, #tpu.memory_space<vmem>>
    %dma_start3A_598 = tpu.memref_squeeze %dma_start3A_597 : memref<1x128xi32, #tpu.memory_space<vmem>> -> memref<128xi32, #tpu.memory_space<vmem>>
    %dma_start3A_599 = arith.constant 0 : i32
    %dma_start3A_600 = tpu.memref_slice %arg3[%add3A_563, %dma_start3A_599] : memref<384x128xi32, #tpu.memory_space<hbm>> -> memref<1x128xi32, #tpu.memory_space<hbm>>
    %dma_start3A_601 = tpu.memref_squeeze %dma_start3A_600 : memref<1x128xi32, #tpu.memory_space<hbm>> -> memref<128xi32, #tpu.memory_space<hbm>>
    tpu.enqueue_dma source(%dma_start3A_601 : memref<128xi32, #tpu.memory_space<hbm>>) target(%dma_start3A_598 : memref<128xi32, #tpu.memory_space<vmem>>) target_semaphore(%arg10 : memref<!tpu.dma_semaphore, #tpu.memory_space<semaphore_mem>>)
    %dma_wait3A_602 = arith.constant 1 : i32
    %dma_wait3A_603 = arith.constant 0 : i32
    %dma_wait3A_604 = arith.constant 0 : i32
    %dma_wait3A_605 = tpu.memref_slice %arg6[%dma_wait3A_602, %dma_wait3A_603, %dma_wait3A_604] : memref<3x128x128xf32, #tpu.memory_space<vmem>> -> memref<1x128x128xf32, #tpu.memory_space<vmem>>
    %dma_wait3A_606 = tpu.memref_squeeze %dma_wait3A_605 : memref<1x128x128xf32, #tpu.memory_space<vmem>> -> memref<128x128xf32, #tpu.memory_space<vmem>>
    %dma_wait3A_607 = arith.constant 0 : i32
    %dma_wait3A_608 = tpu.memref_slice %arg2[%select_n3A_439, %dma_wait3A_607] : memref<100000x128xf32, #tpu.memory_space<hbm>> -> memref<128x128xf32, #tpu.memory_space<hbm>>
    %dma_wait3A_609 = arith.constant 0 : i32
    %dma_wait3A_610 = arith.constant 0 : i32
    %dma_wait3A_611 = tpu.memref_slice %arg6[%dma_wait3A_602, %dma_wait3A_609, %dma_wait3A_610] : memref<3x128x128xf32, #tpu.memory_space<vmem>> -> memref<1x128x128xf32, #tpu.memory_space<vmem>>
    %dma_wait3A_612 = tpu.memref_squeeze %dma_wait3A_611 : memref<1x128x128xf32, #tpu.memory_space<vmem>> -> memref<128x128xf32, #tpu.memory_space<vmem>>
    %dma_wait3A_613 = arith.constant 0 : i32
    %dma_wait3A_614 = tpu.memref_slice %arg2[%select_n3A_439, %dma_wait3A_613] : memref<100000x128xf32, #tpu.memory_space<hbm>> -> memref<128x128xf32, #tpu.memory_space<hbm>>
    tpu.wait_dma2 semaphore(%arg8 : memref<!tpu.dma_semaphore, #tpu.memory_space<semaphore_mem>>) src(%dma_wait3A_614 : memref<128x128xf32, #tpu.memory_space<hbm>>) dst(%dma_wait3A_612 : memref<128x128xf32, #tpu.memory_space<vmem>>)
    %dma_wait3A_615 = arith.constant 1 : i32
    %dma_wait3A_616 = arith.constant 0 : i32
    %dma_wait3A_617 = tpu.memref_slice %arg5[%dma_wait3A_615, %dma_wait3A_616] : memref<3x128xi32, #tpu.memory_space<vmem>> -> memref<1x128xi32, #tpu.memory_space<vmem>>
    %dma_wait3A_618 = tpu.memref_squeeze %dma_wait3A_617 : memref<1x128xi32, #tpu.memory_space<vmem>> -> memref<128xi32, #tpu.memory_space<vmem>>
    %dma_wait3A_619 = arith.constant 0 : i32
    %dma_wait3A_620 = tpu.memref_slice %arg3[%add3A_427, %dma_wait3A_619] : memref<384x128xi32, #tpu.memory_space<hbm>> -> memref<1x128xi32, #tpu.memory_space<hbm>>
    %dma_wait3A_621 = tpu.memref_squeeze %dma_wait3A_620 : memref<1x128xi32, #tpu.memory_space<hbm>> -> memref<128xi32, #tpu.memory_space<hbm>>
    %dma_wait3A_622 = arith.constant 0 : i32
    %dma_wait3A_623 = tpu.memref_slice %arg5[%dma_wait3A_615, %dma_wait3A_622] : memref<3x128xi32, #tpu.memory_space<vmem>> -> memref<1x128xi32, #tpu.memory_space<vmem>>
    %dma_wait3A_624 = tpu.memref_squeeze %dma_wait3A_623 : memref<1x128xi32, #tpu.memory_space<vmem>> -> memref<128xi32, #tpu.memory_space<vmem>>
    %dma_wait3A_625 = arith.constant 0 : i32
    %dma_wait3A_626 = tpu.memref_slice %arg3[%add3A_427, %dma_wait3A_625] : memref<384x128xi32, #tpu.memory_space<hbm>> -> memref<1x128xi32, #tpu.memory_space<hbm>>
    %dma_wait3A_627 = tpu.memref_squeeze %dma_wait3A_626 : memref<1x128xi32, #tpu.memory_space<hbm>> -> memref<128xi32, #tpu.memory_space<hbm>>
    tpu.wait_dma2 semaphore(%arg11 : memref<!tpu.dma_semaphore, #tpu.memory_space<semaphore_mem>>) src(%dma_wait3A_627 : memref<128xi32, #tpu.memory_space<hbm>>) dst(%dma_wait3A_624 : memref<128xi32, #tpu.memory_space<vmem>>)
    %run_scoped3A_628 = arith.constant 1 : i32
    %run_scoped3A_629 = arith.constant 1 : i32
    "tpu.region"() ({
      %run_scoped3A_823 = tpu.sem_alloc : memref<!tpu.dma_semaphore, #tpu.memory_space<semaphore_mem>>
      %dma_start3A_824 = arith.constant 0 : i32
      %dma_start3A_825 = arith.constant 0 : i32
      %dma_start3A_826 = tpu.memref_slice %arg6[%run_scoped3A_628, %dma_start3A_824, %dma_start3A_825] : memref<3x128x128xf32, #tpu.memory_space<vmem>> -> memref<1x128x128xf32, #tpu.memory_space<vmem>>
      %dma_start3A_827 = tpu.memref_squeeze %dma_start3A_826 : memref<1x128x128xf32, #tpu.memory_space<vmem>> -> memref<128x128xf32, #tpu.memory_space<vmem>>
      %dma_start3A_828 = arith.constant 0 : i32
      %dma_start3A_829 = tpu.memref_slice %arg5[%run_scoped3A_629, %dma_start3A_828] : memref<3x128xi32, #tpu.memory_space<vmem>> -> memref<1x128xi32, #tpu.memory_space<vmem>>
      %dma_start3A_830 = tpu.memref_squeeze %dma_start3A_829 : memref<1x128xi32, #tpu.memory_space<vmem>> -> memref<128xi32, #tpu.memory_space<vmem>>
      %dma_start3A_831 = arith.constant 0 : i32
      %dma_start3A_832 = arith.constant 0 : i32
      %dma_start3A_833 = tpu.memref_slice %arg13[%dma_start3A_831, %dma_start3A_832] : memref<3712x128xf32, #tpu.memory_space<vmem_shared>> -> memref<3712x128xf32, #tpu.memory_space<vmem_shared>>
      tpu.enqueue_indirect_dma source(%dma_start3A_827 : memref<128x128xf32, #tpu.memory_space<vmem>>) target(%dma_start3A_833 : memref<3712x128xf32, #tpu.memory_space<vmem_shared>>) offsets(%dma_start3A_830 : memref<128xi32, #tpu.memory_space<vmem>>) semaphore(%run_scoped3A_823 : memref<!tpu.dma_semaphore, #tpu.memory_space<semaphore_mem>>) {add = true}
      %dma_wait3A_834 = arith.constant 0 : i32
      %dma_wait3A_835 = arith.constant 0 : i32
      %dma_wait3A_836 = tpu.memref_slice %arg6[%run_scoped3A_628, %dma_wait3A_834, %dma_wait3A_835] : memref<3x128x128xf32, #tpu.memory_space<vmem>> -> memref<1x128x128xf32, #tpu.memory_space<vmem>>
      %dma_wait3A_837 = tpu.memref_squeeze %dma_wait3A_836 : memref<1x128x128xf32, #tpu.memory_space<vmem>> -> memref<128x128xf32, #tpu.memory_space<vmem>>
      %dma_wait3A_838 = arith.constant 0 : i32
      %dma_wait3A_839 = tpu.memref_slice %arg5[%run_scoped3A_629, %dma_wait3A_838] : memref<3x128xi32, #tpu.memory_space<vmem>> -> memref<1x128xi32, #tpu.memory_space<vmem>>
      %dma_wait3A_840 = tpu.memref_squeeze %dma_wait3A_839 : memref<1x128xi32, #tpu.memory_space<vmem>> -> memref<128xi32, #tpu.memory_space<vmem>>
      %dma_wait3A_841 = arith.constant 0 : i32
      %dma_wait3A_842 = arith.constant 0 : i32
      %dma_wait3A_843 = tpu.memref_slice %arg13[%dma_wait3A_841, %dma_wait3A_842] : memref<3712x128xf32, #tpu.memory_space<vmem_shared>> -> memref<3712x128xf32, #tpu.memory_space<vmem_shared>>
      tpu.wait_indirect_dma semaphore(%run_scoped3A_823 : memref<!tpu.dma_semaphore, #tpu.memory_space<semaphore_mem>>) src(%dma_wait3A_837 : memref<128x128xf32, #tpu.memory_space<vmem>>) dst(%dma_wait3A_843 : memref<3712x128xf32, #tpu.memory_space<vmem_shared>>)
      tpu.yield
    }) : () -> ()
    %add3A_630 = arith.constant 320 : i32
    %add3A_631 = arith.addi %add3A, %add3A_630 : i32
    %lt3A_632 = arith.constant 381 : i32
    %lt3A_633 = arith.cmpi slt, %add3A_631, %lt3A_632 : i32
    %mul3A_634 = arith.constant 128 : i32
    %mul3A_635 = arith.muli %add3A_631, %mul3A_634 : i32
    %add3A_636 = arith.constant 51200 : i32
    %add3A_637 = arith.addi %add3A_636, %mul3A_635 : i32
    %jit3A_638 = arith.constant 0 : i32
    %select_n3A_639 = arith.select %lt3A_633, %add3A_637, %jit3A_638 : i32
    %eq3A_640 = arith.constant 381 : i32
    %eq3A_641 = arith.cmpi eq, %add3A_631, %eq3A_640 : i32
    %jit3A_642 = arith.constant 99872 : i32
    %select_n3A_643 = arith.select %eq3A_641, %jit3A_642, %select_n3A_639 : i32
    %dma_start3A_644 = arith.constant 1 : i32
    %dma_start3A_645 = arith.constant 0 : i32
    %dma_start3A_646 = arith.constant 0 : i32
    %dma_start3A_647 = tpu.memref_slice %arg6[%dma_start3A_644, %dma_start3A_645, %dma_start3A_646] : memref<3x128x128xf32, #tpu.memory_space<vmem>> -> memref<1x128x128xf32, #tpu.memory_space<vmem>>
    %dma_start3A_648 = tpu.memref_squeeze %dma_start3A_647 : memref<1x128x128xf32, #tpu.memory_space<vmem>> -> memref<128x128xf32, #tpu.memory_space<vmem>>
    %dma_start3A_649 = arith.constant 0 : i32
    %dma_start3A_650 = tpu.memref_slice %arg2[%select_n3A_643, %dma_start3A_649] : memref<100000x128xf32, #tpu.memory_space<hbm>> -> memref<128x128xf32, #tpu.memory_space<hbm>>
    %dma_start3A_651 = arith.constant 0 : i32
    %dma_start3A_652 = arith.constant 0 : i32
    %dma_start3A_653 = tpu.memref_slice %arg6[%dma_start3A_644, %dma_start3A_651, %dma_start3A_652] : memref<3x128x128xf32, #tpu.memory_space<vmem>> -> memref<1x128x128xf32, #tpu.memory_space<vmem>>
    %dma_start3A_654 = tpu.memref_squeeze %dma_start3A_653 : memref<1x128x128xf32, #tpu.memory_space<vmem>> -> memref<128x128xf32, #tpu.memory_space<vmem>>
    %dma_start3A_655 = arith.constant 0 : i32
    %dma_start3A_656 = tpu.memref_slice %arg2[%select_n3A_643, %dma_start3A_655] : memref<100000x128xf32, #tpu.memory_space<hbm>> -> memref<128x128xf32, #tpu.memory_space<hbm>>
    tpu.enqueue_dma source(%dma_start3A_656 : memref<128x128xf32, #tpu.memory_space<hbm>>) target(%dma_start3A_654 : memref<128x128xf32, #tpu.memory_space<vmem>>) target_semaphore(%arg8 : memref<!tpu.dma_semaphore, #tpu.memory_space<semaphore_mem>>)
    %dma_start3A_657 = arith.constant 1 : i32
    %dma_start3A_658 = arith.constant 0 : i32
    %dma_start3A_659 = tpu.memref_slice %arg5[%dma_start3A_657, %dma_start3A_658] : memref<3x128xi32, #tpu.memory_space<vmem>> -> memref<1x128xi32, #tpu.memory_space<vmem>>
    %dma_start3A_660 = tpu.memref_squeeze %dma_start3A_659 : memref<1x128xi32, #tpu.memory_space<vmem>> -> memref<128xi32, #tpu.memory_space<vmem>>
    %dma_start3A_661 = arith.constant 0 : i32
    %dma_start3A_662 = tpu.memref_slice %arg3[%add3A_631, %dma_start3A_661] : memref<384x128xi32, #tpu.memory_space<hbm>> -> memref<1x128xi32, #tpu.memory_space<hbm>>
    %dma_start3A_663 = tpu.memref_squeeze %dma_start3A_662 : memref<1x128xi32, #tpu.memory_space<hbm>> -> memref<128xi32, #tpu.memory_space<hbm>>
    %dma_start3A_664 = arith.constant 0 : i32
    %dma_start3A_665 = tpu.memref_slice %arg5[%dma_start3A_657, %dma_start3A_664] : memref<3x128xi32, #tpu.memory_space<vmem>> -> memref<1x128xi32, #tpu.memory_space<vmem>>
    %dma_start3A_666 = tpu.memref_squeeze %dma_start3A_665 : memref<1x128xi32, #tpu.memory_space<vmem>> -> memref<128xi32, #tpu.memory_space<vmem>>
    %dma_start3A_667 = arith.constant 0 : i32
    %dma_start3A_668 = tpu.memref_slice %arg3[%add3A_631, %dma_start3A_667] : memref<384x128xi32, #tpu.memory_space<hbm>> -> memref<1x128xi32, #tpu.memory_space<hbm>>
    %dma_start3A_669 = tpu.memref_squeeze %dma_start3A_668 : memref<1x128xi32, #tpu.memory_space<hbm>> -> memref<128xi32, #tpu.memory_space<hbm>>
    tpu.enqueue_dma source(%dma_start3A_669 : memref<128xi32, #tpu.memory_space<hbm>>) target(%dma_start3A_666 : memref<128xi32, #tpu.memory_space<vmem>>) target_semaphore(%arg11 : memref<!tpu.dma_semaphore, #tpu.memory_space<semaphore_mem>>)
    %dma_wait3A_670 = arith.constant 2 : i32
    %dma_wait3A_671 = arith.constant 0 : i32
    %dma_wait3A_672 = arith.constant 0 : i32
    %dma_wait3A_673 = tpu.memref_slice %arg6[%dma_wait3A_670, %dma_wait3A_671, %dma_wait3A_672] : memref<3x128x128xf32, #tpu.memory_space<vmem>> -> memref<1x128x128xf32, #tpu.memory_space<vmem>>
    %dma_wait3A_674 = tpu.memref_squeeze %dma_wait3A_673 : memref<1x128x128xf32, #tpu.memory_space<vmem>> -> memref<128x128xf32, #tpu.memory_space<vmem>>
    %dma_wait3A_675 = arith.constant 0 : i32
    %dma_wait3A_676 = tpu.memref_slice %arg2[%select_n3A_507, %dma_wait3A_675] : memref<100000x128xf32, #tpu.memory_space<hbm>> -> memref<128x128xf32, #tpu.memory_space<hbm>>
    %dma_wait3A_677 = arith.constant 0 : i32
    %dma_wait3A_678 = arith.constant 0 : i32
    %dma_wait3A_679 = tpu.memref_slice %arg6[%dma_wait3A_670, %dma_wait3A_677, %dma_wait3A_678] : memref<3x128x128xf32, #tpu.memory_space<vmem>> -> memref<1x128x128xf32, #tpu.memory_space<vmem>>
    %dma_wait3A_680 = tpu.memref_squeeze %dma_wait3A_679 : memref<1x128x128xf32, #tpu.memory_space<vmem>> -> memref<128x128xf32, #tpu.memory_space<vmem>>
    %dma_wait3A_681 = arith.constant 0 : i32
    %dma_wait3A_682 = tpu.memref_slice %arg2[%select_n3A_507, %dma_wait3A_681] : memref<100000x128xf32, #tpu.memory_space<hbm>> -> memref<128x128xf32, #tpu.memory_space<hbm>>
    tpu.wait_dma2 semaphore(%arg9 : memref<!tpu.dma_semaphore, #tpu.memory_space<semaphore_mem>>) src(%dma_wait3A_682 : memref<128x128xf32, #tpu.memory_space<hbm>>) dst(%dma_wait3A_680 : memref<128x128xf32, #tpu.memory_space<vmem>>)
    %dma_wait3A_683 = arith.constant 2 : i32
    %dma_wait3A_684 = arith.constant 0 : i32
    %dma_wait3A_685 = tpu.memref_slice %arg5[%dma_wait3A_683, %dma_wait3A_684] : memref<3x128xi32, #tpu.memory_space<vmem>> -> memref<1x128xi32, #tpu.memory_space<vmem>>
    %dma_wait3A_686 = tpu.memref_squeeze %dma_wait3A_685 : memref<1x128xi32, #tpu.memory_space<vmem>> -> memref<128xi32, #tpu.memory_space<vmem>>
    %dma_wait3A_687 = arith.constant 0 : i32
    %dma_wait3A_688 = tpu.memref_slice %arg3[%add3A_495, %dma_wait3A_687] : memref<384x128xi32, #tpu.memory_space<hbm>> -> memref<1x128xi32, #tpu.memory_space<hbm>>
    %dma_wait3A_689 = tpu.memref_squeeze %dma_wait3A_688 : memref<1x128xi32, #tpu.memory_space<hbm>> -> memref<128xi32, #tpu.memory_space<hbm>>
    %dma_wait3A_690 = arith.constant 0 : i32
    %dma_wait3A_691 = tpu.memref_slice %arg5[%dma_wait3A_683, %dma_wait3A_690] : memref<3x128xi32, #tpu.memory_space<vmem>> -> memref<1x128xi32, #tpu.memory_space<vmem>>
    %dma_wait3A_692 = tpu.memref_squeeze %dma_wait3A_691 : memref<1x128xi32, #tpu.memory_space<vmem>> -> memref<128xi32, #tpu.memory_space<vmem>>
    %dma_wait3A_693 = arith.constant 0 : i32
    %dma_wait3A_694 = tpu.memref_slice %arg3[%add3A_495, %dma_wait3A_693] : memref<384x128xi32, #tpu.memory_space<hbm>> -> memref<1x128xi32, #tpu.memory_space<hbm>>
    %dma_wait3A_695 = tpu.memref_squeeze %dma_wait3A_694 : memref<1x128xi32, #tpu.memory_space<hbm>> -> memref<128xi32, #tpu.memory_space<hbm>>
    tpu.wait_dma2 semaphore(%arg12 : memref<!tpu.dma_semaphore, #tpu.memory_space<semaphore_mem>>) src(%dma_wait3A_695 : memref<128xi32, #tpu.memory_space<hbm>>) dst(%dma_wait3A_692 : memref<128xi32, #tpu.memory_space<vmem>>)
    %run_scoped3A_696 = arith.constant 2 : i32
    %run_scoped3A_697 = arith.constant 2 : i32
    "tpu.region"() ({
      %run_scoped3A_823 = tpu.sem_alloc : memref<!tpu.dma_semaphore, #tpu.memory_space<semaphore_mem>>
      %dma_start3A_824 = arith.constant 0 : i32
      %dma_start3A_825 = arith.constant 0 : i32
      %dma_start3A_826 = tpu.memref_slice %arg6[%run_scoped3A_696, %dma_start3A_824, %dma_start3A_825] : memref<3x128x128xf32, #tpu.memory_space<vmem>> -> memref<1x128x128xf32, #tpu.memory_space<vmem>>
      %dma_start3A_827 = tpu.memref_squeeze %dma_start3A_826 : memref<1x128x128xf32, #tpu.memory_space<vmem>> -> memref<128x128xf32, #tpu.memory_space<vmem>>
      %dma_start3A_828 = arith.constant 0 : i32
      %dma_start3A_829 = tpu.memref_slice %arg5[%run_scoped3A_697, %dma_start3A_828] : memref<3x128xi32, #tpu.memory_space<vmem>> -> memref<1x128xi32, #tpu.memory_space<vmem>>
      %dma_start3A_830 = tpu.memref_squeeze %dma_start3A_829 : memref<1x128xi32, #tpu.memory_space<vmem>> -> memref<128xi32, #tpu.memory_space<vmem>>
      %dma_start3A_831 = arith.constant 0 : i32
      %dma_start3A_832 = arith.constant 0 : i32
      %dma_start3A_833 = tpu.memref_slice %arg13[%dma_start3A_831, %dma_start3A_832] : memref<3712x128xf32, #tpu.memory_space<vmem_shared>> -> memref<3712x128xf32, #tpu.memory_space<vmem_shared>>
      tpu.enqueue_indirect_dma source(%dma_start3A_827 : memref<128x128xf32, #tpu.memory_space<vmem>>) target(%dma_start3A_833 : memref<3712x128xf32, #tpu.memory_space<vmem_shared>>) offsets(%dma_start3A_830 : memref<128xi32, #tpu.memory_space<vmem>>) semaphore(%run_scoped3A_823 : memref<!tpu.dma_semaphore, #tpu.memory_space<semaphore_mem>>) {add = true}
      %dma_wait3A_834 = arith.constant 0 : i32
      %dma_wait3A_835 = arith.constant 0 : i32
      %dma_wait3A_836 = tpu.memref_slice %arg6[%run_scoped3A_696, %dma_wait3A_834, %dma_wait3A_835] : memref<3x128x128xf32, #tpu.memory_space<vmem>> -> memref<1x128x128xf32, #tpu.memory_space<vmem>>
      %dma_wait3A_837 = tpu.memref_squeeze %dma_wait3A_836 : memref<1x128x128xf32, #tpu.memory_space<vmem>> -> memref<128x128xf32, #tpu.memory_space<vmem>>
      %dma_wait3A_838 = arith.constant 0 : i32
      %dma_wait3A_839 = tpu.memref_slice %arg5[%run_scoped3A_697, %dma_wait3A_838] : memref<3x128xi32, #tpu.memory_space<vmem>> -> memref<1x128xi32, #tpu.memory_space<vmem>>
      %dma_wait3A_840 = tpu.memref_squeeze %dma_wait3A_839 : memref<1x128xi32, #tpu.memory_space<vmem>> -> memref<128xi32, #tpu.memory_space<vmem>>
      %dma_wait3A_841 = arith.constant 0 : i32
      %dma_wait3A_842 = arith.constant 0 : i32
      %dma_wait3A_843 = tpu.memref_slice %arg13[%dma_wait3A_841, %dma_wait3A_842] : memref<3712x128xf32, #tpu.memory_space<vmem_shared>> -> memref<3712x128xf32, #tpu.memory_space<vmem_shared>>
      tpu.wait_indirect_dma semaphore(%run_scoped3A_823 : memref<!tpu.dma_semaphore, #tpu.memory_space<semaphore_mem>>) src(%dma_wait3A_837 : memref<128x128xf32, #tpu.memory_space<vmem>>) dst(%dma_wait3A_843 : memref<3712x128xf32, #tpu.memory_space<vmem_shared>>)
      tpu.yield
    }) : () -> ()
    %add3A_698 = arith.constant 352 : i32
    %add3A_699 = arith.addi %add3A, %add3A_698 : i32
    %lt3A_700 = arith.constant 381 : i32
    %lt3A_701 = arith.cmpi slt, %add3A_699, %lt3A_700 : i32
    %mul3A_702 = arith.constant 128 : i32
    %mul3A_703 = arith.muli %add3A_699, %mul3A_702 : i32
    %add3A_704 = arith.constant 51200 : i32
    %add3A_705 = arith.addi %add3A_704, %mul3A_703 : i32
    %jit3A_706 = arith.constant 0 : i32
    %select_n3A_707 = arith.select %lt3A_701, %add3A_705, %jit3A_706 : i32
    %eq3A_708 = arith.constant 381 : i32
    %eq3A_709 = arith.cmpi eq, %add3A_699, %eq3A_708 : i32
    %jit3A_710 = arith.constant 99872 : i32
    %select_n3A_711 = arith.select %eq3A_709, %jit3A_710, %select_n3A_707 : i32
    %dma_start3A_712 = arith.constant 2 : i32
    %dma_start3A_713 = arith.constant 0 : i32
    %dma_start3A_714 = arith.constant 0 : i32
    %dma_start3A_715 = tpu.memref_slice %arg6[%dma_start3A_712, %dma_start3A_713, %dma_start3A_714] : memref<3x128x128xf32, #tpu.memory_space<vmem>> -> memref<1x128x128xf32, #tpu.memory_space<vmem>>
    %dma_start3A_716 = tpu.memref_squeeze %dma_start3A_715 : memref<1x128x128xf32, #tpu.memory_space<vmem>> -> memref<128x128xf32, #tpu.memory_space<vmem>>
    %dma_start3A_717 = arith.constant 0 : i32
    %dma_start3A_718 = tpu.memref_slice %arg2[%select_n3A_711, %dma_start3A_717] : memref<100000x128xf32, #tpu.memory_space<hbm>> -> memref<128x128xf32, #tpu.memory_space<hbm>>
    %dma_start3A_719 = arith.constant 0 : i32
    %dma_start3A_720 = arith.constant 0 : i32
    %dma_start3A_721 = tpu.memref_slice %arg6[%dma_start3A_712, %dma_start3A_719, %dma_start3A_720] : memref<3x128x128xf32, #tpu.memory_space<vmem>> -> memref<1x128x128xf32, #tpu.memory_space<vmem>>
    %dma_start3A_722 = tpu.memref_squeeze %dma_start3A_721 : memref<1x128x128xf32, #tpu.memory_space<vmem>> -> memref<128x128xf32, #tpu.memory_space<vmem>>
    %dma_start3A_723 = arith.constant 0 : i32
    %dma_start3A_724 = tpu.memref_slice %arg2[%select_n3A_711, %dma_start3A_723] : memref<100000x128xf32, #tpu.memory_space<hbm>> -> memref<128x128xf32, #tpu.memory_space<hbm>>
    tpu.enqueue_dma source(%dma_start3A_724 : memref<128x128xf32, #tpu.memory_space<hbm>>) target(%dma_start3A_722 : memref<128x128xf32, #tpu.memory_space<vmem>>) target_semaphore(%arg9 : memref<!tpu.dma_semaphore, #tpu.memory_space<semaphore_mem>>)
    %dma_start3A_725 = arith.constant 2 : i32
    %dma_start3A_726 = arith.constant 0 : i32
    %dma_start3A_727 = tpu.memref_slice %arg5[%dma_start3A_725, %dma_start3A_726] : memref<3x128xi32, #tpu.memory_space<vmem>> -> memref<1x128xi32, #tpu.memory_space<vmem>>
    %dma_start3A_728 = tpu.memref_squeeze %dma_start3A_727 : memref<1x128xi32, #tpu.memory_space<vmem>> -> memref<128xi32, #tpu.memory_space<vmem>>
    %dma_start3A_729 = arith.constant 0 : i32
    %dma_start3A_730 = tpu.memref_slice %arg3[%add3A_699, %dma_start3A_729] : memref<384x128xi32, #tpu.memory_space<hbm>> -> memref<1x128xi32, #tpu.memory_space<hbm>>
    %dma_start3A_731 = tpu.memref_squeeze %dma_start3A_730 : memref<1x128xi32, #tpu.memory_space<hbm>> -> memref<128xi32, #tpu.memory_space<hbm>>
    %dma_start3A_732 = arith.constant 0 : i32
    %dma_start3A_733 = tpu.memref_slice %arg5[%dma_start3A_725, %dma_start3A_732] : memref<3x128xi32, #tpu.memory_space<vmem>> -> memref<1x128xi32, #tpu.memory_space<vmem>>
    %dma_start3A_734 = tpu.memref_squeeze %dma_start3A_733 : memref<1x128xi32, #tpu.memory_space<vmem>> -> memref<128xi32, #tpu.memory_space<vmem>>
    %dma_start3A_735 = arith.constant 0 : i32
    %dma_start3A_736 = tpu.memref_slice %arg3[%add3A_699, %dma_start3A_735] : memref<384x128xi32, #tpu.memory_space<hbm>> -> memref<1x128xi32, #tpu.memory_space<hbm>>
    %dma_start3A_737 = tpu.memref_squeeze %dma_start3A_736 : memref<1x128xi32, #tpu.memory_space<hbm>> -> memref<128xi32, #tpu.memory_space<hbm>>
    tpu.enqueue_dma source(%dma_start3A_737 : memref<128xi32, #tpu.memory_space<hbm>>) target(%dma_start3A_734 : memref<128xi32, #tpu.memory_space<vmem>>) target_semaphore(%arg12 : memref<!tpu.dma_semaphore, #tpu.memory_space<semaphore_mem>>)
    %dma_wait3A_738 = arith.constant 0 : i32
    %dma_wait3A_739 = arith.constant 0 : i32
    %dma_wait3A_740 = arith.constant 0 : i32
    %dma_wait3A_741 = tpu.memref_slice %arg6[%dma_wait3A_738, %dma_wait3A_739, %dma_wait3A_740] : memref<3x128x128xf32, #tpu.memory_space<vmem>> -> memref<1x128x128xf32, #tpu.memory_space<vmem>>
    %dma_wait3A_742 = tpu.memref_squeeze %dma_wait3A_741 : memref<1x128x128xf32, #tpu.memory_space<vmem>> -> memref<128x128xf32, #tpu.memory_space<vmem>>
    %dma_wait3A_743 = arith.constant 0 : i32
    %dma_wait3A_744 = tpu.memref_slice %arg2[%select_n3A_575, %dma_wait3A_743] : memref<100000x128xf32, #tpu.memory_space<hbm>> -> memref<128x128xf32, #tpu.memory_space<hbm>>
    %dma_wait3A_745 = arith.constant 0 : i32
    %dma_wait3A_746 = arith.constant 0 : i32
    %dma_wait3A_747 = tpu.memref_slice %arg6[%dma_wait3A_738, %dma_wait3A_745, %dma_wait3A_746] : memref<3x128x128xf32, #tpu.memory_space<vmem>> -> memref<1x128x128xf32, #tpu.memory_space<vmem>>
    %dma_wait3A_748 = tpu.memref_squeeze %dma_wait3A_747 : memref<1x128x128xf32, #tpu.memory_space<vmem>> -> memref<128x128xf32, #tpu.memory_space<vmem>>
    %dma_wait3A_749 = arith.constant 0 : i32
    %dma_wait3A_750 = tpu.memref_slice %arg2[%select_n3A_575, %dma_wait3A_749] : memref<100000x128xf32, #tpu.memory_space<hbm>> -> memref<128x128xf32, #tpu.memory_space<hbm>>
    tpu.wait_dma2 semaphore(%arg7 : memref<!tpu.dma_semaphore, #tpu.memory_space<semaphore_mem>>) src(%dma_wait3A_750 : memref<128x128xf32, #tpu.memory_space<hbm>>) dst(%dma_wait3A_748 : memref<128x128xf32, #tpu.memory_space<vmem>>)
    %dma_wait3A_751 = arith.constant 0 : i32
    %dma_wait3A_752 = arith.constant 0 : i32
    %dma_wait3A_753 = tpu.memref_slice %arg5[%dma_wait3A_751, %dma_wait3A_752] : memref<3x128xi32, #tpu.memory_space<vmem>> -> memref<1x128xi32, #tpu.memory_space<vmem>>
    %dma_wait3A_754 = tpu.memref_squeeze %dma_wait3A_753 : memref<1x128xi32, #tpu.memory_space<vmem>> -> memref<128xi32, #tpu.memory_space<vmem>>
    %dma_wait3A_755 = arith.constant 0 : i32
    %dma_wait3A_756 = tpu.memref_slice %arg3[%add3A_563, %dma_wait3A_755] : memref<384x128xi32, #tpu.memory_space<hbm>> -> memref<1x128xi32, #tpu.memory_space<hbm>>
    %dma_wait3A_757 = tpu.memref_squeeze %dma_wait3A_756 : memref<1x128xi32, #tpu.memory_space<hbm>> -> memref<128xi32, #tpu.memory_space<hbm>>
    %dma_wait3A_758 = arith.constant 0 : i32
    %dma_wait3A_759 = tpu.memref_slice %arg5[%dma_wait3A_751, %dma_wait3A_758] : memref<3x128xi32, #tpu.memory_space<vmem>> -> memref<1x128xi32, #tpu.memory_space<vmem>>
    %dma_wait3A_760 = tpu.memref_squeeze %dma_wait3A_759 : memref<1x128xi32, #tpu.memory_space<vmem>> -> memref<128xi32, #tpu.memory_space<vmem>>
    %dma_wait3A_761 = arith.constant 0 : i32
    %dma_wait3A_762 = tpu.memref_slice %arg3[%add3A_563, %dma_wait3A_761] : memref<384x128xi32, #tpu.memory_space<hbm>> -> memref<1x128xi32, #tpu.memory_space<hbm>>
    %dma_wait3A_763 = tpu.memref_squeeze %dma_wait3A_762 : memref<1x128xi32, #tpu.memory_space<hbm>> -> memref<128xi32, #tpu.memory_space<hbm>>
    tpu.wait_dma2 semaphore(%arg10 : memref<!tpu.dma_semaphore, #tpu.memory_space<semaphore_mem>>) src(%dma_wait3A_763 : memref<128xi32, #tpu.memory_space<hbm>>) dst(%dma_wait3A_760 : memref<128xi32, #tpu.memory_space<vmem>>)
    %run_scoped3A_764 = arith.constant 0 : i32
    %run_scoped3A_765 = arith.constant 0 : i32
    "tpu.region"() ({
      %run_scoped3A_823 = tpu.sem_alloc : memref<!tpu.dma_semaphore, #tpu.memory_space<semaphore_mem>>
      %dma_start3A_824 = arith.constant 0 : i32
      %dma_start3A_825 = arith.constant 0 : i32
      %dma_start3A_826 = tpu.memref_slice %arg6[%run_scoped3A_764, %dma_start3A_824, %dma_start3A_825] : memref<3x128x128xf32, #tpu.memory_space<vmem>> -> memref<1x128x128xf32, #tpu.memory_space<vmem>>
      %dma_start3A_827 = tpu.memref_squeeze %dma_start3A_826 : memref<1x128x128xf32, #tpu.memory_space<vmem>> -> memref<128x128xf32, #tpu.memory_space<vmem>>
      %dma_start3A_828 = arith.constant 0 : i32
      %dma_start3A_829 = tpu.memref_slice %arg5[%run_scoped3A_765, %dma_start3A_828] : memref<3x128xi32, #tpu.memory_space<vmem>> -> memref<1x128xi32, #tpu.memory_space<vmem>>
      %dma_start3A_830 = tpu.memref_squeeze %dma_start3A_829 : memref<1x128xi32, #tpu.memory_space<vmem>> -> memref<128xi32, #tpu.memory_space<vmem>>
      %dma_start3A_831 = arith.constant 0 : i32
      %dma_start3A_832 = arith.constant 0 : i32
      %dma_start3A_833 = tpu.memref_slice %arg13[%dma_start3A_831, %dma_start3A_832] : memref<3712x128xf32, #tpu.memory_space<vmem_shared>> -> memref<3712x128xf32, #tpu.memory_space<vmem_shared>>
      tpu.enqueue_indirect_dma source(%dma_start3A_827 : memref<128x128xf32, #tpu.memory_space<vmem>>) target(%dma_start3A_833 : memref<3712x128xf32, #tpu.memory_space<vmem_shared>>) offsets(%dma_start3A_830 : memref<128xi32, #tpu.memory_space<vmem>>) semaphore(%run_scoped3A_823 : memref<!tpu.dma_semaphore, #tpu.memory_space<semaphore_mem>>) {add = true}
      %dma_wait3A_834 = arith.constant 0 : i32
      %dma_wait3A_835 = arith.constant 0 : i32
      %dma_wait3A_836 = tpu.memref_slice %arg6[%run_scoped3A_764, %dma_wait3A_834, %dma_wait3A_835] : memref<3x128x128xf32, #tpu.memory_space<vmem>> -> memref<1x128x128xf32, #tpu.memory_space<vmem>>
      %dma_wait3A_837 = tpu.memref_squeeze %dma_wait3A_836 : memref<1x128x128xf32, #tpu.memory_space<vmem>> -> memref<128x128xf32, #tpu.memory_space<vmem>>
      %dma_wait3A_838 = arith.constant 0 : i32
      %dma_wait3A_839 = tpu.memref_slice %arg5[%run_scoped3A_765, %dma_wait3A_838] : memref<3x128xi32, #tpu.memory_space<vmem>> -> memref<1x128xi32, #tpu.memory_space<vmem>>
      %dma_wait3A_840 = tpu.memref_squeeze %dma_wait3A_839 : memref<1x128xi32, #tpu.memory_space<vmem>> -> memref<128xi32, #tpu.memory_space<vmem>>
      %dma_wait3A_841 = arith.constant 0 : i32
      %dma_wait3A_842 = arith.constant 0 : i32
      %dma_wait3A_843 = tpu.memref_slice %arg13[%dma_wait3A_841, %dma_wait3A_842] : memref<3712x128xf32, #tpu.memory_space<vmem_shared>> -> memref<3712x128xf32, #tpu.memory_space<vmem_shared>>
      tpu.wait_indirect_dma semaphore(%run_scoped3A_823 : memref<!tpu.dma_semaphore, #tpu.memory_space<semaphore_mem>>) src(%dma_wait3A_837 : memref<128x128xf32, #tpu.memory_space<vmem>>) dst(%dma_wait3A_843 : memref<3712x128xf32, #tpu.memory_space<vmem_shared>>)
      tpu.yield
    }) : () -> ()
    %dma_wait3A_766 = arith.constant 1 : i32
    %dma_wait3A_767 = arith.constant 0 : i32
    %dma_wait3A_768 = arith.constant 0 : i32
    %dma_wait3A_769 = tpu.memref_slice %arg6[%dma_wait3A_766, %dma_wait3A_767, %dma_wait3A_768] : memref<3x128x128xf32, #tpu.memory_space<vmem>> -> memref<1x128x128xf32, #tpu.memory_space<vmem>>
    %dma_wait3A_770 = tpu.memref_squeeze %dma_wait3A_769 : memref<1x128x128xf32, #tpu.memory_space<vmem>> -> memref<128x128xf32, #tpu.memory_space<vmem>>
    %dma_wait3A_771 = arith.constant 0 : i32
    %dma_wait3A_772 = tpu.memref_slice %arg2[%select_n3A_643, %dma_wait3A_771] : memref<100000x128xf32, #tpu.memory_space<hbm>> -> memref<128x128xf32, #tpu.memory_space<hbm>>
    %dma_wait3A_773 = arith.constant 0 : i32
    %dma_wait3A_774 = arith.constant 0 : i32
    %dma_wait3A_775 = tpu.memref_slice %arg6[%dma_wait3A_766, %dma_wait3A_773, %dma_wait3A_774] : memref<3x128x128xf32, #tpu.memory_space<vmem>> -> memref<1x128x128xf32, #tpu.memory_space<vmem>>
    %dma_wait3A_776 = tpu.memref_squeeze %dma_wait3A_775 : memref<1x128x128xf32, #tpu.memory_space<vmem>> -> memref<128x128xf32, #tpu.memory_space<vmem>>
    %dma_wait3A_777 = arith.constant 0 : i32
    %dma_wait3A_778 = tpu.memref_slice %arg2[%select_n3A_643, %dma_wait3A_777] : memref<100000x128xf32, #tpu.memory_space<hbm>> -> memref<128x128xf32, #tpu.memory_space<hbm>>
    tpu.wait_dma2 semaphore(%arg8 : memref<!tpu.dma_semaphore, #tpu.memory_space<semaphore_mem>>) src(%dma_wait3A_778 : memref<128x128xf32, #tpu.memory_space<hbm>>) dst(%dma_wait3A_776 : memref<128x128xf32, #tpu.memory_space<vmem>>)
    %dma_wait3A_779 = arith.constant 1 : i32
    %dma_wait3A_780 = arith.constant 0 : i32
    %dma_wait3A_781 = tpu.memref_slice %arg5[%dma_wait3A_779, %dma_wait3A_780] : memref<3x128xi32, #tpu.memory_space<vmem>> -> memref<1x128xi32, #tpu.memory_space<vmem>>
    %dma_wait3A_782 = tpu.memref_squeeze %dma_wait3A_781 : memref<1x128xi32, #tpu.memory_space<vmem>> -> memref<128xi32, #tpu.memory_space<vmem>>
    %dma_wait3A_783 = arith.constant 0 : i32
    %dma_wait3A_784 = tpu.memref_slice %arg3[%add3A_631, %dma_wait3A_783] : memref<384x128xi32, #tpu.memory_space<hbm>> -> memref<1x128xi32, #tpu.memory_space<hbm>>
    %dma_wait3A_785 = tpu.memref_squeeze %dma_wait3A_784 : memref<1x128xi32, #tpu.memory_space<hbm>> -> memref<128xi32, #tpu.memory_space<hbm>>
    %dma_wait3A_786 = arith.constant 0 : i32
    %dma_wait3A_787 = tpu.memref_slice %arg5[%dma_wait3A_779, %dma_wait3A_786] : memref<3x128xi32, #tpu.memory_space<vmem>> -> memref<1x128xi32, #tpu.memory_space<vmem>>
    %dma_wait3A_788 = tpu.memref_squeeze %dma_wait3A_787 : memref<1x128xi32, #tpu.memory_space<vmem>> -> memref<128xi32, #tpu.memory_space<vmem>>
    %dma_wait3A_789 = arith.constant 0 : i32
    %dma_wait3A_790 = tpu.memref_slice %arg3[%add3A_631, %dma_wait3A_789] : memref<384x128xi32, #tpu.memory_space<hbm>> -> memref<1x128xi32, #tpu.memory_space<hbm>>
    %dma_wait3A_791 = tpu.memref_squeeze %dma_wait3A_790 : memref<1x128xi32, #tpu.memory_space<hbm>> -> memref<128xi32, #tpu.memory_space<hbm>>
    tpu.wait_dma2 semaphore(%arg11 : memref<!tpu.dma_semaphore, #tpu.memory_space<semaphore_mem>>) src(%dma_wait3A_791 : memref<128xi32, #tpu.memory_space<hbm>>) dst(%dma_wait3A_788 : memref<128xi32, #tpu.memory_space<vmem>>)
    %run_scoped3A_792 = arith.constant 1 : i32
    %run_scoped3A_793 = arith.constant 1 : i32
    "tpu.region"() ({
      %run_scoped3A_823 = tpu.sem_alloc : memref<!tpu.dma_semaphore, #tpu.memory_space<semaphore_mem>>
      %dma_start3A_824 = arith.constant 0 : i32
      %dma_start3A_825 = arith.constant 0 : i32
      %dma_start3A_826 = tpu.memref_slice %arg6[%run_scoped3A_792, %dma_start3A_824, %dma_start3A_825] : memref<3x128x128xf32, #tpu.memory_space<vmem>> -> memref<1x128x128xf32, #tpu.memory_space<vmem>>
      %dma_start3A_827 = tpu.memref_squeeze %dma_start3A_826 : memref<1x128x128xf32, #tpu.memory_space<vmem>> -> memref<128x128xf32, #tpu.memory_space<vmem>>
      %dma_start3A_828 = arith.constant 0 : i32
      %dma_start3A_829 = tpu.memref_slice %arg5[%run_scoped3A_793, %dma_start3A_828] : memref<3x128xi32, #tpu.memory_space<vmem>> -> memref<1x128xi32, #tpu.memory_space<vmem>>
      %dma_start3A_830 = tpu.memref_squeeze %dma_start3A_829 : memref<1x128xi32, #tpu.memory_space<vmem>> -> memref<128xi32, #tpu.memory_space<vmem>>
      %dma_start3A_831 = arith.constant 0 : i32
      %dma_start3A_832 = arith.constant 0 : i32
      %dma_start3A_833 = tpu.memref_slice %arg13[%dma_start3A_831, %dma_start3A_832] : memref<3712x128xf32, #tpu.memory_space<vmem_shared>> -> memref<3712x128xf32, #tpu.memory_space<vmem_shared>>
      tpu.enqueue_indirect_dma source(%dma_start3A_827 : memref<128x128xf32, #tpu.memory_space<vmem>>) target(%dma_start3A_833 : memref<3712x128xf32, #tpu.memory_space<vmem_shared>>) offsets(%dma_start3A_830 : memref<128xi32, #tpu.memory_space<vmem>>) semaphore(%run_scoped3A_823 : memref<!tpu.dma_semaphore, #tpu.memory_space<semaphore_mem>>) {add = true}
      %dma_wait3A_834 = arith.constant 0 : i32
      %dma_wait3A_835 = arith.constant 0 : i32
      %dma_wait3A_836 = tpu.memref_slice %arg6[%run_scoped3A_792, %dma_wait3A_834, %dma_wait3A_835] : memref<3x128x128xf32, #tpu.memory_space<vmem>> -> memref<1x128x128xf32, #tpu.memory_space<vmem>>
      %dma_wait3A_837 = tpu.memref_squeeze %dma_wait3A_836 : memref<1x128x128xf32, #tpu.memory_space<vmem>> -> memref<128x128xf32, #tpu.memory_space<vmem>>
      %dma_wait3A_838 = arith.constant 0 : i32
      %dma_wait3A_839 = tpu.memref_slice %arg5[%run_scoped3A_793, %dma_wait3A_838] : memref<3x128xi32, #tpu.memory_space<vmem>> -> memref<1x128xi32, #tpu.memory_space<vmem>>
      %dma_wait3A_840 = tpu.memref_squeeze %dma_wait3A_839 : memref<1x128xi32, #tpu.memory_space<vmem>> -> memref<128xi32, #tpu.memory_space<vmem>>
      %dma_wait3A_841 = arith.constant 0 : i32
      %dma_wait3A_842 = arith.constant 0 : i32
      %dma_wait3A_843 = tpu.memref_slice %arg13[%dma_wait3A_841, %dma_wait3A_842] : memref<3712x128xf32, #tpu.memory_space<vmem_shared>> -> memref<3712x128xf32, #tpu.memory_space<vmem_shared>>
      tpu.wait_indirect_dma semaphore(%run_scoped3A_823 : memref<!tpu.dma_semaphore, #tpu.memory_space<semaphore_mem>>) src(%dma_wait3A_837 : memref<128x128xf32, #tpu.memory_space<vmem>>) dst(%dma_wait3A_843 : memref<3712x128xf32, #tpu.memory_space<vmem_shared>>)
      tpu.yield
    }) : () -> ()
    %dma_wait3A_794 = arith.constant 2 : i32
    %dma_wait3A_795 = arith.constant 0 : i32
    %dma_wait3A_796 = arith.constant 0 : i32
    %dma_wait3A_797 = tpu.memref_slice %arg6[%dma_wait3A_794, %dma_wait3A_795, %dma_wait3A_796] : memref<3x128x128xf32, #tpu.memory_space<vmem>> -> memref<1x128x128xf32, #tpu.memory_space<vmem>>
    %dma_wait3A_798 = tpu.memref_squeeze %dma_wait3A_797 : memref<1x128x128xf32, #tpu.memory_space<vmem>> -> memref<128x128xf32, #tpu.memory_space<vmem>>
    %dma_wait3A_799 = arith.constant 0 : i32
    %dma_wait3A_800 = tpu.memref_slice %arg2[%select_n3A_711, %dma_wait3A_799] : memref<100000x128xf32, #tpu.memory_space<hbm>> -> memref<128x128xf32, #tpu.memory_space<hbm>>
    %dma_wait3A_801 = arith.constant 0 : i32
    %dma_wait3A_802 = arith.constant 0 : i32
    %dma_wait3A_803 = tpu.memref_slice %arg6[%dma_wait3A_794, %dma_wait3A_801, %dma_wait3A_802] : memref<3x128x128xf32, #tpu.memory_space<vmem>> -> memref<1x128x128xf32, #tpu.memory_space<vmem>>
    %dma_wait3A_804 = tpu.memref_squeeze %dma_wait3A_803 : memref<1x128x128xf32, #tpu.memory_space<vmem>> -> memref<128x128xf32, #tpu.memory_space<vmem>>
    %dma_wait3A_805 = arith.constant 0 : i32
    %dma_wait3A_806 = tpu.memref_slice %arg2[%select_n3A_711, %dma_wait3A_805] : memref<100000x128xf32, #tpu.memory_space<hbm>> -> memref<128x128xf32, #tpu.memory_space<hbm>>
    tpu.wait_dma2 semaphore(%arg9 : memref<!tpu.dma_semaphore, #tpu.memory_space<semaphore_mem>>) src(%dma_wait3A_806 : memref<128x128xf32, #tpu.memory_space<hbm>>) dst(%dma_wait3A_804 : memref<128x128xf32, #tpu.memory_space<vmem>>)
    %dma_wait3A_807 = arith.constant 2 : i32
    %dma_wait3A_808 = arith.constant 0 : i32
    %dma_wait3A_809 = tpu.memref_slice %arg5[%dma_wait3A_807, %dma_wait3A_808] : memref<3x128xi32, #tpu.memory_space<vmem>> -> memref<1x128xi32, #tpu.memory_space<vmem>>
    %dma_wait3A_810 = tpu.memref_squeeze %dma_wait3A_809 : memref<1x128xi32, #tpu.memory_space<vmem>> -> memref<128xi32, #tpu.memory_space<vmem>>
    %dma_wait3A_811 = arith.constant 0 : i32
    %dma_wait3A_812 = tpu.memref_slice %arg3[%add3A_699, %dma_wait3A_811] : memref<384x128xi32, #tpu.memory_space<hbm>> -> memref<1x128xi32, #tpu.memory_space<hbm>>
    %dma_wait3A_813 = tpu.memref_squeeze %dma_wait3A_812 : memref<1x128xi32, #tpu.memory_space<hbm>> -> memref<128xi32, #tpu.memory_space<hbm>>
    %dma_wait3A_814 = arith.constant 0 : i32
    %dma_wait3A_815 = tpu.memref_slice %arg5[%dma_wait3A_807, %dma_wait3A_814] : memref<3x128xi32, #tpu.memory_space<vmem>> -> memref<1x128xi32, #tpu.memory_space<vmem>>
    %dma_wait3A_816 = tpu.memref_squeeze %dma_wait3A_815 : memref<1x128xi32, #tpu.memory_space<vmem>> -> memref<128xi32, #tpu.memory_space<vmem>>
    %dma_wait3A_817 = arith.constant 0 : i32
    %dma_wait3A_818 = tpu.memref_slice %arg3[%add3A_699, %dma_wait3A_817] : memref<384x128xi32, #tpu.memory_space<hbm>> -> memref<1x128xi32, #tpu.memory_space<hbm>>
    %dma_wait3A_819 = tpu.memref_squeeze %dma_wait3A_818 : memref<1x128xi32, #tpu.memory_space<hbm>> -> memref<128xi32, #tpu.memory_space<hbm>>
    tpu.wait_dma2 semaphore(%arg12 : memref<!tpu.dma_semaphore, #tpu.memory_space<semaphore_mem>>) src(%dma_wait3A_819 : memref<128xi32, #tpu.memory_space<hbm>>) dst(%dma_wait3A_816 : memref<128xi32, #tpu.memory_space<vmem>>)
    %run_scoped3A_820 = arith.constant 2 : i32
    %run_scoped3A_821 = arith.constant 2 : i32
    "tpu.region"() ({
      %run_scoped3A_823 = tpu.sem_alloc : memref<!tpu.dma_semaphore, #tpu.memory_space<semaphore_mem>>
      %dma_start3A_824 = arith.constant 0 : i32
      %dma_start3A_825 = arith.constant 0 : i32
      %dma_start3A_826 = tpu.memref_slice %arg6[%run_scoped3A_820, %dma_start3A_824, %dma_start3A_825] : memref<3x128x128xf32, #tpu.memory_space<vmem>> -> memref<1x128x128xf32, #tpu.memory_space<vmem>>
      %dma_start3A_827 = tpu.memref_squeeze %dma_start3A_826 : memref<1x128x128xf32, #tpu.memory_space<vmem>> -> memref<128x128xf32, #tpu.memory_space<vmem>>
      %dma_start3A_828 = arith.constant 0 : i32
      %dma_start3A_829 = tpu.memref_slice %arg5[%run_scoped3A_821, %dma_start3A_828] : memref<3x128xi32, #tpu.memory_space<vmem>> -> memref<1x128xi32, #tpu.memory_space<vmem>>
      %dma_start3A_830 = tpu.memref_squeeze %dma_start3A_829 : memref<1x128xi32, #tpu.memory_space<vmem>> -> memref<128xi32, #tpu.memory_space<vmem>>
      %dma_start3A_831 = arith.constant 0 : i32
      %dma_start3A_832 = arith.constant 0 : i32
      %dma_start3A_833 = tpu.memref_slice %arg13[%dma_start3A_831, %dma_start3A_832] : memref<3712x128xf32, #tpu.memory_space<vmem_shared>> -> memref<3712x128xf32, #tpu.memory_space<vmem_shared>>
      tpu.enqueue_indirect_dma source(%dma_start3A_827 : memref<128x128xf32, #tpu.memory_space<vmem>>) target(%dma_start3A_833 : memref<3712x128xf32, #tpu.memory_space<vmem_shared>>) offsets(%dma_start3A_830 : memref<128xi32, #tpu.memory_space<vmem>>) semaphore(%run_scoped3A_823 : memref<!tpu.dma_semaphore, #tpu.memory_space<semaphore_mem>>) {add = true}
      %dma_wait3A_834 = arith.constant 0 : i32
      %dma_wait3A_835 = arith.constant 0 : i32
      %dma_wait3A_836 = tpu.memref_slice %arg6[%run_scoped3A_820, %dma_wait3A_834, %dma_wait3A_835] : memref<3x128x128xf32, #tpu.memory_space<vmem>> -> memref<1x128x128xf32, #tpu.memory_space<vmem>>
      %dma_wait3A_837 = tpu.memref_squeeze %dma_wait3A_836 : memref<1x128x128xf32, #tpu.memory_space<vmem>> -> memref<128x128xf32, #tpu.memory_space<vmem>>
      %dma_wait3A_838 = arith.constant 0 : i32
      %dma_wait3A_839 = tpu.memref_slice %arg5[%run_scoped3A_821, %dma_wait3A_838] : memref<3x128xi32, #tpu.memory_space<vmem>> -> memref<1x128xi32, #tpu.memory_space<vmem>>
      %dma_wait3A_840 = tpu.memref_squeeze %dma_wait3A_839 : memref<1x128xi32, #tpu.memory_space<vmem>> -> memref<128xi32, #tpu.memory_space<vmem>>
      %dma_wait3A_841 = arith.constant 0 : i32
      %dma_wait3A_842 = arith.constant 0 : i32
      %dma_wait3A_843 = tpu.memref_slice %arg13[%dma_wait3A_841, %dma_wait3A_842] : memref<3712x128xf32, #tpu.memory_space<vmem_shared>> -> memref<3712x128xf32, #tpu.memory_space<vmem_shared>>
      tpu.wait_indirect_dma semaphore(%run_scoped3A_823 : memref<!tpu.dma_semaphore, #tpu.memory_space<semaphore_mem>>) src(%dma_wait3A_837 : memref<128x128xf32, #tpu.memory_space<vmem>>) dst(%dma_wait3A_843 : memref<3712x128xf32, #tpu.memory_space<vmem_shared>>)
      tpu.yield
    }) : () -> ()
    %barrier3A_822 = arith.constant 0 : index
    tpu.barrier barrier_id(%barrier3A_822)
    "tpu.region"() ({
      %run_scoped3A_823 = tpu.sem_alloc : memref<!tpu.dma_semaphore, #tpu.memory_space<semaphore_mem>>
      %dma_start3A_824 = arith.constant 0 : i32
      %dma_start3A_825 = tpu.memref_slice %arg4[%arg0, %mul3A_8, %dma_start3A_824] : memref<2x3712x128xf32, #tpu.memory_space<hbm>> -> memref<1x232x128xf32, #tpu.memory_space<hbm>>
      %dma_start3A_826 = tpu.memref_squeeze %dma_start3A_825 : memref<1x232x128xf32, #tpu.memory_space<hbm>> -> memref<232x128xf32, #tpu.memory_space<hbm>>
      %dma_start3A_827 = arith.constant 0 : i32
      %dma_start3A_828 = tpu.memref_slice %arg13[%mul3A_8, %dma_start3A_827] : memref<3712x128xf32, #tpu.memory_space<vmem_shared>> -> memref<232x128xf32, #tpu.memory_space<vmem_shared>>
      tpu.enqueue_dma source(%dma_start3A_828 : memref<232x128xf32, #tpu.memory_space<vmem_shared>>) target(%dma_start3A_826 : memref<232x128xf32, #tpu.memory_space<hbm>>) target_semaphore(%run_scoped3A_823 : memref<!tpu.dma_semaphore, #tpu.memory_space<semaphore_mem>>)
      %dma_wait3A_829 = arith.constant 0 : i32
      %dma_wait3A_830 = tpu.memref_slice %arg4[%arg0, %mul3A_8, %dma_wait3A_829] : memref<2x3712x128xf32, #tpu.memory_space<hbm>> -> memref<1x232x128xf32, #tpu.memory_space<hbm>>
      %dma_wait3A_831 = tpu.memref_squeeze %dma_wait3A_830 : memref<1x232x128xf32, #tpu.memory_space<hbm>> -> memref<232x128xf32, #tpu.memory_space<hbm>>
      %dma_wait3A_832 = arith.constant 0 : i32
      %dma_wait3A_833 = tpu.memref_slice %arg13[%mul3A_8, %dma_wait3A_832] : memref<3712x128xf32, #tpu.memory_space<vmem_shared>> -> memref<232x128xf32, #tpu.memory_space<vmem_shared>>
      tpu.wait_dma2 semaphore(%run_scoped3A_823 : memref<!tpu.dma_semaphore, #tpu.memory_space<semaphore_mem>>) src(%dma_wait3A_833 : memref<232x128xf32, #tpu.memory_space<vmem_shared>>) dst(%dma_wait3A_831 : memref<232x128xf32, #tpu.memory_space<hbm>>)
      tpu.yield
    }) : () -> ()
    return
  }
}

#map = affine_map<(d0, d1) -> (0, 0)>
#map1 = affine_map<(d0, d1) -> (0, 0, 0)>
module attributes {stable_mosaic.version = 14 : i64} {
  func.func @body(%arg0: i32, %arg1: i32, %arg2: memref<100000x128xf32, #tpu.memory_space<hbm>>, %arg3: memref<416x128xi32, #tpu.memory_space<hbm>>, %arg4: memref<2x3712x128xf32, #tpu.memory_space<hbm>>, %arg5: memref<3x128xi32, #tpu.memory_space<vmem>>, %arg6: memref<3x128x128xf32, #tpu.memory_space<vmem>>, %arg7: memref<!tpu.dma_semaphore, #tpu.memory_space<semaphore_mem>>, %arg8: memref<!tpu.dma_semaphore, #tpu.memory_space<semaphore_mem>>, %arg9: memref<!tpu.dma_semaphore, #tpu.memory_space<semaphore_mem>>, %arg10: memref<!tpu.dma_semaphore, #tpu.memory_space<semaphore_mem>>, %arg11: memref<!tpu.dma_semaphore, #tpu.memory_space<semaphore_mem>>, %arg12: memref<!tpu.dma_semaphore, #tpu.memory_space<semaphore_mem>>, %arg13: memref<3712x128xf32, #tpu.memory_space<vmem_shared>>) attributes {dimension_semantics = [#tpu.dimension_semantics<core_parallel>, #tpu.dimension_semantics<subcore_parallel>], iteration_bounds = array<i64: 2, 16>, scalar_prefetch = 0 : i64, scratch_operands = 9 : i64, tpu.core_type = #tpu.core_type<sc_vector_subcore>, window_params = [{transform_indices = #map}, {transform_indices = #map}, {transform_indices = #map1}]} {
    %mul3A = arith.constant 2 : i32
    %mul3A_0 = arith.muli %arg1, %mul3A : i32
    %add3A = arith.addi %mul3A_0, %arg0 : i32
    %broadcast_in_dim3A = arith.constant 0.000000e+00 : f32
    %broadcast_in_dim3A_1 = vector.broadcast %broadcast_in_dim3A : f32 to vector<16xf32>
    %scan3A = arith.constant 0 : i32
    %scan3A_2 = arith.constant 0 : i32
    %scan3A_3 = arith.constant 128 : i32
    %scan3A_4 = arith.addi %scan3A_2, %scan3A_3 : i32
    %scan3A_5 = arith.constant 1 : i32
    scf.for %scan3A_840 = %scan3A_2 to %scan3A_4 step %scan3A_5  : i32 {
      %swap3A = arith.constant 0 : i32
      %swap3A_841 = arith.index_cast %swap3A : i32 to index
      %swap3A_842 = arith.index_cast %scan3A_840 : i32 to index
      %swap3A_843 = arith.constant 0 : index
      %swap3A_844 = tpu.vector_load %arg6[%swap3A_841, %swap3A_842, %swap3A_843] {strides = array<i32>} : memref<3x128x128xf32, #tpu.memory_space<vmem>>, vector<1x1x16xf32>,
      %swap3A_845 = vector.shape_cast %swap3A_844 : vector<1x1x16xf32> to vector<16xf32>
      %swap3A_846 = vector.shape_cast %broadcast_in_dim3A_1 : vector<16xf32> to vector<1x1x16xf32>
      tpu.vector_store %arg6[%swap3A_841, %swap3A_842, %swap3A_843], %swap3A_846 {strides = array<i32>} : memref<3x128x128xf32, #tpu.memory_space<vmem>>, vector<1x1x16xf32>,
      %swap3A_847 = arith.constant 0 : i32
      %swap3A_848 = arith.index_cast %swap3A_847 : i32 to index
      %swap3A_849 = arith.index_cast %scan3A_840 : i32 to index
      %swap3A_850 = arith.constant 16 : index
      %swap3A_851 = tpu.vector_load %arg6[%swap3A_848, %swap3A_849, %swap3A_850] {strides = array<i32>} : memref<3x128x128xf32, #tpu.memory_space<vmem>>, vector<1x1x16xf32>,
      %swap3A_852 = vector.shape_cast %swap3A_851 : vector<1x1x16xf32> to vector<16xf32>
      %swap3A_853 = vector.shape_cast %broadcast_in_dim3A_1 : vector<16xf32> to vector<1x1x16xf32>
      tpu.vector_store %arg6[%swap3A_848, %swap3A_849, %swap3A_850], %swap3A_853 {strides = array<i32>} : memref<3x128x128xf32, #tpu.memory_space<vmem>>, vector<1x1x16xf32>,
      %swap3A_854 = arith.constant 0 : i32
      %swap3A_855 = arith.index_cast %swap3A_854 : i32 to index
      %swap3A_856 = arith.index_cast %scan3A_840 : i32 to index
      %swap3A_857 = arith.constant 32 : index
      %swap3A_858 = tpu.vector_load %arg6[%swap3A_855, %swap3A_856, %swap3A_857] {strides = array<i32>} : memref<3x128x128xf32, #tpu.memory_space<vmem>>, vector<1x1x16xf32>,
      %swap3A_859 = vector.shape_cast %swap3A_858 : vector<1x1x16xf32> to vector<16xf32>
      %swap3A_860 = vector.shape_cast %broadcast_in_dim3A_1 : vector<16xf32> to vector<1x1x16xf32>
      tpu.vector_store %arg6[%swap3A_855, %swap3A_856, %swap3A_857], %swap3A_860 {strides = array<i32>} : memref<3x128x128xf32, #tpu.memory_space<vmem>>, vector<1x1x16xf32>,
      %swap3A_861 = arith.constant 0 : i32
      %swap3A_862 = arith.index_cast %swap3A_861 : i32 to index
      %swap3A_863 = arith.index_cast %scan3A_840 : i32 to index
      %swap3A_864 = arith.constant 48 : index
      %swap3A_865 = tpu.vector_load %arg6[%swap3A_862, %swap3A_863, %swap3A_864] {strides = array<i32>} : memref<3x128x128xf32, #tpu.memory_space<vmem>>, vector<1x1x16xf32>,
      %swap3A_866 = vector.shape_cast %swap3A_865 : vector<1x1x16xf32> to vector<16xf32>
      %swap3A_867 = vector.shape_cast %broadcast_in_dim3A_1 : vector<16xf32> to vector<1x1x16xf32>
      tpu.vector_store %arg6[%swap3A_862, %swap3A_863, %swap3A_864], %swap3A_867 {strides = array<i32>} : memref<3x128x128xf32, #tpu.memory_space<vmem>>, vector<1x1x16xf32>,
      %swap3A_868 = arith.constant 0 : i32
      %swap3A_869 = arith.index_cast %swap3A_868 : i32 to index
      %swap3A_870 = arith.index_cast %scan3A_840 : i32 to index
      %swap3A_871 = arith.constant 64 : index
      %swap3A_872 = tpu.vector_load %arg6[%swap3A_869, %swap3A_870, %swap3A_871] {strides = array<i32>} : memref<3x128x128xf32, #tpu.memory_space<vmem>>, vector<1x1x16xf32>,
      %swap3A_873 = vector.shape_cast %swap3A_872 : vector<1x1x16xf32> to vector<16xf32>
      %swap3A_874 = vector.shape_cast %broadcast_in_dim3A_1 : vector<16xf32> to vector<1x1x16xf32>
      tpu.vector_store %arg6[%swap3A_869, %swap3A_870, %swap3A_871], %swap3A_874 {strides = array<i32>} : memref<3x128x128xf32, #tpu.memory_space<vmem>>, vector<1x1x16xf32>,
      %swap3A_875 = arith.constant 0 : i32
      %swap3A_876 = arith.index_cast %swap3A_875 : i32 to index
      %swap3A_877 = arith.index_cast %scan3A_840 : i32 to index
      %swap3A_878 = arith.constant 80 : index
      %swap3A_879 = tpu.vector_load %arg6[%swap3A_876, %swap3A_877, %swap3A_878] {strides = array<i32>} : memref<3x128x128xf32, #tpu.memory_space<vmem>>, vector<1x1x16xf32>,
      %swap3A_880 = vector.shape_cast %swap3A_879 : vector<1x1x16xf32> to vector<16xf32>
      %swap3A_881 = vector.shape_cast %broadcast_in_dim3A_1 : vector<16xf32> to vector<1x1x16xf32>
      tpu.vector_store %arg6[%swap3A_876, %swap3A_877, %swap3A_878], %swap3A_881 {strides = array<i32>} : memref<3x128x128xf32, #tpu.memory_space<vmem>>, vector<1x1x16xf32>,
      %swap3A_882 = arith.constant 0 : i32
      %swap3A_883 = arith.index_cast %swap3A_882 : i32 to index
      %swap3A_884 = arith.index_cast %scan3A_840 : i32 to index
      %swap3A_885 = arith.constant 96 : index
      %swap3A_886 = tpu.vector_load %arg6[%swap3A_883, %swap3A_884, %swap3A_885] {strides = array<i32>} : memref<3x128x128xf32, #tpu.memory_space<vmem>>, vector<1x1x16xf32>,
      %swap3A_887 = vector.shape_cast %swap3A_886 : vector<1x1x16xf32> to vector<16xf32>
      %swap3A_888 = vector.shape_cast %broadcast_in_dim3A_1 : vector<16xf32> to vector<1x1x16xf32>
      tpu.vector_store %arg6[%swap3A_883, %swap3A_884, %swap3A_885], %swap3A_888 {strides = array<i32>} : memref<3x128x128xf32, #tpu.memory_space<vmem>>, vector<1x1x16xf32>,
      %swap3A_889 = arith.constant 0 : i32
      %swap3A_890 = arith.index_cast %swap3A_889 : i32 to index
      %swap3A_891 = arith.index_cast %scan3A_840 : i32 to index
      %swap3A_892 = arith.constant 112 : index
      %swap3A_893 = tpu.vector_load %arg6[%swap3A_890, %swap3A_891, %swap3A_892] {strides = array<i32>} : memref<3x128x128xf32, #tpu.memory_space<vmem>>, vector<1x1x16xf32>,
      %swap3A_894 = vector.shape_cast %swap3A_893 : vector<1x1x16xf32> to vector<16xf32>
      %swap3A_895 = vector.shape_cast %broadcast_in_dim3A_1 : vector<16xf32> to vector<1x1x16xf32>
      tpu.vector_store %arg6[%swap3A_890, %swap3A_891, %swap3A_892], %swap3A_895 {strides = array<i32>} : memref<3x128x128xf32, #tpu.memory_space<vmem>>, vector<1x1x16xf32>,
    }
    %scan3A_6 = arith.constant 128 : i32
    %mul3A_7 = arith.constant 232 : i32
    %mul3A_8 = arith.muli %arg1, %mul3A_7 : i32
    %run_scoped3A = arith.constant 0 : i32
    "tpu.region"() ({
      %run_scoped3A_840 = tpu.sem_alloc : memref<!tpu.dma_semaphore, #tpu.memory_space<semaphore_mem>>
      %dma_start3A_841 = arith.constant 0 : i32
      %dma_start3A_842 = arith.constant 0 : i32
      %dma_start3A_843 = tpu.memref_slice %arg6[%run_scoped3A, %dma_start3A_841, %dma_start3A_842] : memref<3x128x128xf32, #tpu.memory_space<vmem>> -> memref<1x128x128xf32, #tpu.memory_space<vmem>>
      %dma_start3A_844 = tpu.memref_squeeze %dma_start3A_843 : memref<1x128x128xf32, #tpu.memory_space<vmem>> -> memref<128x128xf32, #tpu.memory_space<vmem>>
      %dma_start3A_845 = arith.constant 0 : i32
      %dma_start3A_846 = tpu.memref_slice %arg13[%mul3A_8, %dma_start3A_845] : memref<3712x128xf32, #tpu.memory_space<vmem_shared>> -> memref<128x128xf32, #tpu.memory_space<vmem_shared>>
      %dma_start3A_847 = arith.constant 0 : i32
      %dma_start3A_848 = tpu.memref_slice %arg13[%mul3A_8, %dma_start3A_847] : memref<3712x128xf32, #tpu.memory_space<vmem_shared>> -> memref<128x128xf32, #tpu.memory_space<vmem_shared>>
      %dma_start3A_849 = arith.constant 0 : i32
      %dma_start3A_850 = arith.constant 0 : i32
      %dma_start3A_851 = tpu.memref_slice %arg6[%run_scoped3A, %dma_start3A_849, %dma_start3A_850] : memref<3x128x128xf32, #tpu.memory_space<vmem>> -> memref<1x128x128xf32, #tpu.memory_space<vmem>>
      %dma_start3A_852 = tpu.memref_squeeze %dma_start3A_851 : memref<1x128x128xf32, #tpu.memory_space<vmem>> -> memref<128x128xf32, #tpu.memory_space<vmem>>
      tpu.enqueue_dma source(%dma_start3A_852 : memref<128x128xf32, #tpu.memory_space<vmem>>) target(%dma_start3A_848 : memref<128x128xf32, #tpu.memory_space<vmem_shared>>) target_semaphore(%run_scoped3A_840 : memref<!tpu.dma_semaphore, #tpu.memory_space<semaphore_mem>>)
      %dma_wait3A_853 = arith.constant 0 : i32
      %dma_wait3A_854 = arith.constant 0 : i32
      %dma_wait3A_855 = tpu.memref_slice %arg6[%run_scoped3A, %dma_wait3A_853, %dma_wait3A_854] : memref<3x128x128xf32, #tpu.memory_space<vmem>> -> memref<1x128x128xf32, #tpu.memory_space<vmem>>
      %dma_wait3A_856 = tpu.memref_squeeze %dma_wait3A_855 : memref<1x128x128xf32, #tpu.memory_space<vmem>> -> memref<128x128xf32, #tpu.memory_space<vmem>>
      %dma_wait3A_857 = arith.constant 0 : i32
      %dma_wait3A_858 = tpu.memref_slice %arg13[%mul3A_8, %dma_wait3A_857] : memref<3712x128xf32, #tpu.memory_space<vmem_shared>> -> memref<128x128xf32, #tpu.memory_space<vmem_shared>>
      %dma_wait3A_859 = arith.constant 0 : i32
      %dma_wait3A_860 = tpu.memref_slice %arg13[%mul3A_8, %dma_wait3A_859] : memref<3712x128xf32, #tpu.memory_space<vmem_shared>> -> memref<128x128xf32, #tpu.memory_space<vmem_shared>>
      %dma_wait3A_861 = arith.constant 0 : i32
      %dma_wait3A_862 = arith.constant 0 : i32
      %dma_wait3A_863 = tpu.memref_slice %arg6[%run_scoped3A, %dma_wait3A_861, %dma_wait3A_862] : memref<3x128x128xf32, #tpu.memory_space<vmem>> -> memref<1x128x128xf32, #tpu.memory_space<vmem>>
      %dma_wait3A_864 = tpu.memref_squeeze %dma_wait3A_863 : memref<1x128x128xf32, #tpu.memory_space<vmem>> -> memref<128x128xf32, #tpu.memory_space<vmem>>
      tpu.wait_dma2 semaphore(%run_scoped3A_840 : memref<!tpu.dma_semaphore, #tpu.memory_space<semaphore_mem>>) src(%dma_wait3A_864 : memref<128x128xf32, #tpu.memory_space<vmem>>) dst(%dma_wait3A_860 : memref<128x128xf32, #tpu.memory_space<vmem_shared>>)
      tpu.yield
    }) : () -> ()
    %add3A_9 = arith.constant 128 : i32
    %add3A_10 = arith.addi %mul3A_8, %add3A_9 : i32
    %run_scoped3A_11 = arith.constant 0 : i32
    "tpu.region"() ({
      %run_scoped3A_840 = tpu.sem_alloc : memref<!tpu.dma_semaphore, #tpu.memory_space<semaphore_mem>>
      %dma_start3A_841 = arith.constant 0 : i32
      %dma_start3A_842 = arith.constant 0 : i32
      %dma_start3A_843 = tpu.memref_slice %arg6[%run_scoped3A_11, %dma_start3A_841, %dma_start3A_842] : memref<3x128x128xf32, #tpu.memory_space<vmem>> -> memref<1x104x128xf32, #tpu.memory_space<vmem>>
      %dma_start3A_844 = tpu.memref_squeeze %dma_start3A_843 : memref<1x104x128xf32, #tpu.memory_space<vmem>> -> memref<104x128xf32, #tpu.memory_space<vmem>>
      %dma_start3A_845 = arith.constant 0 : i32
      %dma_start3A_846 = tpu.memref_slice %arg13[%add3A_10, %dma_start3A_845] : memref<3712x128xf32, #tpu.memory_space<vmem_shared>> -> memref<104x128xf32, #tpu.memory_space<vmem_shared>>
      %dma_start3A_847 = arith.constant 0 : i32
      %dma_start3A_848 = tpu.memref_slice %arg13[%add3A_10, %dma_start3A_847] : memref<3712x128xf32, #tpu.memory_space<vmem_shared>> -> memref<104x128xf32, #tpu.memory_space<vmem_shared>>
      %dma_start3A_849 = arith.constant 0 : i32
      %dma_start3A_850 = arith.constant 0 : i32
      %dma_start3A_851 = tpu.memref_slice %arg6[%run_scoped3A_11, %dma_start3A_849, %dma_start3A_850] : memref<3x128x128xf32, #tpu.memory_space<vmem>> -> memref<1x104x128xf32, #tpu.memory_space<vmem>>
      %dma_start3A_852 = tpu.memref_squeeze %dma_start3A_851 : memref<1x104x128xf32, #tpu.memory_space<vmem>> -> memref<104x128xf32, #tpu.memory_space<vmem>>
      tpu.enqueue_dma source(%dma_start3A_852 : memref<104x128xf32, #tpu.memory_space<vmem>>) target(%dma_start3A_848 : memref<104x128xf32, #tpu.memory_space<vmem_shared>>) target_semaphore(%run_scoped3A_840 : memref<!tpu.dma_semaphore, #tpu.memory_space<semaphore_mem>>)
      %dma_wait3A_853 = arith.constant 0 : i32
      %dma_wait3A_854 = arith.constant 0 : i32
      %dma_wait3A_855 = tpu.memref_slice %arg6[%run_scoped3A_11, %dma_wait3A_853, %dma_wait3A_854] : memref<3x128x128xf32, #tpu.memory_space<vmem>> -> memref<1x104x128xf32, #tpu.memory_space<vmem>>
      %dma_wait3A_856 = tpu.memref_squeeze %dma_wait3A_855 : memref<1x104x128xf32, #tpu.memory_space<vmem>> -> memref<104x128xf32, #tpu.memory_space<vmem>>
      %dma_wait3A_857 = arith.constant 0 : i32
      %dma_wait3A_858 = tpu.memref_slice %arg13[%add3A_10, %dma_wait3A_857] : memref<3712x128xf32, #tpu.memory_space<vmem_shared>> -> memref<104x128xf32, #tpu.memory_space<vmem_shared>>
      %dma_wait3A_859 = arith.constant 0 : i32
      %dma_wait3A_860 = tpu.memref_slice %arg13[%add3A_10, %dma_wait3A_859] : memref<3712x128xf32, #tpu.memory_space<vmem_shared>> -> memref<104x128xf32, #tpu.memory_space<vmem_shared>>
      %dma_wait3A_861 = arith.constant 0 : i32
      %dma_wait3A_862 = arith.constant 0 : i32
      %dma_wait3A_863 = tpu.memref_slice %arg6[%run_scoped3A_11, %dma_wait3A_861, %dma_wait3A_862] : memref<3x128x128xf32, #tpu.memory_space<vmem>> -> memref<1x104x128xf32, #tpu.memory_space<vmem>>
      %dma_wait3A_864 = tpu.memref_squeeze %dma_wait3A_863 : memref<1x104x128xf32, #tpu.memory_space<vmem>> -> memref<104x128xf32, #tpu.memory_space<vmem>>
      tpu.wait_dma2 semaphore(%run_scoped3A_840 : memref<!tpu.dma_semaphore, #tpu.memory_space<semaphore_mem>>) src(%dma_wait3A_864 : memref<104x128xf32, #tpu.memory_space<vmem>>) dst(%dma_wait3A_860 : memref<104x128xf32, #tpu.memory_space<vmem_shared>>)
      tpu.yield
    }) : () -> ()
    %barrier3A = arith.constant 0 : index
    tpu.barrier barrier_id(%barrier3A)
    %add3A_12 = arith.constant 0 : i32
    %add3A_13 = arith.addi %add3A, %add3A_12 : i32
    %lt3A = arith.constant 400 : i32
    %lt3A_14 = arith.cmpi slt, %add3A_13, %lt3A : i32
    %mul3A_15 = arith.constant 128 : i32
    %mul3A_16 = arith.muli %add3A_13, %mul3A_15 : i32
    %add3A_17 = arith.constant 0 : i32
    %add3A_18 = arith.addi %add3A_17, %mul3A_16 : i32
    %jit3A = arith.constant 0 : i32
    %select_n3A = arith.select %lt3A_14, %add3A_18, %jit3A : i32
    %dma_start3A = arith.constant 0 : i32
    %dma_start3A_19 = arith.constant 0 : i32
    %dma_start3A_20 = arith.constant 0 : i32
    %dma_start3A_21 = tpu.memref_slice %arg6[%dma_start3A, %dma_start3A_19, %dma_start3A_20] : memref<3x128x128xf32, #tpu.memory_space<vmem>> -> memref<1x128x128xf32, #tpu.memory_space<vmem>>
    %dma_start3A_22 = tpu.memref_squeeze %dma_start3A_21 : memref<1x128x128xf32, #tpu.memory_space<vmem>> -> memref<128x128xf32, #tpu.memory_space<vmem>>
    %dma_start3A_23 = arith.constant 0 : i32
    %dma_start3A_24 = tpu.memref_slice %arg2[%select_n3A, %dma_start3A_23] : memref<100000x128xf32, #tpu.memory_space<hbm>> -> memref<128x128xf32, #tpu.memory_space<hbm>>
    %dma_start3A_25 = arith.constant 0 : i32
    %dma_start3A_26 = arith.constant 0 : i32
    %dma_start3A_27 = tpu.memref_slice %arg6[%dma_start3A, %dma_start3A_25, %dma_start3A_26] : memref<3x128x128xf32, #tpu.memory_space<vmem>> -> memref<1x128x128xf32, #tpu.memory_space<vmem>>
    %dma_start3A_28 = tpu.memref_squeeze %dma_start3A_27 : memref<1x128x128xf32, #tpu.memory_space<vmem>> -> memref<128x128xf32, #tpu.memory_space<vmem>>
    %dma_start3A_29 = arith.constant 0 : i32
    %dma_start3A_30 = tpu.memref_slice %arg2[%select_n3A, %dma_start3A_29] : memref<100000x128xf32, #tpu.memory_space<hbm>> -> memref<128x128xf32, #tpu.memory_space<hbm>>
    tpu.enqueue_dma source(%dma_start3A_30 : memref<128x128xf32, #tpu.memory_space<hbm>>) target(%dma_start3A_28 : memref<128x128xf32, #tpu.memory_space<vmem>>) target_semaphore(%arg7 : memref<!tpu.dma_semaphore, #tpu.memory_space<semaphore_mem>>)
    %dma_start3A_31 = arith.constant 0 : i32
    %dma_start3A_32 = arith.constant 0 : i32
    %dma_start3A_33 = tpu.memref_slice %arg5[%dma_start3A_31, %dma_start3A_32] : memref<3x128xi32, #tpu.memory_space<vmem>> -> memref<1x128xi32, #tpu.memory_space<vmem>>
    %dma_start3A_34 = tpu.memref_squeeze %dma_start3A_33 : memref<1x128xi32, #tpu.memory_space<vmem>> -> memref<128xi32, #tpu.memory_space<vmem>>
    %dma_start3A_35 = arith.constant 0 : i32
    %dma_start3A_36 = tpu.memref_slice %arg3[%add3A_13, %dma_start3A_35] : memref<416x128xi32, #tpu.memory_space<hbm>> -> memref<1x128xi32, #tpu.memory_space<hbm>>
    %dma_start3A_37 = tpu.memref_squeeze %dma_start3A_36 : memref<1x128xi32, #tpu.memory_space<hbm>> -> memref<128xi32, #tpu.memory_space<hbm>>
    %dma_start3A_38 = arith.constant 0 : i32
    %dma_start3A_39 = tpu.memref_slice %arg5[%dma_start3A_31, %dma_start3A_38] : memref<3x128xi32, #tpu.memory_space<vmem>> -> memref<1x128xi32, #tpu.memory_space<vmem>>
    %dma_start3A_40 = tpu.memref_squeeze %dma_start3A_39 : memref<1x128xi32, #tpu.memory_space<vmem>> -> memref<128xi32, #tpu.memory_space<vmem>>
    %dma_start3A_41 = arith.constant 0 : i32
    %dma_start3A_42 = tpu.memref_slice %arg3[%add3A_13, %dma_start3A_41] : memref<416x128xi32, #tpu.memory_space<hbm>> -> memref<1x128xi32, #tpu.memory_space<hbm>>
    %dma_start3A_43 = tpu.memref_squeeze %dma_start3A_42 : memref<1x128xi32, #tpu.memory_space<hbm>> -> memref<128xi32, #tpu.memory_space<hbm>>
    tpu.enqueue_dma source(%dma_start3A_43 : memref<128xi32, #tpu.memory_space<hbm>>) target(%dma_start3A_40 : memref<128xi32, #tpu.memory_space<vmem>>) target_semaphore(%arg10 : memref<!tpu.dma_semaphore, #tpu.memory_space<semaphore_mem>>)
    %add3A_44 = arith.constant 32 : i32
    %add3A_45 = arith.addi %add3A, %add3A_44 : i32
    %lt3A_46 = arith.constant 400 : i32
    %lt3A_47 = arith.cmpi slt, %add3A_45, %lt3A_46 : i32
    %mul3A_48 = arith.constant 128 : i32
    %mul3A_49 = arith.muli %add3A_45, %mul3A_48 : i32
    %add3A_50 = arith.constant 0 : i32
    %add3A_51 = arith.addi %add3A_50, %mul3A_49 : i32
    %jit3A_52 = arith.constant 0 : i32
    %select_n3A_53 = arith.select %lt3A_47, %add3A_51, %jit3A_52 : i32
    %dma_start3A_54 = arith.constant 1 : i32
    %dma_start3A_55 = arith.constant 0 : i32
    %dma_start3A_56 = arith.constant 0 : i32
    %dma_start3A_57 = tpu.memref_slice %arg6[%dma_start3A_54, %dma_start3A_55, %dma_start3A_56] : memref<3x128x128xf32, #tpu.memory_space<vmem>> -> memref<1x128x128xf32, #tpu.memory_space<vmem>>
    %dma_start3A_58 = tpu.memref_squeeze %dma_start3A_57 : memref<1x128x128xf32, #tpu.memory_space<vmem>> -> memref<128x128xf32, #tpu.memory_space<vmem>>
    %dma_start3A_59 = arith.constant 0 : i32
    %dma_start3A_60 = tpu.memref_slice %arg2[%select_n3A_53, %dma_start3A_59] : memref<100000x128xf32, #tpu.memory_space<hbm>> -> memref<128x128xf32, #tpu.memory_space<hbm>>
    %dma_start3A_61 = arith.constant 0 : i32
    %dma_start3A_62 = arith.constant 0 : i32
    %dma_start3A_63 = tpu.memref_slice %arg6[%dma_start3A_54, %dma_start3A_61, %dma_start3A_62] : memref<3x128x128xf32, #tpu.memory_space<vmem>> -> memref<1x128x128xf32, #tpu.memory_space<vmem>>
    %dma_start3A_64 = tpu.memref_squeeze %dma_start3A_63 : memref<1x128x128xf32, #tpu.memory_space<vmem>> -> memref<128x128xf32, #tpu.memory_space<vmem>>
    %dma_start3A_65 = arith.constant 0 : i32
    %dma_start3A_66 = tpu.memref_slice %arg2[%select_n3A_53, %dma_start3A_65] : memref<100000x128xf32, #tpu.memory_space<hbm>> -> memref<128x128xf32, #tpu.memory_space<hbm>>
    tpu.enqueue_dma source(%dma_start3A_66 : memref<128x128xf32, #tpu.memory_space<hbm>>) target(%dma_start3A_64 : memref<128x128xf32, #tpu.memory_space<vmem>>) target_semaphore(%arg8 : memref<!tpu.dma_semaphore, #tpu.memory_space<semaphore_mem>>)
    %dma_start3A_67 = arith.constant 1 : i32
    %dma_start3A_68 = arith.constant 0 : i32
    %dma_start3A_69 = tpu.memref_slice %arg5[%dma_start3A_67, %dma_start3A_68] : memref<3x128xi32, #tpu.memory_space<vmem>> -> memref<1x128xi32, #tpu.memory_space<vmem>>
    %dma_start3A_70 = tpu.memref_squeeze %dma_start3A_69 : memref<1x128xi32, #tpu.memory_space<vmem>> -> memref<128xi32, #tpu.memory_space<vmem>>
    %dma_start3A_71 = arith.constant 0 : i32
    %dma_start3A_72 = tpu.memref_slice %arg3[%add3A_45, %dma_start3A_71] : memref<416x128xi32, #tpu.memory_space<hbm>> -> memref<1x128xi32, #tpu.memory_space<hbm>>
    %dma_start3A_73 = tpu.memref_squeeze %dma_start3A_72 : memref<1x128xi32, #tpu.memory_space<hbm>> -> memref<128xi32, #tpu.memory_space<hbm>>
    %dma_start3A_74 = arith.constant 0 : i32
    %dma_start3A_75 = tpu.memref_slice %arg5[%dma_start3A_67, %dma_start3A_74] : memref<3x128xi32, #tpu.memory_space<vmem>> -> memref<1x128xi32, #tpu.memory_space<vmem>>
    %dma_start3A_76 = tpu.memref_squeeze %dma_start3A_75 : memref<1x128xi32, #tpu.memory_space<vmem>> -> memref<128xi32, #tpu.memory_space<vmem>>
    %dma_start3A_77 = arith.constant 0 : i32
    %dma_start3A_78 = tpu.memref_slice %arg3[%add3A_45, %dma_start3A_77] : memref<416x128xi32, #tpu.memory_space<hbm>> -> memref<1x128xi32, #tpu.memory_space<hbm>>
    %dma_start3A_79 = tpu.memref_squeeze %dma_start3A_78 : memref<1x128xi32, #tpu.memory_space<hbm>> -> memref<128xi32, #tpu.memory_space<hbm>>
    tpu.enqueue_dma source(%dma_start3A_79 : memref<128xi32, #tpu.memory_space<hbm>>) target(%dma_start3A_76 : memref<128xi32, #tpu.memory_space<vmem>>) target_semaphore(%arg11 : memref<!tpu.dma_semaphore, #tpu.memory_space<semaphore_mem>>)
    %add3A_80 = arith.constant 64 : i32
    %add3A_81 = arith.addi %add3A, %add3A_80 : i32
    %lt3A_82 = arith.constant 400 : i32
    %lt3A_83 = arith.cmpi slt, %add3A_81, %lt3A_82 : i32
    %mul3A_84 = arith.constant 128 : i32
    %mul3A_85 = arith.muli %add3A_81, %mul3A_84 : i32
    %add3A_86 = arith.constant 0 : i32
    %add3A_87 = arith.addi %add3A_86, %mul3A_85 : i32
    %jit3A_88 = arith.constant 0 : i32
    %select_n3A_89 = arith.select %lt3A_83, %add3A_87, %jit3A_88 : i32
    %dma_start3A_90 = arith.constant 2 : i32
    %dma_start3A_91 = arith.constant 0 : i32
    %dma_start3A_92 = arith.constant 0 : i32
    %dma_start3A_93 = tpu.memref_slice %arg6[%dma_start3A_90, %dma_start3A_91, %dma_start3A_92] : memref<3x128x128xf32, #tpu.memory_space<vmem>> -> memref<1x128x128xf32, #tpu.memory_space<vmem>>
    %dma_start3A_94 = tpu.memref_squeeze %dma_start3A_93 : memref<1x128x128xf32, #tpu.memory_space<vmem>> -> memref<128x128xf32, #tpu.memory_space<vmem>>
    %dma_start3A_95 = arith.constant 0 : i32
    %dma_start3A_96 = tpu.memref_slice %arg2[%select_n3A_89, %dma_start3A_95] : memref<100000x128xf32, #tpu.memory_space<hbm>> -> memref<128x128xf32, #tpu.memory_space<hbm>>
    %dma_start3A_97 = arith.constant 0 : i32
    %dma_start3A_98 = arith.constant 0 : i32
    %dma_start3A_99 = tpu.memref_slice %arg6[%dma_start3A_90, %dma_start3A_97, %dma_start3A_98] : memref<3x128x128xf32, #tpu.memory_space<vmem>> -> memref<1x128x128xf32, #tpu.memory_space<vmem>>
    %dma_start3A_100 = tpu.memref_squeeze %dma_start3A_99 : memref<1x128x128xf32, #tpu.memory_space<vmem>> -> memref<128x128xf32, #tpu.memory_space<vmem>>
    %dma_start3A_101 = arith.constant 0 : i32
    %dma_start3A_102 = tpu.memref_slice %arg2[%select_n3A_89, %dma_start3A_101] : memref<100000x128xf32, #tpu.memory_space<hbm>> -> memref<128x128xf32, #tpu.memory_space<hbm>>
    tpu.enqueue_dma source(%dma_start3A_102 : memref<128x128xf32, #tpu.memory_space<hbm>>) target(%dma_start3A_100 : memref<128x128xf32, #tpu.memory_space<vmem>>) target_semaphore(%arg9 : memref<!tpu.dma_semaphore, #tpu.memory_space<semaphore_mem>>)
    %dma_start3A_103 = arith.constant 2 : i32
    %dma_start3A_104 = arith.constant 0 : i32
    %dma_start3A_105 = tpu.memref_slice %arg5[%dma_start3A_103, %dma_start3A_104] : memref<3x128xi32, #tpu.memory_space<vmem>> -> memref<1x128xi32, #tpu.memory_space<vmem>>
    %dma_start3A_106 = tpu.memref_squeeze %dma_start3A_105 : memref<1x128xi32, #tpu.memory_space<vmem>> -> memref<128xi32, #tpu.memory_space<vmem>>
    %dma_start3A_107 = arith.constant 0 : i32
    %dma_start3A_108 = tpu.memref_slice %arg3[%add3A_81, %dma_start3A_107] : memref<416x128xi32, #tpu.memory_space<hbm>> -> memref<1x128xi32, #tpu.memory_space<hbm>>
    %dma_start3A_109 = tpu.memref_squeeze %dma_start3A_108 : memref<1x128xi32, #tpu.memory_space<hbm>> -> memref<128xi32, #tpu.memory_space<hbm>>
    %dma_start3A_110 = arith.constant 0 : i32
    %dma_start3A_111 = tpu.memref_slice %arg5[%dma_start3A_103, %dma_start3A_110] : memref<3x128xi32, #tpu.memory_space<vmem>> -> memref<1x128xi32, #tpu.memory_space<vmem>>
    %dma_start3A_112 = tpu.memref_squeeze %dma_start3A_111 : memref<1x128xi32, #tpu.memory_space<vmem>> -> memref<128xi32, #tpu.memory_space<vmem>>
    %dma_start3A_113 = arith.constant 0 : i32
    %dma_start3A_114 = tpu.memref_slice %arg3[%add3A_81, %dma_start3A_113] : memref<416x128xi32, #tpu.memory_space<hbm>> -> memref<1x128xi32, #tpu.memory_space<hbm>>
    %dma_start3A_115 = tpu.memref_squeeze %dma_start3A_114 : memref<1x128xi32, #tpu.memory_space<hbm>> -> memref<128xi32, #tpu.memory_space<hbm>>
    tpu.enqueue_dma source(%dma_start3A_115 : memref<128xi32, #tpu.memory_space<hbm>>) target(%dma_start3A_112 : memref<128xi32, #tpu.memory_space<vmem>>) target_semaphore(%arg12 : memref<!tpu.dma_semaphore, #tpu.memory_space<semaphore_mem>>)
    %dma_wait3A = arith.constant 0 : i32
    %dma_wait3A_116 = arith.constant 0 : i32
    %dma_wait3A_117 = arith.constant 0 : i32
    %dma_wait3A_118 = tpu.memref_slice %arg6[%dma_wait3A, %dma_wait3A_116, %dma_wait3A_117] : memref<3x128x128xf32, #tpu.memory_space<vmem>> -> memref<1x128x128xf32, #tpu.memory_space<vmem>>
    %dma_wait3A_119 = tpu.memref_squeeze %dma_wait3A_118 : memref<1x128x128xf32, #tpu.memory_space<vmem>> -> memref<128x128xf32, #tpu.memory_space<vmem>>
    %dma_wait3A_120 = arith.constant 0 : i32
    %dma_wait3A_121 = tpu.memref_slice %arg2[%select_n3A, %dma_wait3A_120] : memref<100000x128xf32, #tpu.memory_space<hbm>> -> memref<128x128xf32, #tpu.memory_space<hbm>>
    %dma_wait3A_122 = arith.constant 0 : i32
    %dma_wait3A_123 = arith.constant 0 : i32
    %dma_wait3A_124 = tpu.memref_slice %arg6[%dma_wait3A, %dma_wait3A_122, %dma_wait3A_123] : memref<3x128x128xf32, #tpu.memory_space<vmem>> -> memref<1x128x128xf32, #tpu.memory_space<vmem>>
    %dma_wait3A_125 = tpu.memref_squeeze %dma_wait3A_124 : memref<1x128x128xf32, #tpu.memory_space<vmem>> -> memref<128x128xf32, #tpu.memory_space<vmem>>
    %dma_wait3A_126 = arith.constant 0 : i32
    %dma_wait3A_127 = tpu.memref_slice %arg2[%select_n3A, %dma_wait3A_126] : memref<100000x128xf32, #tpu.memory_space<hbm>> -> memref<128x128xf32, #tpu.memory_space<hbm>>
    tpu.wait_dma2 semaphore(%arg7 : memref<!tpu.dma_semaphore, #tpu.memory_space<semaphore_mem>>) src(%dma_wait3A_127 : memref<128x128xf32, #tpu.memory_space<hbm>>) dst(%dma_wait3A_125 : memref<128x128xf32, #tpu.memory_space<vmem>>)
    %dma_wait3A_128 = arith.constant 0 : i32
    %dma_wait3A_129 = arith.constant 0 : i32
    %dma_wait3A_130 = tpu.memref_slice %arg5[%dma_wait3A_128, %dma_wait3A_129] : memref<3x128xi32, #tpu.memory_space<vmem>> -> memref<1x128xi32, #tpu.memory_space<vmem>>
    %dma_wait3A_131 = tpu.memref_squeeze %dma_wait3A_130 : memref<1x128xi32, #tpu.memory_space<vmem>> -> memref<128xi32, #tpu.memory_space<vmem>>
    %dma_wait3A_132 = arith.constant 0 : i32
    %dma_wait3A_133 = tpu.memref_slice %arg3[%add3A_13, %dma_wait3A_132] : memref<416x128xi32, #tpu.memory_space<hbm>> -> memref<1x128xi32, #tpu.memory_space<hbm>>
    %dma_wait3A_134 = tpu.memref_squeeze %dma_wait3A_133 : memref<1x128xi32, #tpu.memory_space<hbm>> -> memref<128xi32, #tpu.memory_space<hbm>>
    %dma_wait3A_135 = arith.constant 0 : i32
    %dma_wait3A_136 = tpu.memref_slice %arg5[%dma_wait3A_128, %dma_wait3A_135] : memref<3x128xi32, #tpu.memory_space<vmem>> -> memref<1x128xi32, #tpu.memory_space<vmem>>
    %dma_wait3A_137 = tpu.memref_squeeze %dma_wait3A_136 : memref<1x128xi32, #tpu.memory_space<vmem>> -> memref<128xi32, #tpu.memory_space<vmem>>
    %dma_wait3A_138 = arith.constant 0 : i32
    %dma_wait3A_139 = tpu.memref_slice %arg3[%add3A_13, %dma_wait3A_138] : memref<416x128xi32, #tpu.memory_space<hbm>> -> memref<1x128xi32, #tpu.memory_space<hbm>>
    %dma_wait3A_140 = tpu.memref_squeeze %dma_wait3A_139 : memref<1x128xi32, #tpu.memory_space<hbm>> -> memref<128xi32, #tpu.memory_space<hbm>>
    tpu.wait_dma2 semaphore(%arg10 : memref<!tpu.dma_semaphore, #tpu.memory_space<semaphore_mem>>) src(%dma_wait3A_140 : memref<128xi32, #tpu.memory_space<hbm>>) dst(%dma_wait3A_137 : memref<128xi32, #tpu.memory_space<vmem>>)
    %run_scoped3A_141 = arith.constant 0 : i32
    %run_scoped3A_142 = arith.constant 0 : i32
    "tpu.region"() ({
      %run_scoped3A_840 = tpu.sem_alloc : memref<!tpu.dma_semaphore, #tpu.memory_space<semaphore_mem>>
      %dma_start3A_841 = arith.constant 0 : i32
      %dma_start3A_842 = arith.constant 0 : i32
      %dma_start3A_843 = tpu.memref_slice %arg6[%run_scoped3A_141, %dma_start3A_841, %dma_start3A_842] : memref<3x128x128xf32, #tpu.memory_space<vmem>> -> memref<1x128x128xf32, #tpu.memory_space<vmem>>
      %dma_start3A_844 = tpu.memref_squeeze %dma_start3A_843 : memref<1x128x128xf32, #tpu.memory_space<vmem>> -> memref<128x128xf32, #tpu.memory_space<vmem>>
      %dma_start3A_845 = arith.constant 0 : i32
      %dma_start3A_846 = tpu.memref_slice %arg5[%run_scoped3A_142, %dma_start3A_845] : memref<3x128xi32, #tpu.memory_space<vmem>> -> memref<1x128xi32, #tpu.memory_space<vmem>>
      %dma_start3A_847 = tpu.memref_squeeze %dma_start3A_846 : memref<1x128xi32, #tpu.memory_space<vmem>> -> memref<128xi32, #tpu.memory_space<vmem>>
      %dma_start3A_848 = arith.constant 0 : i32
      %dma_start3A_849 = arith.constant 0 : i32
      %dma_start3A_850 = tpu.memref_slice %arg13[%dma_start3A_848, %dma_start3A_849] : memref<3712x128xf32, #tpu.memory_space<vmem_shared>> -> memref<3712x128xf32, #tpu.memory_space<vmem_shared>>
      tpu.enqueue_indirect_dma source(%dma_start3A_844 : memref<128x128xf32, #tpu.memory_space<vmem>>) target(%dma_start3A_850 : memref<3712x128xf32, #tpu.memory_space<vmem_shared>>) offsets(%dma_start3A_847 : memref<128xi32, #tpu.memory_space<vmem>>) semaphore(%run_scoped3A_840 : memref<!tpu.dma_semaphore, #tpu.memory_space<semaphore_mem>>) {add = true}
      %dma_wait3A_851 = arith.constant 0 : i32
      %dma_wait3A_852 = arith.constant 0 : i32
      %dma_wait3A_853 = tpu.memref_slice %arg6[%run_scoped3A_141, %dma_wait3A_851, %dma_wait3A_852] : memref<3x128x128xf32, #tpu.memory_space<vmem>> -> memref<1x128x128xf32, #tpu.memory_space<vmem>>
      %dma_wait3A_854 = tpu.memref_squeeze %dma_wait3A_853 : memref<1x128x128xf32, #tpu.memory_space<vmem>> -> memref<128x128xf32, #tpu.memory_space<vmem>>
      %dma_wait3A_855 = arith.constant 0 : i32
      %dma_wait3A_856 = tpu.memref_slice %arg5[%run_scoped3A_142, %dma_wait3A_855] : memref<3x128xi32, #tpu.memory_space<vmem>> -> memref<1x128xi32, #tpu.memory_space<vmem>>
      %dma_wait3A_857 = tpu.memref_squeeze %dma_wait3A_856 : memref<1x128xi32, #tpu.memory_space<vmem>> -> memref<128xi32, #tpu.memory_space<vmem>>
      %dma_wait3A_858 = arith.constant 0 : i32
      %dma_wait3A_859 = arith.constant 0 : i32
      %dma_wait3A_860 = tpu.memref_slice %arg13[%dma_wait3A_858, %dma_wait3A_859] : memref<3712x128xf32, #tpu.memory_space<vmem_shared>> -> memref<3712x128xf32, #tpu.memory_space<vmem_shared>>
      tpu.wait_indirect_dma semaphore(%run_scoped3A_840 : memref<!tpu.dma_semaphore, #tpu.memory_space<semaphore_mem>>) src(%dma_wait3A_854 : memref<128x128xf32, #tpu.memory_space<vmem>>) dst(%dma_wait3A_860 : memref<3712x128xf32, #tpu.memory_space<vmem_shared>>)
      tpu.yield
    }) : () -> ()
    %add3A_143 = arith.constant 96 : i32
    %add3A_144 = arith.addi %add3A, %add3A_143 : i32
    %lt3A_145 = arith.constant 400 : i32
    %lt3A_146 = arith.cmpi slt, %add3A_144, %lt3A_145 : i32
    %mul3A_147 = arith.constant 128 : i32
    %mul3A_148 = arith.muli %add3A_144, %mul3A_147 : i32
    %add3A_149 = arith.constant 0 : i32
    %add3A_150 = arith.addi %add3A_149, %mul3A_148 : i32
    %jit3A_151 = arith.constant 0 : i32
    %select_n3A_152 = arith.select %lt3A_146, %add3A_150, %jit3A_151 : i32
    %dma_start3A_153 = arith.constant 0 : i32
    %dma_start3A_154 = arith.constant 0 : i32
    %dma_start3A_155 = arith.constant 0 : i32
    %dma_start3A_156 = tpu.memref_slice %arg6[%dma_start3A_153, %dma_start3A_154, %dma_start3A_155] : memref<3x128x128xf32, #tpu.memory_space<vmem>> -> memref<1x128x128xf32, #tpu.memory_space<vmem>>
    %dma_start3A_157 = tpu.memref_squeeze %dma_start3A_156 : memref<1x128x128xf32, #tpu.memory_space<vmem>> -> memref<128x128xf32, #tpu.memory_space<vmem>>
    %dma_start3A_158 = arith.constant 0 : i32
    %dma_start3A_159 = tpu.memref_slice %arg2[%select_n3A_152, %dma_start3A_158] : memref<100000x128xf32, #tpu.memory_space<hbm>> -> memref<128x128xf32, #tpu.memory_space<hbm>>
    %dma_start3A_160 = arith.constant 0 : i32
    %dma_start3A_161 = arith.constant 0 : i32
    %dma_start3A_162 = tpu.memref_slice %arg6[%dma_start3A_153, %dma_start3A_160, %dma_start3A_161] : memref<3x128x128xf32, #tpu.memory_space<vmem>> -> memref<1x128x128xf32, #tpu.memory_space<vmem>>
    %dma_start3A_163 = tpu.memref_squeeze %dma_start3A_162 : memref<1x128x128xf32, #tpu.memory_space<vmem>> -> memref<128x128xf32, #tpu.memory_space<vmem>>
    %dma_start3A_164 = arith.constant 0 : i32
    %dma_start3A_165 = tpu.memref_slice %arg2[%select_n3A_152, %dma_start3A_164] : memref<100000x128xf32, #tpu.memory_space<hbm>> -> memref<128x128xf32, #tpu.memory_space<hbm>>
    tpu.enqueue_dma source(%dma_start3A_165 : memref<128x128xf32, #tpu.memory_space<hbm>>) target(%dma_start3A_163 : memref<128x128xf32, #tpu.memory_space<vmem>>) target_semaphore(%arg7 : memref<!tpu.dma_semaphore, #tpu.memory_space<semaphore_mem>>)
    %dma_start3A_166 = arith.constant 0 : i32
    %dma_start3A_167 = arith.constant 0 : i32
    %dma_start3A_168 = tpu.memref_slice %arg5[%dma_start3A_166, %dma_start3A_167] : memref<3x128xi32, #tpu.memory_space<vmem>> -> memref<1x128xi32, #tpu.memory_space<vmem>>
    %dma_start3A_169 = tpu.memref_squeeze %dma_start3A_168 : memref<1x128xi32, #tpu.memory_space<vmem>> -> memref<128xi32, #tpu.memory_space<vmem>>
    %dma_start3A_170 = arith.constant 0 : i32
    %dma_start3A_171 = tpu.memref_slice %arg3[%add3A_144, %dma_start3A_170] : memref<416x128xi32, #tpu.memory_space<hbm>> -> memref<1x128xi32, #tpu.memory_space<hbm>>
    %dma_start3A_172 = tpu.memref_squeeze %dma_start3A_171 : memref<1x128xi32, #tpu.memory_space<hbm>> -> memref<128xi32, #tpu.memory_space<hbm>>
    %dma_start3A_173 = arith.constant 0 : i32
    %dma_start3A_174 = tpu.memref_slice %arg5[%dma_start3A_166, %dma_start3A_173] : memref<3x128xi32, #tpu.memory_space<vmem>> -> memref<1x128xi32, #tpu.memory_space<vmem>>
    %dma_start3A_175 = tpu.memref_squeeze %dma_start3A_174 : memref<1x128xi32, #tpu.memory_space<vmem>> -> memref<128xi32, #tpu.memory_space<vmem>>
    %dma_start3A_176 = arith.constant 0 : i32
    %dma_start3A_177 = tpu.memref_slice %arg3[%add3A_144, %dma_start3A_176] : memref<416x128xi32, #tpu.memory_space<hbm>> -> memref<1x128xi32, #tpu.memory_space<hbm>>
    %dma_start3A_178 = tpu.memref_squeeze %dma_start3A_177 : memref<1x128xi32, #tpu.memory_space<hbm>> -> memref<128xi32, #tpu.memory_space<hbm>>
    tpu.enqueue_dma source(%dma_start3A_178 : memref<128xi32, #tpu.memory_space<hbm>>) target(%dma_start3A_175 : memref<128xi32, #tpu.memory_space<vmem>>) target_semaphore(%arg10 : memref<!tpu.dma_semaphore, #tpu.memory_space<semaphore_mem>>)
    %dma_wait3A_179 = arith.constant 1 : i32
    %dma_wait3A_180 = arith.constant 0 : i32
    %dma_wait3A_181 = arith.constant 0 : i32
    %dma_wait3A_182 = tpu.memref_slice %arg6[%dma_wait3A_179, %dma_wait3A_180, %dma_wait3A_181] : memref<3x128x128xf32, #tpu.memory_space<vmem>> -> memref<1x128x128xf32, #tpu.memory_space<vmem>>
    %dma_wait3A_183 = tpu.memref_squeeze %dma_wait3A_182 : memref<1x128x128xf32, #tpu.memory_space<vmem>> -> memref<128x128xf32, #tpu.memory_space<vmem>>
    %dma_wait3A_184 = arith.constant 0 : i32
    %dma_wait3A_185 = tpu.memref_slice %arg2[%select_n3A_53, %dma_wait3A_184] : memref<100000x128xf32, #tpu.memory_space<hbm>> -> memref<128x128xf32, #tpu.memory_space<hbm>>
    %dma_wait3A_186 = arith.constant 0 : i32
    %dma_wait3A_187 = arith.constant 0 : i32
    %dma_wait3A_188 = tpu.memref_slice %arg6[%dma_wait3A_179, %dma_wait3A_186, %dma_wait3A_187] : memref<3x128x128xf32, #tpu.memory_space<vmem>> -> memref<1x128x128xf32, #tpu.memory_space<vmem>>
    %dma_wait3A_189 = tpu.memref_squeeze %dma_wait3A_188 : memref<1x128x128xf32, #tpu.memory_space<vmem>> -> memref<128x128xf32, #tpu.memory_space<vmem>>
    %dma_wait3A_190 = arith.constant 0 : i32
    %dma_wait3A_191 = tpu.memref_slice %arg2[%select_n3A_53, %dma_wait3A_190] : memref<100000x128xf32, #tpu.memory_space<hbm>> -> memref<128x128xf32, #tpu.memory_space<hbm>>
    tpu.wait_dma2 semaphore(%arg8 : memref<!tpu.dma_semaphore, #tpu.memory_space<semaphore_mem>>) src(%dma_wait3A_191 : memref<128x128xf32, #tpu.memory_space<hbm>>) dst(%dma_wait3A_189 : memref<128x128xf32, #tpu.memory_space<vmem>>)
    %dma_wait3A_192 = arith.constant 1 : i32
    %dma_wait3A_193 = arith.constant 0 : i32
    %dma_wait3A_194 = tpu.memref_slice %arg5[%dma_wait3A_192, %dma_wait3A_193] : memref<3x128xi32, #tpu.memory_space<vmem>> -> memref<1x128xi32, #tpu.memory_space<vmem>>
    %dma_wait3A_195 = tpu.memref_squeeze %dma_wait3A_194 : memref<1x128xi32, #tpu.memory_space<vmem>> -> memref<128xi32, #tpu.memory_space<vmem>>
    %dma_wait3A_196 = arith.constant 0 : i32
    %dma_wait3A_197 = tpu.memref_slice %arg3[%add3A_45, %dma_wait3A_196] : memref<416x128xi32, #tpu.memory_space<hbm>> -> memref<1x128xi32, #tpu.memory_space<hbm>>
    %dma_wait3A_198 = tpu.memref_squeeze %dma_wait3A_197 : memref<1x128xi32, #tpu.memory_space<hbm>> -> memref<128xi32, #tpu.memory_space<hbm>>
    %dma_wait3A_199 = arith.constant 0 : i32
    %dma_wait3A_200 = tpu.memref_slice %arg5[%dma_wait3A_192, %dma_wait3A_199] : memref<3x128xi32, #tpu.memory_space<vmem>> -> memref<1x128xi32, #tpu.memory_space<vmem>>
    %dma_wait3A_201 = tpu.memref_squeeze %dma_wait3A_200 : memref<1x128xi32, #tpu.memory_space<vmem>> -> memref<128xi32, #tpu.memory_space<vmem>>
    %dma_wait3A_202 = arith.constant 0 : i32
    %dma_wait3A_203 = tpu.memref_slice %arg3[%add3A_45, %dma_wait3A_202] : memref<416x128xi32, #tpu.memory_space<hbm>> -> memref<1x128xi32, #tpu.memory_space<hbm>>
    %dma_wait3A_204 = tpu.memref_squeeze %dma_wait3A_203 : memref<1x128xi32, #tpu.memory_space<hbm>> -> memref<128xi32, #tpu.memory_space<hbm>>
    tpu.wait_dma2 semaphore(%arg11 : memref<!tpu.dma_semaphore, #tpu.memory_space<semaphore_mem>>) src(%dma_wait3A_204 : memref<128xi32, #tpu.memory_space<hbm>>) dst(%dma_wait3A_201 : memref<128xi32, #tpu.memory_space<vmem>>)
    %run_scoped3A_205 = arith.constant 1 : i32
    %run_scoped3A_206 = arith.constant 1 : i32
    "tpu.region"() ({
      %run_scoped3A_840 = tpu.sem_alloc : memref<!tpu.dma_semaphore, #tpu.memory_space<semaphore_mem>>
      %dma_start3A_841 = arith.constant 0 : i32
      %dma_start3A_842 = arith.constant 0 : i32
      %dma_start3A_843 = tpu.memref_slice %arg6[%run_scoped3A_205, %dma_start3A_841, %dma_start3A_842] : memref<3x128x128xf32, #tpu.memory_space<vmem>> -> memref<1x128x128xf32, #tpu.memory_space<vmem>>
      %dma_start3A_844 = tpu.memref_squeeze %dma_start3A_843 : memref<1x128x128xf32, #tpu.memory_space<vmem>> -> memref<128x128xf32, #tpu.memory_space<vmem>>
      %dma_start3A_845 = arith.constant 0 : i32
      %dma_start3A_846 = tpu.memref_slice %arg5[%run_scoped3A_206, %dma_start3A_845] : memref<3x128xi32, #tpu.memory_space<vmem>> -> memref<1x128xi32, #tpu.memory_space<vmem>>
      %dma_start3A_847 = tpu.memref_squeeze %dma_start3A_846 : memref<1x128xi32, #tpu.memory_space<vmem>> -> memref<128xi32, #tpu.memory_space<vmem>>
      %dma_start3A_848 = arith.constant 0 : i32
      %dma_start3A_849 = arith.constant 0 : i32
      %dma_start3A_850 = tpu.memref_slice %arg13[%dma_start3A_848, %dma_start3A_849] : memref<3712x128xf32, #tpu.memory_space<vmem_shared>> -> memref<3712x128xf32, #tpu.memory_space<vmem_shared>>
      tpu.enqueue_indirect_dma source(%dma_start3A_844 : memref<128x128xf32, #tpu.memory_space<vmem>>) target(%dma_start3A_850 : memref<3712x128xf32, #tpu.memory_space<vmem_shared>>) offsets(%dma_start3A_847 : memref<128xi32, #tpu.memory_space<vmem>>) semaphore(%run_scoped3A_840 : memref<!tpu.dma_semaphore, #tpu.memory_space<semaphore_mem>>) {add = true}
      %dma_wait3A_851 = arith.constant 0 : i32
      %dma_wait3A_852 = arith.constant 0 : i32
      %dma_wait3A_853 = tpu.memref_slice %arg6[%run_scoped3A_205, %dma_wait3A_851, %dma_wait3A_852] : memref<3x128x128xf32, #tpu.memory_space<vmem>> -> memref<1x128x128xf32, #tpu.memory_space<vmem>>
      %dma_wait3A_854 = tpu.memref_squeeze %dma_wait3A_853 : memref<1x128x128xf32, #tpu.memory_space<vmem>> -> memref<128x128xf32, #tpu.memory_space<vmem>>
      %dma_wait3A_855 = arith.constant 0 : i32
      %dma_wait3A_856 = tpu.memref_slice %arg5[%run_scoped3A_206, %dma_wait3A_855] : memref<3x128xi32, #tpu.memory_space<vmem>> -> memref<1x128xi32, #tpu.memory_space<vmem>>
      %dma_wait3A_857 = tpu.memref_squeeze %dma_wait3A_856 : memref<1x128xi32, #tpu.memory_space<vmem>> -> memref<128xi32, #tpu.memory_space<vmem>>
      %dma_wait3A_858 = arith.constant 0 : i32
      %dma_wait3A_859 = arith.constant 0 : i32
      %dma_wait3A_860 = tpu.memref_slice %arg13[%dma_wait3A_858, %dma_wait3A_859] : memref<3712x128xf32, #tpu.memory_space<vmem_shared>> -> memref<3712x128xf32, #tpu.memory_space<vmem_shared>>
      tpu.wait_indirect_dma semaphore(%run_scoped3A_840 : memref<!tpu.dma_semaphore, #tpu.memory_space<semaphore_mem>>) src(%dma_wait3A_854 : memref<128x128xf32, #tpu.memory_space<vmem>>) dst(%dma_wait3A_860 : memref<3712x128xf32, #tpu.memory_space<vmem_shared>>)
      tpu.yield
    }) : () -> ()
    %add3A_207 = arith.constant 128 : i32
    %add3A_208 = arith.addi %add3A, %add3A_207 : i32
    %lt3A_209 = arith.constant 400 : i32
    %lt3A_210 = arith.cmpi slt, %add3A_208, %lt3A_209 : i32
    %mul3A_211 = arith.constant 128 : i32
    %mul3A_212 = arith.muli %add3A_208, %mul3A_211 : i32
    %add3A_213 = arith.constant 0 : i32
    %add3A_214 = arith.addi %add3A_213, %mul3A_212 : i32
    %jit3A_215 = arith.constant 0 : i32
    %select_n3A_216 = arith.select %lt3A_210, %add3A_214, %jit3A_215 : i32
    %dma_start3A_217 = arith.constant 1 : i32
    %dma_start3A_218 = arith.constant 0 : i32
    %dma_start3A_219 = arith.constant 0 : i32
    %dma_start3A_220 = tpu.memref_slice %arg6[%dma_start3A_217, %dma_start3A_218, %dma_start3A_219] : memref<3x128x128xf32, #tpu.memory_space<vmem>> -> memref<1x128x128xf32, #tpu.memory_space<vmem>>
    %dma_start3A_221 = tpu.memref_squeeze %dma_start3A_220 : memref<1x128x128xf32, #tpu.memory_space<vmem>> -> memref<128x128xf32, #tpu.memory_space<vmem>>
    %dma_start3A_222 = arith.constant 0 : i32
    %dma_start3A_223 = tpu.memref_slice %arg2[%select_n3A_216, %dma_start3A_222] : memref<100000x128xf32, #tpu.memory_space<hbm>> -> memref<128x128xf32, #tpu.memory_space<hbm>>
    %dma_start3A_224 = arith.constant 0 : i32
    %dma_start3A_225 = arith.constant 0 : i32
    %dma_start3A_226 = tpu.memref_slice %arg6[%dma_start3A_217, %dma_start3A_224, %dma_start3A_225] : memref<3x128x128xf32, #tpu.memory_space<vmem>> -> memref<1x128x128xf32, #tpu.memory_space<vmem>>
    %dma_start3A_227 = tpu.memref_squeeze %dma_start3A_226 : memref<1x128x128xf32, #tpu.memory_space<vmem>> -> memref<128x128xf32, #tpu.memory_space<vmem>>
    %dma_start3A_228 = arith.constant 0 : i32
    %dma_start3A_229 = tpu.memref_slice %arg2[%select_n3A_216, %dma_start3A_228] : memref<100000x128xf32, #tpu.memory_space<hbm>> -> memref<128x128xf32, #tpu.memory_space<hbm>>
    tpu.enqueue_dma source(%dma_start3A_229 : memref<128x128xf32, #tpu.memory_space<hbm>>) target(%dma_start3A_227 : memref<128x128xf32, #tpu.memory_space<vmem>>) target_semaphore(%arg8 : memref<!tpu.dma_semaphore, #tpu.memory_space<semaphore_mem>>)
    %dma_start3A_230 = arith.constant 1 : i32
    %dma_start3A_231 = arith.constant 0 : i32
    %dma_start3A_232 = tpu.memref_slice %arg5[%dma_start3A_230, %dma_start3A_231] : memref<3x128xi32, #tpu.memory_space<vmem>> -> memref<1x128xi32, #tpu.memory_space<vmem>>
    %dma_start3A_233 = tpu.memref_squeeze %dma_start3A_232 : memref<1x128xi32, #tpu.memory_space<vmem>> -> memref<128xi32, #tpu.memory_space<vmem>>
    %dma_start3A_234 = arith.constant 0 : i32
    %dma_start3A_235 = tpu.memref_slice %arg3[%add3A_208, %dma_start3A_234] : memref<416x128xi32, #tpu.memory_space<hbm>> -> memref<1x128xi32, #tpu.memory_space<hbm>>
    %dma_start3A_236 = tpu.memref_squeeze %dma_start3A_235 : memref<1x128xi32, #tpu.memory_space<hbm>> -> memref<128xi32, #tpu.memory_space<hbm>>
    %dma_start3A_237 = arith.constant 0 : i32
    %dma_start3A_238 = tpu.memref_slice %arg5[%dma_start3A_230, %dma_start3A_237] : memref<3x128xi32, #tpu.memory_space<vmem>> -> memref<1x128xi32, #tpu.memory_space<vmem>>
    %dma_start3A_239 = tpu.memref_squeeze %dma_start3A_238 : memref<1x128xi32, #tpu.memory_space<vmem>> -> memref<128xi32, #tpu.memory_space<vmem>>
    %dma_start3A_240 = arith.constant 0 : i32
    %dma_start3A_241 = tpu.memref_slice %arg3[%add3A_208, %dma_start3A_240] : memref<416x128xi32, #tpu.memory_space<hbm>> -> memref<1x128xi32, #tpu.memory_space<hbm>>
    %dma_start3A_242 = tpu.memref_squeeze %dma_start3A_241 : memref<1x128xi32, #tpu.memory_space<hbm>> -> memref<128xi32, #tpu.memory_space<hbm>>
    tpu.enqueue_dma source(%dma_start3A_242 : memref<128xi32, #tpu.memory_space<hbm>>) target(%dma_start3A_239 : memref<128xi32, #tpu.memory_space<vmem>>) target_semaphore(%arg11 : memref<!tpu.dma_semaphore, #tpu.memory_space<semaphore_mem>>)
    %dma_wait3A_243 = arith.constant 2 : i32
    %dma_wait3A_244 = arith.constant 0 : i32
    %dma_wait3A_245 = arith.constant 0 : i32
    %dma_wait3A_246 = tpu.memref_slice %arg6[%dma_wait3A_243, %dma_wait3A_244, %dma_wait3A_245] : memref<3x128x128xf32, #tpu.memory_space<vmem>> -> memref<1x128x128xf32, #tpu.memory_space<vmem>>
    %dma_wait3A_247 = tpu.memref_squeeze %dma_wait3A_246 : memref<1x128x128xf32, #tpu.memory_space<vmem>> -> memref<128x128xf32, #tpu.memory_space<vmem>>
    %dma_wait3A_248 = arith.constant 0 : i32
    %dma_wait3A_249 = tpu.memref_slice %arg2[%select_n3A_89, %dma_wait3A_248] : memref<100000x128xf32, #tpu.memory_space<hbm>> -> memref<128x128xf32, #tpu.memory_space<hbm>>
    %dma_wait3A_250 = arith.constant 0 : i32
    %dma_wait3A_251 = arith.constant 0 : i32
    %dma_wait3A_252 = tpu.memref_slice %arg6[%dma_wait3A_243, %dma_wait3A_250, %dma_wait3A_251] : memref<3x128x128xf32, #tpu.memory_space<vmem>> -> memref<1x128x128xf32, #tpu.memory_space<vmem>>
    %dma_wait3A_253 = tpu.memref_squeeze %dma_wait3A_252 : memref<1x128x128xf32, #tpu.memory_space<vmem>> -> memref<128x128xf32, #tpu.memory_space<vmem>>
    %dma_wait3A_254 = arith.constant 0 : i32
    %dma_wait3A_255 = tpu.memref_slice %arg2[%select_n3A_89, %dma_wait3A_254] : memref<100000x128xf32, #tpu.memory_space<hbm>> -> memref<128x128xf32, #tpu.memory_space<hbm>>
    tpu.wait_dma2 semaphore(%arg9 : memref<!tpu.dma_semaphore, #tpu.memory_space<semaphore_mem>>) src(%dma_wait3A_255 : memref<128x128xf32, #tpu.memory_space<hbm>>) dst(%dma_wait3A_253 : memref<128x128xf32, #tpu.memory_space<vmem>>)
    %dma_wait3A_256 = arith.constant 2 : i32
    %dma_wait3A_257 = arith.constant 0 : i32
    %dma_wait3A_258 = tpu.memref_slice %arg5[%dma_wait3A_256, %dma_wait3A_257] : memref<3x128xi32, #tpu.memory_space<vmem>> -> memref<1x128xi32, #tpu.memory_space<vmem>>
    %dma_wait3A_259 = tpu.memref_squeeze %dma_wait3A_258 : memref<1x128xi32, #tpu.memory_space<vmem>> -> memref<128xi32, #tpu.memory_space<vmem>>
    %dma_wait3A_260 = arith.constant 0 : i32
    %dma_wait3A_261 = tpu.memref_slice %arg3[%add3A_81, %dma_wait3A_260] : memref<416x128xi32, #tpu.memory_space<hbm>> -> memref<1x128xi32, #tpu.memory_space<hbm>>
    %dma_wait3A_262 = tpu.memref_squeeze %dma_wait3A_261 : memref<1x128xi32, #tpu.memory_space<hbm>> -> memref<128xi32, #tpu.memory_space<hbm>>
    %dma_wait3A_263 = arith.constant 0 : i32
    %dma_wait3A_264 = tpu.memref_slice %arg5[%dma_wait3A_256, %dma_wait3A_263] : memref<3x128xi32, #tpu.memory_space<vmem>> -> memref<1x128xi32, #tpu.memory_space<vmem>>
    %dma_wait3A_265 = tpu.memref_squeeze %dma_wait3A_264 : memref<1x128xi32, #tpu.memory_space<vmem>> -> memref<128xi32, #tpu.memory_space<vmem>>
    %dma_wait3A_266 = arith.constant 0 : i32
    %dma_wait3A_267 = tpu.memref_slice %arg3[%add3A_81, %dma_wait3A_266] : memref<416x128xi32, #tpu.memory_space<hbm>> -> memref<1x128xi32, #tpu.memory_space<hbm>>
    %dma_wait3A_268 = tpu.memref_squeeze %dma_wait3A_267 : memref<1x128xi32, #tpu.memory_space<hbm>> -> memref<128xi32, #tpu.memory_space<hbm>>
    tpu.wait_dma2 semaphore(%arg12 : memref<!tpu.dma_semaphore, #tpu.memory_space<semaphore_mem>>) src(%dma_wait3A_268 : memref<128xi32, #tpu.memory_space<hbm>>) dst(%dma_wait3A_265 : memref<128xi32, #tpu.memory_space<vmem>>)
    %run_scoped3A_269 = arith.constant 2 : i32
    %run_scoped3A_270 = arith.constant 2 : i32
    "tpu.region"() ({
      %run_scoped3A_840 = tpu.sem_alloc : memref<!tpu.dma_semaphore, #tpu.memory_space<semaphore_mem>>
      %dma_start3A_841 = arith.constant 0 : i32
      %dma_start3A_842 = arith.constant 0 : i32
      %dma_start3A_843 = tpu.memref_slice %arg6[%run_scoped3A_269, %dma_start3A_841, %dma_start3A_842] : memref<3x128x128xf32, #tpu.memory_space<vmem>> -> memref<1x128x128xf32, #tpu.memory_space<vmem>>
      %dma_start3A_844 = tpu.memref_squeeze %dma_start3A_843 : memref<1x128x128xf32, #tpu.memory_space<vmem>> -> memref<128x128xf32, #tpu.memory_space<vmem>>
      %dma_start3A_845 = arith.constant 0 : i32
      %dma_start3A_846 = tpu.memref_slice %arg5[%run_scoped3A_270, %dma_start3A_845] : memref<3x128xi32, #tpu.memory_space<vmem>> -> memref<1x128xi32, #tpu.memory_space<vmem>>
      %dma_start3A_847 = tpu.memref_squeeze %dma_start3A_846 : memref<1x128xi32, #tpu.memory_space<vmem>> -> memref<128xi32, #tpu.memory_space<vmem>>
      %dma_start3A_848 = arith.constant 0 : i32
      %dma_start3A_849 = arith.constant 0 : i32
      %dma_start3A_850 = tpu.memref_slice %arg13[%dma_start3A_848, %dma_start3A_849] : memref<3712x128xf32, #tpu.memory_space<vmem_shared>> -> memref<3712x128xf32, #tpu.memory_space<vmem_shared>>
      tpu.enqueue_indirect_dma source(%dma_start3A_844 : memref<128x128xf32, #tpu.memory_space<vmem>>) target(%dma_start3A_850 : memref<3712x128xf32, #tpu.memory_space<vmem_shared>>) offsets(%dma_start3A_847 : memref<128xi32, #tpu.memory_space<vmem>>) semaphore(%run_scoped3A_840 : memref<!tpu.dma_semaphore, #tpu.memory_space<semaphore_mem>>) {add = true}
      %dma_wait3A_851 = arith.constant 0 : i32
      %dma_wait3A_852 = arith.constant 0 : i32
      %dma_wait3A_853 = tpu.memref_slice %arg6[%run_scoped3A_269, %dma_wait3A_851, %dma_wait3A_852] : memref<3x128x128xf32, #tpu.memory_space<vmem>> -> memref<1x128x128xf32, #tpu.memory_space<vmem>>
      %dma_wait3A_854 = tpu.memref_squeeze %dma_wait3A_853 : memref<1x128x128xf32, #tpu.memory_space<vmem>> -> memref<128x128xf32, #tpu.memory_space<vmem>>
      %dma_wait3A_855 = arith.constant 0 : i32
      %dma_wait3A_856 = tpu.memref_slice %arg5[%run_scoped3A_270, %dma_wait3A_855] : memref<3x128xi32, #tpu.memory_space<vmem>> -> memref<1x128xi32, #tpu.memory_space<vmem>>
      %dma_wait3A_857 = tpu.memref_squeeze %dma_wait3A_856 : memref<1x128xi32, #tpu.memory_space<vmem>> -> memref<128xi32, #tpu.memory_space<vmem>>
      %dma_wait3A_858 = arith.constant 0 : i32
      %dma_wait3A_859 = arith.constant 0 : i32
      %dma_wait3A_860 = tpu.memref_slice %arg13[%dma_wait3A_858, %dma_wait3A_859] : memref<3712x128xf32, #tpu.memory_space<vmem_shared>> -> memref<3712x128xf32, #tpu.memory_space<vmem_shared>>
      tpu.wait_indirect_dma semaphore(%run_scoped3A_840 : memref<!tpu.dma_semaphore, #tpu.memory_space<semaphore_mem>>) src(%dma_wait3A_854 : memref<128x128xf32, #tpu.memory_space<vmem>>) dst(%dma_wait3A_860 : memref<3712x128xf32, #tpu.memory_space<vmem_shared>>)
      tpu.yield
    }) : () -> ()
    %add3A_271 = arith.constant 160 : i32
    %add3A_272 = arith.addi %add3A, %add3A_271 : i32
    %lt3A_273 = arith.constant 400 : i32
    %lt3A_274 = arith.cmpi slt, %add3A_272, %lt3A_273 : i32
    %mul3A_275 = arith.constant 128 : i32
    %mul3A_276 = arith.muli %add3A_272, %mul3A_275 : i32
    %add3A_277 = arith.constant 0 : i32
    %add3A_278 = arith.addi %add3A_277, %mul3A_276 : i32
    %jit3A_279 = arith.constant 0 : i32
    %select_n3A_280 = arith.select %lt3A_274, %add3A_278, %jit3A_279 : i32
    %dma_start3A_281 = arith.constant 2 : i32
    %dma_start3A_282 = arith.constant 0 : i32
    %dma_start3A_283 = arith.constant 0 : i32
    %dma_start3A_284 = tpu.memref_slice %arg6[%dma_start3A_281, %dma_start3A_282, %dma_start3A_283] : memref<3x128x128xf32, #tpu.memory_space<vmem>> -> memref<1x128x128xf32, #tpu.memory_space<vmem>>
    %dma_start3A_285 = tpu.memref_squeeze %dma_start3A_284 : memref<1x128x128xf32, #tpu.memory_space<vmem>> -> memref<128x128xf32, #tpu.memory_space<vmem>>
    %dma_start3A_286 = arith.constant 0 : i32
    %dma_start3A_287 = tpu.memref_slice %arg2[%select_n3A_280, %dma_start3A_286] : memref<100000x128xf32, #tpu.memory_space<hbm>> -> memref<128x128xf32, #tpu.memory_space<hbm>>
    %dma_start3A_288 = arith.constant 0 : i32
    %dma_start3A_289 = arith.constant 0 : i32
    %dma_start3A_290 = tpu.memref_slice %arg6[%dma_start3A_281, %dma_start3A_288, %dma_start3A_289] : memref<3x128x128xf32, #tpu.memory_space<vmem>> -> memref<1x128x128xf32, #tpu.memory_space<vmem>>
    %dma_start3A_291 = tpu.memref_squeeze %dma_start3A_290 : memref<1x128x128xf32, #tpu.memory_space<vmem>> -> memref<128x128xf32, #tpu.memory_space<vmem>>
    %dma_start3A_292 = arith.constant 0 : i32
    %dma_start3A_293 = tpu.memref_slice %arg2[%select_n3A_280, %dma_start3A_292] : memref<100000x128xf32, #tpu.memory_space<hbm>> -> memref<128x128xf32, #tpu.memory_space<hbm>>
    tpu.enqueue_dma source(%dma_start3A_293 : memref<128x128xf32, #tpu.memory_space<hbm>>) target(%dma_start3A_291 : memref<128x128xf32, #tpu.memory_space<vmem>>) target_semaphore(%arg9 : memref<!tpu.dma_semaphore, #tpu.memory_space<semaphore_mem>>)
    %dma_start3A_294 = arith.constant 2 : i32
    %dma_start3A_295 = arith.constant 0 : i32
    %dma_start3A_296 = tpu.memref_slice %arg5[%dma_start3A_294, %dma_start3A_295] : memref<3x128xi32, #tpu.memory_space<vmem>> -> memref<1x128xi32, #tpu.memory_space<vmem>>
    %dma_start3A_297 = tpu.memref_squeeze %dma_start3A_296 : memref<1x128xi32, #tpu.memory_space<vmem>> -> memref<128xi32, #tpu.memory_space<vmem>>
    %dma_start3A_298 = arith.constant 0 : i32
    %dma_start3A_299 = tpu.memref_slice %arg3[%add3A_272, %dma_start3A_298] : memref<416x128xi32, #tpu.memory_space<hbm>> -> memref<1x128xi32, #tpu.memory_space<hbm>>
    %dma_start3A_300 = tpu.memref_squeeze %dma_start3A_299 : memref<1x128xi32, #tpu.memory_space<hbm>> -> memref<128xi32, #tpu.memory_space<hbm>>
    %dma_start3A_301 = arith.constant 0 : i32
    %dma_start3A_302 = tpu.memref_slice %arg5[%dma_start3A_294, %dma_start3A_301] : memref<3x128xi32, #tpu.memory_space<vmem>> -> memref<1x128xi32, #tpu.memory_space<vmem>>
    %dma_start3A_303 = tpu.memref_squeeze %dma_start3A_302 : memref<1x128xi32, #tpu.memory_space<vmem>> -> memref<128xi32, #tpu.memory_space<vmem>>
    %dma_start3A_304 = arith.constant 0 : i32
    %dma_start3A_305 = tpu.memref_slice %arg3[%add3A_272, %dma_start3A_304] : memref<416x128xi32, #tpu.memory_space<hbm>> -> memref<1x128xi32, #tpu.memory_space<hbm>>
    %dma_start3A_306 = tpu.memref_squeeze %dma_start3A_305 : memref<1x128xi32, #tpu.memory_space<hbm>> -> memref<128xi32, #tpu.memory_space<hbm>>
    tpu.enqueue_dma source(%dma_start3A_306 : memref<128xi32, #tpu.memory_space<hbm>>) target(%dma_start3A_303 : memref<128xi32, #tpu.memory_space<vmem>>) target_semaphore(%arg12 : memref<!tpu.dma_semaphore, #tpu.memory_space<semaphore_mem>>)
    %dma_wait3A_307 = arith.constant 0 : i32
    %dma_wait3A_308 = arith.constant 0 : i32
    %dma_wait3A_309 = arith.constant 0 : i32
    %dma_wait3A_310 = tpu.memref_slice %arg6[%dma_wait3A_307, %dma_wait3A_308, %dma_wait3A_309] : memref<3x128x128xf32, #tpu.memory_space<vmem>> -> memref<1x128x128xf32, #tpu.memory_space<vmem>>
    %dma_wait3A_311 = tpu.memref_squeeze %dma_wait3A_310 : memref<1x128x128xf32, #tpu.memory_space<vmem>> -> memref<128x128xf32, #tpu.memory_space<vmem>>
    %dma_wait3A_312 = arith.constant 0 : i32
    %dma_wait3A_313 = tpu.memref_slice %arg2[%select_n3A_152, %dma_wait3A_312] : memref<100000x128xf32, #tpu.memory_space<hbm>> -> memref<128x128xf32, #tpu.memory_space<hbm>>
    %dma_wait3A_314 = arith.constant 0 : i32
    %dma_wait3A_315 = arith.constant 0 : i32
    %dma_wait3A_316 = tpu.memref_slice %arg6[%dma_wait3A_307, %dma_wait3A_314, %dma_wait3A_315] : memref<3x128x128xf32, #tpu.memory_space<vmem>> -> memref<1x128x128xf32, #tpu.memory_space<vmem>>
    %dma_wait3A_317 = tpu.memref_squeeze %dma_wait3A_316 : memref<1x128x128xf32, #tpu.memory_space<vmem>> -> memref<128x128xf32, #tpu.memory_space<vmem>>
    %dma_wait3A_318 = arith.constant 0 : i32
    %dma_wait3A_319 = tpu.memref_slice %arg2[%select_n3A_152, %dma_wait3A_318] : memref<100000x128xf32, #tpu.memory_space<hbm>> -> memref<128x128xf32, #tpu.memory_space<hbm>>
    tpu.wait_dma2 semaphore(%arg7 : memref<!tpu.dma_semaphore, #tpu.memory_space<semaphore_mem>>) src(%dma_wait3A_319 : memref<128x128xf32, #tpu.memory_space<hbm>>) dst(%dma_wait3A_317 : memref<128x128xf32, #tpu.memory_space<vmem>>)
    %dma_wait3A_320 = arith.constant 0 : i32
    %dma_wait3A_321 = arith.constant 0 : i32
    %dma_wait3A_322 = tpu.memref_slice %arg5[%dma_wait3A_320, %dma_wait3A_321] : memref<3x128xi32, #tpu.memory_space<vmem>> -> memref<1x128xi32, #tpu.memory_space<vmem>>
    %dma_wait3A_323 = tpu.memref_squeeze %dma_wait3A_322 : memref<1x128xi32, #tpu.memory_space<vmem>> -> memref<128xi32, #tpu.memory_space<vmem>>
    %dma_wait3A_324 = arith.constant 0 : i32
    %dma_wait3A_325 = tpu.memref_slice %arg3[%add3A_144, %dma_wait3A_324] : memref<416x128xi32, #tpu.memory_space<hbm>> -> memref<1x128xi32, #tpu.memory_space<hbm>>
    %dma_wait3A_326 = tpu.memref_squeeze %dma_wait3A_325 : memref<1x128xi32, #tpu.memory_space<hbm>> -> memref<128xi32, #tpu.memory_space<hbm>>
    %dma_wait3A_327 = arith.constant 0 : i32
    %dma_wait3A_328 = tpu.memref_slice %arg5[%dma_wait3A_320, %dma_wait3A_327] : memref<3x128xi32, #tpu.memory_space<vmem>> -> memref<1x128xi32, #tpu.memory_space<vmem>>
    %dma_wait3A_329 = tpu.memref_squeeze %dma_wait3A_328 : memref<1x128xi32, #tpu.memory_space<vmem>> -> memref<128xi32, #tpu.memory_space<vmem>>
    %dma_wait3A_330 = arith.constant 0 : i32
    %dma_wait3A_331 = tpu.memref_slice %arg3[%add3A_144, %dma_wait3A_330] : memref<416x128xi32, #tpu.memory_space<hbm>> -> memref<1x128xi32, #tpu.memory_space<hbm>>
    %dma_wait3A_332 = tpu.memref_squeeze %dma_wait3A_331 : memref<1x128xi32, #tpu.memory_space<hbm>> -> memref<128xi32, #tpu.memory_space<hbm>>
    tpu.wait_dma2 semaphore(%arg10 : memref<!tpu.dma_semaphore, #tpu.memory_space<semaphore_mem>>) src(%dma_wait3A_332 : memref<128xi32, #tpu.memory_space<hbm>>) dst(%dma_wait3A_329 : memref<128xi32, #tpu.memory_space<vmem>>)
    %run_scoped3A_333 = arith.constant 0 : i32
    %run_scoped3A_334 = arith.constant 0 : i32
    "tpu.region"() ({
      %run_scoped3A_840 = tpu.sem_alloc : memref<!tpu.dma_semaphore, #tpu.memory_space<semaphore_mem>>
      %dma_start3A_841 = arith.constant 0 : i32
      %dma_start3A_842 = arith.constant 0 : i32
      %dma_start3A_843 = tpu.memref_slice %arg6[%run_scoped3A_333, %dma_start3A_841, %dma_start3A_842] : memref<3x128x128xf32, #tpu.memory_space<vmem>> -> memref<1x128x128xf32, #tpu.memory_space<vmem>>
      %dma_start3A_844 = tpu.memref_squeeze %dma_start3A_843 : memref<1x128x128xf32, #tpu.memory_space<vmem>> -> memref<128x128xf32, #tpu.memory_space<vmem>>
      %dma_start3A_845 = arith.constant 0 : i32
      %dma_start3A_846 = tpu.memref_slice %arg5[%run_scoped3A_334, %dma_start3A_845] : memref<3x128xi32, #tpu.memory_space<vmem>> -> memref<1x128xi32, #tpu.memory_space<vmem>>
      %dma_start3A_847 = tpu.memref_squeeze %dma_start3A_846 : memref<1x128xi32, #tpu.memory_space<vmem>> -> memref<128xi32, #tpu.memory_space<vmem>>
      %dma_start3A_848 = arith.constant 0 : i32
      %dma_start3A_849 = arith.constant 0 : i32
      %dma_start3A_850 = tpu.memref_slice %arg13[%dma_start3A_848, %dma_start3A_849] : memref<3712x128xf32, #tpu.memory_space<vmem_shared>> -> memref<3712x128xf32, #tpu.memory_space<vmem_shared>>
      tpu.enqueue_indirect_dma source(%dma_start3A_844 : memref<128x128xf32, #tpu.memory_space<vmem>>) target(%dma_start3A_850 : memref<3712x128xf32, #tpu.memory_space<vmem_shared>>) offsets(%dma_start3A_847 : memref<128xi32, #tpu.memory_space<vmem>>) semaphore(%run_scoped3A_840 : memref<!tpu.dma_semaphore, #tpu.memory_space<semaphore_mem>>) {add = true}
      %dma_wait3A_851 = arith.constant 0 : i32
      %dma_wait3A_852 = arith.constant 0 : i32
      %dma_wait3A_853 = tpu.memref_slice %arg6[%run_scoped3A_333, %dma_wait3A_851, %dma_wait3A_852] : memref<3x128x128xf32, #tpu.memory_space<vmem>> -> memref<1x128x128xf32, #tpu.memory_space<vmem>>
      %dma_wait3A_854 = tpu.memref_squeeze %dma_wait3A_853 : memref<1x128x128xf32, #tpu.memory_space<vmem>> -> memref<128x128xf32, #tpu.memory_space<vmem>>
      %dma_wait3A_855 = arith.constant 0 : i32
      %dma_wait3A_856 = tpu.memref_slice %arg5[%run_scoped3A_334, %dma_wait3A_855] : memref<3x128xi32, #tpu.memory_space<vmem>> -> memref<1x128xi32, #tpu.memory_space<vmem>>
      %dma_wait3A_857 = tpu.memref_squeeze %dma_wait3A_856 : memref<1x128xi32, #tpu.memory_space<vmem>> -> memref<128xi32, #tpu.memory_space<vmem>>
      %dma_wait3A_858 = arith.constant 0 : i32
      %dma_wait3A_859 = arith.constant 0 : i32
      %dma_wait3A_860 = tpu.memref_slice %arg13[%dma_wait3A_858, %dma_wait3A_859] : memref<3712x128xf32, #tpu.memory_space<vmem_shared>> -> memref<3712x128xf32, #tpu.memory_space<vmem_shared>>
      tpu.wait_indirect_dma semaphore(%run_scoped3A_840 : memref<!tpu.dma_semaphore, #tpu.memory_space<semaphore_mem>>) src(%dma_wait3A_854 : memref<128x128xf32, #tpu.memory_space<vmem>>) dst(%dma_wait3A_860 : memref<3712x128xf32, #tpu.memory_space<vmem_shared>>)
      tpu.yield
    }) : () -> ()
    %add3A_335 = arith.constant 192 : i32
    %add3A_336 = arith.addi %add3A, %add3A_335 : i32
    %lt3A_337 = arith.constant 400 : i32
    %lt3A_338 = arith.cmpi slt, %add3A_336, %lt3A_337 : i32
    %mul3A_339 = arith.constant 128 : i32
    %mul3A_340 = arith.muli %add3A_336, %mul3A_339 : i32
    %add3A_341 = arith.constant 0 : i32
    %add3A_342 = arith.addi %add3A_341, %mul3A_340 : i32
    %jit3A_343 = arith.constant 0 : i32
    %select_n3A_344 = arith.select %lt3A_338, %add3A_342, %jit3A_343 : i32
    %dma_start3A_345 = arith.constant 0 : i32
    %dma_start3A_346 = arith.constant 0 : i32
    %dma_start3A_347 = arith.constant 0 : i32
    %dma_start3A_348 = tpu.memref_slice %arg6[%dma_start3A_345, %dma_start3A_346, %dma_start3A_347] : memref<3x128x128xf32, #tpu.memory_space<vmem>> -> memref<1x128x128xf32, #tpu.memory_space<vmem>>
    %dma_start3A_349 = tpu.memref_squeeze %dma_start3A_348 : memref<1x128x128xf32, #tpu.memory_space<vmem>> -> memref<128x128xf32, #tpu.memory_space<vmem>>
    %dma_start3A_350 = arith.constant 0 : i32
    %dma_start3A_351 = tpu.memref_slice %arg2[%select_n3A_344, %dma_start3A_350] : memref<100000x128xf32, #tpu.memory_space<hbm>> -> memref<128x128xf32, #tpu.memory_space<hbm>>
    %dma_start3A_352 = arith.constant 0 : i32
    %dma_start3A_353 = arith.constant 0 : i32
    %dma_start3A_354 = tpu.memref_slice %arg6[%dma_start3A_345, %dma_start3A_352, %dma_start3A_353] : memref<3x128x128xf32, #tpu.memory_space<vmem>> -> memref<1x128x128xf32, #tpu.memory_space<vmem>>
    %dma_start3A_355 = tpu.memref_squeeze %dma_start3A_354 : memref<1x128x128xf32, #tpu.memory_space<vmem>> -> memref<128x128xf32, #tpu.memory_space<vmem>>
    %dma_start3A_356 = arith.constant 0 : i32
    %dma_start3A_357 = tpu.memref_slice %arg2[%select_n3A_344, %dma_start3A_356] : memref<100000x128xf32, #tpu.memory_space<hbm>> -> memref<128x128xf32, #tpu.memory_space<hbm>>
    tpu.enqueue_dma source(%dma_start3A_357 : memref<128x128xf32, #tpu.memory_space<hbm>>) target(%dma_start3A_355 : memref<128x128xf32, #tpu.memory_space<vmem>>) target_semaphore(%arg7 : memref<!tpu.dma_semaphore, #tpu.memory_space<semaphore_mem>>)
    %dma_start3A_358 = arith.constant 0 : i32
    %dma_start3A_359 = arith.constant 0 : i32
    %dma_start3A_360 = tpu.memref_slice %arg5[%dma_start3A_358, %dma_start3A_359] : memref<3x128xi32, #tpu.memory_space<vmem>> -> memref<1x128xi32, #tpu.memory_space<vmem>>
    %dma_start3A_361 = tpu.memref_squeeze %dma_start3A_360 : memref<1x128xi32, #tpu.memory_space<vmem>> -> memref<128xi32, #tpu.memory_space<vmem>>
    %dma_start3A_362 = arith.constant 0 : i32
    %dma_start3A_363 = tpu.memref_slice %arg3[%add3A_336, %dma_start3A_362] : memref<416x128xi32, #tpu.memory_space<hbm>> -> memref<1x128xi32, #tpu.memory_space<hbm>>
    %dma_start3A_364 = tpu.memref_squeeze %dma_start3A_363 : memref<1x128xi32, #tpu.memory_space<hbm>> -> memref<128xi32, #tpu.memory_space<hbm>>
    %dma_start3A_365 = arith.constant 0 : i32
    %dma_start3A_366 = tpu.memref_slice %arg5[%dma_start3A_358, %dma_start3A_365] : memref<3x128xi32, #tpu.memory_space<vmem>> -> memref<1x128xi32, #tpu.memory_space<vmem>>
    %dma_start3A_367 = tpu.memref_squeeze %dma_start3A_366 : memref<1x128xi32, #tpu.memory_space<vmem>> -> memref<128xi32, #tpu.memory_space<vmem>>
    %dma_start3A_368 = arith.constant 0 : i32
    %dma_start3A_369 = tpu.memref_slice %arg3[%add3A_336, %dma_start3A_368] : memref<416x128xi32, #tpu.memory_space<hbm>> -> memref<1x128xi32, #tpu.memory_space<hbm>>
    %dma_start3A_370 = tpu.memref_squeeze %dma_start3A_369 : memref<1x128xi32, #tpu.memory_space<hbm>> -> memref<128xi32, #tpu.memory_space<hbm>>
    tpu.enqueue_dma source(%dma_start3A_370 : memref<128xi32, #tpu.memory_space<hbm>>) target(%dma_start3A_367 : memref<128xi32, #tpu.memory_space<vmem>>) target_semaphore(%arg10 : memref<!tpu.dma_semaphore, #tpu.memory_space<semaphore_mem>>)
    %dma_wait3A_371 = arith.constant 1 : i32
    %dma_wait3A_372 = arith.constant 0 : i32
    %dma_wait3A_373 = arith.constant 0 : i32
    %dma_wait3A_374 = tpu.memref_slice %arg6[%dma_wait3A_371, %dma_wait3A_372, %dma_wait3A_373] : memref<3x128x128xf32, #tpu.memory_space<vmem>> -> memref<1x128x128xf32, #tpu.memory_space<vmem>>
    %dma_wait3A_375 = tpu.memref_squeeze %dma_wait3A_374 : memref<1x128x128xf32, #tpu.memory_space<vmem>> -> memref<128x128xf32, #tpu.memory_space<vmem>>
    %dma_wait3A_376 = arith.constant 0 : i32
    %dma_wait3A_377 = tpu.memref_slice %arg2[%select_n3A_216, %dma_wait3A_376] : memref<100000x128xf32, #tpu.memory_space<hbm>> -> memref<128x128xf32, #tpu.memory_space<hbm>>
    %dma_wait3A_378 = arith.constant 0 : i32
    %dma_wait3A_379 = arith.constant 0 : i32
    %dma_wait3A_380 = tpu.memref_slice %arg6[%dma_wait3A_371, %dma_wait3A_378, %dma_wait3A_379] : memref<3x128x128xf32, #tpu.memory_space<vmem>> -> memref<1x128x128xf32, #tpu.memory_space<vmem>>
    %dma_wait3A_381 = tpu.memref_squeeze %dma_wait3A_380 : memref<1x128x128xf32, #tpu.memory_space<vmem>> -> memref<128x128xf32, #tpu.memory_space<vmem>>
    %dma_wait3A_382 = arith.constant 0 : i32
    %dma_wait3A_383 = tpu.memref_slice %arg2[%select_n3A_216, %dma_wait3A_382] : memref<100000x128xf32, #tpu.memory_space<hbm>> -> memref<128x128xf32, #tpu.memory_space<hbm>>
    tpu.wait_dma2 semaphore(%arg8 : memref<!tpu.dma_semaphore, #tpu.memory_space<semaphore_mem>>) src(%dma_wait3A_383 : memref<128x128xf32, #tpu.memory_space<hbm>>) dst(%dma_wait3A_381 : memref<128x128xf32, #tpu.memory_space<vmem>>)
    %dma_wait3A_384 = arith.constant 1 : i32
    %dma_wait3A_385 = arith.constant 0 : i32
    %dma_wait3A_386 = tpu.memref_slice %arg5[%dma_wait3A_384, %dma_wait3A_385] : memref<3x128xi32, #tpu.memory_space<vmem>> -> memref<1x128xi32, #tpu.memory_space<vmem>>
    %dma_wait3A_387 = tpu.memref_squeeze %dma_wait3A_386 : memref<1x128xi32, #tpu.memory_space<vmem>> -> memref<128xi32, #tpu.memory_space<vmem>>
    %dma_wait3A_388 = arith.constant 0 : i32
    %dma_wait3A_389 = tpu.memref_slice %arg3[%add3A_208, %dma_wait3A_388] : memref<416x128xi32, #tpu.memory_space<hbm>> -> memref<1x128xi32, #tpu.memory_space<hbm>>
    %dma_wait3A_390 = tpu.memref_squeeze %dma_wait3A_389 : memref<1x128xi32, #tpu.memory_space<hbm>> -> memref<128xi32, #tpu.memory_space<hbm>>
    %dma_wait3A_391 = arith.constant 0 : i32
    %dma_wait3A_392 = tpu.memref_slice %arg5[%dma_wait3A_384, %dma_wait3A_391] : memref<3x128xi32, #tpu.memory_space<vmem>> -> memref<1x128xi32, #tpu.memory_space<vmem>>
    %dma_wait3A_393 = tpu.memref_squeeze %dma_wait3A_392 : memref<1x128xi32, #tpu.memory_space<vmem>> -> memref<128xi32, #tpu.memory_space<vmem>>
    %dma_wait3A_394 = arith.constant 0 : i32
    %dma_wait3A_395 = tpu.memref_slice %arg3[%add3A_208, %dma_wait3A_394] : memref<416x128xi32, #tpu.memory_space<hbm>> -> memref<1x128xi32, #tpu.memory_space<hbm>>
    %dma_wait3A_396 = tpu.memref_squeeze %dma_wait3A_395 : memref<1x128xi32, #tpu.memory_space<hbm>> -> memref<128xi32, #tpu.memory_space<hbm>>
    tpu.wait_dma2 semaphore(%arg11 : memref<!tpu.dma_semaphore, #tpu.memory_space<semaphore_mem>>) src(%dma_wait3A_396 : memref<128xi32, #tpu.memory_space<hbm>>) dst(%dma_wait3A_393 : memref<128xi32, #tpu.memory_space<vmem>>)
    %run_scoped3A_397 = arith.constant 1 : i32
    %run_scoped3A_398 = arith.constant 1 : i32
    "tpu.region"() ({
      %run_scoped3A_840 = tpu.sem_alloc : memref<!tpu.dma_semaphore, #tpu.memory_space<semaphore_mem>>
      %dma_start3A_841 = arith.constant 0 : i32
      %dma_start3A_842 = arith.constant 0 : i32
      %dma_start3A_843 = tpu.memref_slice %arg6[%run_scoped3A_397, %dma_start3A_841, %dma_start3A_842] : memref<3x128x128xf32, #tpu.memory_space<vmem>> -> memref<1x128x128xf32, #tpu.memory_space<vmem>>
      %dma_start3A_844 = tpu.memref_squeeze %dma_start3A_843 : memref<1x128x128xf32, #tpu.memory_space<vmem>> -> memref<128x128xf32, #tpu.memory_space<vmem>>
      %dma_start3A_845 = arith.constant 0 : i32
      %dma_start3A_846 = tpu.memref_slice %arg5[%run_scoped3A_398, %dma_start3A_845] : memref<3x128xi32, #tpu.memory_space<vmem>> -> memref<1x128xi32, #tpu.memory_space<vmem>>
      %dma_start3A_847 = tpu.memref_squeeze %dma_start3A_846 : memref<1x128xi32, #tpu.memory_space<vmem>> -> memref<128xi32, #tpu.memory_space<vmem>>
      %dma_start3A_848 = arith.constant 0 : i32
      %dma_start3A_849 = arith.constant 0 : i32
      %dma_start3A_850 = tpu.memref_slice %arg13[%dma_start3A_848, %dma_start3A_849] : memref<3712x128xf32, #tpu.memory_space<vmem_shared>> -> memref<3712x128xf32, #tpu.memory_space<vmem_shared>>
      tpu.enqueue_indirect_dma source(%dma_start3A_844 : memref<128x128xf32, #tpu.memory_space<vmem>>) target(%dma_start3A_850 : memref<3712x128xf32, #tpu.memory_space<vmem_shared>>) offsets(%dma_start3A_847 : memref<128xi32, #tpu.memory_space<vmem>>) semaphore(%run_scoped3A_840 : memref<!tpu.dma_semaphore, #tpu.memory_space<semaphore_mem>>) {add = true}
      %dma_wait3A_851 = arith.constant 0 : i32
      %dma_wait3A_852 = arith.constant 0 : i32
      %dma_wait3A_853 = tpu.memref_slice %arg6[%run_scoped3A_397, %dma_wait3A_851, %dma_wait3A_852] : memref<3x128x128xf32, #tpu.memory_space<vmem>> -> memref<1x128x128xf32, #tpu.memory_space<vmem>>
      %dma_wait3A_854 = tpu.memref_squeeze %dma_wait3A_853 : memref<1x128x128xf32, #tpu.memory_space<vmem>> -> memref<128x128xf32, #tpu.memory_space<vmem>>
      %dma_wait3A_855 = arith.constant 0 : i32
      %dma_wait3A_856 = tpu.memref_slice %arg5[%run_scoped3A_398, %dma_wait3A_855] : memref<3x128xi32, #tpu.memory_space<vmem>> -> memref<1x128xi32, #tpu.memory_space<vmem>>
      %dma_wait3A_857 = tpu.memref_squeeze %dma_wait3A_856 : memref<1x128xi32, #tpu.memory_space<vmem>> -> memref<128xi32, #tpu.memory_space<vmem>>
      %dma_wait3A_858 = arith.constant 0 : i32
      %dma_wait3A_859 = arith.constant 0 : i32
      %dma_wait3A_860 = tpu.memref_slice %arg13[%dma_wait3A_858, %dma_wait3A_859] : memref<3712x128xf32, #tpu.memory_space<vmem_shared>> -> memref<3712x128xf32, #tpu.memory_space<vmem_shared>>
      tpu.wait_indirect_dma semaphore(%run_scoped3A_840 : memref<!tpu.dma_semaphore, #tpu.memory_space<semaphore_mem>>) src(%dma_wait3A_854 : memref<128x128xf32, #tpu.memory_space<vmem>>) dst(%dma_wait3A_860 : memref<3712x128xf32, #tpu.memory_space<vmem_shared>>)
      tpu.yield
    }) : () -> ()
    %add3A_399 = arith.constant 224 : i32
    %add3A_400 = arith.addi %add3A, %add3A_399 : i32
    %lt3A_401 = arith.constant 400 : i32
    %lt3A_402 = arith.cmpi slt, %add3A_400, %lt3A_401 : i32
    %mul3A_403 = arith.constant 128 : i32
    %mul3A_404 = arith.muli %add3A_400, %mul3A_403 : i32
    %add3A_405 = arith.constant 0 : i32
    %add3A_406 = arith.addi %add3A_405, %mul3A_404 : i32
    %jit3A_407 = arith.constant 0 : i32
    %select_n3A_408 = arith.select %lt3A_402, %add3A_406, %jit3A_407 : i32
    %dma_start3A_409 = arith.constant 1 : i32
    %dma_start3A_410 = arith.constant 0 : i32
    %dma_start3A_411 = arith.constant 0 : i32
    %dma_start3A_412 = tpu.memref_slice %arg6[%dma_start3A_409, %dma_start3A_410, %dma_start3A_411] : memref<3x128x128xf32, #tpu.memory_space<vmem>> -> memref<1x128x128xf32, #tpu.memory_space<vmem>>
    %dma_start3A_413 = tpu.memref_squeeze %dma_start3A_412 : memref<1x128x128xf32, #tpu.memory_space<vmem>> -> memref<128x128xf32, #tpu.memory_space<vmem>>
    %dma_start3A_414 = arith.constant 0 : i32
    %dma_start3A_415 = tpu.memref_slice %arg2[%select_n3A_408, %dma_start3A_414] : memref<100000x128xf32, #tpu.memory_space<hbm>> -> memref<128x128xf32, #tpu.memory_space<hbm>>
    %dma_start3A_416 = arith.constant 0 : i32
    %dma_start3A_417 = arith.constant 0 : i32
    %dma_start3A_418 = tpu.memref_slice %arg6[%dma_start3A_409, %dma_start3A_416, %dma_start3A_417] : memref<3x128x128xf32, #tpu.memory_space<vmem>> -> memref<1x128x128xf32, #tpu.memory_space<vmem>>
    %dma_start3A_419 = tpu.memref_squeeze %dma_start3A_418 : memref<1x128x128xf32, #tpu.memory_space<vmem>> -> memref<128x128xf32, #tpu.memory_space<vmem>>
    %dma_start3A_420 = arith.constant 0 : i32
    %dma_start3A_421 = tpu.memref_slice %arg2[%select_n3A_408, %dma_start3A_420] : memref<100000x128xf32, #tpu.memory_space<hbm>> -> memref<128x128xf32, #tpu.memory_space<hbm>>
    tpu.enqueue_dma source(%dma_start3A_421 : memref<128x128xf32, #tpu.memory_space<hbm>>) target(%dma_start3A_419 : memref<128x128xf32, #tpu.memory_space<vmem>>) target_semaphore(%arg8 : memref<!tpu.dma_semaphore, #tpu.memory_space<semaphore_mem>>)
    %dma_start3A_422 = arith.constant 1 : i32
    %dma_start3A_423 = arith.constant 0 : i32
    %dma_start3A_424 = tpu.memref_slice %arg5[%dma_start3A_422, %dma_start3A_423] : memref<3x128xi32, #tpu.memory_space<vmem>> -> memref<1x128xi32, #tpu.memory_space<vmem>>
    %dma_start3A_425 = tpu.memref_squeeze %dma_start3A_424 : memref<1x128xi32, #tpu.memory_space<vmem>> -> memref<128xi32, #tpu.memory_space<vmem>>
    %dma_start3A_426 = arith.constant 0 : i32
    %dma_start3A_427 = tpu.memref_slice %arg3[%add3A_400, %dma_start3A_426] : memref<416x128xi32, #tpu.memory_space<hbm>> -> memref<1x128xi32, #tpu.memory_space<hbm>>
    %dma_start3A_428 = tpu.memref_squeeze %dma_start3A_427 : memref<1x128xi32, #tpu.memory_space<hbm>> -> memref<128xi32, #tpu.memory_space<hbm>>
    %dma_start3A_429 = arith.constant 0 : i32
    %dma_start3A_430 = tpu.memref_slice %arg5[%dma_start3A_422, %dma_start3A_429] : memref<3x128xi32, #tpu.memory_space<vmem>> -> memref<1x128xi32, #tpu.memory_space<vmem>>
    %dma_start3A_431 = tpu.memref_squeeze %dma_start3A_430 : memref<1x128xi32, #tpu.memory_space<vmem>> -> memref<128xi32, #tpu.memory_space<vmem>>
    %dma_start3A_432 = arith.constant 0 : i32
    %dma_start3A_433 = tpu.memref_slice %arg3[%add3A_400, %dma_start3A_432] : memref<416x128xi32, #tpu.memory_space<hbm>> -> memref<1x128xi32, #tpu.memory_space<hbm>>
    %dma_start3A_434 = tpu.memref_squeeze %dma_start3A_433 : memref<1x128xi32, #tpu.memory_space<hbm>> -> memref<128xi32, #tpu.memory_space<hbm>>
    tpu.enqueue_dma source(%dma_start3A_434 : memref<128xi32, #tpu.memory_space<hbm>>) target(%dma_start3A_431 : memref<128xi32, #tpu.memory_space<vmem>>) target_semaphore(%arg11 : memref<!tpu.dma_semaphore, #tpu.memory_space<semaphore_mem>>)
    %dma_wait3A_435 = arith.constant 2 : i32
    %dma_wait3A_436 = arith.constant 0 : i32
    %dma_wait3A_437 = arith.constant 0 : i32
    %dma_wait3A_438 = tpu.memref_slice %arg6[%dma_wait3A_435, %dma_wait3A_436, %dma_wait3A_437] : memref<3x128x128xf32, #tpu.memory_space<vmem>> -> memref<1x128x128xf32, #tpu.memory_space<vmem>>
    %dma_wait3A_439 = tpu.memref_squeeze %dma_wait3A_438 : memref<1x128x128xf32, #tpu.memory_space<vmem>> -> memref<128x128xf32, #tpu.memory_space<vmem>>
    %dma_wait3A_440 = arith.constant 0 : i32
    %dma_wait3A_441 = tpu.memref_slice %arg2[%select_n3A_280, %dma_wait3A_440] : memref<100000x128xf32, #tpu.memory_space<hbm>> -> memref<128x128xf32, #tpu.memory_space<hbm>>
    %dma_wait3A_442 = arith.constant 0 : i32
    %dma_wait3A_443 = arith.constant 0 : i32
    %dma_wait3A_444 = tpu.memref_slice %arg6[%dma_wait3A_435, %dma_wait3A_442, %dma_wait3A_443] : memref<3x128x128xf32, #tpu.memory_space<vmem>> -> memref<1x128x128xf32, #tpu.memory_space<vmem>>
    %dma_wait3A_445 = tpu.memref_squeeze %dma_wait3A_444 : memref<1x128x128xf32, #tpu.memory_space<vmem>> -> memref<128x128xf32, #tpu.memory_space<vmem>>
    %dma_wait3A_446 = arith.constant 0 : i32
    %dma_wait3A_447 = tpu.memref_slice %arg2[%select_n3A_280, %dma_wait3A_446] : memref<100000x128xf32, #tpu.memory_space<hbm>> -> memref<128x128xf32, #tpu.memory_space<hbm>>
    tpu.wait_dma2 semaphore(%arg9 : memref<!tpu.dma_semaphore, #tpu.memory_space<semaphore_mem>>) src(%dma_wait3A_447 : memref<128x128xf32, #tpu.memory_space<hbm>>) dst(%dma_wait3A_445 : memref<128x128xf32, #tpu.memory_space<vmem>>)
    %dma_wait3A_448 = arith.constant 2 : i32
    %dma_wait3A_449 = arith.constant 0 : i32
    %dma_wait3A_450 = tpu.memref_slice %arg5[%dma_wait3A_448, %dma_wait3A_449] : memref<3x128xi32, #tpu.memory_space<vmem>> -> memref<1x128xi32, #tpu.memory_space<vmem>>
    %dma_wait3A_451 = tpu.memref_squeeze %dma_wait3A_450 : memref<1x128xi32, #tpu.memory_space<vmem>> -> memref<128xi32, #tpu.memory_space<vmem>>
    %dma_wait3A_452 = arith.constant 0 : i32
    %dma_wait3A_453 = tpu.memref_slice %arg3[%add3A_272, %dma_wait3A_452] : memref<416x128xi32, #tpu.memory_space<hbm>> -> memref<1x128xi32, #tpu.memory_space<hbm>>
    %dma_wait3A_454 = tpu.memref_squeeze %dma_wait3A_453 : memref<1x128xi32, #tpu.memory_space<hbm>> -> memref<128xi32, #tpu.memory_space<hbm>>
    %dma_wait3A_455 = arith.constant 0 : i32
    %dma_wait3A_456 = tpu.memref_slice %arg5[%dma_wait3A_448, %dma_wait3A_455] : memref<3x128xi32, #tpu.memory_space<vmem>> -> memref<1x128xi32, #tpu.memory_space<vmem>>
    %dma_wait3A_457 = tpu.memref_squeeze %dma_wait3A_456 : memref<1x128xi32, #tpu.memory_space<vmem>> -> memref<128xi32, #tpu.memory_space<vmem>>
    %dma_wait3A_458 = arith.constant 0 : i32
    %dma_wait3A_459 = tpu.memref_slice %arg3[%add3A_272, %dma_wait3A_458] : memref<416x128xi32, #tpu.memory_space<hbm>> -> memref<1x128xi32, #tpu.memory_space<hbm>>
    %dma_wait3A_460 = tpu.memref_squeeze %dma_wait3A_459 : memref<1x128xi32, #tpu.memory_space<hbm>> -> memref<128xi32, #tpu.memory_space<hbm>>
    tpu.wait_dma2 semaphore(%arg12 : memref<!tpu.dma_semaphore, #tpu.memory_space<semaphore_mem>>) src(%dma_wait3A_460 : memref<128xi32, #tpu.memory_space<hbm>>) dst(%dma_wait3A_457 : memref<128xi32, #tpu.memory_space<vmem>>)
    %run_scoped3A_461 = arith.constant 2 : i32
    %run_scoped3A_462 = arith.constant 2 : i32
    "tpu.region"() ({
      %run_scoped3A_840 = tpu.sem_alloc : memref<!tpu.dma_semaphore, #tpu.memory_space<semaphore_mem>>
      %dma_start3A_841 = arith.constant 0 : i32
      %dma_start3A_842 = arith.constant 0 : i32
      %dma_start3A_843 = tpu.memref_slice %arg6[%run_scoped3A_461, %dma_start3A_841, %dma_start3A_842] : memref<3x128x128xf32, #tpu.memory_space<vmem>> -> memref<1x128x128xf32, #tpu.memory_space<vmem>>
      %dma_start3A_844 = tpu.memref_squeeze %dma_start3A_843 : memref<1x128x128xf32, #tpu.memory_space<vmem>> -> memref<128x128xf32, #tpu.memory_space<vmem>>
      %dma_start3A_845 = arith.constant 0 : i32
      %dma_start3A_846 = tpu.memref_slice %arg5[%run_scoped3A_462, %dma_start3A_845] : memref<3x128xi32, #tpu.memory_space<vmem>> -> memref<1x128xi32, #tpu.memory_space<vmem>>
      %dma_start3A_847 = tpu.memref_squeeze %dma_start3A_846 : memref<1x128xi32, #tpu.memory_space<vmem>> -> memref<128xi32, #tpu.memory_space<vmem>>
      %dma_start3A_848 = arith.constant 0 : i32
      %dma_start3A_849 = arith.constant 0 : i32
      %dma_start3A_850 = tpu.memref_slice %arg13[%dma_start3A_848, %dma_start3A_849] : memref<3712x128xf32, #tpu.memory_space<vmem_shared>> -> memref<3712x128xf32, #tpu.memory_space<vmem_shared>>
      tpu.enqueue_indirect_dma source(%dma_start3A_844 : memref<128x128xf32, #tpu.memory_space<vmem>>) target(%dma_start3A_850 : memref<3712x128xf32, #tpu.memory_space<vmem_shared>>) offsets(%dma_start3A_847 : memref<128xi32, #tpu.memory_space<vmem>>) semaphore(%run_scoped3A_840 : memref<!tpu.dma_semaphore, #tpu.memory_space<semaphore_mem>>) {add = true}
      %dma_wait3A_851 = arith.constant 0 : i32
      %dma_wait3A_852 = arith.constant 0 : i32
      %dma_wait3A_853 = tpu.memref_slice %arg6[%run_scoped3A_461, %dma_wait3A_851, %dma_wait3A_852] : memref<3x128x128xf32, #tpu.memory_space<vmem>> -> memref<1x128x128xf32, #tpu.memory_space<vmem>>
      %dma_wait3A_854 = tpu.memref_squeeze %dma_wait3A_853 : memref<1x128x128xf32, #tpu.memory_space<vmem>> -> memref<128x128xf32, #tpu.memory_space<vmem>>
      %dma_wait3A_855 = arith.constant 0 : i32
      %dma_wait3A_856 = tpu.memref_slice %arg5[%run_scoped3A_462, %dma_wait3A_855] : memref<3x128xi32, #tpu.memory_space<vmem>> -> memref<1x128xi32, #tpu.memory_space<vmem>>
      %dma_wait3A_857 = tpu.memref_squeeze %dma_wait3A_856 : memref<1x128xi32, #tpu.memory_space<vmem>> -> memref<128xi32, #tpu.memory_space<vmem>>
      %dma_wait3A_858 = arith.constant 0 : i32
      %dma_wait3A_859 = arith.constant 0 : i32
      %dma_wait3A_860 = tpu.memref_slice %arg13[%dma_wait3A_858, %dma_wait3A_859] : memref<3712x128xf32, #tpu.memory_space<vmem_shared>> -> memref<3712x128xf32, #tpu.memory_space<vmem_shared>>
      tpu.wait_indirect_dma semaphore(%run_scoped3A_840 : memref<!tpu.dma_semaphore, #tpu.memory_space<semaphore_mem>>) src(%dma_wait3A_854 : memref<128x128xf32, #tpu.memory_space<vmem>>) dst(%dma_wait3A_860 : memref<3712x128xf32, #tpu.memory_space<vmem_shared>>)
      tpu.yield
    }) : () -> ()
    %add3A_463 = arith.constant 256 : i32
    %add3A_464 = arith.addi %add3A, %add3A_463 : i32
    %lt3A_465 = arith.constant 400 : i32
    %lt3A_466 = arith.cmpi slt, %add3A_464, %lt3A_465 : i32
    %mul3A_467 = arith.constant 128 : i32
    %mul3A_468 = arith.muli %add3A_464, %mul3A_467 : i32
    %add3A_469 = arith.constant 0 : i32
    %add3A_470 = arith.addi %add3A_469, %mul3A_468 : i32
    %jit3A_471 = arith.constant 0 : i32
    %select_n3A_472 = arith.select %lt3A_466, %add3A_470, %jit3A_471 : i32
    %dma_start3A_473 = arith.constant 2 : i32
    %dma_start3A_474 = arith.constant 0 : i32
    %dma_start3A_475 = arith.constant 0 : i32
    %dma_start3A_476 = tpu.memref_slice %arg6[%dma_start3A_473, %dma_start3A_474, %dma_start3A_475] : memref<3x128x128xf32, #tpu.memory_space<vmem>> -> memref<1x128x128xf32, #tpu.memory_space<vmem>>
    %dma_start3A_477 = tpu.memref_squeeze %dma_start3A_476 : memref<1x128x128xf32, #tpu.memory_space<vmem>> -> memref<128x128xf32, #tpu.memory_space<vmem>>
    %dma_start3A_478 = arith.constant 0 : i32
    %dma_start3A_479 = tpu.memref_slice %arg2[%select_n3A_472, %dma_start3A_478] : memref<100000x128xf32, #tpu.memory_space<hbm>> -> memref<128x128xf32, #tpu.memory_space<hbm>>
    %dma_start3A_480 = arith.constant 0 : i32
    %dma_start3A_481 = arith.constant 0 : i32
    %dma_start3A_482 = tpu.memref_slice %arg6[%dma_start3A_473, %dma_start3A_480, %dma_start3A_481] : memref<3x128x128xf32, #tpu.memory_space<vmem>> -> memref<1x128x128xf32, #tpu.memory_space<vmem>>
    %dma_start3A_483 = tpu.memref_squeeze %dma_start3A_482 : memref<1x128x128xf32, #tpu.memory_space<vmem>> -> memref<128x128xf32, #tpu.memory_space<vmem>>
    %dma_start3A_484 = arith.constant 0 : i32
    %dma_start3A_485 = tpu.memref_slice %arg2[%select_n3A_472, %dma_start3A_484] : memref<100000x128xf32, #tpu.memory_space<hbm>> -> memref<128x128xf32, #tpu.memory_space<hbm>>
    tpu.enqueue_dma source(%dma_start3A_485 : memref<128x128xf32, #tpu.memory_space<hbm>>) target(%dma_start3A_483 : memref<128x128xf32, #tpu.memory_space<vmem>>) target_semaphore(%arg9 : memref<!tpu.dma_semaphore, #tpu.memory_space<semaphore_mem>>)
    %dma_start3A_486 = arith.constant 2 : i32
    %dma_start3A_487 = arith.constant 0 : i32
    %dma_start3A_488 = tpu.memref_slice %arg5[%dma_start3A_486, %dma_start3A_487] : memref<3x128xi32, #tpu.memory_space<vmem>> -> memref<1x128xi32, #tpu.memory_space<vmem>>
    %dma_start3A_489 = tpu.memref_squeeze %dma_start3A_488 : memref<1x128xi32, #tpu.memory_space<vmem>> -> memref<128xi32, #tpu.memory_space<vmem>>
    %dma_start3A_490 = arith.constant 0 : i32
    %dma_start3A_491 = tpu.memref_slice %arg3[%add3A_464, %dma_start3A_490] : memref<416x128xi32, #tpu.memory_space<hbm>> -> memref<1x128xi32, #tpu.memory_space<hbm>>
    %dma_start3A_492 = tpu.memref_squeeze %dma_start3A_491 : memref<1x128xi32, #tpu.memory_space<hbm>> -> memref<128xi32, #tpu.memory_space<hbm>>
    %dma_start3A_493 = arith.constant 0 : i32
    %dma_start3A_494 = tpu.memref_slice %arg5[%dma_start3A_486, %dma_start3A_493] : memref<3x128xi32, #tpu.memory_space<vmem>> -> memref<1x128xi32, #tpu.memory_space<vmem>>
    %dma_start3A_495 = tpu.memref_squeeze %dma_start3A_494 : memref<1x128xi32, #tpu.memory_space<vmem>> -> memref<128xi32, #tpu.memory_space<vmem>>
    %dma_start3A_496 = arith.constant 0 : i32
    %dma_start3A_497 = tpu.memref_slice %arg3[%add3A_464, %dma_start3A_496] : memref<416x128xi32, #tpu.memory_space<hbm>> -> memref<1x128xi32, #tpu.memory_space<hbm>>
    %dma_start3A_498 = tpu.memref_squeeze %dma_start3A_497 : memref<1x128xi32, #tpu.memory_space<hbm>> -> memref<128xi32, #tpu.memory_space<hbm>>
    tpu.enqueue_dma source(%dma_start3A_498 : memref<128xi32, #tpu.memory_space<hbm>>) target(%dma_start3A_495 : memref<128xi32, #tpu.memory_space<vmem>>) target_semaphore(%arg12 : memref<!tpu.dma_semaphore, #tpu.memory_space<semaphore_mem>>)
    %dma_wait3A_499 = arith.constant 0 : i32
    %dma_wait3A_500 = arith.constant 0 : i32
    %dma_wait3A_501 = arith.constant 0 : i32
    %dma_wait3A_502 = tpu.memref_slice %arg6[%dma_wait3A_499, %dma_wait3A_500, %dma_wait3A_501] : memref<3x128x128xf32, #tpu.memory_space<vmem>> -> memref<1x128x128xf32, #tpu.memory_space<vmem>>
    %dma_wait3A_503 = tpu.memref_squeeze %dma_wait3A_502 : memref<1x128x128xf32, #tpu.memory_space<vmem>> -> memref<128x128xf32, #tpu.memory_space<vmem>>
    %dma_wait3A_504 = arith.constant 0 : i32
    %dma_wait3A_505 = tpu.memref_slice %arg2[%select_n3A_344, %dma_wait3A_504] : memref<100000x128xf32, #tpu.memory_space<hbm>> -> memref<128x128xf32, #tpu.memory_space<hbm>>
    %dma_wait3A_506 = arith.constant 0 : i32
    %dma_wait3A_507 = arith.constant 0 : i32
    %dma_wait3A_508 = tpu.memref_slice %arg6[%dma_wait3A_499, %dma_wait3A_506, %dma_wait3A_507] : memref<3x128x128xf32, #tpu.memory_space<vmem>> -> memref<1x128x128xf32, #tpu.memory_space<vmem>>
    %dma_wait3A_509 = tpu.memref_squeeze %dma_wait3A_508 : memref<1x128x128xf32, #tpu.memory_space<vmem>> -> memref<128x128xf32, #tpu.memory_space<vmem>>
    %dma_wait3A_510 = arith.constant 0 : i32
    %dma_wait3A_511 = tpu.memref_slice %arg2[%select_n3A_344, %dma_wait3A_510] : memref<100000x128xf32, #tpu.memory_space<hbm>> -> memref<128x128xf32, #tpu.memory_space<hbm>>
    tpu.wait_dma2 semaphore(%arg7 : memref<!tpu.dma_semaphore, #tpu.memory_space<semaphore_mem>>) src(%dma_wait3A_511 : memref<128x128xf32, #tpu.memory_space<hbm>>) dst(%dma_wait3A_509 : memref<128x128xf32, #tpu.memory_space<vmem>>)
    %dma_wait3A_512 = arith.constant 0 : i32
    %dma_wait3A_513 = arith.constant 0 : i32
    %dma_wait3A_514 = tpu.memref_slice %arg5[%dma_wait3A_512, %dma_wait3A_513] : memref<3x128xi32, #tpu.memory_space<vmem>> -> memref<1x128xi32, #tpu.memory_space<vmem>>
    %dma_wait3A_515 = tpu.memref_squeeze %dma_wait3A_514 : memref<1x128xi32, #tpu.memory_space<vmem>> -> memref<128xi32, #tpu.memory_space<vmem>>
    %dma_wait3A_516 = arith.constant 0 : i32
    %dma_wait3A_517 = tpu.memref_slice %arg3[%add3A_336, %dma_wait3A_516] : memref<416x128xi32, #tpu.memory_space<hbm>> -> memref<1x128xi32, #tpu.memory_space<hbm>>
    %dma_wait3A_518 = tpu.memref_squeeze %dma_wait3A_517 : memref<1x128xi32, #tpu.memory_space<hbm>> -> memref<128xi32, #tpu.memory_space<hbm>>
    %dma_wait3A_519 = arith.constant 0 : i32
    %dma_wait3A_520 = tpu.memref_slice %arg5[%dma_wait3A_512, %dma_wait3A_519] : memref<3x128xi32, #tpu.memory_space<vmem>> -> memref<1x128xi32, #tpu.memory_space<vmem>>
    %dma_wait3A_521 = tpu.memref_squeeze %dma_wait3A_520 : memref<1x128xi32, #tpu.memory_space<vmem>> -> memref<128xi32, #tpu.memory_space<vmem>>
    %dma_wait3A_522 = arith.constant 0 : i32
    %dma_wait3A_523 = tpu.memref_slice %arg3[%add3A_336, %dma_wait3A_522] : memref<416x128xi32, #tpu.memory_space<hbm>> -> memref<1x128xi32, #tpu.memory_space<hbm>>
    %dma_wait3A_524 = tpu.memref_squeeze %dma_wait3A_523 : memref<1x128xi32, #tpu.memory_space<hbm>> -> memref<128xi32, #tpu.memory_space<hbm>>
    tpu.wait_dma2 semaphore(%arg10 : memref<!tpu.dma_semaphore, #tpu.memory_space<semaphore_mem>>) src(%dma_wait3A_524 : memref<128xi32, #tpu.memory_space<hbm>>) dst(%dma_wait3A_521 : memref<128xi32, #tpu.memory_space<vmem>>)
    %run_scoped3A_525 = arith.constant 0 : i32
    %run_scoped3A_526 = arith.constant 0 : i32
    "tpu.region"() ({
      %run_scoped3A_840 = tpu.sem_alloc : memref<!tpu.dma_semaphore, #tpu.memory_space<semaphore_mem>>
      %dma_start3A_841 = arith.constant 0 : i32
      %dma_start3A_842 = arith.constant 0 : i32
      %dma_start3A_843 = tpu.memref_slice %arg6[%run_scoped3A_525, %dma_start3A_841, %dma_start3A_842] : memref<3x128x128xf32, #tpu.memory_space<vmem>> -> memref<1x128x128xf32, #tpu.memory_space<vmem>>
      %dma_start3A_844 = tpu.memref_squeeze %dma_start3A_843 : memref<1x128x128xf32, #tpu.memory_space<vmem>> -> memref<128x128xf32, #tpu.memory_space<vmem>>
      %dma_start3A_845 = arith.constant 0 : i32
      %dma_start3A_846 = tpu.memref_slice %arg5[%run_scoped3A_526, %dma_start3A_845] : memref<3x128xi32, #tpu.memory_space<vmem>> -> memref<1x128xi32, #tpu.memory_space<vmem>>
      %dma_start3A_847 = tpu.memref_squeeze %dma_start3A_846 : memref<1x128xi32, #tpu.memory_space<vmem>> -> memref<128xi32, #tpu.memory_space<vmem>>
      %dma_start3A_848 = arith.constant 0 : i32
      %dma_start3A_849 = arith.constant 0 : i32
      %dma_start3A_850 = tpu.memref_slice %arg13[%dma_start3A_848, %dma_start3A_849] : memref<3712x128xf32, #tpu.memory_space<vmem_shared>> -> memref<3712x128xf32, #tpu.memory_space<vmem_shared>>
      tpu.enqueue_indirect_dma source(%dma_start3A_844 : memref<128x128xf32, #tpu.memory_space<vmem>>) target(%dma_start3A_850 : memref<3712x128xf32, #tpu.memory_space<vmem_shared>>) offsets(%dma_start3A_847 : memref<128xi32, #tpu.memory_space<vmem>>) semaphore(%run_scoped3A_840 : memref<!tpu.dma_semaphore, #tpu.memory_space<semaphore_mem>>) {add = true}
      %dma_wait3A_851 = arith.constant 0 : i32
      %dma_wait3A_852 = arith.constant 0 : i32
      %dma_wait3A_853 = tpu.memref_slice %arg6[%run_scoped3A_525, %dma_wait3A_851, %dma_wait3A_852] : memref<3x128x128xf32, #tpu.memory_space<vmem>> -> memref<1x128x128xf32, #tpu.memory_space<vmem>>
      %dma_wait3A_854 = tpu.memref_squeeze %dma_wait3A_853 : memref<1x128x128xf32, #tpu.memory_space<vmem>> -> memref<128x128xf32, #tpu.memory_space<vmem>>
      %dma_wait3A_855 = arith.constant 0 : i32
      %dma_wait3A_856 = tpu.memref_slice %arg5[%run_scoped3A_526, %dma_wait3A_855] : memref<3x128xi32, #tpu.memory_space<vmem>> -> memref<1x128xi32, #tpu.memory_space<vmem>>
      %dma_wait3A_857 = tpu.memref_squeeze %dma_wait3A_856 : memref<1x128xi32, #tpu.memory_space<vmem>> -> memref<128xi32, #tpu.memory_space<vmem>>
      %dma_wait3A_858 = arith.constant 0 : i32
      %dma_wait3A_859 = arith.constant 0 : i32
      %dma_wait3A_860 = tpu.memref_slice %arg13[%dma_wait3A_858, %dma_wait3A_859] : memref<3712x128xf32, #tpu.memory_space<vmem_shared>> -> memref<3712x128xf32, #tpu.memory_space<vmem_shared>>
      tpu.wait_indirect_dma semaphore(%run_scoped3A_840 : memref<!tpu.dma_semaphore, #tpu.memory_space<semaphore_mem>>) src(%dma_wait3A_854 : memref<128x128xf32, #tpu.memory_space<vmem>>) dst(%dma_wait3A_860 : memref<3712x128xf32, #tpu.memory_space<vmem_shared>>)
      tpu.yield
    }) : () -> ()
    %add3A_527 = arith.constant 288 : i32
    %add3A_528 = arith.addi %add3A, %add3A_527 : i32
    %lt3A_529 = arith.constant 400 : i32
    %lt3A_530 = arith.cmpi slt, %add3A_528, %lt3A_529 : i32
    %mul3A_531 = arith.constant 128 : i32
    %mul3A_532 = arith.muli %add3A_528, %mul3A_531 : i32
    %add3A_533 = arith.constant 0 : i32
    %add3A_534 = arith.addi %add3A_533, %mul3A_532 : i32
    %jit3A_535 = arith.constant 0 : i32
    %select_n3A_536 = arith.select %lt3A_530, %add3A_534, %jit3A_535 : i32
    %dma_start3A_537 = arith.constant 0 : i32
    %dma_start3A_538 = arith.constant 0 : i32
    %dma_start3A_539 = arith.constant 0 : i32
    %dma_start3A_540 = tpu.memref_slice %arg6[%dma_start3A_537, %dma_start3A_538, %dma_start3A_539] : memref<3x128x128xf32, #tpu.memory_space<vmem>> -> memref<1x128x128xf32, #tpu.memory_space<vmem>>
    %dma_start3A_541 = tpu.memref_squeeze %dma_start3A_540 : memref<1x128x128xf32, #tpu.memory_space<vmem>> -> memref<128x128xf32, #tpu.memory_space<vmem>>
    %dma_start3A_542 = arith.constant 0 : i32
    %dma_start3A_543 = tpu.memref_slice %arg2[%select_n3A_536, %dma_start3A_542] : memref<100000x128xf32, #tpu.memory_space<hbm>> -> memref<128x128xf32, #tpu.memory_space<hbm>>
    %dma_start3A_544 = arith.constant 0 : i32
    %dma_start3A_545 = arith.constant 0 : i32
    %dma_start3A_546 = tpu.memref_slice %arg6[%dma_start3A_537, %dma_start3A_544, %dma_start3A_545] : memref<3x128x128xf32, #tpu.memory_space<vmem>> -> memref<1x128x128xf32, #tpu.memory_space<vmem>>
    %dma_start3A_547 = tpu.memref_squeeze %dma_start3A_546 : memref<1x128x128xf32, #tpu.memory_space<vmem>> -> memref<128x128xf32, #tpu.memory_space<vmem>>
    %dma_start3A_548 = arith.constant 0 : i32
    %dma_start3A_549 = tpu.memref_slice %arg2[%select_n3A_536, %dma_start3A_548] : memref<100000x128xf32, #tpu.memory_space<hbm>> -> memref<128x128xf32, #tpu.memory_space<hbm>>
    tpu.enqueue_dma source(%dma_start3A_549 : memref<128x128xf32, #tpu.memory_space<hbm>>) target(%dma_start3A_547 : memref<128x128xf32, #tpu.memory_space<vmem>>) target_semaphore(%arg7 : memref<!tpu.dma_semaphore, #tpu.memory_space<semaphore_mem>>)
    %dma_start3A_550 = arith.constant 0 : i32
    %dma_start3A_551 = arith.constant 0 : i32
    %dma_start3A_552 = tpu.memref_slice %arg5[%dma_start3A_550, %dma_start3A_551] : memref<3x128xi32, #tpu.memory_space<vmem>> -> memref<1x128xi32, #tpu.memory_space<vmem>>
    %dma_start3A_553 = tpu.memref_squeeze %dma_start3A_552 : memref<1x128xi32, #tpu.memory_space<vmem>> -> memref<128xi32, #tpu.memory_space<vmem>>
    %dma_start3A_554 = arith.constant 0 : i32
    %dma_start3A_555 = tpu.memref_slice %arg3[%add3A_528, %dma_start3A_554] : memref<416x128xi32, #tpu.memory_space<hbm>> -> memref<1x128xi32, #tpu.memory_space<hbm>>
    %dma_start3A_556 = tpu.memref_squeeze %dma_start3A_555 : memref<1x128xi32, #tpu.memory_space<hbm>> -> memref<128xi32, #tpu.memory_space<hbm>>
    %dma_start3A_557 = arith.constant 0 : i32
    %dma_start3A_558 = tpu.memref_slice %arg5[%dma_start3A_550, %dma_start3A_557] : memref<3x128xi32, #tpu.memory_space<vmem>> -> memref<1x128xi32, #tpu.memory_space<vmem>>
    %dma_start3A_559 = tpu.memref_squeeze %dma_start3A_558 : memref<1x128xi32, #tpu.memory_space<vmem>> -> memref<128xi32, #tpu.memory_space<vmem>>
    %dma_start3A_560 = arith.constant 0 : i32
    %dma_start3A_561 = tpu.memref_slice %arg3[%add3A_528, %dma_start3A_560] : memref<416x128xi32, #tpu.memory_space<hbm>> -> memref<1x128xi32, #tpu.memory_space<hbm>>
    %dma_start3A_562 = tpu.memref_squeeze %dma_start3A_561 : memref<1x128xi32, #tpu.memory_space<hbm>> -> memref<128xi32, #tpu.memory_space<hbm>>
    tpu.enqueue_dma source(%dma_start3A_562 : memref<128xi32, #tpu.memory_space<hbm>>) target(%dma_start3A_559 : memref<128xi32, #tpu.memory_space<vmem>>) target_semaphore(%arg10 : memref<!tpu.dma_semaphore, #tpu.memory_space<semaphore_mem>>)
    %dma_wait3A_563 = arith.constant 1 : i32
    %dma_wait3A_564 = arith.constant 0 : i32
    %dma_wait3A_565 = arith.constant 0 : i32
    %dma_wait3A_566 = tpu.memref_slice %arg6[%dma_wait3A_563, %dma_wait3A_564, %dma_wait3A_565] : memref<3x128x128xf32, #tpu.memory_space<vmem>> -> memref<1x128x128xf32, #tpu.memory_space<vmem>>
    %dma_wait3A_567 = tpu.memref_squeeze %dma_wait3A_566 : memref<1x128x128xf32, #tpu.memory_space<vmem>> -> memref<128x128xf32, #tpu.memory_space<vmem>>
    %dma_wait3A_568 = arith.constant 0 : i32
    %dma_wait3A_569 = tpu.memref_slice %arg2[%select_n3A_408, %dma_wait3A_568] : memref<100000x128xf32, #tpu.memory_space<hbm>> -> memref<128x128xf32, #tpu.memory_space<hbm>>
    %dma_wait3A_570 = arith.constant 0 : i32
    %dma_wait3A_571 = arith.constant 0 : i32
    %dma_wait3A_572 = tpu.memref_slice %arg6[%dma_wait3A_563, %dma_wait3A_570, %dma_wait3A_571] : memref<3x128x128xf32, #tpu.memory_space<vmem>> -> memref<1x128x128xf32, #tpu.memory_space<vmem>>
    %dma_wait3A_573 = tpu.memref_squeeze %dma_wait3A_572 : memref<1x128x128xf32, #tpu.memory_space<vmem>> -> memref<128x128xf32, #tpu.memory_space<vmem>>
    %dma_wait3A_574 = arith.constant 0 : i32
    %dma_wait3A_575 = tpu.memref_slice %arg2[%select_n3A_408, %dma_wait3A_574] : memref<100000x128xf32, #tpu.memory_space<hbm>> -> memref<128x128xf32, #tpu.memory_space<hbm>>
    tpu.wait_dma2 semaphore(%arg8 : memref<!tpu.dma_semaphore, #tpu.memory_space<semaphore_mem>>) src(%dma_wait3A_575 : memref<128x128xf32, #tpu.memory_space<hbm>>) dst(%dma_wait3A_573 : memref<128x128xf32, #tpu.memory_space<vmem>>)
    %dma_wait3A_576 = arith.constant 1 : i32
    %dma_wait3A_577 = arith.constant 0 : i32
    %dma_wait3A_578 = tpu.memref_slice %arg5[%dma_wait3A_576, %dma_wait3A_577] : memref<3x128xi32, #tpu.memory_space<vmem>> -> memref<1x128xi32, #tpu.memory_space<vmem>>
    %dma_wait3A_579 = tpu.memref_squeeze %dma_wait3A_578 : memref<1x128xi32, #tpu.memory_space<vmem>> -> memref<128xi32, #tpu.memory_space<vmem>>
    %dma_wait3A_580 = arith.constant 0 : i32
    %dma_wait3A_581 = tpu.memref_slice %arg3[%add3A_400, %dma_wait3A_580] : memref<416x128xi32, #tpu.memory_space<hbm>> -> memref<1x128xi32, #tpu.memory_space<hbm>>
    %dma_wait3A_582 = tpu.memref_squeeze %dma_wait3A_581 : memref<1x128xi32, #tpu.memory_space<hbm>> -> memref<128xi32, #tpu.memory_space<hbm>>
    %dma_wait3A_583 = arith.constant 0 : i32
    %dma_wait3A_584 = tpu.memref_slice %arg5[%dma_wait3A_576, %dma_wait3A_583] : memref<3x128xi32, #tpu.memory_space<vmem>> -> memref<1x128xi32, #tpu.memory_space<vmem>>
    %dma_wait3A_585 = tpu.memref_squeeze %dma_wait3A_584 : memref<1x128xi32, #tpu.memory_space<vmem>> -> memref<128xi32, #tpu.memory_space<vmem>>
    %dma_wait3A_586 = arith.constant 0 : i32
    %dma_wait3A_587 = tpu.memref_slice %arg3[%add3A_400, %dma_wait3A_586] : memref<416x128xi32, #tpu.memory_space<hbm>> -> memref<1x128xi32, #tpu.memory_space<hbm>>
    %dma_wait3A_588 = tpu.memref_squeeze %dma_wait3A_587 : memref<1x128xi32, #tpu.memory_space<hbm>> -> memref<128xi32, #tpu.memory_space<hbm>>
    tpu.wait_dma2 semaphore(%arg11 : memref<!tpu.dma_semaphore, #tpu.memory_space<semaphore_mem>>) src(%dma_wait3A_588 : memref<128xi32, #tpu.memory_space<hbm>>) dst(%dma_wait3A_585 : memref<128xi32, #tpu.memory_space<vmem>>)
    %run_scoped3A_589 = arith.constant 1 : i32
    %run_scoped3A_590 = arith.constant 1 : i32
    "tpu.region"() ({
      %run_scoped3A_840 = tpu.sem_alloc : memref<!tpu.dma_semaphore, #tpu.memory_space<semaphore_mem>>
      %dma_start3A_841 = arith.constant 0 : i32
      %dma_start3A_842 = arith.constant 0 : i32
      %dma_start3A_843 = tpu.memref_slice %arg6[%run_scoped3A_589, %dma_start3A_841, %dma_start3A_842] : memref<3x128x128xf32, #tpu.memory_space<vmem>> -> memref<1x128x128xf32, #tpu.memory_space<vmem>>
      %dma_start3A_844 = tpu.memref_squeeze %dma_start3A_843 : memref<1x128x128xf32, #tpu.memory_space<vmem>> -> memref<128x128xf32, #tpu.memory_space<vmem>>
      %dma_start3A_845 = arith.constant 0 : i32
      %dma_start3A_846 = tpu.memref_slice %arg5[%run_scoped3A_590, %dma_start3A_845] : memref<3x128xi32, #tpu.memory_space<vmem>> -> memref<1x128xi32, #tpu.memory_space<vmem>>
      %dma_start3A_847 = tpu.memref_squeeze %dma_start3A_846 : memref<1x128xi32, #tpu.memory_space<vmem>> -> memref<128xi32, #tpu.memory_space<vmem>>
      %dma_start3A_848 = arith.constant 0 : i32
      %dma_start3A_849 = arith.constant 0 : i32
      %dma_start3A_850 = tpu.memref_slice %arg13[%dma_start3A_848, %dma_start3A_849] : memref<3712x128xf32, #tpu.memory_space<vmem_shared>> -> memref<3712x128xf32, #tpu.memory_space<vmem_shared>>
      tpu.enqueue_indirect_dma source(%dma_start3A_844 : memref<128x128xf32, #tpu.memory_space<vmem>>) target(%dma_start3A_850 : memref<3712x128xf32, #tpu.memory_space<vmem_shared>>) offsets(%dma_start3A_847 : memref<128xi32, #tpu.memory_space<vmem>>) semaphore(%run_scoped3A_840 : memref<!tpu.dma_semaphore, #tpu.memory_space<semaphore_mem>>) {add = true}
      %dma_wait3A_851 = arith.constant 0 : i32
      %dma_wait3A_852 = arith.constant 0 : i32
      %dma_wait3A_853 = tpu.memref_slice %arg6[%run_scoped3A_589, %dma_wait3A_851, %dma_wait3A_852] : memref<3x128x128xf32, #tpu.memory_space<vmem>> -> memref<1x128x128xf32, #tpu.memory_space<vmem>>
      %dma_wait3A_854 = tpu.memref_squeeze %dma_wait3A_853 : memref<1x128x128xf32, #tpu.memory_space<vmem>> -> memref<128x128xf32, #tpu.memory_space<vmem>>
      %dma_wait3A_855 = arith.constant 0 : i32
      %dma_wait3A_856 = tpu.memref_slice %arg5[%run_scoped3A_590, %dma_wait3A_855] : memref<3x128xi32, #tpu.memory_space<vmem>> -> memref<1x128xi32, #tpu.memory_space<vmem>>
      %dma_wait3A_857 = tpu.memref_squeeze %dma_wait3A_856 : memref<1x128xi32, #tpu.memory_space<vmem>> -> memref<128xi32, #tpu.memory_space<vmem>>
      %dma_wait3A_858 = arith.constant 0 : i32
      %dma_wait3A_859 = arith.constant 0 : i32
      %dma_wait3A_860 = tpu.memref_slice %arg13[%dma_wait3A_858, %dma_wait3A_859] : memref<3712x128xf32, #tpu.memory_space<vmem_shared>> -> memref<3712x128xf32, #tpu.memory_space<vmem_shared>>
      tpu.wait_indirect_dma semaphore(%run_scoped3A_840 : memref<!tpu.dma_semaphore, #tpu.memory_space<semaphore_mem>>) src(%dma_wait3A_854 : memref<128x128xf32, #tpu.memory_space<vmem>>) dst(%dma_wait3A_860 : memref<3712x128xf32, #tpu.memory_space<vmem_shared>>)
      tpu.yield
    }) : () -> ()
    %add3A_591 = arith.constant 320 : i32
    %add3A_592 = arith.addi %add3A, %add3A_591 : i32
    %lt3A_593 = arith.constant 400 : i32
    %lt3A_594 = arith.cmpi slt, %add3A_592, %lt3A_593 : i32
    %mul3A_595 = arith.constant 128 : i32
    %mul3A_596 = arith.muli %add3A_592, %mul3A_595 : i32
    %add3A_597 = arith.constant 0 : i32
    %add3A_598 = arith.addi %add3A_597, %mul3A_596 : i32
    %jit3A_599 = arith.constant 0 : i32
    %select_n3A_600 = arith.select %lt3A_594, %add3A_598, %jit3A_599 : i32
    %dma_start3A_601 = arith.constant 1 : i32
    %dma_start3A_602 = arith.constant 0 : i32
    %dma_start3A_603 = arith.constant 0 : i32
    %dma_start3A_604 = tpu.memref_slice %arg6[%dma_start3A_601, %dma_start3A_602, %dma_start3A_603] : memref<3x128x128xf32, #tpu.memory_space<vmem>> -> memref<1x128x128xf32, #tpu.memory_space<vmem>>
    %dma_start3A_605 = tpu.memref_squeeze %dma_start3A_604 : memref<1x128x128xf32, #tpu.memory_space<vmem>> -> memref<128x128xf32, #tpu.memory_space<vmem>>
    %dma_start3A_606 = arith.constant 0 : i32
    %dma_start3A_607 = tpu.memref_slice %arg2[%select_n3A_600, %dma_start3A_606] : memref<100000x128xf32, #tpu.memory_space<hbm>> -> memref<128x128xf32, #tpu.memory_space<hbm>>
    %dma_start3A_608 = arith.constant 0 : i32
    %dma_start3A_609 = arith.constant 0 : i32
    %dma_start3A_610 = tpu.memref_slice %arg6[%dma_start3A_601, %dma_start3A_608, %dma_start3A_609] : memref<3x128x128xf32, #tpu.memory_space<vmem>> -> memref<1x128x128xf32, #tpu.memory_space<vmem>>
    %dma_start3A_611 = tpu.memref_squeeze %dma_start3A_610 : memref<1x128x128xf32, #tpu.memory_space<vmem>> -> memref<128x128xf32, #tpu.memory_space<vmem>>
    %dma_start3A_612 = arith.constant 0 : i32
    %dma_start3A_613 = tpu.memref_slice %arg2[%select_n3A_600, %dma_start3A_612] : memref<100000x128xf32, #tpu.memory_space<hbm>> -> memref<128x128xf32, #tpu.memory_space<hbm>>
    tpu.enqueue_dma source(%dma_start3A_613 : memref<128x128xf32, #tpu.memory_space<hbm>>) target(%dma_start3A_611 : memref<128x128xf32, #tpu.memory_space<vmem>>) target_semaphore(%arg8 : memref<!tpu.dma_semaphore, #tpu.memory_space<semaphore_mem>>)
    %dma_start3A_614 = arith.constant 1 : i32
    %dma_start3A_615 = arith.constant 0 : i32
    %dma_start3A_616 = tpu.memref_slice %arg5[%dma_start3A_614, %dma_start3A_615] : memref<3x128xi32, #tpu.memory_space<vmem>> -> memref<1x128xi32, #tpu.memory_space<vmem>>
    %dma_start3A_617 = tpu.memref_squeeze %dma_start3A_616 : memref<1x128xi32, #tpu.memory_space<vmem>> -> memref<128xi32, #tpu.memory_space<vmem>>
    %dma_start3A_618 = arith.constant 0 : i32
    %dma_start3A_619 = tpu.memref_slice %arg3[%add3A_592, %dma_start3A_618] : memref<416x128xi32, #tpu.memory_space<hbm>> -> memref<1x128xi32, #tpu.memory_space<hbm>>
    %dma_start3A_620 = tpu.memref_squeeze %dma_start3A_619 : memref<1x128xi32, #tpu.memory_space<hbm>> -> memref<128xi32, #tpu.memory_space<hbm>>
    %dma_start3A_621 = arith.constant 0 : i32
    %dma_start3A_622 = tpu.memref_slice %arg5[%dma_start3A_614, %dma_start3A_621] : memref<3x128xi32, #tpu.memory_space<vmem>> -> memref<1x128xi32, #tpu.memory_space<vmem>>
    %dma_start3A_623 = tpu.memref_squeeze %dma_start3A_622 : memref<1x128xi32, #tpu.memory_space<vmem>> -> memref<128xi32, #tpu.memory_space<vmem>>
    %dma_start3A_624 = arith.constant 0 : i32
    %dma_start3A_625 = tpu.memref_slice %arg3[%add3A_592, %dma_start3A_624] : memref<416x128xi32, #tpu.memory_space<hbm>> -> memref<1x128xi32, #tpu.memory_space<hbm>>
    %dma_start3A_626 = tpu.memref_squeeze %dma_start3A_625 : memref<1x128xi32, #tpu.memory_space<hbm>> -> memref<128xi32, #tpu.memory_space<hbm>>
    tpu.enqueue_dma source(%dma_start3A_626 : memref<128xi32, #tpu.memory_space<hbm>>) target(%dma_start3A_623 : memref<128xi32, #tpu.memory_space<vmem>>) target_semaphore(%arg11 : memref<!tpu.dma_semaphore, #tpu.memory_space<semaphore_mem>>)
    %dma_wait3A_627 = arith.constant 2 : i32
    %dma_wait3A_628 = arith.constant 0 : i32
    %dma_wait3A_629 = arith.constant 0 : i32
    %dma_wait3A_630 = tpu.memref_slice %arg6[%dma_wait3A_627, %dma_wait3A_628, %dma_wait3A_629] : memref<3x128x128xf32, #tpu.memory_space<vmem>> -> memref<1x128x128xf32, #tpu.memory_space<vmem>>
    %dma_wait3A_631 = tpu.memref_squeeze %dma_wait3A_630 : memref<1x128x128xf32, #tpu.memory_space<vmem>> -> memref<128x128xf32, #tpu.memory_space<vmem>>
    %dma_wait3A_632 = arith.constant 0 : i32
    %dma_wait3A_633 = tpu.memref_slice %arg2[%select_n3A_472, %dma_wait3A_632] : memref<100000x128xf32, #tpu.memory_space<hbm>> -> memref<128x128xf32, #tpu.memory_space<hbm>>
    %dma_wait3A_634 = arith.constant 0 : i32
    %dma_wait3A_635 = arith.constant 0 : i32
    %dma_wait3A_636 = tpu.memref_slice %arg6[%dma_wait3A_627, %dma_wait3A_634, %dma_wait3A_635] : memref<3x128x128xf32, #tpu.memory_space<vmem>> -> memref<1x128x128xf32, #tpu.memory_space<vmem>>
    %dma_wait3A_637 = tpu.memref_squeeze %dma_wait3A_636 : memref<1x128x128xf32, #tpu.memory_space<vmem>> -> memref<128x128xf32, #tpu.memory_space<vmem>>
    %dma_wait3A_638 = arith.constant 0 : i32
    %dma_wait3A_639 = tpu.memref_slice %arg2[%select_n3A_472, %dma_wait3A_638] : memref<100000x128xf32, #tpu.memory_space<hbm>> -> memref<128x128xf32, #tpu.memory_space<hbm>>
    tpu.wait_dma2 semaphore(%arg9 : memref<!tpu.dma_semaphore, #tpu.memory_space<semaphore_mem>>) src(%dma_wait3A_639 : memref<128x128xf32, #tpu.memory_space<hbm>>) dst(%dma_wait3A_637 : memref<128x128xf32, #tpu.memory_space<vmem>>)
    %dma_wait3A_640 = arith.constant 2 : i32
    %dma_wait3A_641 = arith.constant 0 : i32
    %dma_wait3A_642 = tpu.memref_slice %arg5[%dma_wait3A_640, %dma_wait3A_641] : memref<3x128xi32, #tpu.memory_space<vmem>> -> memref<1x128xi32, #tpu.memory_space<vmem>>
    %dma_wait3A_643 = tpu.memref_squeeze %dma_wait3A_642 : memref<1x128xi32, #tpu.memory_space<vmem>> -> memref<128xi32, #tpu.memory_space<vmem>>
    %dma_wait3A_644 = arith.constant 0 : i32
    %dma_wait3A_645 = tpu.memref_slice %arg3[%add3A_464, %dma_wait3A_644] : memref<416x128xi32, #tpu.memory_space<hbm>> -> memref<1x128xi32, #tpu.memory_space<hbm>>
    %dma_wait3A_646 = tpu.memref_squeeze %dma_wait3A_645 : memref<1x128xi32, #tpu.memory_space<hbm>> -> memref<128xi32, #tpu.memory_space<hbm>>
    %dma_wait3A_647 = arith.constant 0 : i32
    %dma_wait3A_648 = tpu.memref_slice %arg5[%dma_wait3A_640, %dma_wait3A_647] : memref<3x128xi32, #tpu.memory_space<vmem>> -> memref<1x128xi32, #tpu.memory_space<vmem>>
    %dma_wait3A_649 = tpu.memref_squeeze %dma_wait3A_648 : memref<1x128xi32, #tpu.memory_space<vmem>> -> memref<128xi32, #tpu.memory_space<vmem>>
    %dma_wait3A_650 = arith.constant 0 : i32
    %dma_wait3A_651 = tpu.memref_slice %arg3[%add3A_464, %dma_wait3A_650] : memref<416x128xi32, #tpu.memory_space<hbm>> -> memref<1x128xi32, #tpu.memory_space<hbm>>
    %dma_wait3A_652 = tpu.memref_squeeze %dma_wait3A_651 : memref<1x128xi32, #tpu.memory_space<hbm>> -> memref<128xi32, #tpu.memory_space<hbm>>
    tpu.wait_dma2 semaphore(%arg12 : memref<!tpu.dma_semaphore, #tpu.memory_space<semaphore_mem>>) src(%dma_wait3A_652 : memref<128xi32, #tpu.memory_space<hbm>>) dst(%dma_wait3A_649 : memref<128xi32, #tpu.memory_space<vmem>>)
    %run_scoped3A_653 = arith.constant 2 : i32
    %run_scoped3A_654 = arith.constant 2 : i32
    "tpu.region"() ({
      %run_scoped3A_840 = tpu.sem_alloc : memref<!tpu.dma_semaphore, #tpu.memory_space<semaphore_mem>>
      %dma_start3A_841 = arith.constant 0 : i32
      %dma_start3A_842 = arith.constant 0 : i32
      %dma_start3A_843 = tpu.memref_slice %arg6[%run_scoped3A_653, %dma_start3A_841, %dma_start3A_842] : memref<3x128x128xf32, #tpu.memory_space<vmem>> -> memref<1x128x128xf32, #tpu.memory_space<vmem>>
      %dma_start3A_844 = tpu.memref_squeeze %dma_start3A_843 : memref<1x128x128xf32, #tpu.memory_space<vmem>> -> memref<128x128xf32, #tpu.memory_space<vmem>>
      %dma_start3A_845 = arith.constant 0 : i32
      %dma_start3A_846 = tpu.memref_slice %arg5[%run_scoped3A_654, %dma_start3A_845] : memref<3x128xi32, #tpu.memory_space<vmem>> -> memref<1x128xi32, #tpu.memory_space<vmem>>
      %dma_start3A_847 = tpu.memref_squeeze %dma_start3A_846 : memref<1x128xi32, #tpu.memory_space<vmem>> -> memref<128xi32, #tpu.memory_space<vmem>>
      %dma_start3A_848 = arith.constant 0 : i32
      %dma_start3A_849 = arith.constant 0 : i32
      %dma_start3A_850 = tpu.memref_slice %arg13[%dma_start3A_848, %dma_start3A_849] : memref<3712x128xf32, #tpu.memory_space<vmem_shared>> -> memref<3712x128xf32, #tpu.memory_space<vmem_shared>>
      tpu.enqueue_indirect_dma source(%dma_start3A_844 : memref<128x128xf32, #tpu.memory_space<vmem>>) target(%dma_start3A_850 : memref<3712x128xf32, #tpu.memory_space<vmem_shared>>) offsets(%dma_start3A_847 : memref<128xi32, #tpu.memory_space<vmem>>) semaphore(%run_scoped3A_840 : memref<!tpu.dma_semaphore, #tpu.memory_space<semaphore_mem>>) {add = true}
      %dma_wait3A_851 = arith.constant 0 : i32
      %dma_wait3A_852 = arith.constant 0 : i32
      %dma_wait3A_853 = tpu.memref_slice %arg6[%run_scoped3A_653, %dma_wait3A_851, %dma_wait3A_852] : memref<3x128x128xf32, #tpu.memory_space<vmem>> -> memref<1x128x128xf32, #tpu.memory_space<vmem>>
      %dma_wait3A_854 = tpu.memref_squeeze %dma_wait3A_853 : memref<1x128x128xf32, #tpu.memory_space<vmem>> -> memref<128x128xf32, #tpu.memory_space<vmem>>
      %dma_wait3A_855 = arith.constant 0 : i32
      %dma_wait3A_856 = tpu.memref_slice %arg5[%run_scoped3A_654, %dma_wait3A_855] : memref<3x128xi32, #tpu.memory_space<vmem>> -> memref<1x128xi32, #tpu.memory_space<vmem>>
      %dma_wait3A_857 = tpu.memref_squeeze %dma_wait3A_856 : memref<1x128xi32, #tpu.memory_space<vmem>> -> memref<128xi32, #tpu.memory_space<vmem>>
      %dma_wait3A_858 = arith.constant 0 : i32
      %dma_wait3A_859 = arith.constant 0 : i32
      %dma_wait3A_860 = tpu.memref_slice %arg13[%dma_wait3A_858, %dma_wait3A_859] : memref<3712x128xf32, #tpu.memory_space<vmem_shared>> -> memref<3712x128xf32, #tpu.memory_space<vmem_shared>>
      tpu.wait_indirect_dma semaphore(%run_scoped3A_840 : memref<!tpu.dma_semaphore, #tpu.memory_space<semaphore_mem>>) src(%dma_wait3A_854 : memref<128x128xf32, #tpu.memory_space<vmem>>) dst(%dma_wait3A_860 : memref<3712x128xf32, #tpu.memory_space<vmem_shared>>)
      tpu.yield
    }) : () -> ()
    %add3A_655 = arith.constant 352 : i32
    %add3A_656 = arith.addi %add3A, %add3A_655 : i32
    %lt3A_657 = arith.constant 400 : i32
    %lt3A_658 = arith.cmpi slt, %add3A_656, %lt3A_657 : i32
    %mul3A_659 = arith.constant 128 : i32
    %mul3A_660 = arith.muli %add3A_656, %mul3A_659 : i32
    %add3A_661 = arith.constant 0 : i32
    %add3A_662 = arith.addi %add3A_661, %mul3A_660 : i32
    %jit3A_663 = arith.constant 0 : i32
    %select_n3A_664 = arith.select %lt3A_658, %add3A_662, %jit3A_663 : i32
    %dma_start3A_665 = arith.constant 2 : i32
    %dma_start3A_666 = arith.constant 0 : i32
    %dma_start3A_667 = arith.constant 0 : i32
    %dma_start3A_668 = tpu.memref_slice %arg6[%dma_start3A_665, %dma_start3A_666, %dma_start3A_667] : memref<3x128x128xf32, #tpu.memory_space<vmem>> -> memref<1x128x128xf32, #tpu.memory_space<vmem>>
    %dma_start3A_669 = tpu.memref_squeeze %dma_start3A_668 : memref<1x128x128xf32, #tpu.memory_space<vmem>> -> memref<128x128xf32, #tpu.memory_space<vmem>>
    %dma_start3A_670 = arith.constant 0 : i32
    %dma_start3A_671 = tpu.memref_slice %arg2[%select_n3A_664, %dma_start3A_670] : memref<100000x128xf32, #tpu.memory_space<hbm>> -> memref<128x128xf32, #tpu.memory_space<hbm>>
    %dma_start3A_672 = arith.constant 0 : i32
    %dma_start3A_673 = arith.constant 0 : i32
    %dma_start3A_674 = tpu.memref_slice %arg6[%dma_start3A_665, %dma_start3A_672, %dma_start3A_673] : memref<3x128x128xf32, #tpu.memory_space<vmem>> -> memref<1x128x128xf32, #tpu.memory_space<vmem>>
    %dma_start3A_675 = tpu.memref_squeeze %dma_start3A_674 : memref<1x128x128xf32, #tpu.memory_space<vmem>> -> memref<128x128xf32, #tpu.memory_space<vmem>>
    %dma_start3A_676 = arith.constant 0 : i32
    %dma_start3A_677 = tpu.memref_slice %arg2[%select_n3A_664, %dma_start3A_676] : memref<100000x128xf32, #tpu.memory_space<hbm>> -> memref<128x128xf32, #tpu.memory_space<hbm>>
    tpu.enqueue_dma source(%dma_start3A_677 : memref<128x128xf32, #tpu.memory_space<hbm>>) target(%dma_start3A_675 : memref<128x128xf32, #tpu.memory_space<vmem>>) target_semaphore(%arg9 : memref<!tpu.dma_semaphore, #tpu.memory_space<semaphore_mem>>)
    %dma_start3A_678 = arith.constant 2 : i32
    %dma_start3A_679 = arith.constant 0 : i32
    %dma_start3A_680 = tpu.memref_slice %arg5[%dma_start3A_678, %dma_start3A_679] : memref<3x128xi32, #tpu.memory_space<vmem>> -> memref<1x128xi32, #tpu.memory_space<vmem>>
    %dma_start3A_681 = tpu.memref_squeeze %dma_start3A_680 : memref<1x128xi32, #tpu.memory_space<vmem>> -> memref<128xi32, #tpu.memory_space<vmem>>
    %dma_start3A_682 = arith.constant 0 : i32
    %dma_start3A_683 = tpu.memref_slice %arg3[%add3A_656, %dma_start3A_682] : memref<416x128xi32, #tpu.memory_space<hbm>> -> memref<1x128xi32, #tpu.memory_space<hbm>>
    %dma_start3A_684 = tpu.memref_squeeze %dma_start3A_683 : memref<1x128xi32, #tpu.memory_space<hbm>> -> memref<128xi32, #tpu.memory_space<hbm>>
    %dma_start3A_685 = arith.constant 0 : i32
    %dma_start3A_686 = tpu.memref_slice %arg5[%dma_start3A_678, %dma_start3A_685] : memref<3x128xi32, #tpu.memory_space<vmem>> -> memref<1x128xi32, #tpu.memory_space<vmem>>
    %dma_start3A_687 = tpu.memref_squeeze %dma_start3A_686 : memref<1x128xi32, #tpu.memory_space<vmem>> -> memref<128xi32, #tpu.memory_space<vmem>>
    %dma_start3A_688 = arith.constant 0 : i32
    %dma_start3A_689 = tpu.memref_slice %arg3[%add3A_656, %dma_start3A_688] : memref<416x128xi32, #tpu.memory_space<hbm>> -> memref<1x128xi32, #tpu.memory_space<hbm>>
    %dma_start3A_690 = tpu.memref_squeeze %dma_start3A_689 : memref<1x128xi32, #tpu.memory_space<hbm>> -> memref<128xi32, #tpu.memory_space<hbm>>
    tpu.enqueue_dma source(%dma_start3A_690 : memref<128xi32, #tpu.memory_space<hbm>>) target(%dma_start3A_687 : memref<128xi32, #tpu.memory_space<vmem>>) target_semaphore(%arg12 : memref<!tpu.dma_semaphore, #tpu.memory_space<semaphore_mem>>)
    %dma_wait3A_691 = arith.constant 0 : i32
    %dma_wait3A_692 = arith.constant 0 : i32
    %dma_wait3A_693 = arith.constant 0 : i32
    %dma_wait3A_694 = tpu.memref_slice %arg6[%dma_wait3A_691, %dma_wait3A_692, %dma_wait3A_693] : memref<3x128x128xf32, #tpu.memory_space<vmem>> -> memref<1x128x128xf32, #tpu.memory_space<vmem>>
    %dma_wait3A_695 = tpu.memref_squeeze %dma_wait3A_694 : memref<1x128x128xf32, #tpu.memory_space<vmem>> -> memref<128x128xf32, #tpu.memory_space<vmem>>
    %dma_wait3A_696 = arith.constant 0 : i32
    %dma_wait3A_697 = tpu.memref_slice %arg2[%select_n3A_536, %dma_wait3A_696] : memref<100000x128xf32, #tpu.memory_space<hbm>> -> memref<128x128xf32, #tpu.memory_space<hbm>>
    %dma_wait3A_698 = arith.constant 0 : i32
    %dma_wait3A_699 = arith.constant 0 : i32
    %dma_wait3A_700 = tpu.memref_slice %arg6[%dma_wait3A_691, %dma_wait3A_698, %dma_wait3A_699] : memref<3x128x128xf32, #tpu.memory_space<vmem>> -> memref<1x128x128xf32, #tpu.memory_space<vmem>>
    %dma_wait3A_701 = tpu.memref_squeeze %dma_wait3A_700 : memref<1x128x128xf32, #tpu.memory_space<vmem>> -> memref<128x128xf32, #tpu.memory_space<vmem>>
    %dma_wait3A_702 = arith.constant 0 : i32
    %dma_wait3A_703 = tpu.memref_slice %arg2[%select_n3A_536, %dma_wait3A_702] : memref<100000x128xf32, #tpu.memory_space<hbm>> -> memref<128x128xf32, #tpu.memory_space<hbm>>
    tpu.wait_dma2 semaphore(%arg7 : memref<!tpu.dma_semaphore, #tpu.memory_space<semaphore_mem>>) src(%dma_wait3A_703 : memref<128x128xf32, #tpu.memory_space<hbm>>) dst(%dma_wait3A_701 : memref<128x128xf32, #tpu.memory_space<vmem>>)
    %dma_wait3A_704 = arith.constant 0 : i32
    %dma_wait3A_705 = arith.constant 0 : i32
    %dma_wait3A_706 = tpu.memref_slice %arg5[%dma_wait3A_704, %dma_wait3A_705] : memref<3x128xi32, #tpu.memory_space<vmem>> -> memref<1x128xi32, #tpu.memory_space<vmem>>
    %dma_wait3A_707 = tpu.memref_squeeze %dma_wait3A_706 : memref<1x128xi32, #tpu.memory_space<vmem>> -> memref<128xi32, #tpu.memory_space<vmem>>
    %dma_wait3A_708 = arith.constant 0 : i32
    %dma_wait3A_709 = tpu.memref_slice %arg3[%add3A_528, %dma_wait3A_708] : memref<416x128xi32, #tpu.memory_space<hbm>> -> memref<1x128xi32, #tpu.memory_space<hbm>>
    %dma_wait3A_710 = tpu.memref_squeeze %dma_wait3A_709 : memref<1x128xi32, #tpu.memory_space<hbm>> -> memref<128xi32, #tpu.memory_space<hbm>>
    %dma_wait3A_711 = arith.constant 0 : i32
    %dma_wait3A_712 = tpu.memref_slice %arg5[%dma_wait3A_704, %dma_wait3A_711] : memref<3x128xi32, #tpu.memory_space<vmem>> -> memref<1x128xi32, #tpu.memory_space<vmem>>
    %dma_wait3A_713 = tpu.memref_squeeze %dma_wait3A_712 : memref<1x128xi32, #tpu.memory_space<vmem>> -> memref<128xi32, #tpu.memory_space<vmem>>
    %dma_wait3A_714 = arith.constant 0 : i32
    %dma_wait3A_715 = tpu.memref_slice %arg3[%add3A_528, %dma_wait3A_714] : memref<416x128xi32, #tpu.memory_space<hbm>> -> memref<1x128xi32, #tpu.memory_space<hbm>>
    %dma_wait3A_716 = tpu.memref_squeeze %dma_wait3A_715 : memref<1x128xi32, #tpu.memory_space<hbm>> -> memref<128xi32, #tpu.memory_space<hbm>>
    tpu.wait_dma2 semaphore(%arg10 : memref<!tpu.dma_semaphore, #tpu.memory_space<semaphore_mem>>) src(%dma_wait3A_716 : memref<128xi32, #tpu.memory_space<hbm>>) dst(%dma_wait3A_713 : memref<128xi32, #tpu.memory_space<vmem>>)
    %run_scoped3A_717 = arith.constant 0 : i32
    %run_scoped3A_718 = arith.constant 0 : i32
    "tpu.region"() ({
      %run_scoped3A_840 = tpu.sem_alloc : memref<!tpu.dma_semaphore, #tpu.memory_space<semaphore_mem>>
      %dma_start3A_841 = arith.constant 0 : i32
      %dma_start3A_842 = arith.constant 0 : i32
      %dma_start3A_843 = tpu.memref_slice %arg6[%run_scoped3A_717, %dma_start3A_841, %dma_start3A_842] : memref<3x128x128xf32, #tpu.memory_space<vmem>> -> memref<1x128x128xf32, #tpu.memory_space<vmem>>
      %dma_start3A_844 = tpu.memref_squeeze %dma_start3A_843 : memref<1x128x128xf32, #tpu.memory_space<vmem>> -> memref<128x128xf32, #tpu.memory_space<vmem>>
      %dma_start3A_845 = arith.constant 0 : i32
      %dma_start3A_846 = tpu.memref_slice %arg5[%run_scoped3A_718, %dma_start3A_845] : memref<3x128xi32, #tpu.memory_space<vmem>> -> memref<1x128xi32, #tpu.memory_space<vmem>>
      %dma_start3A_847 = tpu.memref_squeeze %dma_start3A_846 : memref<1x128xi32, #tpu.memory_space<vmem>> -> memref<128xi32, #tpu.memory_space<vmem>>
      %dma_start3A_848 = arith.constant 0 : i32
      %dma_start3A_849 = arith.constant 0 : i32
      %dma_start3A_850 = tpu.memref_slice %arg13[%dma_start3A_848, %dma_start3A_849] : memref<3712x128xf32, #tpu.memory_space<vmem_shared>> -> memref<3712x128xf32, #tpu.memory_space<vmem_shared>>
      tpu.enqueue_indirect_dma source(%dma_start3A_844 : memref<128x128xf32, #tpu.memory_space<vmem>>) target(%dma_start3A_850 : memref<3712x128xf32, #tpu.memory_space<vmem_shared>>) offsets(%dma_start3A_847 : memref<128xi32, #tpu.memory_space<vmem>>) semaphore(%run_scoped3A_840 : memref<!tpu.dma_semaphore, #tpu.memory_space<semaphore_mem>>) {add = true}
      %dma_wait3A_851 = arith.constant 0 : i32
      %dma_wait3A_852 = arith.constant 0 : i32
      %dma_wait3A_853 = tpu.memref_slice %arg6[%run_scoped3A_717, %dma_wait3A_851, %dma_wait3A_852] : memref<3x128x128xf32, #tpu.memory_space<vmem>> -> memref<1x128x128xf32, #tpu.memory_space<vmem>>
      %dma_wait3A_854 = tpu.memref_squeeze %dma_wait3A_853 : memref<1x128x128xf32, #tpu.memory_space<vmem>> -> memref<128x128xf32, #tpu.memory_space<vmem>>
      %dma_wait3A_855 = arith.constant 0 : i32
      %dma_wait3A_856 = tpu.memref_slice %arg5[%run_scoped3A_718, %dma_wait3A_855] : memref<3x128xi32, #tpu.memory_space<vmem>> -> memref<1x128xi32, #tpu.memory_space<vmem>>
      %dma_wait3A_857 = tpu.memref_squeeze %dma_wait3A_856 : memref<1x128xi32, #tpu.memory_space<vmem>> -> memref<128xi32, #tpu.memory_space<vmem>>
      %dma_wait3A_858 = arith.constant 0 : i32
      %dma_wait3A_859 = arith.constant 0 : i32
      %dma_wait3A_860 = tpu.memref_slice %arg13[%dma_wait3A_858, %dma_wait3A_859] : memref<3712x128xf32, #tpu.memory_space<vmem_shared>> -> memref<3712x128xf32, #tpu.memory_space<vmem_shared>>
      tpu.wait_indirect_dma semaphore(%run_scoped3A_840 : memref<!tpu.dma_semaphore, #tpu.memory_space<semaphore_mem>>) src(%dma_wait3A_854 : memref<128x128xf32, #tpu.memory_space<vmem>>) dst(%dma_wait3A_860 : memref<3712x128xf32, #tpu.memory_space<vmem_shared>>)
      tpu.yield
    }) : () -> ()
    %add3A_719 = arith.constant 384 : i32
    %add3A_720 = arith.addi %add3A, %add3A_719 : i32
    %lt3A_721 = arith.constant 400 : i32
    %lt3A_722 = arith.cmpi slt, %add3A_720, %lt3A_721 : i32
    %mul3A_723 = arith.constant 128 : i32
    %mul3A_724 = arith.muli %add3A_720, %mul3A_723 : i32
    %add3A_725 = arith.constant 0 : i32
    %add3A_726 = arith.addi %add3A_725, %mul3A_724 : i32
    %jit3A_727 = arith.constant 0 : i32
    %select_n3A_728 = arith.select %lt3A_722, %add3A_726, %jit3A_727 : i32
    %dma_start3A_729 = arith.constant 0 : i32
    %dma_start3A_730 = arith.constant 0 : i32
    %dma_start3A_731 = arith.constant 0 : i32
    %dma_start3A_732 = tpu.memref_slice %arg6[%dma_start3A_729, %dma_start3A_730, %dma_start3A_731] : memref<3x128x128xf32, #tpu.memory_space<vmem>> -> memref<1x128x128xf32, #tpu.memory_space<vmem>>
    %dma_start3A_733 = tpu.memref_squeeze %dma_start3A_732 : memref<1x128x128xf32, #tpu.memory_space<vmem>> -> memref<128x128xf32, #tpu.memory_space<vmem>>
    %dma_start3A_734 = arith.constant 0 : i32
    %dma_start3A_735 = tpu.memref_slice %arg2[%select_n3A_728, %dma_start3A_734] : memref<100000x128xf32, #tpu.memory_space<hbm>> -> memref<128x128xf32, #tpu.memory_space<hbm>>
    %dma_start3A_736 = arith.constant 0 : i32
    %dma_start3A_737 = arith.constant 0 : i32
    %dma_start3A_738 = tpu.memref_slice %arg6[%dma_start3A_729, %dma_start3A_736, %dma_start3A_737] : memref<3x128x128xf32, #tpu.memory_space<vmem>> -> memref<1x128x128xf32, #tpu.memory_space<vmem>>
    %dma_start3A_739 = tpu.memref_squeeze %dma_start3A_738 : memref<1x128x128xf32, #tpu.memory_space<vmem>> -> memref<128x128xf32, #tpu.memory_space<vmem>>
    %dma_start3A_740 = arith.constant 0 : i32
    %dma_start3A_741 = tpu.memref_slice %arg2[%select_n3A_728, %dma_start3A_740] : memref<100000x128xf32, #tpu.memory_space<hbm>> -> memref<128x128xf32, #tpu.memory_space<hbm>>
    tpu.enqueue_dma source(%dma_start3A_741 : memref<128x128xf32, #tpu.memory_space<hbm>>) target(%dma_start3A_739 : memref<128x128xf32, #tpu.memory_space<vmem>>) target_semaphore(%arg7 : memref<!tpu.dma_semaphore, #tpu.memory_space<semaphore_mem>>)
    %dma_start3A_742 = arith.constant 0 : i32
    %dma_start3A_743 = arith.constant 0 : i32
    %dma_start3A_744 = tpu.memref_slice %arg5[%dma_start3A_742, %dma_start3A_743] : memref<3x128xi32, #tpu.memory_space<vmem>> -> memref<1x128xi32, #tpu.memory_space<vmem>>
    %dma_start3A_745 = tpu.memref_squeeze %dma_start3A_744 : memref<1x128xi32, #tpu.memory_space<vmem>> -> memref<128xi32, #tpu.memory_space<vmem>>
    %dma_start3A_746 = arith.constant 0 : i32
    %dma_start3A_747 = tpu.memref_slice %arg3[%add3A_720, %dma_start3A_746] : memref<416x128xi32, #tpu.memory_space<hbm>> -> memref<1x128xi32, #tpu.memory_space<hbm>>
    %dma_start3A_748 = tpu.memref_squeeze %dma_start3A_747 : memref<1x128xi32, #tpu.memory_space<hbm>> -> memref<128xi32, #tpu.memory_space<hbm>>
    %dma_start3A_749 = arith.constant 0 : i32
    %dma_start3A_750 = tpu.memref_slice %arg5[%dma_start3A_742, %dma_start3A_749] : memref<3x128xi32, #tpu.memory_space<vmem>> -> memref<1x128xi32, #tpu.memory_space<vmem>>
    %dma_start3A_751 = tpu.memref_squeeze %dma_start3A_750 : memref<1x128xi32, #tpu.memory_space<vmem>> -> memref<128xi32, #tpu.memory_space<vmem>>
    %dma_start3A_752 = arith.constant 0 : i32
    %dma_start3A_753 = tpu.memref_slice %arg3[%add3A_720, %dma_start3A_752] : memref<416x128xi32, #tpu.memory_space<hbm>> -> memref<1x128xi32, #tpu.memory_space<hbm>>
    %dma_start3A_754 = tpu.memref_squeeze %dma_start3A_753 : memref<1x128xi32, #tpu.memory_space<hbm>> -> memref<128xi32, #tpu.memory_space<hbm>>
    tpu.enqueue_dma source(%dma_start3A_754 : memref<128xi32, #tpu.memory_space<hbm>>) target(%dma_start3A_751 : memref<128xi32, #tpu.memory_space<vmem>>) target_semaphore(%arg10 : memref<!tpu.dma_semaphore, #tpu.memory_space<semaphore_mem>>)
    %dma_wait3A_755 = arith.constant 1 : i32
    %dma_wait3A_756 = arith.constant 0 : i32
    %dma_wait3A_757 = arith.constant 0 : i32
    %dma_wait3A_758 = tpu.memref_slice %arg6[%dma_wait3A_755, %dma_wait3A_756, %dma_wait3A_757] : memref<3x128x128xf32, #tpu.memory_space<vmem>> -> memref<1x128x128xf32, #tpu.memory_space<vmem>>
    %dma_wait3A_759 = tpu.memref_squeeze %dma_wait3A_758 : memref<1x128x128xf32, #tpu.memory_space<vmem>> -> memref<128x128xf32, #tpu.memory_space<vmem>>
    %dma_wait3A_760 = arith.constant 0 : i32
    %dma_wait3A_761 = tpu.memref_slice %arg2[%select_n3A_600, %dma_wait3A_760] : memref<100000x128xf32, #tpu.memory_space<hbm>> -> memref<128x128xf32, #tpu.memory_space<hbm>>
    %dma_wait3A_762 = arith.constant 0 : i32
    %dma_wait3A_763 = arith.constant 0 : i32
    %dma_wait3A_764 = tpu.memref_slice %arg6[%dma_wait3A_755, %dma_wait3A_762, %dma_wait3A_763] : memref<3x128x128xf32, #tpu.memory_space<vmem>> -> memref<1x128x128xf32, #tpu.memory_space<vmem>>
    %dma_wait3A_765 = tpu.memref_squeeze %dma_wait3A_764 : memref<1x128x128xf32, #tpu.memory_space<vmem>> -> memref<128x128xf32, #tpu.memory_space<vmem>>
    %dma_wait3A_766 = arith.constant 0 : i32
    %dma_wait3A_767 = tpu.memref_slice %arg2[%select_n3A_600, %dma_wait3A_766] : memref<100000x128xf32, #tpu.memory_space<hbm>> -> memref<128x128xf32, #tpu.memory_space<hbm>>
    tpu.wait_dma2 semaphore(%arg8 : memref<!tpu.dma_semaphore, #tpu.memory_space<semaphore_mem>>) src(%dma_wait3A_767 : memref<128x128xf32, #tpu.memory_space<hbm>>) dst(%dma_wait3A_765 : memref<128x128xf32, #tpu.memory_space<vmem>>)
    %dma_wait3A_768 = arith.constant 1 : i32
    %dma_wait3A_769 = arith.constant 0 : i32
    %dma_wait3A_770 = tpu.memref_slice %arg5[%dma_wait3A_768, %dma_wait3A_769] : memref<3x128xi32, #tpu.memory_space<vmem>> -> memref<1x128xi32, #tpu.memory_space<vmem>>
    %dma_wait3A_771 = tpu.memref_squeeze %dma_wait3A_770 : memref<1x128xi32, #tpu.memory_space<vmem>> -> memref<128xi32, #tpu.memory_space<vmem>>
    %dma_wait3A_772 = arith.constant 0 : i32
    %dma_wait3A_773 = tpu.memref_slice %arg3[%add3A_592, %dma_wait3A_772] : memref<416x128xi32, #tpu.memory_space<hbm>> -> memref<1x128xi32, #tpu.memory_space<hbm>>
    %dma_wait3A_774 = tpu.memref_squeeze %dma_wait3A_773 : memref<1x128xi32, #tpu.memory_space<hbm>> -> memref<128xi32, #tpu.memory_space<hbm>>
    %dma_wait3A_775 = arith.constant 0 : i32
    %dma_wait3A_776 = tpu.memref_slice %arg5[%dma_wait3A_768, %dma_wait3A_775] : memref<3x128xi32, #tpu.memory_space<vmem>> -> memref<1x128xi32, #tpu.memory_space<vmem>>
    %dma_wait3A_777 = tpu.memref_squeeze %dma_wait3A_776 : memref<1x128xi32, #tpu.memory_space<vmem>> -> memref<128xi32, #tpu.memory_space<vmem>>
    %dma_wait3A_778 = arith.constant 0 : i32
    %dma_wait3A_779 = tpu.memref_slice %arg3[%add3A_592, %dma_wait3A_778] : memref<416x128xi32, #tpu.memory_space<hbm>> -> memref<1x128xi32, #tpu.memory_space<hbm>>
    %dma_wait3A_780 = tpu.memref_squeeze %dma_wait3A_779 : memref<1x128xi32, #tpu.memory_space<hbm>> -> memref<128xi32, #tpu.memory_space<hbm>>
    tpu.wait_dma2 semaphore(%arg11 : memref<!tpu.dma_semaphore, #tpu.memory_space<semaphore_mem>>) src(%dma_wait3A_780 : memref<128xi32, #tpu.memory_space<hbm>>) dst(%dma_wait3A_777 : memref<128xi32, #tpu.memory_space<vmem>>)
    %run_scoped3A_781 = arith.constant 1 : i32
    %run_scoped3A_782 = arith.constant 1 : i32
    "tpu.region"() ({
      %run_scoped3A_840 = tpu.sem_alloc : memref<!tpu.dma_semaphore, #tpu.memory_space<semaphore_mem>>
      %dma_start3A_841 = arith.constant 0 : i32
      %dma_start3A_842 = arith.constant 0 : i32
      %dma_start3A_843 = tpu.memref_slice %arg6[%run_scoped3A_781, %dma_start3A_841, %dma_start3A_842] : memref<3x128x128xf32, #tpu.memory_space<vmem>> -> memref<1x128x128xf32, #tpu.memory_space<vmem>>
      %dma_start3A_844 = tpu.memref_squeeze %dma_start3A_843 : memref<1x128x128xf32, #tpu.memory_space<vmem>> -> memref<128x128xf32, #tpu.memory_space<vmem>>
      %dma_start3A_845 = arith.constant 0 : i32
      %dma_start3A_846 = tpu.memref_slice %arg5[%run_scoped3A_782, %dma_start3A_845] : memref<3x128xi32, #tpu.memory_space<vmem>> -> memref<1x128xi32, #tpu.memory_space<vmem>>
      %dma_start3A_847 = tpu.memref_squeeze %dma_start3A_846 : memref<1x128xi32, #tpu.memory_space<vmem>> -> memref<128xi32, #tpu.memory_space<vmem>>
      %dma_start3A_848 = arith.constant 0 : i32
      %dma_start3A_849 = arith.constant 0 : i32
      %dma_start3A_850 = tpu.memref_slice %arg13[%dma_start3A_848, %dma_start3A_849] : memref<3712x128xf32, #tpu.memory_space<vmem_shared>> -> memref<3712x128xf32, #tpu.memory_space<vmem_shared>>
      tpu.enqueue_indirect_dma source(%dma_start3A_844 : memref<128x128xf32, #tpu.memory_space<vmem>>) target(%dma_start3A_850 : memref<3712x128xf32, #tpu.memory_space<vmem_shared>>) offsets(%dma_start3A_847 : memref<128xi32, #tpu.memory_space<vmem>>) semaphore(%run_scoped3A_840 : memref<!tpu.dma_semaphore, #tpu.memory_space<semaphore_mem>>) {add = true}
      %dma_wait3A_851 = arith.constant 0 : i32
      %dma_wait3A_852 = arith.constant 0 : i32
      %dma_wait3A_853 = tpu.memref_slice %arg6[%run_scoped3A_781, %dma_wait3A_851, %dma_wait3A_852] : memref<3x128x128xf32, #tpu.memory_space<vmem>> -> memref<1x128x128xf32, #tpu.memory_space<vmem>>
      %dma_wait3A_854 = tpu.memref_squeeze %dma_wait3A_853 : memref<1x128x128xf32, #tpu.memory_space<vmem>> -> memref<128x128xf32, #tpu.memory_space<vmem>>
      %dma_wait3A_855 = arith.constant 0 : i32
      %dma_wait3A_856 = tpu.memref_slice %arg5[%run_scoped3A_782, %dma_wait3A_855] : memref<3x128xi32, #tpu.memory_space<vmem>> -> memref<1x128xi32, #tpu.memory_space<vmem>>
      %dma_wait3A_857 = tpu.memref_squeeze %dma_wait3A_856 : memref<1x128xi32, #tpu.memory_space<vmem>> -> memref<128xi32, #tpu.memory_space<vmem>>
      %dma_wait3A_858 = arith.constant 0 : i32
      %dma_wait3A_859 = arith.constant 0 : i32
      %dma_wait3A_860 = tpu.memref_slice %arg13[%dma_wait3A_858, %dma_wait3A_859] : memref<3712x128xf32, #tpu.memory_space<vmem_shared>> -> memref<3712x128xf32, #tpu.memory_space<vmem_shared>>
      tpu.wait_indirect_dma semaphore(%run_scoped3A_840 : memref<!tpu.dma_semaphore, #tpu.memory_space<semaphore_mem>>) src(%dma_wait3A_854 : memref<128x128xf32, #tpu.memory_space<vmem>>) dst(%dma_wait3A_860 : memref<3712x128xf32, #tpu.memory_space<vmem_shared>>)
      tpu.yield
    }) : () -> ()
    %dma_wait3A_783 = arith.constant 2 : i32
    %dma_wait3A_784 = arith.constant 0 : i32
    %dma_wait3A_785 = arith.constant 0 : i32
    %dma_wait3A_786 = tpu.memref_slice %arg6[%dma_wait3A_783, %dma_wait3A_784, %dma_wait3A_785] : memref<3x128x128xf32, #tpu.memory_space<vmem>> -> memref<1x128x128xf32, #tpu.memory_space<vmem>>
    %dma_wait3A_787 = tpu.memref_squeeze %dma_wait3A_786 : memref<1x128x128xf32, #tpu.memory_space<vmem>> -> memref<128x128xf32, #tpu.memory_space<vmem>>
    %dma_wait3A_788 = arith.constant 0 : i32
    %dma_wait3A_789 = tpu.memref_slice %arg2[%select_n3A_664, %dma_wait3A_788] : memref<100000x128xf32, #tpu.memory_space<hbm>> -> memref<128x128xf32, #tpu.memory_space<hbm>>
    %dma_wait3A_790 = arith.constant 0 : i32
    %dma_wait3A_791 = arith.constant 0 : i32
    %dma_wait3A_792 = tpu.memref_slice %arg6[%dma_wait3A_783, %dma_wait3A_790, %dma_wait3A_791] : memref<3x128x128xf32, #tpu.memory_space<vmem>> -> memref<1x128x128xf32, #tpu.memory_space<vmem>>
    %dma_wait3A_793 = tpu.memref_squeeze %dma_wait3A_792 : memref<1x128x128xf32, #tpu.memory_space<vmem>> -> memref<128x128xf32, #tpu.memory_space<vmem>>
    %dma_wait3A_794 = arith.constant 0 : i32
    %dma_wait3A_795 = tpu.memref_slice %arg2[%select_n3A_664, %dma_wait3A_794] : memref<100000x128xf32, #tpu.memory_space<hbm>> -> memref<128x128xf32, #tpu.memory_space<hbm>>
    tpu.wait_dma2 semaphore(%arg9 : memref<!tpu.dma_semaphore, #tpu.memory_space<semaphore_mem>>) src(%dma_wait3A_795 : memref<128x128xf32, #tpu.memory_space<hbm>>) dst(%dma_wait3A_793 : memref<128x128xf32, #tpu.memory_space<vmem>>)
    %dma_wait3A_796 = arith.constant 2 : i32
    %dma_wait3A_797 = arith.constant 0 : i32
    %dma_wait3A_798 = tpu.memref_slice %arg5[%dma_wait3A_796, %dma_wait3A_797] : memref<3x128xi32, #tpu.memory_space<vmem>> -> memref<1x128xi32, #tpu.memory_space<vmem>>
    %dma_wait3A_799 = tpu.memref_squeeze %dma_wait3A_798 : memref<1x128xi32, #tpu.memory_space<vmem>> -> memref<128xi32, #tpu.memory_space<vmem>>
    %dma_wait3A_800 = arith.constant 0 : i32
    %dma_wait3A_801 = tpu.memref_slice %arg3[%add3A_656, %dma_wait3A_800] : memref<416x128xi32, #tpu.memory_space<hbm>> -> memref<1x128xi32, #tpu.memory_space<hbm>>
    %dma_wait3A_802 = tpu.memref_squeeze %dma_wait3A_801 : memref<1x128xi32, #tpu.memory_space<hbm>> -> memref<128xi32, #tpu.memory_space<hbm>>
    %dma_wait3A_803 = arith.constant 0 : i32
    %dma_wait3A_804 = tpu.memref_slice %arg5[%dma_wait3A_796, %dma_wait3A_803] : memref<3x128xi32, #tpu.memory_space<vmem>> -> memref<1x128xi32, #tpu.memory_space<vmem>>
    %dma_wait3A_805 = tpu.memref_squeeze %dma_wait3A_804 : memref<1x128xi32, #tpu.memory_space<vmem>> -> memref<128xi32, #tpu.memory_space<vmem>>
    %dma_wait3A_806 = arith.constant 0 : i32
    %dma_wait3A_807 = tpu.memref_slice %arg3[%add3A_656, %dma_wait3A_806] : memref<416x128xi32, #tpu.memory_space<hbm>> -> memref<1x128xi32, #tpu.memory_space<hbm>>
    %dma_wait3A_808 = tpu.memref_squeeze %dma_wait3A_807 : memref<1x128xi32, #tpu.memory_space<hbm>> -> memref<128xi32, #tpu.memory_space<hbm>>
    tpu.wait_dma2 semaphore(%arg12 : memref<!tpu.dma_semaphore, #tpu.memory_space<semaphore_mem>>) src(%dma_wait3A_808 : memref<128xi32, #tpu.memory_space<hbm>>) dst(%dma_wait3A_805 : memref<128xi32, #tpu.memory_space<vmem>>)
    %run_scoped3A_809 = arith.constant 2 : i32
    %run_scoped3A_810 = arith.constant 2 : i32
    "tpu.region"() ({
      %run_scoped3A_840 = tpu.sem_alloc : memref<!tpu.dma_semaphore, #tpu.memory_space<semaphore_mem>>
      %dma_start3A_841 = arith.constant 0 : i32
      %dma_start3A_842 = arith.constant 0 : i32
      %dma_start3A_843 = tpu.memref_slice %arg6[%run_scoped3A_809, %dma_start3A_841, %dma_start3A_842] : memref<3x128x128xf32, #tpu.memory_space<vmem>> -> memref<1x128x128xf32, #tpu.memory_space<vmem>>
      %dma_start3A_844 = tpu.memref_squeeze %dma_start3A_843 : memref<1x128x128xf32, #tpu.memory_space<vmem>> -> memref<128x128xf32, #tpu.memory_space<vmem>>
      %dma_start3A_845 = arith.constant 0 : i32
      %dma_start3A_846 = tpu.memref_slice %arg5[%run_scoped3A_810, %dma_start3A_845] : memref<3x128xi32, #tpu.memory_space<vmem>> -> memref<1x128xi32, #tpu.memory_space<vmem>>
      %dma_start3A_847 = tpu.memref_squeeze %dma_start3A_846 : memref<1x128xi32, #tpu.memory_space<vmem>> -> memref<128xi32, #tpu.memory_space<vmem>>
      %dma_start3A_848 = arith.constant 0 : i32
      %dma_start3A_849 = arith.constant 0 : i32
      %dma_start3A_850 = tpu.memref_slice %arg13[%dma_start3A_848, %dma_start3A_849] : memref<3712x128xf32, #tpu.memory_space<vmem_shared>> -> memref<3712x128xf32, #tpu.memory_space<vmem_shared>>
      tpu.enqueue_indirect_dma source(%dma_start3A_844 : memref<128x128xf32, #tpu.memory_space<vmem>>) target(%dma_start3A_850 : memref<3712x128xf32, #tpu.memory_space<vmem_shared>>) offsets(%dma_start3A_847 : memref<128xi32, #tpu.memory_space<vmem>>) semaphore(%run_scoped3A_840 : memref<!tpu.dma_semaphore, #tpu.memory_space<semaphore_mem>>) {add = true}
      %dma_wait3A_851 = arith.constant 0 : i32
      %dma_wait3A_852 = arith.constant 0 : i32
      %dma_wait3A_853 = tpu.memref_slice %arg6[%run_scoped3A_809, %dma_wait3A_851, %dma_wait3A_852] : memref<3x128x128xf32, #tpu.memory_space<vmem>> -> memref<1x128x128xf32, #tpu.memory_space<vmem>>
      %dma_wait3A_854 = tpu.memref_squeeze %dma_wait3A_853 : memref<1x128x128xf32, #tpu.memory_space<vmem>> -> memref<128x128xf32, #tpu.memory_space<vmem>>
      %dma_wait3A_855 = arith.constant 0 : i32
      %dma_wait3A_856 = tpu.memref_slice %arg5[%run_scoped3A_810, %dma_wait3A_855] : memref<3x128xi32, #tpu.memory_space<vmem>> -> memref<1x128xi32, #tpu.memory_space<vmem>>
      %dma_wait3A_857 = tpu.memref_squeeze %dma_wait3A_856 : memref<1x128xi32, #tpu.memory_space<vmem>> -> memref<128xi32, #tpu.memory_space<vmem>>
      %dma_wait3A_858 = arith.constant 0 : i32
      %dma_wait3A_859 = arith.constant 0 : i32
      %dma_wait3A_860 = tpu.memref_slice %arg13[%dma_wait3A_858, %dma_wait3A_859] : memref<3712x128xf32, #tpu.memory_space<vmem_shared>> -> memref<3712x128xf32, #tpu.memory_space<vmem_shared>>
      tpu.wait_indirect_dma semaphore(%run_scoped3A_840 : memref<!tpu.dma_semaphore, #tpu.memory_space<semaphore_mem>>) src(%dma_wait3A_854 : memref<128x128xf32, #tpu.memory_space<vmem>>) dst(%dma_wait3A_860 : memref<3712x128xf32, #tpu.memory_space<vmem_shared>>)
      tpu.yield
    }) : () -> ()
    %dma_wait3A_811 = arith.constant 0 : i32
    %dma_wait3A_812 = arith.constant 0 : i32
    %dma_wait3A_813 = arith.constant 0 : i32
    %dma_wait3A_814 = tpu.memref_slice %arg6[%dma_wait3A_811, %dma_wait3A_812, %dma_wait3A_813] : memref<3x128x128xf32, #tpu.memory_space<vmem>> -> memref<1x128x128xf32, #tpu.memory_space<vmem>>
    %dma_wait3A_815 = tpu.memref_squeeze %dma_wait3A_814 : memref<1x128x128xf32, #tpu.memory_space<vmem>> -> memref<128x128xf32, #tpu.memory_space<vmem>>
    %dma_wait3A_816 = arith.constant 0 : i32
    %dma_wait3A_817 = tpu.memref_slice %arg2[%select_n3A_728, %dma_wait3A_816] : memref<100000x128xf32, #tpu.memory_space<hbm>> -> memref<128x128xf32, #tpu.memory_space<hbm>>
    %dma_wait3A_818 = arith.constant 0 : i32
    %dma_wait3A_819 = arith.constant 0 : i32
    %dma_wait3A_820 = tpu.memref_slice %arg6[%dma_wait3A_811, %dma_wait3A_818, %dma_wait3A_819] : memref<3x128x128xf32, #tpu.memory_space<vmem>> -> memref<1x128x128xf32, #tpu.memory_space<vmem>>
    %dma_wait3A_821 = tpu.memref_squeeze %dma_wait3A_820 : memref<1x128x128xf32, #tpu.memory_space<vmem>> -> memref<128x128xf32, #tpu.memory_space<vmem>>
    %dma_wait3A_822 = arith.constant 0 : i32
    %dma_wait3A_823 = tpu.memref_slice %arg2[%select_n3A_728, %dma_wait3A_822] : memref<100000x128xf32, #tpu.memory_space<hbm>> -> memref<128x128xf32, #tpu.memory_space<hbm>>
    tpu.wait_dma2 semaphore(%arg7 : memref<!tpu.dma_semaphore, #tpu.memory_space<semaphore_mem>>) src(%dma_wait3A_823 : memref<128x128xf32, #tpu.memory_space<hbm>>) dst(%dma_wait3A_821 : memref<128x128xf32, #tpu.memory_space<vmem>>)
    %dma_wait3A_824 = arith.constant 0 : i32
    %dma_wait3A_825 = arith.constant 0 : i32
    %dma_wait3A_826 = tpu.memref_slice %arg5[%dma_wait3A_824, %dma_wait3A_825] : memref<3x128xi32, #tpu.memory_space<vmem>> -> memref<1x128xi32, #tpu.memory_space<vmem>>
    %dma_wait3A_827 = tpu.memref_squeeze %dma_wait3A_826 : memref<1x128xi32, #tpu.memory_space<vmem>> -> memref<128xi32, #tpu.memory_space<vmem>>
    %dma_wait3A_828 = arith.constant 0 : i32
    %dma_wait3A_829 = tpu.memref_slice %arg3[%add3A_720, %dma_wait3A_828] : memref<416x128xi32, #tpu.memory_space<hbm>> -> memref<1x128xi32, #tpu.memory_space<hbm>>
    %dma_wait3A_830 = tpu.memref_squeeze %dma_wait3A_829 : memref<1x128xi32, #tpu.memory_space<hbm>> -> memref<128xi32, #tpu.memory_space<hbm>>
    %dma_wait3A_831 = arith.constant 0 : i32
    %dma_wait3A_832 = tpu.memref_slice %arg5[%dma_wait3A_824, %dma_wait3A_831] : memref<3x128xi32, #tpu.memory_space<vmem>> -> memref<1x128xi32, #tpu.memory_space<vmem>>
    %dma_wait3A_833 = tpu.memref_squeeze %dma_wait3A_832 : memref<1x128xi32, #tpu.memory_space<vmem>> -> memref<128xi32, #tpu.memory_space<vmem>>
    %dma_wait3A_834 = arith.constant 0 : i32
    %dma_wait3A_835 = tpu.memref_slice %arg3[%add3A_720, %dma_wait3A_834] : memref<416x128xi32, #tpu.memory_space<hbm>> -> memref<1x128xi32, #tpu.memory_space<hbm>>
    %dma_wait3A_836 = tpu.memref_squeeze %dma_wait3A_835 : memref<1x128xi32, #tpu.memory_space<hbm>> -> memref<128xi32, #tpu.memory_space<hbm>>
    tpu.wait_dma2 semaphore(%arg10 : memref<!tpu.dma_semaphore, #tpu.memory_space<semaphore_mem>>) src(%dma_wait3A_836 : memref<128xi32, #tpu.memory_space<hbm>>) dst(%dma_wait3A_833 : memref<128xi32, #tpu.memory_space<vmem>>)
    %run_scoped3A_837 = arith.constant 0 : i32
    %run_scoped3A_838 = arith.constant 0 : i32
    "tpu.region"() ({
      %run_scoped3A_840 = tpu.sem_alloc : memref<!tpu.dma_semaphore, #tpu.memory_space<semaphore_mem>>
      %dma_start3A_841 = arith.constant 0 : i32
      %dma_start3A_842 = arith.constant 0 : i32
      %dma_start3A_843 = tpu.memref_slice %arg6[%run_scoped3A_837, %dma_start3A_841, %dma_start3A_842] : memref<3x128x128xf32, #tpu.memory_space<vmem>> -> memref<1x128x128xf32, #tpu.memory_space<vmem>>
      %dma_start3A_844 = tpu.memref_squeeze %dma_start3A_843 : memref<1x128x128xf32, #tpu.memory_space<vmem>> -> memref<128x128xf32, #tpu.memory_space<vmem>>
      %dma_start3A_845 = arith.constant 0 : i32
      %dma_start3A_846 = tpu.memref_slice %arg5[%run_scoped3A_838, %dma_start3A_845] : memref<3x128xi32, #tpu.memory_space<vmem>> -> memref<1x128xi32, #tpu.memory_space<vmem>>
      %dma_start3A_847 = tpu.memref_squeeze %dma_start3A_846 : memref<1x128xi32, #tpu.memory_space<vmem>> -> memref<128xi32, #tpu.memory_space<vmem>>
      %dma_start3A_848 = arith.constant 0 : i32
      %dma_start3A_849 = arith.constant 0 : i32
      %dma_start3A_850 = tpu.memref_slice %arg13[%dma_start3A_848, %dma_start3A_849] : memref<3712x128xf32, #tpu.memory_space<vmem_shared>> -> memref<3712x128xf32, #tpu.memory_space<vmem_shared>>
      tpu.enqueue_indirect_dma source(%dma_start3A_844 : memref<128x128xf32, #tpu.memory_space<vmem>>) target(%dma_start3A_850 : memref<3712x128xf32, #tpu.memory_space<vmem_shared>>) offsets(%dma_start3A_847 : memref<128xi32, #tpu.memory_space<vmem>>) semaphore(%run_scoped3A_840 : memref<!tpu.dma_semaphore, #tpu.memory_space<semaphore_mem>>) {add = true}
      %dma_wait3A_851 = arith.constant 0 : i32
      %dma_wait3A_852 = arith.constant 0 : i32
      %dma_wait3A_853 = tpu.memref_slice %arg6[%run_scoped3A_837, %dma_wait3A_851, %dma_wait3A_852] : memref<3x128x128xf32, #tpu.memory_space<vmem>> -> memref<1x128x128xf32, #tpu.memory_space<vmem>>
      %dma_wait3A_854 = tpu.memref_squeeze %dma_wait3A_853 : memref<1x128x128xf32, #tpu.memory_space<vmem>> -> memref<128x128xf32, #tpu.memory_space<vmem>>
      %dma_wait3A_855 = arith.constant 0 : i32
      %dma_wait3A_856 = tpu.memref_slice %arg5[%run_scoped3A_838, %dma_wait3A_855] : memref<3x128xi32, #tpu.memory_space<vmem>> -> memref<1x128xi32, #tpu.memory_space<vmem>>
      %dma_wait3A_857 = tpu.memref_squeeze %dma_wait3A_856 : memref<1x128xi32, #tpu.memory_space<vmem>> -> memref<128xi32, #tpu.memory_space<vmem>>
      %dma_wait3A_858 = arith.constant 0 : i32
      %dma_wait3A_859 = arith.constant 0 : i32
      %dma_wait3A_860 = tpu.memref_slice %arg13[%dma_wait3A_858, %dma_wait3A_859] : memref<3712x128xf32, #tpu.memory_space<vmem_shared>> -> memref<3712x128xf32, #tpu.memory_space<vmem_shared>>
      tpu.wait_indirect_dma semaphore(%run_scoped3A_840 : memref<!tpu.dma_semaphore, #tpu.memory_space<semaphore_mem>>) src(%dma_wait3A_854 : memref<128x128xf32, #tpu.memory_space<vmem>>) dst(%dma_wait3A_860 : memref<3712x128xf32, #tpu.memory_space<vmem_shared>>)
      tpu.yield
    }) : () -> ()
    %barrier3A_839 = arith.constant 0 : index
    tpu.barrier barrier_id(%barrier3A_839)
    "tpu.region"() ({
      %run_scoped3A_840 = tpu.sem_alloc : memref<!tpu.dma_semaphore, #tpu.memory_space<semaphore_mem>>
      %dma_start3A_841 = arith.constant 0 : i32
      %dma_start3A_842 = tpu.memref_slice %arg4[%arg0, %mul3A_8, %dma_start3A_841] : memref<2x3712x128xf32, #tpu.memory_space<hbm>> -> memref<1x232x128xf32, #tpu.memory_space<hbm>>
      %dma_start3A_843 = tpu.memref_squeeze %dma_start3A_842 : memref<1x232x128xf32, #tpu.memory_space<hbm>> -> memref<232x128xf32, #tpu.memory_space<hbm>>
      %dma_start3A_844 = arith.constant 0 : i32
      %dma_start3A_845 = tpu.memref_slice %arg13[%mul3A_8, %dma_start3A_844] : memref<3712x128xf32, #tpu.memory_space<vmem_shared>> -> memref<232x128xf32, #tpu.memory_space<vmem_shared>>
      tpu.enqueue_dma source(%dma_start3A_845 : memref<232x128xf32, #tpu.memory_space<vmem_shared>>) target(%dma_start3A_843 : memref<232x128xf32, #tpu.memory_space<hbm>>) target_semaphore(%run_scoped3A_840 : memref<!tpu.dma_semaphore, #tpu.memory_space<semaphore_mem>>)
      %dma_wait3A_846 = arith.constant 0 : i32
      %dma_wait3A_847 = tpu.memref_slice %arg4[%arg0, %mul3A_8, %dma_wait3A_846] : memref<2x3712x128xf32, #tpu.memory_space<hbm>> -> memref<1x232x128xf32, #tpu.memory_space<hbm>>
      %dma_wait3A_848 = tpu.memref_squeeze %dma_wait3A_847 : memref<1x232x128xf32, #tpu.memory_space<hbm>> -> memref<232x128xf32, #tpu.memory_space<hbm>>
      %dma_wait3A_849 = arith.constant 0 : i32
      %dma_wait3A_850 = tpu.memref_slice %arg13[%mul3A_8, %dma_wait3A_849] : memref<3712x128xf32, #tpu.memory_space<vmem_shared>> -> memref<232x128xf32, #tpu.memory_space<vmem_shared>>
      tpu.wait_dma2 semaphore(%run_scoped3A_840 : memref<!tpu.dma_semaphore, #tpu.memory_space<semaphore_mem>>) src(%dma_wait3A_850 : memref<232x128xf32, #tpu.memory_space<vmem_shared>>) dst(%dma_wait3A_848 : memref<232x128xf32, #tpu.memory_space<hbm>>)
      tpu.yield
    }) : () -> ()
    return
  }
}

module attributes {stable_mosaic.version = 14 : i64} {
  func.func @body(%arg0: i32, %arg1: memref<200x5120xf32, #tpu.memory_space<vmem>>, %arg2: memref<5120xi32, #tpu.memory_space<vmem>>, %arg3: memref<14x200xf32, #tpu.memory_space<vmem>>, %arg4: memref<5120xi32, #tpu.memory_space<vmem>>, %arg5: memref<5120xi32, #tpu.memory_space<vmem>>, %arg6: memref<256x1xf32, #tpu.memory_space<vmem>>) attributes {dimension_semantics = [#tpu.dimension_semantics<arbitrary>], iteration_bounds = array<i64: 10>, scalar_prefetch = 0 : i64, scratch_operands = 0 : i64, tpu.core_type = #tpu.core_type<tc>, window_params = [{transform_indices = @transform_0, window_bounds = array<i64: 200, 5120>}, {transform_indices = @transform_1, window_bounds = array<i64: 5120>}, {pipeline_mode = #tpu.pipeline_mode<synchronous>, transform_indices = @transform_2, window_bounds = array<i64: 14, 200>}, {transform_indices = @transform_3, window_bounds = array<i64: 5120>}, {transform_indices = @transform_4, window_bounds = array<i64: 5120>}, {pipeline_mode = #tpu.pipeline_mode<synchronous>, transform_indices = @transform_5, window_bounds = array<i64: 256, 1>}]} {
    %get3A = arith.constant 0 : index
    %get3A_0 = arith.constant 0 : index
    %get3A_1 = vector.load %arg1[%get3A, %get3A_0] : memref<200x5120xf32, #tpu.memory_space<vmem>>, vector<200x5120xf32>
    %get3A_2 = arith.constant 0 : index
    %get3A_3 = arith.constant 0 : index
    %get3A_4 = vector.load %arg3[%get3A_2, %get3A_3] : memref<14x200xf32, #tpu.memory_space<vmem>>, vector<14x200xf32>
    %dot_general3A = arith.constant dense<0.000000e+00> : vector<14x5120xf32>
    %dot_general3A_5 = tpu.matmul %get3A_4, %get3A_1, %dot_general3A {dimension_numbers = #tpu.dot_dimension_numbers<[1], [0], [0], [1], [0, 0, 1, 1], [], []>, transpose_lhs_hint = false} : vector<14x200xf32>, vector<200x5120xf32>, vector<14x5120xf32> -> vector<14x5120xf32>
    %reduce_max3A = arith.constant dense<0xFF800000> : vector<5120xf32>
    %reduce_max3A_6 = vector.multi_reduction <maximumf>, %dot_general3A_5, %reduce_max3A [0] : vector<14x5120xf32> to vector<5120xf32>
    %broadcast_in_dim3A = vector.shape_cast %reduce_max3A_6 : vector<5120xf32> to vector<1x5120xf32>
    %iota3A = tpu.iota {dimensions = array<i32: 0>} : vector<14x5120xi32>
    %eq3A = vector.broadcast %broadcast_in_dim3A : vector<1x5120xf32> to vector<14x5120xf32>
    %eq3A_7 = arith.cmpf oeq, %dot_general3A_5, %eq3A : vector<14x5120xf32>
    %jit3A = arith.constant 14 : i32
    %broadcast_in_dim3A_8 = vector.broadcast %jit3A : i32 to vector<14x5120xi32>
    %select_n3A = arith.select %eq3A_7, %iota3A, %broadcast_in_dim3A_8 : vector<14x5120xi1>, vector<14x5120xi32>
    %reduce_min3A = arith.constant dense<2147483647> : vector<5120xi32>
    %reduce_min3A_9 = vector.multi_reduction <minsi>, %select_n3A, %reduce_min3A [0] : vector<14x5120xi32> to vector<5120xi32>
    %get3A_10 = arith.constant 0 : index
    %get3A_11 = vector.load %arg2[%get3A_10] : memref<5120xi32, #tpu.memory_space<vmem>>, vector<5120xi32>
    %swap3A = arith.constant 0 : index
    %swap3A_12 = vector.load %arg4[%swap3A] : memref<5120xi32, #tpu.memory_space<vmem>>, vector<5120xi32>
    tpu.vector_store %arg4[%swap3A], %reduce_min3A_9 {strides = array<i32>} : memref<5120xi32, #tpu.memory_space<vmem>>, vector<5120xi32>,
    %mul3A = arith.constant 256 : i32
    %mul3A_13 = vector.broadcast %mul3A : i32 to vector<5120xi32>
    %mul3A_14 = arith.muli %reduce_min3A_9, %mul3A_13 : vector<5120xi32>
    %add3A = arith.addi %mul3A_14, %get3A_11 : vector<5120xi32>
    %swap3A_15 = arith.constant 0 : index
    %swap3A_16 = vector.load %arg5[%swap3A_15] : memref<5120xi32, #tpu.memory_space<vmem>>, vector<5120xi32>
    tpu.vector_store %arg5[%swap3A_15], %add3A {strides = array<i32>} : memref<5120xi32, #tpu.memory_space<vmem>>, vector<5120xi32>,
    %mul3A_17 = arith.constant 5120 : i32
    %mul3A_18 = arith.muli %arg0, %mul3A_17 : i32
    %iota3A_19 = tpu.iota {dimensions = array<i32: 1>} : vector<1x5120xi32>
    %add3A_20 = vector.broadcast %mul3A_18 : i32 to vector<1x5120xi32>
    %add3A_21 = arith.addi %add3A_20, %iota3A_19 : vector<1x5120xi32>
    %lt3A = arith.constant 48800 : i32
    %lt3A_22 = vector.broadcast %lt3A : i32 to vector<1x5120xi32>
    %lt3A_23 = arith.cmpi slt, %add3A_21, %lt3A_22 : vector<1x5120xi32>
    %iota3A_24 = tpu.iota {dimensions = array<i32: 0>} : vector<256x5120xi32>
    %broadcast_in_dim3A_25 = vector.shape_cast %get3A_11 : vector<5120xi32> to vector<1x5120xi32>
    %eq3A_26 = vector.broadcast %broadcast_in_dim3A_25 : vector<1x5120xi32> to vector<256x5120xi32>
    %eq3A_27 = arith.cmpi eq, %eq3A_26, %iota3A_24 : vector<256x5120xi32>
    %and3A = vector.broadcast %lt3A_23 : vector<1x5120xi1> to vector<256x5120xi1>
    %and3A_28 = arith.andi %eq3A_27, %and3A : vector<256x5120xi1>
    %convert_element_type3A = arith.extui %and3A_28 : vector<256x5120xi1> to vector<256x5120xi32>
    %convert_element_type3A_29 = arith.sitofp %convert_element_type3A : vector<256x5120xi32> to vector<256x5120xf32>
    %reduce_sum3A = arith.constant dense<0.000000e+00> : vector<256xf32>
    %reduce_sum3A_30 = vector.multi_reduction <add>, %convert_element_type3A_29, %reduce_sum3A [1] : vector<256x5120xf32> to vector<256xf32>
    %broadcast_in_dim3A_31 = vector.shape_cast %reduce_sum3A_30 : vector<256xf32> to vector<256x1xf32>
    %eq3A_32 = arith.constant 0 : i32
    %eq3A_33 = arith.cmpi eq, %arg0, %eq3A_32 : i32
    %convert_element_type3A_34 = arith.extui %eq3A_33 : i1 to i32
    %cond3A = arith.constant 0 : i32
    %cond3A_35 = arith.cmpi ne, %convert_element_type3A_34, %cond3A : i32
    scf.if %cond3A_35 {
      %swap3A_40 = arith.constant 0 : index
      %swap3A_41 = arith.constant 0 : index
      %swap3A_42 = vector.load %arg6[%swap3A_40, %swap3A_41] : memref<256x1xf32, #tpu.memory_space<vmem>>, vector<256x1xf32>
      tpu.vector_store %arg6[%swap3A_40, %swap3A_41], %broadcast_in_dim3A_31 {strides = array<i32>} : memref<256x1xf32, #tpu.memory_space<vmem>>, vector<256x1xf32>,
    } else {
    }
    %ne3A = arith.constant 0 : i32
    %ne3A_36 = arith.cmpi ne, %arg0, %ne3A : i32
    %convert_element_type3A_37 = arith.extui %ne3A_36 : i1 to i32
    %cond3A_38 = arith.constant 0 : i32
    %cond3A_39 = arith.cmpi ne, %convert_element_type3A_37, %cond3A_38 : i32
    scf.if %cond3A_39 {
      %get3A_40 = arith.constant 0 : index
      %get3A_41 = arith.constant 0 : index
      %get3A_42 = vector.load %arg6[%get3A_40, %get3A_41] : memref<256x1xf32, #tpu.memory_space<vmem>>, vector<256x1xf32>
      %add3A_43 = arith.addf %get3A_42, %broadcast_in_dim3A_31 : vector<256x1xf32>
      %swap3A_44 = arith.constant 0 : index
      %swap3A_45 = arith.constant 0 : index
      %swap3A_46 = vector.load %arg6[%swap3A_44, %swap3A_45] : memref<256x1xf32, #tpu.memory_space<vmem>>, vector<256x1xf32>
      tpu.vector_store %arg6[%swap3A_44, %swap3A_45], %add3A_43 {strides = array<i32>} : memref<256x1xf32, #tpu.memory_space<vmem>>, vector<256x1xf32>,
    } else {
    }
    return
  }
  func.func @transform_0(%arg0: i32) -> (i32, i32) {
    %add3A = arith.constant 10 : i32
    %add3A_0 = arith.addi %arg0, %add3A : i32
    %c0_i32 = arith.constant 0 : i32
    %c0_i32_1 = arith.constant 0 : i32
    return %c0_i32, %add3A_0 : i32, i32
  }
  func.func @transform_1(%arg0: i32) -> i32 {
    %add3A = arith.constant 10 : i32
    %add3A_0 = arith.addi %arg0, %add3A : i32
    %c0_i32 = arith.constant 0 : i32
    return %add3A_0 : i32
  }
  func.func @transform_2(%arg0: i32) -> (i32, i32) {
    %c0_i32 = arith.constant 0 : i32
    %c0_i32_0 = arith.constant 0 : i32
    %c0_i32_1 = arith.constant 0 : i32
    return %c0_i32, %c0_i32_0 : i32, i32
  }
  func.func @transform_3(%arg0: i32) -> i32 {
    %c0_i32 = arith.constant 0 : i32
    return %arg0 : i32
  }
  func.func @transform_4(%arg0: i32) -> i32 {
    %c0_i32 = arith.constant 0 : i32
    return %arg0 : i32
  }
  func.func @transform_5(%arg0: i32) -> (i32, i32) {
    %c0_i32 = arith.constant 0 : i32
    %c0_i32_0 = arith.constant 0 : i32
    %c0_i32_1 = arith.constant 0 : i32
    return %c0_i32, %c0_i32_0 : i32, i32
  }
}

module attributes {stable_mosaic.version = 14 : i64} {
  func.func @body(%arg0: i32, %arg1: memref<200x5120xf32, #tpu.memory_space<vmem>>, %arg2: memref<5120xi32, #tpu.memory_space<vmem>>, %arg3: memref<14x200xf32, #tpu.memory_space<vmem>>, %arg4: memref<5120xi32, #tpu.memory_space<vmem>>, %arg5: memref<5120xi32, #tpu.memory_space<vmem>>, %arg6: memref<256x1xf32, #tpu.memory_space<vmem>>) attributes {dimension_semantics = [#tpu.dimension_semantics<arbitrary>], iteration_bounds = array<i64: 10>, scalar_prefetch = 0 : i64, scratch_operands = 0 : i64, tpu.core_type = #tpu.core_type<tc>, window_params = [{transform_indices = @transform_0, window_bounds = array<i64: 200, 5120>}, {transform_indices = @transform_1, window_bounds = array<i64: 5120>}, {pipeline_mode = #tpu.pipeline_mode<synchronous>, transform_indices = @transform_2, window_bounds = array<i64: 14, 200>}, {transform_indices = @transform_3, window_bounds = array<i64: 5120>}, {transform_indices = @transform_4, window_bounds = array<i64: 5120>}, {pipeline_mode = #tpu.pipeline_mode<synchronous>, transform_indices = @transform_5, window_bounds = array<i64: 256, 1>}]} {
    %get3A = arith.constant 0 : index
    %get3A_0 = arith.constant 0 : index
    %get3A_1 = vector.load %arg1[%get3A, %get3A_0] : memref<200x5120xf32, #tpu.memory_space<vmem>>, vector<200x5120xf32>
    %get3A_2 = arith.constant 0 : index
    %get3A_3 = arith.constant 0 : index
    %get3A_4 = vector.load %arg3[%get3A_2, %get3A_3] : memref<14x200xf32, #tpu.memory_space<vmem>>, vector<14x200xf32>
    %dot_general3A = arith.constant dense<0.000000e+00> : vector<14x5120xf32>
    %dot_general3A_5 = tpu.matmul %get3A_4, %get3A_1, %dot_general3A {dimension_numbers = #tpu.dot_dimension_numbers<[1], [0], [0], [1], [0, 0, 1, 1], [], []>, transpose_lhs_hint = false} : vector<14x200xf32>, vector<200x5120xf32>, vector<14x5120xf32> -> vector<14x5120xf32>
    %reduce_max3A = arith.constant dense<0xFF800000> : vector<5120xf32>
    %reduce_max3A_6 = vector.multi_reduction <maximumf>, %dot_general3A_5, %reduce_max3A [0] : vector<14x5120xf32> to vector<5120xf32>
    %broadcast_in_dim3A = vector.shape_cast %reduce_max3A_6 : vector<5120xf32> to vector<1x5120xf32>
    %iota3A = tpu.iota {dimensions = array<i32: 0>} : vector<14x5120xi32>
    %eq3A = vector.broadcast %broadcast_in_dim3A : vector<1x5120xf32> to vector<14x5120xf32>
    %eq3A_7 = arith.cmpf oeq, %dot_general3A_5, %eq3A : vector<14x5120xf32>
    %jit3A = arith.constant 14 : i32
    %broadcast_in_dim3A_8 = vector.broadcast %jit3A : i32 to vector<14x5120xi32>
    %select_n3A = arith.select %eq3A_7, %iota3A, %broadcast_in_dim3A_8 : vector<14x5120xi1>, vector<14x5120xi32>
    %reduce_min3A = arith.constant dense<2147483647> : vector<5120xi32>
    %reduce_min3A_9 = vector.multi_reduction <minsi>, %select_n3A, %reduce_min3A [0] : vector<14x5120xi32> to vector<5120xi32>
    %get3A_10 = arith.constant 0 : index
    %get3A_11 = vector.load %arg2[%get3A_10] : memref<5120xi32, #tpu.memory_space<vmem>>, vector<5120xi32>
    %swap3A = arith.constant 0 : index
    %swap3A_12 = vector.load %arg4[%swap3A] : memref<5120xi32, #tpu.memory_space<vmem>>, vector<5120xi32>
    tpu.vector_store %arg4[%swap3A], %reduce_min3A_9 {strides = array<i32>} : memref<5120xi32, #tpu.memory_space<vmem>>, vector<5120xi32>,
    %mul3A = arith.constant 256 : i32
    %mul3A_13 = vector.broadcast %mul3A : i32 to vector<5120xi32>
    %mul3A_14 = arith.muli %reduce_min3A_9, %mul3A_13 : vector<5120xi32>
    %add3A = arith.addi %mul3A_14, %get3A_11 : vector<5120xi32>
    %swap3A_15 = arith.constant 0 : index
    %swap3A_16 = vector.load %arg5[%swap3A_15] : memref<5120xi32, #tpu.memory_space<vmem>>, vector<5120xi32>
    tpu.vector_store %arg5[%swap3A_15], %add3A {strides = array<i32>} : memref<5120xi32, #tpu.memory_space<vmem>>, vector<5120xi32>,
    %mul3A_17 = arith.constant 5120 : i32
    %mul3A_18 = arith.muli %arg0, %mul3A_17 : i32
    %iota3A_19 = tpu.iota {dimensions = array<i32: 1>} : vector<1x5120xi32>
    %add3A_20 = vector.broadcast %mul3A_18 : i32 to vector<1x5120xi32>
    %add3A_21 = arith.addi %add3A_20, %iota3A_19 : vector<1x5120xi32>
    %lt3A = arith.constant 51200 : i32
    %lt3A_22 = vector.broadcast %lt3A : i32 to vector<1x5120xi32>
    %lt3A_23 = arith.cmpi slt, %add3A_21, %lt3A_22 : vector<1x5120xi32>
    %iota3A_24 = tpu.iota {dimensions = array<i32: 0>} : vector<256x5120xi32>
    %broadcast_in_dim3A_25 = vector.shape_cast %get3A_11 : vector<5120xi32> to vector<1x5120xi32>
    %eq3A_26 = vector.broadcast %broadcast_in_dim3A_25 : vector<1x5120xi32> to vector<256x5120xi32>
    %eq3A_27 = arith.cmpi eq, %eq3A_26, %iota3A_24 : vector<256x5120xi32>
    %and3A = vector.broadcast %lt3A_23 : vector<1x5120xi1> to vector<256x5120xi1>
    %and3A_28 = arith.andi %eq3A_27, %and3A : vector<256x5120xi1>
    %convert_element_type3A = arith.extui %and3A_28 : vector<256x5120xi1> to vector<256x5120xi32>
    %convert_element_type3A_29 = arith.sitofp %convert_element_type3A : vector<256x5120xi32> to vector<256x5120xf32>
    %reduce_sum3A = arith.constant dense<0.000000e+00> : vector<256xf32>
    %reduce_sum3A_30 = vector.multi_reduction <add>, %convert_element_type3A_29, %reduce_sum3A [1] : vector<256x5120xf32> to vector<256xf32>
    %broadcast_in_dim3A_31 = vector.shape_cast %reduce_sum3A_30 : vector<256xf32> to vector<256x1xf32>
    %eq3A_32 = arith.constant 0 : i32
    %eq3A_33 = arith.cmpi eq, %arg0, %eq3A_32 : i32
    %convert_element_type3A_34 = arith.extui %eq3A_33 : i1 to i32
    %cond3A = arith.constant 0 : i32
    %cond3A_35 = arith.cmpi ne, %convert_element_type3A_34, %cond3A : i32
    scf.if %cond3A_35 {
      %swap3A_40 = arith.constant 0 : index
      %swap3A_41 = arith.constant 0 : index
      %swap3A_42 = vector.load %arg6[%swap3A_40, %swap3A_41] : memref<256x1xf32, #tpu.memory_space<vmem>>, vector<256x1xf32>
      tpu.vector_store %arg6[%swap3A_40, %swap3A_41], %broadcast_in_dim3A_31 {strides = array<i32>} : memref<256x1xf32, #tpu.memory_space<vmem>>, vector<256x1xf32>,
    } else {
    }
    %ne3A = arith.constant 0 : i32
    %ne3A_36 = arith.cmpi ne, %arg0, %ne3A : i32
    %convert_element_type3A_37 = arith.extui %ne3A_36 : i1 to i32
    %cond3A_38 = arith.constant 0 : i32
    %cond3A_39 = arith.cmpi ne, %convert_element_type3A_37, %cond3A_38 : i32
    scf.if %cond3A_39 {
      %get3A_40 = arith.constant 0 : index
      %get3A_41 = arith.constant 0 : index
      %get3A_42 = vector.load %arg6[%get3A_40, %get3A_41] : memref<256x1xf32, #tpu.memory_space<vmem>>, vector<256x1xf32>
      %add3A_43 = arith.addf %get3A_42, %broadcast_in_dim3A_31 : vector<256x1xf32>
      %swap3A_44 = arith.constant 0 : index
      %swap3A_45 = arith.constant 0 : index
      %swap3A_46 = vector.load %arg6[%swap3A_44, %swap3A_45] : memref<256x1xf32, #tpu.memory_space<vmem>>, vector<256x1xf32>
      tpu.vector_store %arg6[%swap3A_44, %swap3A_45], %add3A_43 {strides = array<i32>} : memref<256x1xf32, #tpu.memory_space<vmem>>, vector<256x1xf32>,
    } else {
    }
    return
  }
  func.func @transform_0(%arg0: i32) -> (i32, i32) {
    %add3A = arith.constant 0 : i32
    %add3A_0 = arith.addi %arg0, %add3A : i32
    %c0_i32 = arith.constant 0 : i32
    %c0_i32_1 = arith.constant 0 : i32
    return %c0_i32, %add3A_0 : i32, i32
  }
  func.func @transform_1(%arg0: i32) -> i32 {
    %add3A = arith.constant 0 : i32
    %add3A_0 = arith.addi %arg0, %add3A : i32
    %c0_i32 = arith.constant 0 : i32
    return %add3A_0 : i32
  }
  func.func @transform_2(%arg0: i32) -> (i32, i32) {
    %c0_i32 = arith.constant 0 : i32
    %c0_i32_0 = arith.constant 0 : i32
    %c0_i32_1 = arith.constant 0 : i32
    return %c0_i32, %c0_i32_0 : i32, i32
  }
  func.func @transform_3(%arg0: i32) -> i32 {
    %c0_i32 = arith.constant 0 : i32
    return %arg0 : i32
  }
  func.func @transform_4(%arg0: i32) -> i32 {
    %c0_i32 = arith.constant 0 : i32
    return %arg0 : i32
  }
  func.func @transform_5(%arg0: i32) -> (i32, i32) {
    %c0_i32 = arith.constant 0 : i32
    %c0_i32_0 = arith.constant 0 : i32
    %c0_i32_1 = arith.constant 0 : i32
    return %c0_i32, %c0_i32_0 : i32, i32
  }
}

module attributes {stable_mosaic.version = 14 : i64} {
  func.func @_mlp_body(%arg0: i32, %arg1: memref<2x512x128xf32, #tpu.memory_space<vmem>>, %arg2: memref<2x512x128xf32, #tpu.memory_space<vmem>>, %arg3: memref<256x1xf32, #tpu.memory_space<vmem>>, %arg4: memref<2x128x128xf32, #tpu.memory_space<vmem>>, %arg5: memref<2x1x128xf32, #tpu.memory_space<vmem>>, %arg6: memref<2x1x128xf32, #tpu.memory_space<vmem>>, %arg7: memref<2x1x128xf32, #tpu.memory_space<vmem>>, %arg8: memref<2x64x128xf32, #tpu.memory_space<vmem>>, %arg9: memref<2x1x64xf32, #tpu.memory_space<vmem>>, %arg10: memref<2x1x64xf32, #tpu.memory_space<vmem>>, %arg11: memref<2x1x64xf32, #tpu.memory_space<vmem>>, %arg12: memref<256x128xf32, #tpu.memory_space<vmem>>) attributes {dimension_semantics = [#tpu.dimension_semantics<arbitrary>], iteration_bounds = array<i64: 7>, scalar_prefetch = 0 : i64, scratch_operands = 0 : i64, tpu.core_type = #tpu.core_type<tc>, window_params = [{transform_indices = @transform_0, window_bounds = array<i64: 2, 512, 128>}, {transform_indices = @transform_1, window_bounds = array<i64: 2, 512, 128>}, {pipeline_mode = #tpu.pipeline_mode<synchronous>, transform_indices = @transform_2, window_bounds = array<i64: 256, 1>}, {transform_indices = @transform_3, window_bounds = array<i64: 2, 128, 128>}, {transform_indices = @transform_4, window_bounds = array<i64: 2, 1, 128>}, {transform_indices = @transform_5, window_bounds = array<i64: 2, 1, 128>}, {transform_indices = @transform_6, window_bounds = array<i64: 2, 1, 128>}, {transform_indices = @transform_7, window_bounds = array<i64: 2, 64, 128>}, {transform_indices = @transform_8, window_bounds = array<i64: 2, 1, 64>}, {transform_indices = @transform_9, window_bounds = array<i64: 2, 1, 64>}, {transform_indices = @transform_10, window_bounds = array<i64: 2, 1, 64>}, {transform_indices = @transform_11, window_bounds = array<i64: 256, 128>}]} {
    %get3A = arith.constant 0 : index
    %get3A_0 = arith.constant 0 : index
    %get3A_1 = vector.load %arg3[%get3A, %get3A_0] : memref<256x1xf32, #tpu.memory_space<vmem>>, vector<256x1xf32>
    %max3A = arith.constant 1.000000e+00 : f32
    %max3A_2 = vector.broadcast %max3A : f32 to vector<256x1xf32>
    %max3A_3 = arith.maximumf %get3A_1, %max3A_2 : vector<256x1xf32>
    %get3A_4 = arith.constant 0 : index
    %get3A_5 = arith.constant 0 : index
    %get3A_6 = arith.constant 0 : index
    %get3A_7 = vector.load %arg1[%get3A_4, %get3A_5, %get3A_6] : memref<2x512x128xf32, #tpu.memory_space<vmem>>, vector<1x256x128xf32>
    %get3A_8 = vector.shape_cast %get3A_7 : vector<1x256x128xf32> to vector<256x128xf32>
    %get3A_9 = arith.constant 1 : index
    %get3A_10 = arith.constant 0 : index
    %get3A_11 = arith.constant 0 : index
    %get3A_12 = vector.load %arg1[%get3A_9, %get3A_10, %get3A_11] : memref<2x512x128xf32, #tpu.memory_space<vmem>>, vector<1x256x128xf32>
    %get3A_13 = vector.shape_cast %get3A_12 : vector<1x256x128xf32> to vector<256x128xf32>
    %add3A = arith.addf %get3A_8, %get3A_13 : vector<256x128xf32>
    %get3A_14 = arith.constant 0 : index
    %get3A_15 = arith.constant 0 : index
    %get3A_16 = arith.constant 0 : index
    %get3A_17 = vector.load %arg2[%get3A_14, %get3A_15, %get3A_16] : memref<2x512x128xf32, #tpu.memory_space<vmem>>, vector<1x256x128xf32>
    %get3A_18 = vector.shape_cast %get3A_17 : vector<1x256x128xf32> to vector<256x128xf32>
    %add3A_19 = arith.addf %add3A, %get3A_18 : vector<256x128xf32>
    %get3A_20 = arith.constant 1 : index
    %get3A_21 = arith.constant 0 : index
    %get3A_22 = arith.constant 0 : index
    %get3A_23 = vector.load %arg2[%get3A_20, %get3A_21, %get3A_22] : memref<2x512x128xf32, #tpu.memory_space<vmem>>, vector<1x256x128xf32>
    %get3A_24 = vector.shape_cast %get3A_23 : vector<1x256x128xf32> to vector<256x128xf32>
    %add3A_25 = arith.addf %add3A_19, %get3A_24 : vector<256x128xf32>
    %div3A = vector.broadcast %max3A_3 : vector<256x1xf32> to vector<256x128xf32>
    %div3A_26 = arith.divf %add3A_25, %div3A : vector<256x128xf32>
    %get3A_27 = arith.constant 0 : index
    %get3A_28 = arith.constant 0 : index
    %get3A_29 = arith.constant 0 : index
    %get3A_30 = vector.load %arg4[%get3A_27, %get3A_28, %get3A_29] : memref<2x128x128xf32, #tpu.memory_space<vmem>>, vector<1x128x128xf32>
    %get3A_31 = vector.shape_cast %get3A_30 : vector<1x128x128xf32> to vector<128x128xf32>
    %dot_general3A = arith.constant dense<0.000000e+00> : vector<256x128xf32>
    %dot_general3A_32 = tpu.matmul %div3A_26, %get3A_31, %dot_general3A {dimension_numbers = #tpu.dot_dimension_numbers<[1], [1], [0], [0], [0, 0, 1, 0], [], []>, transpose_lhs_hint = false} : vector<256x128xf32>, vector<128x128xf32>, vector<256x128xf32> -> vector<256x128xf32>
    %get3A_33 = arith.constant 0 : index
    %get3A_34 = arith.constant 0 : index
    %get3A_35 = arith.constant 0 : index
    %get3A_36 = vector.load %arg5[%get3A_33, %get3A_34, %get3A_35] : memref<2x1x128xf32, #tpu.memory_space<vmem>>, vector<1x1x128xf32>
    %get3A_37 = vector.shape_cast %get3A_36 : vector<1x1x128xf32> to vector<1x128xf32>
    %add3A_38 = vector.broadcast %get3A_37 : vector<1x128xf32> to vector<256x128xf32>
    %add3A_39 = arith.addf %dot_general3A_32, %add3A_38 : vector<256x128xf32>
    %reduce_sum3A = arith.constant dense<0.000000e+00> : vector<128xf32>
    %reduce_sum3A_40 = vector.multi_reduction <add>, %add3A_39, %reduce_sum3A [0] : vector<256x128xf32> to vector<128xf32>
    %broadcast_in_dim3A = vector.shape_cast %reduce_sum3A_40 : vector<128xf32> to vector<1x128xf32>
    %div3A_41 = arith.constant 2.560000e+02 : f32
    %div3A_42 = vector.broadcast %div3A_41 : f32 to vector<1x128xf32>
    %div3A_43 = arith.divf %broadcast_in_dim3A, %div3A_42 : vector<1x128xf32>
    %sub3A = vector.broadcast %div3A_43 : vector<1x128xf32> to vector<256x128xf32>
    %sub3A_44 = arith.subf %add3A_39, %sub3A : vector<256x128xf32>
    %mul3A = arith.mulf %sub3A_44, %sub3A_44 : vector<256x128xf32>
    %reduce_sum3A_45 = arith.constant dense<0.000000e+00> : vector<128xf32>
    %reduce_sum3A_46 = vector.multi_reduction <add>, %mul3A, %reduce_sum3A_45 [0] : vector<256x128xf32> to vector<128xf32>
    %broadcast_in_dim3A_47 = vector.shape_cast %reduce_sum3A_46 : vector<128xf32> to vector<1x128xf32>
    %div3A_48 = arith.constant 2.560000e+02 : f32
    %div3A_49 = vector.broadcast %div3A_48 : f32 to vector<1x128xf32>
    %div3A_50 = arith.divf %broadcast_in_dim3A_47, %div3A_49 : vector<1x128xf32>
    %get3A_51 = arith.constant 0 : index
    %get3A_52 = arith.constant 0 : index
    %get3A_53 = arith.constant 0 : index
    %get3A_54 = vector.load %arg6[%get3A_51, %get3A_52, %get3A_53] : memref<2x1x128xf32, #tpu.memory_space<vmem>>, vector<1x1x128xf32>
    %get3A_55 = vector.shape_cast %get3A_54 : vector<1x1x128xf32> to vector<1x128xf32>
    %mul3A_56 = vector.broadcast %get3A_55 : vector<1x128xf32> to vector<256x128xf32>
    %mul3A_57 = arith.mulf %mul3A_56, %sub3A_44 : vector<256x128xf32>
    %add3A_58 = arith.constant 9.99999974E-6 : f32
    %add3A_59 = vector.broadcast %add3A_58 : f32 to vector<1x128xf32>
    %add3A_60 = arith.addf %div3A_50, %add3A_59 : vector<1x128xf32>
    %sqrt3A = math.sqrt %add3A_60 : vector<1x128xf32>
    %div3A_61 = vector.broadcast %sqrt3A : vector<1x128xf32> to vector<256x128xf32>
    %div3A_62 = arith.divf %mul3A_57, %div3A_61 : vector<256x128xf32>
    %get3A_63 = arith.constant 0 : index
    %get3A_64 = arith.constant 0 : index
    %get3A_65 = arith.constant 0 : index
    %get3A_66 = vector.load %arg7[%get3A_63, %get3A_64, %get3A_65] : memref<2x1x128xf32, #tpu.memory_space<vmem>>, vector<1x1x128xf32>
    %get3A_67 = vector.shape_cast %get3A_66 : vector<1x1x128xf32> to vector<1x128xf32>
    %add3A_68 = vector.broadcast %get3A_67 : vector<1x128xf32> to vector<256x128xf32>
    %add3A_69 = arith.addf %div3A_62, %add3A_68 : vector<256x128xf32>
    %ge3A = arith.constant 0.000000e+00 : f32
    %ge3A_70 = vector.broadcast %ge3A : f32 to vector<256x128xf32>
    %ge3A_71 = arith.cmpf oge, %add3A_69, %ge3A_70 : vector<256x128xf32>
    %mul3A_72 = arith.constant 0.00999999977 : f32
    %mul3A_73 = vector.broadcast %mul3A_72 : f32 to vector<256x128xf32>
    %mul3A_74 = arith.mulf %mul3A_73, %add3A_69 : vector<256x128xf32>
    %select_n3A = arith.select %ge3A_71, %add3A_69, %mul3A_74 : vector<256x128xi1>, vector<256x128xf32>
    %get3A_75 = arith.constant 0 : index
    %get3A_76 = arith.constant 0 : index
    %get3A_77 = arith.constant 0 : index
    %get3A_78 = vector.load %arg8[%get3A_75, %get3A_76, %get3A_77] : memref<2x64x128xf32, #tpu.memory_space<vmem>>, vector<1x64x128xf32>
    %get3A_79 = vector.shape_cast %get3A_78 : vector<1x64x128xf32> to vector<64x128xf32>
    %dot_general3A_80 = arith.constant dense<0.000000e+00> : vector<256x64xf32>
    %dot_general3A_81 = tpu.matmul %select_n3A, %get3A_79, %dot_general3A_80 {dimension_numbers = #tpu.dot_dimension_numbers<[1], [1], [0], [0], [0, 0, 1, 0], [], []>, transpose_lhs_hint = false} : vector<256x128xf32>, vector<64x128xf32>, vector<256x64xf32> -> vector<256x64xf32>
    %get3A_82 = arith.constant 0 : index
    %get3A_83 = arith.constant 0 : index
    %get3A_84 = arith.constant 0 : index
    %get3A_85 = vector.load %arg9[%get3A_82, %get3A_83, %get3A_84] : memref<2x1x64xf32, #tpu.memory_space<vmem>>, vector<1x1x64xf32>
    %get3A_86 = vector.shape_cast %get3A_85 : vector<1x1x64xf32> to vector<1x64xf32>
    %add3A_87 = vector.broadcast %get3A_86 : vector<1x64xf32> to vector<256x64xf32>
    %add3A_88 = arith.addf %dot_general3A_81, %add3A_87 : vector<256x64xf32>
    %reduce_sum3A_89 = arith.constant dense<0.000000e+00> : vector<64xf32>
    %reduce_sum3A_90 = vector.multi_reduction <add>, %add3A_88, %reduce_sum3A_89 [0] : vector<256x64xf32> to vector<64xf32>
    %broadcast_in_dim3A_91 = vector.shape_cast %reduce_sum3A_90 : vector<64xf32> to vector<1x64xf32>
    %div3A_92 = arith.constant 2.560000e+02 : f32
    %div3A_93 = vector.broadcast %div3A_92 : f32 to vector<1x64xf32>
    %div3A_94 = arith.divf %broadcast_in_dim3A_91, %div3A_93 : vector<1x64xf32>
    %sub3A_95 = vector.broadcast %div3A_94 : vector<1x64xf32> to vector<256x64xf32>
    %sub3A_96 = arith.subf %add3A_88, %sub3A_95 : vector<256x64xf32>
    %mul3A_97 = arith.mulf %sub3A_96, %sub3A_96 : vector<256x64xf32>
    %reduce_sum3A_98 = arith.constant dense<0.000000e+00> : vector<64xf32>
    %reduce_sum3A_99 = vector.multi_reduction <add>, %mul3A_97, %reduce_sum3A_98 [0] : vector<256x64xf32> to vector<64xf32>
    %broadcast_in_dim3A_100 = vector.shape_cast %reduce_sum3A_99 : vector<64xf32> to vector<1x64xf32>
    %div3A_101 = arith.constant 2.560000e+02 : f32
    %div3A_102 = vector.broadcast %div3A_101 : f32 to vector<1x64xf32>
    %div3A_103 = arith.divf %broadcast_in_dim3A_100, %div3A_102 : vector<1x64xf32>
    %get3A_104 = arith.constant 0 : index
    %get3A_105 = arith.constant 0 : index
    %get3A_106 = arith.constant 0 : index
    %get3A_107 = vector.load %arg10[%get3A_104, %get3A_105, %get3A_106] : memref<2x1x64xf32, #tpu.memory_space<vmem>>, vector<1x1x64xf32>
    %get3A_108 = vector.shape_cast %get3A_107 : vector<1x1x64xf32> to vector<1x64xf32>
    %mul3A_109 = vector.broadcast %get3A_108 : vector<1x64xf32> to vector<256x64xf32>
    %mul3A_110 = arith.mulf %mul3A_109, %sub3A_96 : vector<256x64xf32>
    %add3A_111 = arith.constant 9.99999974E-6 : f32
    %add3A_112 = vector.broadcast %add3A_111 : f32 to vector<1x64xf32>
    %add3A_113 = arith.addf %div3A_103, %add3A_112 : vector<1x64xf32>
    %sqrt3A_114 = math.sqrt %add3A_113 : vector<1x64xf32>
    %div3A_115 = vector.broadcast %sqrt3A_114 : vector<1x64xf32> to vector<256x64xf32>
    %div3A_116 = arith.divf %mul3A_110, %div3A_115 : vector<256x64xf32>
    %get3A_117 = arith.constant 0 : index
    %get3A_118 = arith.constant 0 : index
    %get3A_119 = arith.constant 0 : index
    %get3A_120 = vector.load %arg11[%get3A_117, %get3A_118, %get3A_119] : memref<2x1x64xf32, #tpu.memory_space<vmem>>, vector<1x1x64xf32>
    %get3A_121 = vector.shape_cast %get3A_120 : vector<1x1x64xf32> to vector<1x64xf32>
    %add3A_122 = vector.broadcast %get3A_121 : vector<1x64xf32> to vector<256x64xf32>
    %add3A_123 = arith.addf %div3A_116, %add3A_122 : vector<256x64xf32>
    %ge3A_124 = arith.constant 0.000000e+00 : f32
    %ge3A_125 = vector.broadcast %ge3A_124 : f32 to vector<256x64xf32>
    %ge3A_126 = arith.cmpf oge, %add3A_123, %ge3A_125 : vector<256x64xf32>
    %mul3A_127 = arith.constant 0.00999999977 : f32
    %mul3A_128 = vector.broadcast %mul3A_127 : f32 to vector<256x64xf32>
    %mul3A_129 = arith.mulf %mul3A_128, %add3A_123 : vector<256x64xf32>
    %select_n3A_130 = arith.select %ge3A_126, %add3A_123, %mul3A_129 : vector<256x64xi1>, vector<256x64xf32>
    %get3A_131 = arith.constant 0 : index
    %get3A_132 = arith.constant 256 : index
    %get3A_133 = arith.constant 0 : index
    %get3A_134 = vector.load %arg1[%get3A_131, %get3A_132, %get3A_133] : memref<2x512x128xf32, #tpu.memory_space<vmem>>, vector<1x256x128xf32>
    %get3A_135 = vector.shape_cast %get3A_134 : vector<1x256x128xf32> to vector<256x128xf32>
    %get3A_136 = arith.constant 1 : index
    %get3A_137 = arith.constant 256 : index
    %get3A_138 = arith.constant 0 : index
    %get3A_139 = vector.load %arg1[%get3A_136, %get3A_137, %get3A_138] : memref<2x512x128xf32, #tpu.memory_space<vmem>>, vector<1x256x128xf32>
    %get3A_140 = vector.shape_cast %get3A_139 : vector<1x256x128xf32> to vector<256x128xf32>
    %add3A_141 = arith.addf %get3A_135, %get3A_140 : vector<256x128xf32>
    %get3A_142 = arith.constant 0 : index
    %get3A_143 = arith.constant 256 : index
    %get3A_144 = arith.constant 0 : index
    %get3A_145 = vector.load %arg2[%get3A_142, %get3A_143, %get3A_144] : memref<2x512x128xf32, #tpu.memory_space<vmem>>, vector<1x256x128xf32>
    %get3A_146 = vector.shape_cast %get3A_145 : vector<1x256x128xf32> to vector<256x128xf32>
    %add3A_147 = arith.addf %add3A_141, %get3A_146 : vector<256x128xf32>
    %get3A_148 = arith.constant 1 : index
    %get3A_149 = arith.constant 256 : index
    %get3A_150 = arith.constant 0 : index
    %get3A_151 = vector.load %arg2[%get3A_148, %get3A_149, %get3A_150] : memref<2x512x128xf32, #tpu.memory_space<vmem>>, vector<1x256x128xf32>
    %get3A_152 = vector.shape_cast %get3A_151 : vector<1x256x128xf32> to vector<256x128xf32>
    %add3A_153 = arith.addf %add3A_147, %get3A_152 : vector<256x128xf32>
    %div3A_154 = vector.broadcast %max3A_3 : vector<256x1xf32> to vector<256x128xf32>
    %div3A_155 = arith.divf %add3A_153, %div3A_154 : vector<256x128xf32>
    %get3A_156 = arith.constant 1 : index
    %get3A_157 = arith.constant 0 : index
    %get3A_158 = arith.constant 0 : index
    %get3A_159 = vector.load %arg4[%get3A_156, %get3A_157, %get3A_158] : memref<2x128x128xf32, #tpu.memory_space<vmem>>, vector<1x128x128xf32>
    %get3A_160 = vector.shape_cast %get3A_159 : vector<1x128x128xf32> to vector<128x128xf32>
    %dot_general3A_161 = arith.constant dense<0.000000e+00> : vector<256x128xf32>
    %dot_general3A_162 = tpu.matmul %div3A_155, %get3A_160, %dot_general3A_161 {dimension_numbers = #tpu.dot_dimension_numbers<[1], [1], [0], [0], [0, 0, 1, 0], [], []>, transpose_lhs_hint = false} : vector<256x128xf32>, vector<128x128xf32>, vector<256x128xf32> -> vector<256x128xf32>
    %get3A_163 = arith.constant 1 : index
    %get3A_164 = arith.constant 0 : index
    %get3A_165 = arith.constant 0 : index
    %get3A_166 = vector.load %arg5[%get3A_163, %get3A_164, %get3A_165] : memref<2x1x128xf32, #tpu.memory_space<vmem>>, vector<1x1x128xf32>
    %get3A_167 = vector.shape_cast %get3A_166 : vector<1x1x128xf32> to vector<1x128xf32>
    %add3A_168 = vector.broadcast %get3A_167 : vector<1x128xf32> to vector<256x128xf32>
    %add3A_169 = arith.addf %dot_general3A_162, %add3A_168 : vector<256x128xf32>
    %reduce_sum3A_170 = arith.constant dense<0.000000e+00> : vector<128xf32>
    %reduce_sum3A_171 = vector.multi_reduction <add>, %add3A_169, %reduce_sum3A_170 [0] : vector<256x128xf32> to vector<128xf32>
    %broadcast_in_dim3A_172 = vector.shape_cast %reduce_sum3A_171 : vector<128xf32> to vector<1x128xf32>
    %div3A_173 = arith.constant 2.560000e+02 : f32
    %div3A_174 = vector.broadcast %div3A_173 : f32 to vector<1x128xf32>
    %div3A_175 = arith.divf %broadcast_in_dim3A_172, %div3A_174 : vector<1x128xf32>
    %sub3A_176 = vector.broadcast %div3A_175 : vector<1x128xf32> to vector<256x128xf32>
    %sub3A_177 = arith.subf %add3A_169, %sub3A_176 : vector<256x128xf32>
    %mul3A_178 = arith.mulf %sub3A_177, %sub3A_177 : vector<256x128xf32>
    %reduce_sum3A_179 = arith.constant dense<0.000000e+00> : vector<128xf32>
    %reduce_sum3A_180 = vector.multi_reduction <add>, %mul3A_178, %reduce_sum3A_179 [0] : vector<256x128xf32> to vector<128xf32>
    %broadcast_in_dim3A_181 = vector.shape_cast %reduce_sum3A_180 : vector<128xf32> to vector<1x128xf32>
    %div3A_182 = arith.constant 2.560000e+02 : f32
    %div3A_183 = vector.broadcast %div3A_182 : f32 to vector<1x128xf32>
    %div3A_184 = arith.divf %broadcast_in_dim3A_181, %div3A_183 : vector<1x128xf32>
    %get3A_185 = arith.constant 1 : index
    %get3A_186 = arith.constant 0 : index
    %get3A_187 = arith.constant 0 : index
    %get3A_188 = vector.load %arg6[%get3A_185, %get3A_186, %get3A_187] : memref<2x1x128xf32, #tpu.memory_space<vmem>>, vector<1x1x128xf32>
    %get3A_189 = vector.shape_cast %get3A_188 : vector<1x1x128xf32> to vector<1x128xf32>
    %mul3A_190 = vector.broadcast %get3A_189 : vector<1x128xf32> to vector<256x128xf32>
    %mul3A_191 = arith.mulf %mul3A_190, %sub3A_177 : vector<256x128xf32>
    %add3A_192 = arith.constant 9.99999974E-6 : f32
    %add3A_193 = vector.broadcast %add3A_192 : f32 to vector<1x128xf32>
    %add3A_194 = arith.addf %div3A_184, %add3A_193 : vector<1x128xf32>
    %sqrt3A_195 = math.sqrt %add3A_194 : vector<1x128xf32>
    %div3A_196 = vector.broadcast %sqrt3A_195 : vector<1x128xf32> to vector<256x128xf32>
    %div3A_197 = arith.divf %mul3A_191, %div3A_196 : vector<256x128xf32>
    %get3A_198 = arith.constant 1 : index
    %get3A_199 = arith.constant 0 : index
    %get3A_200 = arith.constant 0 : index
    %get3A_201 = vector.load %arg7[%get3A_198, %get3A_199, %get3A_200] : memref<2x1x128xf32, #tpu.memory_space<vmem>>, vector<1x1x128xf32>
    %get3A_202 = vector.shape_cast %get3A_201 : vector<1x1x128xf32> to vector<1x128xf32>
    %add3A_203 = vector.broadcast %get3A_202 : vector<1x128xf32> to vector<256x128xf32>
    %add3A_204 = arith.addf %div3A_197, %add3A_203 : vector<256x128xf32>
    %ge3A_205 = arith.constant 0.000000e+00 : f32
    %ge3A_206 = vector.broadcast %ge3A_205 : f32 to vector<256x128xf32>
    %ge3A_207 = arith.cmpf oge, %add3A_204, %ge3A_206 : vector<256x128xf32>
    %mul3A_208 = arith.constant 0.00999999977 : f32
    %mul3A_209 = vector.broadcast %mul3A_208 : f32 to vector<256x128xf32>
    %mul3A_210 = arith.mulf %mul3A_209, %add3A_204 : vector<256x128xf32>
    %select_n3A_211 = arith.select %ge3A_207, %add3A_204, %mul3A_210 : vector<256x128xi1>, vector<256x128xf32>
    %get3A_212 = arith.constant 1 : index
    %get3A_213 = arith.constant 0 : index
    %get3A_214 = arith.constant 0 : index
    %get3A_215 = vector.load %arg8[%get3A_212, %get3A_213, %get3A_214] : memref<2x64x128xf32, #tpu.memory_space<vmem>>, vector<1x64x128xf32>
    %get3A_216 = vector.shape_cast %get3A_215 : vector<1x64x128xf32> to vector<64x128xf32>
    %dot_general3A_217 = arith.constant dense<0.000000e+00> : vector<256x64xf32>
    %dot_general3A_218 = tpu.matmul %select_n3A_211, %get3A_216, %dot_general3A_217 {dimension_numbers = #tpu.dot_dimension_numbers<[1], [1], [0], [0], [0, 0, 1, 0], [], []>, transpose_lhs_hint = false} : vector<256x128xf32>, vector<64x128xf32>, vector<256x64xf32> -> vector<256x64xf32>
    %get3A_219 = arith.constant 1 : index
    %get3A_220 = arith.constant 0 : index
    %get3A_221 = arith.constant 0 : index
    %get3A_222 = vector.load %arg9[%get3A_219, %get3A_220, %get3A_221] : memref<2x1x64xf32, #tpu.memory_space<vmem>>, vector<1x1x64xf32>
    %get3A_223 = vector.shape_cast %get3A_222 : vector<1x1x64xf32> to vector<1x64xf32>
    %add3A_224 = vector.broadcast %get3A_223 : vector<1x64xf32> to vector<256x64xf32>
    %add3A_225 = arith.addf %dot_general3A_218, %add3A_224 : vector<256x64xf32>
    %reduce_sum3A_226 = arith.constant dense<0.000000e+00> : vector<64xf32>
    %reduce_sum3A_227 = vector.multi_reduction <add>, %add3A_225, %reduce_sum3A_226 [0] : vector<256x64xf32> to vector<64xf32>
    %broadcast_in_dim3A_228 = vector.shape_cast %reduce_sum3A_227 : vector<64xf32> to vector<1x64xf32>
    %div3A_229 = arith.constant 2.560000e+02 : f32
    %div3A_230 = vector.broadcast %div3A_229 : f32 to vector<1x64xf32>
    %div3A_231 = arith.divf %broadcast_in_dim3A_228, %div3A_230 : vector<1x64xf32>
    %sub3A_232 = vector.broadcast %div3A_231 : vector<1x64xf32> to vector<256x64xf32>
    %sub3A_233 = arith.subf %add3A_225, %sub3A_232 : vector<256x64xf32>
    %mul3A_234 = arith.mulf %sub3A_233, %sub3A_233 : vector<256x64xf32>
    %reduce_sum3A_235 = arith.constant dense<0.000000e+00> : vector<64xf32>
    %reduce_sum3A_236 = vector.multi_reduction <add>, %mul3A_234, %reduce_sum3A_235 [0] : vector<256x64xf32> to vector<64xf32>
    %broadcast_in_dim3A_237 = vector.shape_cast %reduce_sum3A_236 : vector<64xf32> to vector<1x64xf32>
    %div3A_238 = arith.constant 2.560000e+02 : f32
    %div3A_239 = vector.broadcast %div3A_238 : f32 to vector<1x64xf32>
    %div3A_240 = arith.divf %broadcast_in_dim3A_237, %div3A_239 : vector<1x64xf32>
    %get3A_241 = arith.constant 1 : index
    %get3A_242 = arith.constant 0 : index
    %get3A_243 = arith.constant 0 : index
    %get3A_244 = vector.load %arg10[%get3A_241, %get3A_242, %get3A_243] : memref<2x1x64xf32, #tpu.memory_space<vmem>>, vector<1x1x64xf32>
    %get3A_245 = vector.shape_cast %get3A_244 : vector<1x1x64xf32> to vector<1x64xf32>
    %mul3A_246 = vector.broadcast %get3A_245 : vector<1x64xf32> to vector<256x64xf32>
    %mul3A_247 = arith.mulf %mul3A_246, %sub3A_233 : vector<256x64xf32>
    %add3A_248 = arith.constant 9.99999974E-6 : f32
    %add3A_249 = vector.broadcast %add3A_248 : f32 to vector<1x64xf32>
    %add3A_250 = arith.addf %div3A_240, %add3A_249 : vector<1x64xf32>
    %sqrt3A_251 = math.sqrt %add3A_250 : vector<1x64xf32>
    %div3A_252 = vector.broadcast %sqrt3A_251 : vector<1x64xf32> to vector<256x64xf32>
    %div3A_253 = arith.divf %mul3A_247, %div3A_252 : vector<256x64xf32>
    %get3A_254 = arith.constant 1 : index
    %get3A_255 = arith.constant 0 : index
    %get3A_256 = arith.constant 0 : index
    %get3A_257 = vector.load %arg11[%get3A_254, %get3A_255, %get3A_256] : memref<2x1x64xf32, #tpu.memory_space<vmem>>, vector<1x1x64xf32>
    %get3A_258 = vector.shape_cast %get3A_257 : vector<1x1x64xf32> to vector<1x64xf32>
    %add3A_259 = vector.broadcast %get3A_258 : vector<1x64xf32> to vector<256x64xf32>
    %add3A_260 = arith.addf %div3A_253, %add3A_259 : vector<256x64xf32>
    %ge3A_261 = arith.constant 0.000000e+00 : f32
    %ge3A_262 = vector.broadcast %ge3A_261 : f32 to vector<256x64xf32>
    %ge3A_263 = arith.cmpf oge, %add3A_260, %ge3A_262 : vector<256x64xf32>
    %mul3A_264 = arith.constant 0.00999999977 : f32
    %mul3A_265 = vector.broadcast %mul3A_264 : f32 to vector<256x64xf32>
    %mul3A_266 = arith.mulf %mul3A_265, %add3A_260 : vector<256x64xf32>
    %select_n3A_267 = arith.select %ge3A_263, %add3A_260, %mul3A_266 : vector<256x64xi1>, vector<256x64xf32>
    %concatenate3A = tpu.concatenate %select_n3A_130, %select_n3A_267 in 1 : vector<256x64xf32>, vector<256x64xf32> -> vector<256x128xf32>
    %swap3A = arith.constant 0 : index
    %swap3A_268 = arith.constant 0 : index
    %swap3A_269 = vector.load %arg12[%swap3A, %swap3A_268] : memref<256x128xf32, #tpu.memory_space<vmem>>, vector<256x128xf32>
    tpu.vector_store %arg12[%swap3A, %swap3A_268], %concatenate3A {strides = array<i32>} : memref<256x128xf32, #tpu.memory_space<vmem>>, vector<256x128xf32>,
    return
  }
  func.func @transform_0(%arg0: i32) -> (i32, i32, i32) {
    %c0_i32 = arith.constant 0 : i32
    %c0_i32_0 = arith.constant 0 : i32
    %c0_i32_1 = arith.constant 0 : i32
    return %c0_i32, %arg0, %c0_i32_0 : i32, i32, i32
  }
  func.func @transform_1(%arg0: i32) -> (i32, i32, i32) {
    %c0_i32 = arith.constant 0 : i32
    %c0_i32_0 = arith.constant 0 : i32
    %c0_i32_1 = arith.constant 0 : i32
    return %c0_i32, %arg0, %c0_i32_0 : i32, i32, i32
  }
  func.func @transform_2(%arg0: i32) -> (i32, i32) {
    %c0_i32 = arith.constant 0 : i32
    %c0_i32_0 = arith.constant 0 : i32
    %c0_i32_1 = arith.constant 0 : i32
    return %c0_i32, %c0_i32_0 : i32, i32
  }
  func.func @transform_3(%arg0: i32) -> (i32, i32, i32) {
    %c0_i32 = arith.constant 0 : i32
    %c0_i32_0 = arith.constant 0 : i32
    %c0_i32_1 = arith.constant 0 : i32
    return %arg0, %c0_i32, %c0_i32_0 : i32, i32, i32
  }
  func.func @transform_4(%arg0: i32) -> (i32, i32, i32) {
    %c0_i32 = arith.constant 0 : i32
    %c0_i32_0 = arith.constant 0 : i32
    %c0_i32_1 = arith.constant 0 : i32
    return %arg0, %c0_i32, %c0_i32_0 : i32, i32, i32
  }
  func.func @transform_5(%arg0: i32) -> (i32, i32, i32) {
    %c0_i32 = arith.constant 0 : i32
    %c0_i32_0 = arith.constant 0 : i32
    %c0_i32_1 = arith.constant 0 : i32
    return %arg0, %c0_i32, %c0_i32_0 : i32, i32, i32
  }
  func.func @transform_6(%arg0: i32) -> (i32, i32, i32) {
    %c0_i32 = arith.constant 0 : i32
    %c0_i32_0 = arith.constant 0 : i32
    %c0_i32_1 = arith.constant 0 : i32
    return %arg0, %c0_i32, %c0_i32_0 : i32, i32, i32
  }
  func.func @transform_7(%arg0: i32) -> (i32, i32, i32) {
    %c0_i32 = arith.constant 0 : i32
    %c0_i32_0 = arith.constant 0 : i32
    %c0_i32_1 = arith.constant 0 : i32
    return %arg0, %c0_i32, %c0_i32_0 : i32, i32, i32
  }
  func.func @transform_8(%arg0: i32) -> (i32, i32, i32) {
    %c0_i32 = arith.constant 0 : i32
    %c0_i32_0 = arith.constant 0 : i32
    %c0_i32_1 = arith.constant 0 : i32
    return %arg0, %c0_i32, %c0_i32_0 : i32, i32, i32
  }
  func.func @transform_9(%arg0: i32) -> (i32, i32, i32) {
    %c0_i32 = arith.constant 0 : i32
    %c0_i32_0 = arith.constant 0 : i32
    %c0_i32_1 = arith.constant 0 : i32
    return %arg0, %c0_i32, %c0_i32_0 : i32, i32, i32
  }
  func.func @transform_10(%arg0: i32) -> (i32, i32, i32) {
    %c0_i32 = arith.constant 0 : i32
    %c0_i32_0 = arith.constant 0 : i32
    %c0_i32_1 = arith.constant 0 : i32
    return %arg0, %c0_i32, %c0_i32_0 : i32, i32, i32
  }
  func.func @transform_11(%arg0: i32) -> (i32, i32) {
    %c0_i32 = arith.constant 0 : i32
    %c0_i32_0 = arith.constant 0 : i32
    return %c0_i32, %arg0 : i32, i32
  }
}

</mosaic_0001>

<sc_bundles>
// kernel: kernel.10.cloned.1.call-start
scs
__scs_entry_jumppad:
0x0: {  	(pc) =	sbr.rel $0x88, $3  }
0x1: {  	(tag) =	ssettag $0x0;
	lr =	simm.s32 $0x1  }
0x2: {  	[smem:$0x3F95] =	sst lr;
	_ =	strace $0xD0000000  }
0x3: {  	_ = 	snop  }
0x4: {  	_ = 	snop  }
0x5: {  	_ = 	snop  }
0x6: {  	_ = 	snop  }
0x7: {  	_ = 	snop  }
__scs_overlays_trampoline_lowered:
0x8: {  	[smem:$0x3FA4] =	sst s0  }
0x9: {  	[smem:$0x3FA5] =	sst s1  }
0xa: {  	[smem:$0x3FA6] =	sst s2  }
0xb: {  	[smem:$0x3FA7] =	sst s3  }
0xc: {  	[smem:$0x3FA8] =	sst s4  }
0xd: {  	[smem:$0x3FA9] =	sst s5  }
0xe: {  	[smem:$0x3FAA] =	sst s6  }
0xf: {  	[smem:$0x3FAB] =	sst s7  }
0x10: {  	[smem:$0x3FAC] =	sst s8  }
0x11: {  	[smem:$0x3FAD] =	sst s9;
	s0 =	simm.s32 @!p0 $0x0  }
0x12: {  	s1 =	sld [smem:$0x3F93];
	s0 =	simm.s32 @p0 $0x1  }
0x13: {  	[smem:$0x3FAE] =	sst s0;
	s0 =	simm.s32 @!p1 $0x0  }
0x14: {  	s2 =	sld [smem:$0x3F92];
	s0 =	simm.s32 @p1 $0x1  }
0x15: {  	[smem:$0x3FAF] =	sst s0;
	s0 =	simm.s32 @!p2 $0x0  }
0x16: {  	s3 =	sld [smem:$0x3FDB];
	s0 =	simm.s32 @p2 $0x1  }
0x17: {  	s4 =	simm.s32 $0x1BF5;
	[smem:$0x3FB1] =	sst s0  }
0x18: {  	s0 =	sld [smem:$0x3F94];
	_ =	swait.ge [sflag:s4], $0x0  }
0x19: {  	s7 =	sld [smem:$0x3F95]  }
0x1a: {  	s8 =	sadd.s32 $0xFFFFE003, lr  }
0x1b: {  	s9 =	sadd.s32 $0xFFFFFEF7, lr;
	s5 =	simm.s32 $0xFFFFFFFF;
	p2 =	slt.u32 s8, $0xFFFFF086  }
0x1c: {  	p1 =	slt.u32 s9, $0xF7A;
	s5 =	simm.s32 @!p2 $0x0  }
0x1d: {  	s5 =	simm.s32 @p1 $0x1;
	p0 =	seq.s32 s7, s2  }
0x1e: {  	s7 =	smul.u32 @!p0 $0xF7A, s2;
	p2 =	seq.s32 @!p0 s5, $0x0  }
0x1f: {  	s9 =	smul.u32 $0xF7A, s1;
	s8 =	simm.s32 @!p0 $0x1BF5;
	p2 =	por !p2, p0  }
0x20: {  	[sflag:s8] =	ssyncset.s32 @!p0 $0xFFFFF086;
	s6 =	sadd.s32 @!p0 s3, s7;
	s7 =	simm.s32 @!p0 $0x108  }
0x21: {  	s3 =	sadd.s32 s3, s9;
	s6 =	sadd.s32 @!p0 $0x88, s6;
	s7 =	simm.s32 @p2 $0x1082  }
0x22: {  	[simem:s7], [sflag:s8] =	dma.local @!p0 [hbm:s6], $0xF7A  }
0x23: {  	s9 =	sor.u32 $0xD0000000, s2;
	s6 =	simm.s32 $0x108;
	_ =	swait.ge @!p0 [sflag:s8], $0x0  }
0x24: {  	s3 =	sadd.s32 $0x88, s3;
	s6 =	simm.s32 @!p1 $0x1082;
	[sflag:s4] =	ssyncset.s32 $0xFFFFF086  }
0x25: {  	[simem:s6], [sflag:s4] =	dma.local [hbm:s3], $0xF7A  }
0x26: {  	[smem:$0x3F95] =	sst s1;
	(tag) =	ssettag s2;
	_ =	strace s9  }
0x27: {  	s1 =	sld [smem:$0x3FA5]  }
0x28: {  	s2 =	sld [smem:$0x3FA6]  }
0x29: {  	s4 =	sld [smem:$0x3FA8]  }
0x2a: {  	p0 =	seq.s32 s5, $0x0;
	s5 =	sld [smem:$0x3FA9]  }
0x2b: {  	s6 =	sld [smem:$0x3FAA]  }
0x2c: {  	s7 =	sld [smem:$0x3FAB]  }
0x2d: {  	s3 =	simm.s32 $0x108;
	s8 =	sld [smem:$0x3FAC]  }
0x2e: {  	s3 =	simm.s32 @!p0 $0x1082;
	s9 =	sld [smem:$0x3FAD]  }
0x2f: {  	lr =	sadd.s32 s0, s3;
	s0 =	sld [smem:$0x3FA4]  }
0x30: {  	s3 =	sld [smem:$0x3FA7]  }
0x31: {  	[smem:$0x3FB0] =	sst s10  }
0x32: {  	s10 =	sld [smem:$0x3FAE];
	_ =	sdelay $0x3  }
0x33: {  	p0 =	seq.s32 s10, $0x1;
	s10 =	sld [smem:$0x3FB0];
	_ =	sdelay $0x3  }
0x34: {  	[smem:$0x3FB0] =	sst s10  }
0x35: {  	s10 =	sld [smem:$0x3FAF];
	_ =	sdelay $0x3  }
0x36: {  	p1 =	seq.s32 s10, $0x1;
	s10 =	sld [smem:$0x3FB0];
	_ =	sdelay $0x3  }
0x37: {  	[smem:$0x3FB0] =	sst s10  }
0x38: {  	s10 =	sld [smem:$0x3FB1]  }
0x39: {  	_ = 	snop;
	(pc) =	sbr.ind lr, $3  }
0x3a: {  	_ = 	snop  }
0x3b: {  	_ = 	snop  }
0x3c: {  	p2 =	seq.s32 s10, $0x1;
	s10 =	sld [smem:$0x3FB0]  }
0x3d: {  	_ =	shalt  }
0x3e: {  	_ =	shalt  }
0x3f: {  	_ =	shalt  }
0x40: {  	_ =	shalt  }
0x41: {  	_ =	shalt  }
0x42: {  	_ =	shalt  }
0x43: {  	_ =	shalt  }
0x44: {  	_ =	shalt  }
0x45: {  	_ =	shalt  }
0x46: {  	_ =	shalt  }
0x47: {  	_ =	shalt  }
0x48: {  	_ =	shalt  }
0x49: {  	_ =	shalt  }
0x4a: {  	_ =	shalt  }
0x4b: {  	_ =	shalt  }
0x4c: {  	_ =	shalt  }
0x4d: {  	_ =	shalt  }
0x4e: {  	_ =	shalt  }
0x4f: {  	_ =	shalt  }
0x50: {  	_ =	shalt  }
0x51: {  	_ =	shalt  }
0x52: {  	_ =	shalt  }
0x53: {  	_ =	shalt  }
0x54: {  	_ =	shalt  }
0x55: {  	_ =	shalt  }
0x56: {  	_ =	shalt  }
0x57: {  	_ =	shalt  }
0x58: {  	_ =	shalt  }
0x59: {  	_ =	shalt  }
0x5a: {  	_ =	shalt  }
0x5b: {  	_ =	shalt  }
0x5c: {  	_ =	shalt  }
0x5d: {  	_ =	shalt  }
0x5e: {  	_ =	shalt  }
0x5f: {  	_ =	shalt  }
0x60: {  	_ =	shalt  }
0x61: {  	_ =	shalt  }
0x62: {  	_ =	shalt  }
0x63: {  	_ =	shalt  }
0x64: {  	_ =	shalt  }
0x65: {  	_ =	shalt  }
0x66: {  	_ =	shalt  }
0x67: {  	_ =	shalt  }
0x68: {  	_ =	shalt  }
0x69: {  	_ =	shalt  }
0x6a: {  	_ =	shalt  }
0x6b: {  	_ =	shalt  }
0x6c: {  	_ =	shalt  }
0x6d: {  	_ =	shalt  }
0x6e: {  	_ =	shalt  }
0x6f: {  	_ =	shalt  }
0x70: {  	_ =	shalt  }
0x71: {  	_ =	shalt  }
0x72: {  	_ =	shalt  }
0x73: {  	_ =	shalt  }
0x74: {  	_ =	shalt  }
0x75: {  	_ =	shalt  }
0x76: {  	_ =	shalt  }
0x77: {  	_ =	shalt  }
0x78: {  	_ =	shalt  }
0x79: {  	_ =	shalt  }
0x7a: {  	_ =	shalt  }
0x7b: {  	_ =	shalt  }
0x7c: {  	_ =	shalt  }
0x7d: {  	_ =	shalt  }
0x7e: {  	_ =	shalt  }
0x7f: {  	_ =	shalt  }
0x80: {  	_ =	shalt  }
0x81: {  	_ =	shalt  }
0x82: {  	_ =	shalt  }
0x83: {  	_ =	shalt  }
0x84: {  	_ =	shalt  }
0x85: {  	_ =	shalt  }
0x86: {  	_ =	shalt  }
0x87: {  	_ =	shalt  }
.Lfunc_end0:
.L_simem_size_0:
called_computation.1_lowered:
.L_overlay_start_0:
0x88: {  	s2 =	sld [smem:$0x3FD9]  }
0x89: {  	s3 =	sld [smem:$0x3FFE];
	_ =	sdelay $0x1  }
0x8a: {  	s1 =	srdreg.scid  }
0x8b: {  	s0 =	sand.u32 $0x1, s1  }
0x8c: {  	s17 =	sshll.u32 s0, $0xA;
	s2 =	sadd.s32 s3, s2  }
0x8d: {  	s2 =	sadd.s32 s2, s17  }
0x8e: {  	[smem:$0x3FBC] =	sst s2  }
0x8f: {  	_ = 	snop  }
0x90: {  	s18 =	sld [smem:$0x3FC9];
	(tm) =	ssettm $0x1  }
0x91: {  	s19 =	sld [smem:$0x3FFB];
	_ =	sdelay $0x3  }
0x92: {  	_ =	strace s19  }
0x93: {  	s2 =	sld [smem:$0x3FFC];
	_ =	sdelay $0x3  }
0x94: {  	_ =	strace s2  }
0x95: {  	s2 =	sld [smem:$0x3FFD];
	_ =	sdelay $0x3  }
0x96: {  	_ =	strace s2  }
0x97: {  	_ =	strace $0x8FFFFFFF  }
0x98: {  	s20 =	sld [smem:$0x3FDB];
	_ =	sdelay $0x1  }
0x99: {  	s4 =	simm.s32 $_scs_section_size  }
0x9a: {  	s5 =	simm.s32 $_size__tile_overlayer_lowered;
	s6 =	simm.s32 $_tile_overlayer_lowered  }
0x9b: {  	s7 =	simm.s32 $0x1BFF;
	s21 =	sshll.u32 s6, $0x1;
	s4 =	sadd.s32 s4, s20  }
0x9c: {  	s22 =	simm.s32 $0x0;
	s5 =	sshll.u32 s5, $0x1;
	s6 =	sadd.s32 s21, s4  }
0x9d: {  	[timem:s22], [sflag:s7] =	dma.local [hbm:s6], s5  }
0x9e: {  	_ =	swait.ge [sflag:s7], s5  }
0x9f: {  	s5 =	ssub.s32 $0x0, s5;
	[sflag:s7] =	ssyncset.done $0x0  }
0xa0: {  	[sflag:s7] =	ssyncadd.s32 s5;
	_ =	sdelay $0x1  }
0xa1: {  	s23 =	simm.s32 $0x1B8B  }
0xa2: {  	_ =	swait.ge [sflag:s23], $0x1  }
0xa3: {  	[sflag:s23] =	ssyncset.done $0x0  }
0xa4: {  	[sflag:s23] =	ssyncadd.s32 $0xFFFFFFFF  }
0xa5: {  	s5 =	sld [smem:$0x0]  }
0xa6: {  	s6 =	sand.u32 $0xFFFFFFFE, s1  }
0xa7: {  	p0 =	sne.s32 s1, s6  }
0xa8: {  	s6 =	sshll.u32 @p0 s6, $0xE  }
0xa9: {  	s6 =	sadd.s32 @p0 $0x11B8D, s6;
	s7 =	sshll.u32 @p0 s5, $0x11  }
0xaa: {  	s6 =	sor.u32 @p0 s7, s6  }
0xab: {  	[sflag:s6] =	ssyncadd.remote.s32 @p0 $0x1;
	_ =	sdelay $0x1  }
0xac: {  	s6 =	simm.s32 @p0 $0x1B8D  }
0xad: {  	_ =	swait.eq @p0 [sflag:s6], $0x1  }
0xae: {  	[sflag:s6] =	ssyncadd.s32 @p0 $0xFFFFFFFF  }
0xaf: {  	s7 =	sshll.u32 @!p0 s1, $0xE  }
0xb0: {  	s7 =	sor.u32 @!p0 $0x4000, s7;
	s6 =	simm.s32 @!p0 $0x1B8D  }
0xb1: {  	s5 =	sshll.u32 @!p0 s5, $0x11;
	s7 =	sadd.s32 @!p0 $0x11B8D, s7;
	_ =	swait.eq @!p0 [sflag:s6], $0x1  }
0xb2: {  	s5 =	sor.u32 @!p0 s5, s7;
	[sflag:s6] =	ssyncadd.s32 @!p0 $0xFFFFFFFF  }
0xb3: {  	s25 =	simm.s32 $0x1B8E;
	s24 =	sld [smem:$0x3FFE];
	[sflag:s5] =	ssyncadd.remote.s32 @!p0 $0x1  }
0xb4: {  	s26 =	simm.s32 $execute0_lowered;
	[smem:$0x3FD2] =	sst s25  }
0xb5: {  	s6 =	sshll.u32 s26, $0x1;
	_ =	strace $0x80000049;
	[dreg:$0x1] =	wrdreg $0xFFFFFFFF  }
0xb6: {  	s28 =	simm.s32 $_size_execute0_lowered;
	s4 =	sadd.s32 s4, s6;
	[dreg:$0x0] =	wrdreg $0x0  }
0xb7: {  	s6 =	sshll.u32 s28, $0x1;
	[dreg:$0x2] =	wrdreg s4  }
0xb8: {  	[dreg:$0x3] =	wrdreg s6  }
0xb9: {  	[dreg:$0x4] =	wrdreg $0xC0  }
0xba: {  	_ =	task [dreg:s22], $0x5FFFF  }
0xbb: {  	[dreg:$0x1] =	wrdreg $0xFFFFFFFF  }
0xbc: {  	[dreg:$0x0] =	wrdreg $0x60  }
0xbd: {  	[dreg:$0x2] =	wrdreg s18  }
0xbe: {  	[dreg:$0x3] =	wrdreg s24  }
0xbf: {  	[dreg:$0x4] =	wrdreg $0xC2000  }
0xc0: {  	[dreg:$0x5] =	wrdreg $0xA  }
0xc1: {  	_ =	task.clear_ibuf [dreg:s22], $0x6FFFF;
	_ =	strace $0x90000049  }
0xc2: {  	s29 =	simm.s32 $0xA;
	_ =	strace $0x8000004B  }
0xc3: {  	_ =	swait.ge [sflag:s29], $0x1  }
0xc4: {  	[sflag:s29] =	ssyncadd.s32 $0xFFFFFFFF  }
0xc5: {  	_ =	strace $0x9000004B  }
0xc6: {  	_ =	sfence  }
0xc7: {  	s30 =	sld [smem:$0x0];
	_ =	sdelay $0x2  }
0xc8: {  	s31 =	sshll.u32 s1, $0xD;
	s1 =	sshrl.u32 s1, $0x2  }
0xc9: {  	s4 =	sand.u32 $0x4000, s31;
	s1 =	sadd.s32 s1, s30  }
0xca: {  	s0 =	sor.u32 s4, s0;
	s1 =	sshll.u32 s1, $0x11  }
0xcb: {  	s0 =	sor.u32 s1, s0  }
0xcc: {  	s0 =	sadd.s32 $0x8F2B, s0  }
0xcd: {  	[sflag:s0] =	ssyncadd.remote.s32 $0x1  }
0xce: {  	_ =	sfence.sel $0xFFFF  }
0xcf: {  	[dreg:$0x0] =	wrdreg $0xFFFFFFFF;
	(pc) =	sbr.abs _section_cstart, $3  }
0xd0: {  	[dreg:$0x1] =	wrdreg $0xFFFFFFFF  }
0xd1: {  	_ =	task.clear_ibuf [dreg:s22], $0x2FFFF;
	_ =	strace $0x9FFFFFFF  }
0xd2: {  	(tm) =	ssettm $0x7FFFFFFF  }
0xd3: {  	_ =	shalt  }
tec
execute0_lowered:
.L_overlay_start_1:
0x0: {  	(tag) =	ssettag $0x1  }
0x1: {  	s0 =	srdreg.scid;
	s24 =	stileid.u32  }
0x2: {  	s0 =	sand.u32 $0x1, s0;
	s2 =	smul.u32 $0x7400, s24  }
0x3: {  	s3 =	rddreg [dreg:$0x0];
	s1 =	smul.u32 $0x74000, s0  }
0x4: {  	s5 =	sshll.u32 s24, $0x1;
	s7 =	sadd.s32 $0xC8000, s3;
	s4 =	ssub.s32 $0x2, s0  }
0x5: {  	s6 =	sshrl.u32 s4, $0x1;
	s2 =	sadd.s32 s2, s1;
	s1 =	sor.u32 s0, s5  }
0x6: {  	s0 =	ssub.s32 s4, s6;
	s5 =	sshll.u32 s1, $0xB;
	s8 =	sor.u32 $0x20, s1  }
0x7: {  	s20 =	sor.u32 $0x60, s1;
	s10 =	sor.u32 $0x80, s1;
	s21 =	sor.u32 $0xC0, s1  }
0x8: {  	s14 =	sor.u32 $0xE0, s1;
	s22 =	sor.u32 $0x120, s1;
	s16 =	sor.u32 $0x160, s1  }
0x9: {  	p0 =	slt.u32 s1, $0x1D;
	p1 =	seq.s32 s1, $0x1D;
	s2 =	sshrl.u32 s2, $0x3  }
0xa: {  	s31 =	smax.u32 s0, $0x1;
	s0 =	simm.s32 $0x200;
	s25 =	sadd.s32 s5, s7  }
0xb: {  	s26 =	sshll.u32 s8, $0xB;
	s5 =	sor.u32 $0x40, s1;
	s9 =	sshll.u32 s20, $0xB  }
0xc: {  	s12 =	sshll.u32 s21, $0xB;
	s15 =	sshll.u32 s22, $0xB;
	s19 =	sshll.u32 s8, $0x7  }
0xd: {  	[dreg:$0x4] =	wrdreg s25;
	s4 =	sadd.s32 s26, s7;
	s23 =	sshll.u32 s5, $0xB  }
0xe: {  	s25 =	sadd.s32 s9, s7;
	s26 =	sshll.u32 s10, $0xB;
	[dreg:$0x5] =	wrdreg s4  }
0xf: {  	s9 =	sor.u32 $0xA0, s1;
	s6 =	sadd.s32 s23, s7;
	[dreg:$0x7] =	wrdreg s25  }
0x10: {  	s11 =	sshll.u32 s9, $0xB;
	s25 =	sadd.s32 s12, s7;
	s12 =	sor.u32 $0x100, s1  }
0x11: {  	s23 =	sadd.s32 s15, s7;
	s4 =	sshll.u32 s5, $0x7;
	s5 =	sshll.u32 s20, $0x7  }
0x12: {  	s20 =	sshll.u32 s10, $0x7;
	[dreg:$0x6] =	wrdreg s6;
	s6 =	sadd.s32 s26, s7  }
0x13: {  	s11 =	sadd.s32 s11, s7;
	[dreg:$0xa] =	wrdreg s25;
	s26 =	sshll.u32 s14, $0xB  }
0x14: {  	s13 =	sshll.u32 s12, $0xB;
	[dreg:$0xd] =	wrdreg s23;
	s25 =	sshll.u32 s16, $0xB  }
0x15: {  	s4 =	sand.u32 $0x2C00, s4;
	s5 =	sand.u32 $0x3C00, s5;
	[dreg:$0x8] =	wrdreg s6  }
0x16: {  	s8 =	sand.u32 $0x4C00, s20;
	s23 =	sshll.u32 s16, $0x7;
	[dreg:$0x9] =	wrdreg s11  }
0x17: {  	s11 =	sadd.s32 s26, s7;
	s13 =	sadd.s32 s13, s7;
	s26 =	sor.u32 $0x140, s1  }
0x18: {  	s6 =	sshll.u32 s9, $0x7;
	s9 =	sshll.u32 s21, $0x7;
	[dreg:$0xb] =	wrdreg s11  }
0x19: {  	s21 =	sshll.u32 s14, $0x7;
	s15 =	sand.u32 $0xBC00, s23;
	[dreg:$0xc] =	wrdreg s13  }
0x1a: {  	s13 =	sadd.s32 $0xC8000, s25;
	s17 =	sshll.u32 s26, $0xB;
	s6 =	sand.u32 $0x5C00, s6  }
0x1b: {  	s9 =	sand.u32 $0x6C00, s9;
	s10 =	sand.u32 $0x7C00, s21;
	s11 =	sshll.u32 s12, $0x7  }
0x1c: {  	s12 =	sshll.u32 s22, $0x7;
	s22 =	sshll.u32 s26, $0x7;
	s25 =	rddreg [dreg:$0x1]  }
0x1d: {  	s13 =	simm.s32 @!p0 $0x0;
	s7 =	sadd.s32 s17, s7;
	s17 =	sshll.u32 s1, $0x7  }
0x1e: {  	s11 =	sand.u32 $0x8C00, s11;
	s12 =	sand.u32 $0x9C00, s12;
	s14 =	sand.u32 $0xAC00, s22  }
0x1f: {  	s2 =	sadd.s32 s2, s25;
	s1 =	sshll.u32 s1, $0x4;
	[dreg:$0xe] =	wrdreg s7  }
0x20: {  	s13 =	simm.s32 @p1 $0x186200;
	s18 =	sand.u32 $0x380, s17;
	s7 =	sand.u32 $0x1C00, s19  }
0x21: {  	s30 =	sadd.s32 $0x20C00, s2;
	s2 =	simm.s32 $0x4200;
	s3 =	sadd.s32 s3, s13  }
0x22: {  	s13 =	simm.s32 $0x0;
	s7 =	sor.u32 s18, s7;
	s4 =	sor.u32 s18, s4  }
0x23: {  	s5 =	sor.u32 s18, s5;
	s8 =	sor.u32 s18, s8;
	s6 =	sor.u32 s18, s6  }
0x24: {  	s9 =	sor.u32 s18, s9;
	s10 =	sor.u32 s18, s10;
	s11 =	sor.u32 s18, s11  }
0x25: {  	s12 =	sor.u32 s18, s12;
	s14 =	sor.u32 s18, s14;
	[dreg:$0xf] =	wrdreg s3  }
0x26: {  	[smem:$0x7FF] =	sst s13;
	s3 =	sor.u32 s18, s15;
	s15 =	sadd.s32 $0x1F400, s25  }
0x27: {  	s26 =	sshrl.u32 s7, $0x3;
	s4 =	sshrl.u32 s4, $0x3;
	s6 =	sshrl.u32 s6, $0x3  }
0x28: {  	s7 =	sshrl.u32 s9, $0x3;
	s9 =	sshrl.u32 s11, $0x3;
	s11 =	sshrl.u32 s14, $0x3  }
0x29: {  	s1 =	sadd.s32 s15, s1;
	s16 =	sadd.s32 s15, s4;
	s4 =	sshrl.u32 s5, $0x3  }
0x2a: {  	s5 =	sshrl.u32 s8, $0x3;
	s19 =	sadd.s32 s15, s6;
	s20 =	sadd.s32 s15, s7  }
0x2b: {  	s8 =	sshrl.u32 s10, $0x3;
	s22 =	sadd.s32 s15, s9;
	s10 =	sshrl.u32 s12, $0x3  }
0x2c: {  	s12 =	smul.u32 $0x1D000, s24;
	s25 =	sadd.s32 s15, s11;
	s14 =	sshrl.u32 s3, $0x3  }
0x2d: {  	s3 =	simm.s32 $0x80;
	s6 =	simm.s32 $0x1;
	s7 =	simm.s32 $0x4  }
0x2e: {  	s9 =	simm.s32 $0x5;
	s11 =	simm.s32 $0x6;
	[dreg:$0x10] =	wrdreg s1  }
0x2f: {  	s1 =	sadd.s32 s15, s26;
	s17 =	sadd.s32 s15, s4;
	s18 =	sadd.s32 s15, s5  }
0x30: {  	s21 =	sadd.s32 s15, s8;
	s23 =	sadd.s32 s15, s10;
	s26 =	rddreg [dreg:$0x2]  }
0x31: {  	s28 =	sadd.s32 s15, s14;
	s4 =	simm.s32 $0x8200;
	s5 =	simm.s32 $0x100  }
0x32: {  	s8 =	simm.s32 $0x2;
	s10 =	simm.s32 $0x3;
	s24 =	sshrl.u32 s12, $0x2  }
0x33: {  	[dreg:$0x11] =	wrdreg s1;
	s1 =	simm.s32 $0x7;
	s29 =	sadd.s32 s24, s26  }
0x34: {  	v0 =	vimm.f32 $0.0e+00;
	s12 =	simm.s32 $0x0;
	_ =	strace $0x8000004A;
	s24 =	sadd.s32 $0x4000, s29  }
.LBB2_1:
0x35: {  	s14 =	simm.s32 $0x0;
	s15 =	simm.s32 $0x200  }
.LBB2_2:
0x36: {  	p0 =	sne.s32 s15, $0xFE00;
	[tilespmem:s14+$0x270] =	vst v0  }
0x37: {  	[tilespmem:s14+$0x200] =	vst v0  }
0x38: {  	[tilespmem:s14+$0x210] =	vst v0  }
.Ltmp0:
0x39: {  	[tilespmem:s14+$0x220] =	vst v0;
	(pc) =	sbr.rel @p0 .LBB2_2-.Ltmp0, $4  }
0x3a: {  	[tilespmem:s14+$0x230] =	vst v0  }
0x3b: {  	[tilespmem:s14+$0x240] =	vst v0  }
0x3c: {  	[tilespmem:s14+$0x250] =	vst v0  }
0x3d: {  	[tilespmem:s14+$0x260] =	vst v0;
	s14 =	sshra.s32 s15, $0x2;
	s15 =	sadd.s32 $0x200, s15  }
0x3e: {  	[tilespmem:s14+$0x270] =	vst v0  }
0x3f: {  	[tilespmem:s14+$0x200] =	vst v0  }
0x40: {  	[tilespmem:s14+$0x210] =	vst v0  }
0x41: {  	[tilespmem:s14+$0x220] =	vst v0  }
0x42: {  	[tilespmem:s14+$0x230] =	vst v0  }
0x43: {  	[tilespmem:s14+$0x240] =	vst v0  }
0x44: {  	[tilespmem:s14+$0x250] =	vst v0  }
0x45: {  	[tilespmem:s14+$0x260] =	vst v0  }
0x46: {  	[spmem:s29] =	stream.linear.scatter [tilespmem:s0], [sflag:$0x7], $0x4000, $0x38;
	[tilespmem:$0x13600] =	vst v63  }
0x47: {  	_ =	swait.ge [sflag:s1], $0x4000  }
0x48: {  	[sflag:s1] =	ssyncset.done $0x0  }
0x49: {  	[sflag:s1] =	ssyncadd.s32 $0xFFFFC000  }
0x4a: {  	[spmem:s24] =	stream.linear.scatter [tilespmem:s0], [sflag:$0x7], $0x3400, $0x38;
	[tilespmem:$0x13600] =	vst v63  }
0x4b: {  	_ =	swait.ge [sflag:s1], $0x3400  }
0x4c: {  	[sflag:s1] =	ssyncset.done $0x0  }
0x4d: {  	[sflag:s1] =	ssyncadd.s32 $0xFFFFCC00  }
0x4e: {  	[bflag:$0x0] =	sbarrier.arrive $0xFFFF  }
0x4f: {  	s15 =	rddreg [dreg:$0x4]  }
0x50: {  	[tilespmem:s0], [sflag:$0x1] =	stream.linear.gather [hbm4b:s15+s13], $0x4000, $0x38;
	[tilespmem:$0x13600] =	vst v63  }
0x51: {  	s15 =	rddreg [dreg:$0x10]  }
0x52: {  	[tilespmem:s13], [sflag:$0x4] =	stream.linear.gather [hbm4b:s15+s13], $0x80, $0x38;
	[tilespmem:$0x13600] =	vst v63  }
0x53: {  	s15 =	rddreg [dreg:$0x5]  }
0x54: {  	[tilespmem:s2], [sflag:$0x2] =	stream.linear.gather [hbm4b:s15+s13], $0x4000, $0x38;
	[tilespmem:$0x13600] =	vst v63  }
0x55: {  	s15 =	rddreg [dreg:$0x11]  }
0x56: {  	[tilespmem:s3], [sflag:$0x5] =	stream.linear.gather [hbm4b:s15+s13], $0x80, $0x38;
	[tilespmem:$0x13600] =	vst v63  }
0x57: {  	s15 =	rddreg [dreg:$0x6]  }
0x58: {  	[tilespmem:s4], [sflag:$0x3] =	stream.linear.gather [hbm4b:s15+s13], $0x4000, $0x38;
	[tilespmem:$0x13600] =	vst v63  }
0x59: {  	_ = 	snop  }
0x5a: {  	[tilespmem:s5], [sflag:$0x6] =	stream.linear.gather [hbm4b:s16+s13], $0x80, $0x38;
	[tilespmem:$0x13600] =	vst v63  }
0x5b: {  	_ =	swait.ge [sflag:s6], $0x4000  }
0x5c: {  	[sflag:s6] =	ssyncset.done $0x0  }
0x5d: {  	[sflag:s6] =	ssyncadd.s32 $0xFFFFC000  }
0x5e: {  	_ =	swait.ge [sflag:s7], $0x80  }
0x5f: {  	[sflag:s7] =	ssyncset.done $0x0  }
0x60: {  	[sflag:s7] =	ssyncadd.s32 $0xFFFFFF80  }
0x61: {  	[spmem:s26] =	stream.indirect.scatter.add.f32 [tilespmem:s0], [sflag:$0x7], $0x80, s13, s3, $0xb8;
	[tilespmem:$0x13600] =	vst v63  }
0x62: {  	_ =	swait.ge [sflag:s1], $0x4000  }
0x63: {  	[sflag:s1] =	ssyncset.done $0x0  }
0x64: {  	s15 =	rddreg [dreg:$0x7];
	[sflag:s1] =	ssyncadd.s32 $0xFFFFC000  }
0x65: {  	[tilespmem:s0], [sflag:$0x1] =	stream.linear.gather [hbm4b:s15+s13], $0x4000, $0x38;
	[tilespmem:$0x13600] =	vst v63  }
0x66: {  	_ = 	snop  }
0x67: {  	[tilespmem:s13], [sflag:$0x4] =	stream.linear.gather [hbm4b:s17+s13], $0x80, $0x38;
	[tilespmem:$0x13600] =	vst v63  }
0x68: {  	_ =	swait.ge [sflag:s8], $0x4000  }
0x69: {  	[sflag:s8] =	ssyncset.done $0x0  }
0x6a: {  	[sflag:s8] =	ssyncadd.s32 $0xFFFFC000  }
0x6b: {  	_ =	swait.ge [sflag:s9], $0x80  }
0x6c: {  	[sflag:s9] =	ssyncset.done $0x0  }
0x6d: {  	[sflag:s9] =	ssyncadd.s32 $0xFFFFFF80  }
0x6e: {  	[spmem:s26] =	stream.indirect.scatter.add.f32 [tilespmem:s2], [sflag:$0x7], $0x80, s3, s3, $0xb8;
	[tilespmem:$0x13600] =	vst v63  }
0x6f: {  	_ =	swait.ge [sflag:s1], $0x4000  }
0x70: {  	[sflag:s1] =	ssyncset.done $0x0  }
0x71: {  	s15 =	rddreg [dreg:$0x8];
	[sflag:s1] =	ssyncadd.s32 $0xFFFFC000  }
0x72: {  	[tilespmem:s2], [sflag:$0x2] =	stream.linear.gather [hbm4b:s15+s13], $0x4000, $0x38;
	[tilespmem:$0x13600] =	vst v63  }
0x73: {  	_ = 	snop  }
0x74: {  	[tilespmem:s3], [sflag:$0x5] =	stream.linear.gather [hbm4b:s18+s13], $0x80, $0x38;
	[tilespmem:$0x13600] =	vst v63  }
0x75: {  	_ =	swait.ge [sflag:s10], $0x4000  }
0x76: {  	[sflag:s10] =	ssyncset.done $0x0  }
0x77: {  	[sflag:s10] =	ssyncadd.s32 $0xFFFFC000  }
0x78: {  	_ =	swait.ge [sflag:s11], $0x80  }
0x79: {  	[sflag:s11] =	ssyncset.done $0x0  }
0x7a: {  	[sflag:s11] =	ssyncadd.s32 $0xFFFFFF80  }
0x7b: {  	[spmem:s26] =	stream.indirect.scatter.add.f32 [tilespmem:s4], [sflag:$0x7], $0x80, s5, s3, $0xb8;
	[tilespmem:$0x13600] =	vst v63  }
0x7c: {  	_ =	swait.ge [sflag:s1], $0x4000  }
0x7d: {  	[sflag:s1] =	ssyncset.done $0x0  }
0x7e: {  	s15 =	rddreg [dreg:$0x9];
	[sflag:s1] =	ssyncadd.s32 $0xFFFFC000  }
0x7f: {  	[tilespmem:s4], [sflag:$0x3] =	stream.linear.gather [hbm4b:s15+s13], $0x4000, $0x38;
	[tilespmem:$0x13600] =	vst v63  }
0x80: {  	_ = 	snop  }
0x81: {  	[tilespmem:s5], [sflag:$0x6] =	stream.linear.gather [hbm4b:s19+s13], $0x80, $0x38;
	[tilespmem:$0x13600] =	vst v63  }
0x82: {  	_ =	swait.ge [sflag:s6], $0x4000  }
0x83: {  	[sflag:s6] =	ssyncset.done $0x0  }
0x84: {  	[sflag:s6] =	ssyncadd.s32 $0xFFFFC000  }
0x85: {  	_ =	swait.ge [sflag:s7], $0x80  }
0x86: {  	[sflag:s7] =	ssyncset.done $0x0  }
0x87: {  	[sflag:s7] =	ssyncadd.s32 $0xFFFFFF80  }
0x88: {  	[spmem:s26] =	stream.indirect.scatter.add.f32 [tilespmem:s0], [sflag:$0x7], $0x80, s13, s3, $0xb8;
	[tilespmem:$0x13600] =	vst v63  }
0x89: {  	_ =	swait.ge [sflag:s1], $0x4000  }
0x8a: {  	[sflag:s1] =	ssyncset.done $0x0  }
0x8b: {  	s15 =	rddreg [dreg:$0xa];
	[sflag:s1] =	ssyncadd.s32 $0xFFFFC000  }
0x8c: {  	[tilespmem:s0], [sflag:$0x1] =	stream.linear.gather [hbm4b:s15+s13], $0x4000, $0x38;
	[tilespmem:$0x13600] =	vst v63  }
0x8d: {  	_ = 	snop  }
0x8e: {  	[tilespmem:s13], [sflag:$0x4] =	stream.linear.gather [hbm4b:s20+s13], $0x80, $0x38;
	[tilespmem:$0x13600] =	vst v63  }
0x8f: {  	_ =	swait.ge [sflag:s8], $0x4000  }
0x90: {  	[sflag:s8] =	ssyncset.done $0x0  }
0x91: {  	[sflag:s8] =	ssyncadd.s32 $0xFFFFC000  }
0x92: {  	_ =	swait.ge [sflag:s9], $0x80  }
0x93: {  	[sflag:s9] =	ssyncset.done $0x0  }
0x94: {  	[sflag:s9] =	ssyncadd.s32 $0xFFFFFF80  }
0x95: {  	[spmem:s26] =	stream.indirect.scatter.add.f32 [tilespmem:s2], [sflag:$0x7], $0x80, s3, s3, $0xb8;
	[tilespmem:$0x13600] =	vst v63  }
0x96: {  	_ =	swait.ge [sflag:s1], $0x4000  }
0x97: {  	[sflag:s1] =	ssyncset.done $0x0  }
0x98: {  	s15 =	rddreg [dreg:$0xb];
	[sflag:s1] =	ssyncadd.s32 $0xFFFFC000  }
0x99: {  	[tilespmem:s2], [sflag:$0x2] =	stream.linear.gather [hbm4b:s15+s13], $0x4000, $0x38;
	[tilespmem:$0x13600] =	vst v63  }
0x9a: {  	_ = 	snop  }
0x9b: {  	[tilespmem:s3], [sflag:$0x5] =	stream.linear.gather [hbm4b:s21+s13], $0x80, $0x38;
	[tilespmem:$0x13600] =	vst v63  }
0x9c: {  	_ =	swait.ge [sflag:s10], $0x4000  }
0x9d: {  	[sflag:s10] =	ssyncset.done $0x0  }
0x9e: {  	[sflag:s10] =	ssyncadd.s32 $0xFFFFC000  }
0x9f: {  	_ =	swait.ge [sflag:s11], $0x80  }
0xa0: {  	[sflag:s11] =	ssyncset.done $0x0  }
0xa1: {  	[sflag:s11] =	ssyncadd.s32 $0xFFFFFF80  }
0xa2: {  	[spmem:s26] =	stream.indirect.scatter.add.f32 [tilespmem:s4], [sflag:$0x7], $0x80, s5, s3, $0xb8;
	[tilespmem:$0x13600] =	vst v63  }
0xa3: {  	_ =	swait.ge [sflag:s1], $0x4000  }
0xa4: {  	[sflag:s1] =	ssyncset.done $0x0  }
0xa5: {  	s15 =	rddreg [dreg:$0xc];
	[sflag:s1] =	ssyncadd.s32 $0xFFFFC000  }
0xa6: {  	[tilespmem:s4], [sflag:$0x3] =	stream.linear.gather [hbm4b:s15+s13], $0x4000, $0x38;
	[tilespmem:$0x13600] =	vst v63  }
0xa7: {  	_ = 	snop  }
0xa8: {  	[tilespmem:s5], [sflag:$0x6] =	stream.linear.gather [hbm4b:s22+s13], $0x80, $0x38;
	[tilespmem:$0x13600] =	vst v63  }
0xa9: {  	_ =	swait.ge [sflag:s6], $0x4000  }
0xaa: {  	[sflag:s6] =	ssyncset.done $0x0  }
0xab: {  	[sflag:s6] =	ssyncadd.s32 $0xFFFFC000  }
0xac: {  	_ =	swait.ge [sflag:s7], $0x80  }
0xad: {  	[sflag:s7] =	ssyncset.done $0x0  }
0xae: {  	[sflag:s7] =	ssyncadd.s32 $0xFFFFFF80  }
0xaf: {  	[spmem:s26] =	stream.indirect.scatter.add.f32 [tilespmem:s0], [sflag:$0x7], $0x80, s13, s3, $0xb8;
	[tilespmem:$0x13600] =	vst v63  }
0xb0: {  	_ =	swait.ge [sflag:s1], $0x4000  }
0xb1: {  	[sflag:s1] =	ssyncset.done $0x0  }
0xb2: {  	s15 =	rddreg [dreg:$0xd];
	[sflag:s1] =	ssyncadd.s32 $0xFFFFC000  }
0xb3: {  	[tilespmem:s0], [sflag:$0x1] =	stream.linear.gather [hbm4b:s15+s13], $0x4000, $0x38;
	[tilespmem:$0x13600] =	vst v63  }
0xb4: {  	_ = 	snop  }
0xb5: {  	[tilespmem:s13], [sflag:$0x4] =	stream.linear.gather [hbm4b:s23+s13], $0x80, $0x38;
	[tilespmem:$0x13600] =	vst v63  }
0xb6: {  	_ =	swait.ge [sflag:s8], $0x4000  }
0xb7: {  	[sflag:s8] =	ssyncset.done $0x0  }
0xb8: {  	[sflag:s8] =	ssyncadd.s32 $0xFFFFC000  }
0xb9: {  	_ =	swait.ge [sflag:s9], $0x80  }
0xba: {  	[sflag:s9] =	ssyncset.done $0x0  }
0xbb: {  	[sflag:s9] =	ssyncadd.s32 $0xFFFFFF80  }
0xbc: {  	[spmem:s26] =	stream.indirect.scatter.add.f32 [tilespmem:s2], [sflag:$0x7], $0x80, s3, s3, $0xb8;
	[tilespmem:$0x13600] =	vst v63  }
0xbd: {  	_ =	swait.ge [sflag:s1], $0x4000  }
0xbe: {  	[sflag:s1] =	ssyncset.done $0x0  }
0xbf: {  	s15 =	rddreg [dreg:$0xe];
	[sflag:s1] =	ssyncadd.s32 $0xFFFFC000  }
0xc0: {  	[tilespmem:s2], [sflag:$0x2] =	stream.linear.gather [hbm4b:s15+s13], $0x4000, $0x38;
	[tilespmem:$0x13600] =	vst v63  }
0xc1: {  	_ = 	snop  }
0xc2: {  	[tilespmem:s3], [sflag:$0x5] =	stream.linear.gather [hbm4b:s25+s13], $0x80, $0x38;
	[tilespmem:$0x13600] =	vst v63  }
0xc3: {  	_ =	swait.ge [sflag:s10], $0x4000  }
0xc4: {  	[sflag:s10] =	ssyncset.done $0x0  }
0xc5: {  	[sflag:s10] =	ssyncadd.s32 $0xFFFFC000  }
0xc6: {  	_ =	swait.ge [sflag:s11], $0x80  }
0xc7: {  	[sflag:s11] =	ssyncset.done $0x0  }
0xc8: {  	[sflag:s11] =	ssyncadd.s32 $0xFFFFFF80  }
0xc9: {  	[spmem:s26] =	stream.indirect.scatter.add.f32 [tilespmem:s4], [sflag:$0x7], $0x80, s5, s3, $0xb8;
	[tilespmem:$0x13600] =	vst v63  }
0xca: {  	_ =	swait.ge [sflag:s1], $0x4000  }
0xcb: {  	[sflag:s1] =	ssyncset.done $0x0  }
0xcc: {  	s15 =	rddreg [dreg:$0xf];
	[sflag:s1] =	ssyncadd.s32 $0xFFFFC000  }
0xcd: {  	[tilespmem:s4], [sflag:$0x3] =	stream.linear.gather [hbm4b:s15+s13], $0x4000, $0x38;
	[tilespmem:$0x13600] =	vst v63  }
0xce: {  	_ = 	snop  }
0xcf: {  	[tilespmem:s5], [sflag:$0x6] =	stream.linear.gather [hbm4b:s28+s13], $0x80, $0x38;
	[tilespmem:$0x13600] =	vst v63  }
0xd0: {  	_ =	swait.ge [sflag:s6], $0x4000  }
0xd1: {  	[sflag:s6] =	ssyncset.done $0x0  }
0xd2: {  	[sflag:s6] =	ssyncadd.s32 $0xFFFFC000  }
0xd3: {  	_ =	swait.ge [sflag:s7], $0x80  }
0xd4: {  	[sflag:s7] =	ssyncset.done $0x0  }
0xd5: {  	[sflag:s7] =	ssyncadd.s32 $0xFFFFFF80  }
0xd6: {  	[spmem:s26] =	stream.indirect.scatter.add.f32 [tilespmem:s0], [sflag:$0x7], $0x80, s13, s3, $0xb8;
	[tilespmem:$0x13600] =	vst v63  }
0xd7: {  	_ =	swait.ge [sflag:s1], $0x4000  }
0xd8: {  	[sflag:s1] =	ssyncset.done $0x0  }
0xd9: {  	[sflag:s1] =	ssyncadd.s32 $0xFFFFC000  }
0xda: {  	_ =	swait.ge [sflag:s8], $0x4000  }
0xdb: {  	[sflag:s8] =	ssyncset.done $0x0  }
0xdc: {  	[sflag:s8] =	ssyncadd.s32 $0xFFFFC000  }
0xdd: {  	_ =	swait.ge [sflag:s9], $0x80  }
0xde: {  	[sflag:s9] =	ssyncset.done $0x0  }
0xdf: {  	[sflag:s9] =	ssyncadd.s32 $0xFFFFFF80  }
0xe0: {  	[spmem:s26] =	stream.indirect.scatter.add.f32 [tilespmem:s2], [sflag:$0x7], $0x80, s3, s3, $0xb8;
	[tilespmem:$0x13600] =	vst v63  }
0xe1: {  	_ =	swait.ge [sflag:s1], $0x4000  }
0xe2: {  	[sflag:s1] =	ssyncset.done $0x0  }
0xe3: {  	[sflag:s1] =	ssyncadd.s32 $0xFFFFC000  }
0xe4: {  	_ =	swait.ge [sflag:s10], $0x4000  }
0xe5: {  	[sflag:s10] =	ssyncset.done $0x0  }
0xe6: {  	[sflag:s10] =	ssyncadd.s32 $0xFFFFC000  }
0xe7: {  	_ =	swait.ge [sflag:s11], $0x80  }
0xe8: {  	[sflag:s11] =	ssyncset.done $0x0  }
0xe9: {  	[sflag:s11] =	ssyncadd.s32 $0xFFFFFF80  }
0xea: {  	[spmem:s26] =	stream.indirect.scatter.add.f32 [tilespmem:s4], [sflag:$0x7], $0x80, s5, s3, $0xb8;
	[tilespmem:$0x13600] =	vst v63  }
0xeb: {  	s12 =	sadd.s32 $0x1, s12;
	_ =	swait.ge [sflag:s1], $0x4000  }
0xec: {  	p0 =	sne.s32 s12, s31;
	s15 =	stileid.u32;
	[sflag:s1] =	ssyncset.done $0x0  }
0xed: {  	s14 =	sshll.u32 s15, $0x6;
	s15 =	sshrl.u32 s29, $0x3;
	[sflag:s1] =	ssyncadd.s32 $0xFFFFC000  }
.Ltmp1:
0xee: {  	s14 =	sor.u32 $0x1C07, s14;
	[bflag:$0x0] =	sbarrier.arrive $0xFFFF;
	(pc) =	sbr.rel @p0 .LBB2_1-.Ltmp1, $4  }
0xef: {  	[hbm:s30], [sflag:s14] =	dma.local [spmem:s15], $0xE80  }
0xf0: {  	_ =	swait.ge [sflag:s1], $0xE80  }
0xf1: {  	[sflag:s1] =	ssyncset.done $0x0  }
0xf2: {  	[sflag:s1] =	ssyncadd.s32 $0xFFFFF180  }
0xf3: {  	_ =	sfence.sel $0x180000  }
0xf4: {  	[bflag:$0x0] =	sbarrier.arrive $0xFFFF  }
0xf5: {  	_ =	strace $0x9000004A  }
0xf6: {  	s0 =	stileid.u32;
	[bflag:$0x2] =	sbarrier.arrive $0xFFFF  }
0xf7: {  	p0 =	sne.s32 s0, $0x0;
	s0 =	rddreg [dreg:$0x3]  }
0xf8: {  	s0 =	sadd.s32 @!p0 $0x100000, s0  }
0xf9: {  	[sflag:s0] =	ssyncadd.tile.s32 @!p0 $0x1;
	_ =	shalt  }
.Lfunc_end2:
_tile_overlayer_lowered:
.L_overlay_start_2:
0xfa: {  	(tag) =	ssettag $0x2  }
0xfb: {  	s0 =	rddreg [dreg:$0x0];
	s2 =	stileid.u32  }
0xfc: {  	s1 =	rddreg [dreg:$0x1];
	p0 =	sne.s32 s2, $0x0  }
0xfd: {  	s3 =	rddreg [dreg:$0x2];
	[bflag:$0x3] =	sbarrier.arrive $0xFFFF;
	s2 =	simm.s32 @!p0 $0x1C07  }
0xfe: {  	[timem:s3], [sflag:s2] =	dma.local @!p0 [hbm:s0], s1  }
0xff: {  	s0 =	simm.s32 @!p0 $0x7  }
0x100: {  	_ =	swait.ge @!p0 [sflag:s0], s1  }
0x101: {  	s1 =	ssub.s32 @!p0 $0x0, s1;
	[sflag:s0] =	ssyncset.done @!p0 $0x0  }
0x102: {  	[sflag:s0] =	ssyncadd.s32 @!p0 s1  }
0x103: {  	[bflag:$0x3] =	sbarrier.arrive $0xFFFF  }
0x104: {  	_ =	shalt  }

// kernel: kernel.7.cloned.1.call-start
scs
__scs_entry_jumppad:
0x0: {  	(pc) =	sbr.rel $0x88, $3  }
0x1: {  	(tag) =	ssettag $0x0;
	lr =	simm.s32 $0x1  }
0x2: {  	[smem:$0x3F95] =	sst lr;
	_ =	strace $0xD0000000  }
0x3: {  	_ = 	snop  }
0x4: {  	_ = 	snop  }
0x5: {  	_ = 	snop  }
0x6: {  	_ = 	snop  }
0x7: {  	_ = 	snop  }
__scs_overlays_trampoline_lowered:
0x8: {  	[smem:$0x3FA4] =	sst s0  }
0x9: {  	[smem:$0x3FA5] =	sst s1  }
0xa: {  	[smem:$0x3FA6] =	sst s2  }
0xb: {  	[smem:$0x3FA7] =	sst s3  }
0xc: {  	[smem:$0x3FA8] =	sst s4  }
0xd: {  	[smem:$0x3FA9] =	sst s5  }
0xe: {  	[smem:$0x3FAA] =	sst s6  }
0xf: {  	[smem:$0x3FAB] =	sst s7  }
0x10: {  	[smem:$0x3FAC] =	sst s8  }
0x11: {  	[smem:$0x3FAD] =	sst s9;
	s0 =	simm.s32 @!p0 $0x0  }
0x12: {  	s1 =	sld [smem:$0x3F93];
	s0 =	simm.s32 @p0 $0x1  }
0x13: {  	[smem:$0x3FAE] =	sst s0;
	s0 =	simm.s32 @!p1 $0x0  }
0x14: {  	s2 =	sld [smem:$0x3F92];
	s0 =	simm.s32 @p1 $0x1  }
0x15: {  	[smem:$0x3FAF] =	sst s0;
	s0 =	simm.s32 @!p2 $0x0  }
0x16: {  	s3 =	sld [smem:$0x3FDB];
	s0 =	simm.s32 @p2 $0x1  }
0x17: {  	s4 =	simm.s32 $0x1BF5;
	[smem:$0x3FB1] =	sst s0  }
0x18: {  	s0 =	sld [smem:$0x3F94];
	_ =	swait.ge [sflag:s4], $0x0  }
0x19: {  	s7 =	sld [smem:$0x3F95]  }
0x1a: {  	s8 =	sadd.s32 $0xFFFFE003, lr  }
0x1b: {  	s9 =	sadd.s32 $0xFFFFFEF7, lr;
	s5 =	simm.s32 $0xFFFFFFFF;
	p2 =	slt.u32 s8, $0xFFFFF086  }
0x1c: {  	p1 =	slt.u32 s9, $0xF7A;
	s5 =	simm.s32 @!p2 $0x0  }
0x1d: {  	s5 =	simm.s32 @p1 $0x1;
	p0 =	seq.s32 s7, s2  }
0x1e: {  	s7 =	smul.u32 @!p0 $0xF7A, s2;
	p2 =	seq.s32 @!p0 s5, $0x0  }
0x1f: {  	s9 =	smul.u32 $0xF7A, s1;
	s8 =	simm.s32 @!p0 $0x1BF5;
	p2 =	por !p2, p0  }
0x20: {  	[sflag:s8] =	ssyncset.s32 @!p0 $0xFFFFF086;
	s6 =	sadd.s32 @!p0 s3, s7;
	s7 =	simm.s32 @!p0 $0x108  }
0x21: {  	s3 =	sadd.s32 s3, s9;
	s6 =	sadd.s32 @!p0 $0x88, s6;
	s7 =	simm.s32 @p2 $0x1082  }
0x22: {  	[simem:s7], [sflag:s8] =	dma.local @!p0 [hbm:s6], $0xF7A  }
0x23: {  	s9 =	sor.u32 $0xD0000000, s2;
	s6 =	simm.s32 $0x108;
	_ =	swait.ge @!p0 [sflag:s8], $0x0  }
0x24: {  	s3 =	sadd.s32 $0x88, s3;
	s6 =	simm.s32 @!p1 $0x1082;
	[sflag:s4] =	ssyncset.s32 $0xFFFFF086  }
0x25: {  	[simem:s6], [sflag:s4] =	dma.local [hbm:s3], $0xF7A  }
0x26: {  	[smem:$0x3F95] =	sst s1;
	(tag) =	ssettag s2;
	_ =	strace s9  }
0x27: {  	s1 =	sld [smem:$0x3FA5]  }
0x28: {  	s2 =	sld [smem:$0x3FA6]  }
0x29: {  	s4 =	sld [smem:$0x3FA8]  }
0x2a: {  	p0 =	seq.s32 s5, $0x0;
	s5 =	sld [smem:$0x3FA9]  }
0x2b: {  	s6 =	sld [smem:$0x3FAA]  }
0x2c: {  	s7 =	sld [smem:$0x3FAB]  }
0x2d: {  	s3 =	simm.s32 $0x108;
	s8 =	sld [smem:$0x3FAC]  }
0x2e: {  	s3 =	simm.s32 @!p0 $0x1082;
	s9 =	sld [smem:$0x3FAD]  }
0x2f: {  	lr =	sadd.s32 s0, s3;
	s0 =	sld [smem:$0x3FA4]  }
0x30: {  	s3 =	sld [smem:$0x3FA7]  }
0x31: {  	[smem:$0x3FB0] =	sst s10  }
0x32: {  	s10 =	sld [smem:$0x3FAE];
	_ =	sdelay $0x3  }
0x33: {  	p0 =	seq.s32 s10, $0x1;
	s10 =	sld [smem:$0x3FB0];
	_ =	sdelay $0x3  }
0x34: {  	[smem:$0x3FB0] =	sst s10  }
0x35: {  	s10 =	sld [smem:$0x3FAF];
	_ =	sdelay $0x3  }
0x36: {  	p1 =	seq.s32 s10, $0x1;
	s10 =	sld [smem:$0x3FB0];
	_ =	sdelay $0x3  }
0x37: {  	[smem:$0x3FB0] =	sst s10  }
0x38: {  	s10 =	sld [smem:$0x3FB1]  }
0x39: {  	_ = 	snop;
	(pc) =	sbr.ind lr, $3  }
0x3a: {  	_ = 	snop  }
0x3b: {  	_ = 	snop  }
0x3c: {  	p2 =	seq.s32 s10, $0x1;
	s10 =	sld [smem:$0x3FB0]  }
0x3d: {  	_ =	shalt  }
0x3e: {  	_ =	shalt  }
0x3f: {  	_ =	shalt  }
0x40: {  	_ =	shalt  }
0x41: {  	_ =	shalt  }
0x42: {  	_ =	shalt  }
0x43: {  	_ =	shalt  }
0x44: {  	_ =	shalt  }
0x45: {  	_ =	shalt  }
0x46: {  	_ =	shalt  }
0x47: {  	_ =	shalt  }
0x48: {  	_ =	shalt  }
0x49: {  	_ =	shalt  }
0x4a: {  	_ =	shalt  }
0x4b: {  	_ =	shalt  }
0x4c: {  	_ =	shalt  }
0x4d: {  	_ =	shalt  }
0x4e: {  	_ =	shalt  }
0x4f: {  	_ =	shalt  }
0x50: {  	_ =	shalt  }
0x51: {  	_ =	shalt  }
0x52: {  	_ =	shalt  }
0x53: {  	_ =	shalt  }
0x54: {  	_ =	shalt  }
0x55: {  	_ =	shalt  }
0x56: {  	_ =	shalt  }
0x57: {  	_ =	shalt  }
0x58: {  	_ =	shalt  }
0x59: {  	_ =	shalt  }
0x5a: {  	_ =	shalt  }
0x5b: {  	_ =	shalt  }
0x5c: {  	_ =	shalt  }
0x5d: {  	_ =	shalt  }
0x5e: {  	_ =	shalt  }
0x5f: {  	_ =	shalt  }
0x60: {  	_ =	shalt  }
0x61: {  	_ =	shalt  }
0x62: {  	_ =	shalt  }
0x63: {  	_ =	shalt  }
0x64: {  	_ =	shalt  }
0x65: {  	_ =	shalt  }
0x66: {  	_ =	shalt  }
0x67: {  	_ =	shalt  }
0x68: {  	_ =	shalt  }
0x69: {  	_ =	shalt  }
0x6a: {  	_ =	shalt  }
0x6b: {  	_ =	shalt  }
0x6c: {  	_ =	shalt  }
0x6d: {  	_ =	shalt  }
0x6e: {  	_ =	shalt  }
0x6f: {  	_ =	shalt  }
0x70: {  	_ =	shalt  }
0x71: {  	_ =	shalt  }
0x72: {  	_ =	shalt  }
0x73: {  	_ =	shalt  }
0x74: {  	_ =	shalt  }
0x75: {  	_ =	shalt  }
0x76: {  	_ =	shalt  }
0x77: {  	_ =	shalt  }
0x78: {  	_ =	shalt  }
0x79: {  	_ =	shalt  }
0x7a: {  	_ =	shalt  }
0x7b: {  	_ =	shalt  }
0x7c: {  	_ =	shalt  }
0x7d: {  	_ =	shalt  }
0x7e: {  	_ =	shalt  }
0x7f: {  	_ =	shalt  }
0x80: {  	_ =	shalt  }
0x81: {  	_ =	shalt  }
0x82: {  	_ =	shalt  }
0x83: {  	_ =	shalt  }
0x84: {  	_ =	shalt  }
0x85: {  	_ =	shalt  }
0x86: {  	_ =	shalt  }
0x87: {  	_ =	shalt  }
.Lfunc_end0:
.L_simem_size_0:
called_computation_lowered:
.L_overlay_start_0:
0x88: {  	s2 =	sld [smem:$0x3FD9]  }
0x89: {  	s3 =	sld [smem:$0x3FFE];
	_ =	sdelay $0x1  }
0x8a: {  	s1 =	srdreg.scid  }
0x8b: {  	s0 =	sand.u32 $0x1, s1  }
0x8c: {  	s14 =	sshll.u32 s0, $0xA;
	s2 =	sadd.s32 s3, s2  }
0x8d: {  	s2 =	sadd.s32 s2, s14  }
0x8e: {  	[smem:$0x3FBC] =	sst s2  }
0x8f: {  	_ = 	snop  }
0x90: {  	s2 =	sld [smem:$0x3FD0];
	_ =	sdelay $0x2  }
0x91: {  	s4 =	simm.s32 $0xB;
	s5 =	simm.s32 $0x10;
	s15 =	sld [smem:$0x3FC9]  }
0x92: {  	[smem:s5], [sflag:s4] =	dma.local [hbm:s2], $0x1  }
0x93: {  	_ =	swait.eq [sflag:s4], $0x1  }
0x94: {  	[sflag:s4] =	ssyncset.done $0x0  }
0x95: {  	[sflag:s4] =	ssyncadd.s32 $0xFFFFFFFF  }
0x96: {  	s16 =	sld [smem:$0x10];
	(tm) =	ssettm $0x1  }
0x97: {  	s17 =	sld [smem:$0x3FFB];
	_ =	sdelay $0x3  }
0x98: {  	_ =	strace s17  }
0x99: {  	s4 =	sld [smem:$0x3FFC];
	_ =	sdelay $0x3  }
0x9a: {  	_ =	strace s4  }
0x9b: {  	s4 =	sld [smem:$0x3FFD];
	_ =	sdelay $0x3  }
0x9c: {  	_ =	strace s4  }
0x9d: {  	_ =	strace $0x8FFFFFFF  }
0x9e: {  	s18 =	sld [smem:$0x3FDB];
	_ =	sdelay $0x1  }
0x9f: {  	s19 =	simm.s32 $_scs_section_size  }
0xa0: {  	s6 =	simm.s32 $_size__tile_overlayer_lowered;
	s7 =	simm.s32 $_tile_overlayer_lowered  }
0xa1: {  	s22 =	simm.s32 $0x1BFF;
	s21 =	sshll.u32 s7, $0x1;
	s4 =	sadd.s32 s19, s18  }
0xa2: {  	s8 =	simm.s32 $0x0;
	s20 =	sshll.u32 s6, $0x1;
	s6 =	sadd.s32 s21, s4  }
0xa3: {  	[timem:s8], [sflag:s22] =	dma.local [hbm:s6], s20  }
0xa4: {  	_ =	swait.ge [sflag:s22], s20  }
0xa5: {  	s5 =	ssub.s32 $0x0, s20;
	[sflag:s22] =	ssyncset.done $0x0  }
0xa6: {  	[sflag:s22] =	ssyncadd.s32 s5;
	_ =	sdelay $0x1  }
0xa7: {  	s23 =	simm.s32 $0x1B8B  }
0xa8: {  	_ =	swait.ge [sflag:s23], $0x1  }
0xa9: {  	[sflag:s23] =	ssyncset.done $0x0  }
0xaa: {  	s25 =	simm.s32 $0x1B8E;
	s24 =	sld [smem:$0x3FFE];
	[sflag:s23] =	ssyncadd.s32 $0xFFFFFFFF  }
0xab: {  	s26 =	simm.s32 $execute0_lowered;
	[smem:$0x3FD2] =	sst s25  }
0xac: {  	s6 =	sshll.u32 s26, $0x1;
	_ =	strace $0x80000046;
	[dreg:$0x1] =	wrdreg $0xFFFFFFFF  }
0xad: {  	s28 =	simm.s32 $_size_execute0_lowered;
	s4 =	sadd.s32 s4, s6;
	[dreg:$0x0] =	wrdreg $0x0  }
0xae: {  	s6 =	sshll.u32 s28, $0x1;
	[dreg:$0x2] =	wrdreg s4  }
0xaf: {  	[dreg:$0x3] =	wrdreg s6  }
0xb0: {  	[dreg:$0x4] =	wrdreg $0xC0  }
0xb1: {  	_ =	task [dreg:s8], $0x5FFFF  }
0xb2: {  	[dreg:$0x1] =	wrdreg $0xFFFFFFFF  }
0xb3: {  	[dreg:$0x0] =	wrdreg $0x60  }
0xb4: {  	[dreg:$0x2] =	wrdreg s15  }
0xb5: {  	[dreg:$0x3] =	wrdreg s16  }
0xb6: {  	[dreg:$0x4] =	wrdreg s24  }
0xb7: {  	[dreg:$0x5] =	wrdreg $0xC2000  }
0xb8: {  	[dreg:$0x6] =	wrdreg $0x9  }
0xb9: {  	_ =	task.clear_ibuf [dreg:s8], $0x7FFFF;
	_ =	strace $0x90000046  }
0xba: {  	s29 =	simm.s32 $0x9;
	_ =	strace $0x80000048  }
0xbb: {  	_ =	swait.ge [sflag:s29], $0x1  }
0xbc: {  	[sflag:s29] =	ssyncadd.s32 $0xFFFFFFFF  }
0xbd: {  	_ =	strace $0x90000048  }
0xbe: {  	_ =	sfence  }
0xbf: {  	s30 =	sld [smem:$0x0];
	_ =	sdelay $0x2  }
0xc0: {  	s31 =	sshll.u32 s1, $0xD;
	s1 =	sshrl.u32 s1, $0x2  }
0xc1: {  	s3 =	sand.u32 $0x4000, s31;
	s1 =	sadd.s32 s1, s30  }
0xc2: {  	s0 =	sor.u32 s3, s0;
	s1 =	sshll.u32 s1, $0x11  }
0xc3: {  	s0 =	sor.u32 s1, s0  }
0xc4: {  	s0 =	sadd.s32 $0x8F2B, s0  }
0xc5: {  	[sflag:s0] =	ssyncadd.remote.s32 $0x1  }
0xc6: {  	_ =	sfence.sel $0xFFFF  }
0xc7: {  	[dreg:$0x0] =	wrdreg $0xFFFFFFFF;
	(pc) =	sbr.abs _section_cstart, $3  }
0xc8: {  	[dreg:$0x1] =	wrdreg $0xFFFFFFFF  }
0xc9: {  	_ =	task.clear_ibuf [dreg:s8], $0x2FFFF;
	_ =	strace $0x9FFFFFFF  }
0xca: {  	(tm) =	ssettm $0x7FFFFFFF  }
0xcb: {  	_ =	shalt  }
tec
execute0_lowered:
.L_overlay_start_1:
0x0: {  	(tag) =	ssettag $0x1  }
0x1: {  	s0 =	srdreg.scid;
	s26 =	stileid.u32  }
0x2: {  	s3 =	rddreg [dreg:$0x0];
	s0 =	sand.u32 $0x1, s0;
	s2 =	smul.u32 $0x7400, s26  }
0x3: {  	s4 =	rddreg [dreg:$0x2];
	s1 =	smul.u32 $0x74000, s0  }
0x4: {  	s29 =	rddreg [dreg:$0x3];
	s10 =	sshll.u32 s26, $0x1  }
0x5: {  	p0 =	slt.u32 s26, $0x8;
	s5 =	ssub.s32 $0x2, s0;
	s1 =	sadd.s32 s2, s1  }
0x6: {  	s11 =	sshrl.u32 s5, $0x1;
	s2 =	sor.u32 s0, s10;
	s1 =	sshrl.u32 s1, $0x3  }
0x7: {  	s12 =	sshll.u32 s2, $0xB;
	s7 =	sor.u32 $0x60, s2;
	s8 =	sor.u32 $0x80, s2  }
0x8: {  	s10 =	sor.u32 $0xC0, s2;
	s20 =	sor.u32 $0x100, s2;
	s24 =	sor.u32 $0x180, s2  }
0x9: {  	s25 =	sor.u32 $0x160, s2;
	s0 =	sadd.s32 s1, s4;
	s4 =	sor.u32 $0x20, s2  }
0xa: {  	s1 =	ssub.s32 s5, s11;
	s5 =	sadd.s32 s3, s12;
	s15 =	sshll.u32 s7, $0xB  }
0xb: {  	s9 =	sshll.u32 s8, $0xB;
	s11 =	sor.u32 $0xE0, s2;
	s18 =	sshll.u32 s10, $0xB  }
0xc: {  	s21 =	sshll.u32 s20, $0xB;
	s7 =	sshll.u32 s7, $0x7;
	s8 =	sshll.u32 s8, $0x7  }
0xd: {  	s10 =	sshll.u32 s10, $0x7;
	s6 =	sshll.u32 s4, $0xB;
	[dreg:$0x5] =	wrdreg s5  }
0xe: {  	s5 =	sor.u32 $0x40, s2;
	s16 =	sadd.s32 s3, s9;
	s12 =	sshll.u32 s11, $0xB  }
0xf: {  	s4 =	sshll.u32 s4, $0x7;
	s7 =	sand.u32 $0x3C00, s7;
	s8 =	sand.u32 $0x4C00, s8  }
0x10: {  	s10 =	sand.u32 $0x6C00, s10;
	s11 =	sshll.u32 s11, $0x7;
	s13 =	sadd.s32 s3, s6  }
0x11: {  	s14 =	sshll.u32 s5, $0xB;
	[dreg:$0x9] =	wrdreg s16;
	s19 =	sadd.s32 s3, s12  }
0x12: {  	s12 =	sadd.s32 s3, s21;
	s16 =	sshll.u32 s24, $0xB;
	s5 =	sshll.u32 s5, $0x7  }
0x13: {  	s4 =	sand.u32 $0x1C00, s4;
	s11 =	sand.u32 $0x7C00, s11;
	[dreg:$0x6] =	wrdreg s13  }
0x14: {  	s6 =	sadd.s32 s3, s14;
	[dreg:$0xc] =	wrdreg s19;
	s13 =	sor.u32 $0x120, s2  }
0x15: {  	s14 =	sor.u32 $0x140, s2;
	[dreg:$0xd] =	wrdreg s12;
	s16 =	simm.s32 @!p0 $0x0  }
0x16: {  	s5 =	sand.u32 $0x2C00, s5;
	[dreg:$0x7] =	wrdreg s6;
	s6 =	sadd.s32 s3, s15  }
0x17: {  	s22 =	sshll.u32 s13, $0xB;
	s15 =	sshll.u32 s14, $0xB;
	s13 =	sshll.u32 s13, $0x7  }
0x18: {  	s14 =	sshll.u32 s14, $0x7;
	[dreg:$0x8] =	wrdreg s6;
	s6 =	sor.u32 $0xA0, s2  }
0x19: {  	s12 =	sadd.s32 s3, s22;
	s23 =	sadd.s32 s3, s15;
	s13 =	sand.u32 $0x9C00, s13  }
0x1a: {  	s15 =	sshll.u32 s25, $0x7;
	s14 =	sand.u32 $0xAC00, s14;
	[dreg:$0xe] =	wrdreg s12  }
0x1b: {  	s17 =	sshll.u32 s6, $0xB;
	[dreg:$0xf] =	wrdreg s23;
	s6 =	sshll.u32 s6, $0x7  }
0x1c: {  	s12 =	sshll.u32 s24, $0x7;
	s15 =	sand.u32 $0xBC00, s15;
	s9 =	sadd.s32 s3, s17  }
0x1d: {  	s17 =	sshll.u32 s2, $0x7;
	s6 =	sand.u32 $0x5C00, s6;
	s12 =	sand.u32 $0xCC00, s12  }
0x1e: {  	[dreg:$0xa] =	wrdreg s9;
	s9 =	sadd.s32 s3, s18;
	s18 =	sshll.u32 s25, $0xB  }
0x1f: {  	s2 =	sshll.u32 s2, $0x4;
	[dreg:$0xb] =	wrdreg s9;
	s18 =	sadd.s32 s3, s18  }
0x20: {  	s3 =	sadd.s32 s3, s16;
	s16 =	sand.u32 $0x380, s17;
	[dreg:$0x10] =	wrdreg s18  }
0x21: {  	s9 =	sshll.u32 s20, $0x7;
	[dreg:$0x11] =	wrdreg s3;
	s4 =	sor.u32 s16, s4  }
0x22: {  	s5 =	sor.u32 s16, s5;
	s7 =	sor.u32 s16, s7;
	s8 =	sor.u32 s16, s8  }
0x23: {  	s6 =	sor.u32 s16, s6;
	s10 =	sor.u32 s16, s10;
	s9 =	sand.u32 $0x8C00, s9  }
0x24: {  	s11 =	sor.u32 s16, s11;
	s13 =	sor.u32 s16, s13;
	s17 =	sor.u32 s16, s14  }
0x25: {  	s3 =	sor.u32 s16, s12;
	s12 =	rddreg [dreg:$0x1];
	s14 =	simm.s32 $0x0  }
0x26: {  	s15 =	sor.u32 s16, s15;
	s9 =	sor.u32 s16, s9;
	[smem:$0x7FF] =	sst s14  }
0x27: {  	s2 =	sadd.s32 s12, s2;
	s23 =	sshrl.u32 s4, $0x3;
	s24 =	sshrl.u32 s5, $0x3  }
0x28: {  	s25 =	sshrl.u32 s7, $0x3;
	s5 =	sshrl.u32 s8, $0x3;
	s6 =	sshrl.u32 s6, $0x3  }
0x29: {  	s7 =	sshrl.u32 s10, $0x3;
	s8 =	sshrl.u32 s11, $0x3;
	s11 =	sshrl.u32 s13, $0x3  }
0x2a: {  	s13 =	sshrl.u32 s17, $0x3;
	s15 =	sshrl.u32 s15, $0x3;
	s16 =	smul.u32 $0x1D000, s26  }
0x2b: {  	s17 =	sshrl.u32 s3, $0x3;
	s3 =	simm.s32 $0x7;
	s4 =	simm.s32 $0x4200  }
0x2c: {  	[dreg:$0x12] =	wrdreg s2;
	s2 =	sadd.s32 s12, s23;
	s18 =	sadd.s32 s12, s25  }
0x2d: {  	s19 =	sadd.s32 s12, s5;
	s20 =	sadd.s32 s12, s6;
	s21 =	sadd.s32 s12, s7  }
0x2e: {  	s22 =	sadd.s32 s12, s8;
	s10 =	sshrl.u32 s9, $0x3;
	s25 =	sadd.s32 s12, s13  }
0x2f: {  	s28 =	sadd.s32 s12, s15;
	s30 =	sadd.s32 s12, s17;
	s5 =	simm.s32 $0x80  }
0x30: {  	s6 =	simm.s32 $0x8200;
	s7 =	simm.s32 $0x100;
	s8 =	simm.s32 $0x1  }
0x31: {  	s9 =	simm.s32 $0x4;
	s13 =	simm.s32 $0x6;
	s15 =	simm.s32 $0x0  }
0x32: {  	[dreg:$0x13] =	wrdreg s2;
	s2 =	sadd.s32 s12, s24;
	s23 =	sadd.s32 s12, s10  }
0x33: {  	s24 =	sadd.s32 s12, s11;
	s26 =	sshrl.u32 s16, $0x2;
	s10 =	simm.s32 $0x2  }
0x34: {  	s11 =	simm.s32 $0x5;
	s12 =	simm.s32 $0x3;
	[dreg:$0x14] =	wrdreg s2  }
0x35: {  	s31 =	sadd.s32 s26, s29;
	s26 =	sadd.s32 $0x2400, s0;
	s0 =	smax.u32 s1, $0x1  }
0x36: {  	v0 =	vimm.f32 $0.0e+00;
	s2 =	simm.s32 $0x200;
	_ =	strace $0x80000047;
	s1 =	sadd.s32 $0x4000, s31  }
.LBB2_1:
0x37: {  	s16 =	simm.s32 $0x0;
	s17 =	simm.s32 $0x200  }
.LBB2_2:
0x38: {  	p0 =	sne.s32 s17, $0xFE00;
	[tilespmem:s16+$0x270] =	vst v0  }
0x39: {  	[tilespmem:s16+$0x200] =	vst v0  }
0x3a: {  	[tilespmem:s16+$0x210] =	vst v0  }
.Ltmp0:
0x3b: {  	[tilespmem:s16+$0x220] =	vst v0;
	(pc) =	sbr.rel @p0 .LBB2_2-.Ltmp0, $4  }
0x3c: {  	[tilespmem:s16+$0x230] =	vst v0  }
0x3d: {  	[tilespmem:s16+$0x240] =	vst v0  }
0x3e: {  	[tilespmem:s16+$0x250] =	vst v0  }
0x3f: {  	[tilespmem:s16+$0x260] =	vst v0;
	s16 =	sshra.s32 s17, $0x2;
	s17 =	sadd.s32 $0x200, s17  }
0x40: {  	[tilespmem:s16+$0x270] =	vst v0  }
0x41: {  	[tilespmem:s16+$0x200] =	vst v0  }
0x42: {  	[tilespmem:s16+$0x210] =	vst v0  }
0x43: {  	[tilespmem:s16+$0x220] =	vst v0  }
0x44: {  	[tilespmem:s16+$0x230] =	vst v0  }
0x45: {  	[tilespmem:s16+$0x240] =	vst v0  }
0x46: {  	[tilespmem:s16+$0x250] =	vst v0  }
0x47: {  	[tilespmem:s16+$0x260] =	vst v0  }
0x48: {  	[spmem:s31] =	stream.linear.scatter [tilespmem:s2], [sflag:$0x7], $0x4000, $0x38;
	[tilespmem:$0x13600] =	vst v63  }
0x49: {  	_ =	swait.ge [sflag:s3], $0x4000  }
0x4a: {  	[sflag:s3] =	ssyncset.done $0x0  }
0x4b: {  	[sflag:s3] =	ssyncadd.s32 $0xFFFFC000  }
0x4c: {  	[spmem:s1] =	stream.linear.scatter [tilespmem:s2], [sflag:$0x7], $0x3400, $0x38;
	[tilespmem:$0x13600] =	vst v63  }
0x4d: {  	_ =	swait.ge [sflag:s3], $0x3400  }
0x4e: {  	[sflag:s3] =	ssyncset.done $0x0  }
0x4f: {  	[sflag:s3] =	ssyncadd.s32 $0xFFFFCC00  }
0x50: {  	[bflag:$0x0] =	sbarrier.arrive $0xFFFF  }
0x51: {  	s17 =	rddreg [dreg:$0x5]  }
0x52: {  	[tilespmem:s2], [sflag:$0x1] =	stream.linear.gather [hbm4b:s17+s14], $0x4000, $0x38;
	[tilespmem:$0x13600] =	vst v63  }
0x53: {  	s17 =	rddreg [dreg:$0x12]  }
0x54: {  	[tilespmem:s14], [sflag:$0x4] =	stream.linear.gather [hbm4b:s17+s14], $0x80, $0x38;
	[tilespmem:$0x13600] =	vst v63  }
0x55: {  	s17 =	rddreg [dreg:$0x6]  }
0x56: {  	[tilespmem:s4], [sflag:$0x2] =	stream.linear.gather [hbm4b:s17+s14], $0x4000, $0x38;
	[tilespmem:$0x13600] =	vst v63  }
0x57: {  	s17 =	rddreg [dreg:$0x13]  }
0x58: {  	[tilespmem:s5], [sflag:$0x5] =	stream.linear.gather [hbm4b:s17+s14], $0x80, $0x38;
	[tilespmem:$0x13600] =	vst v63  }
0x59: {  	s17 =	rddreg [dreg:$0x7]  }
0x5a: {  	[tilespmem:s6], [sflag:$0x3] =	stream.linear.gather [hbm4b:s17+s14], $0x4000, $0x38;
	[tilespmem:$0x13600] =	vst v63  }
0x5b: {  	s17 =	rddreg [dreg:$0x14]  }
0x5c: {  	[tilespmem:s7], [sflag:$0x6] =	stream.linear.gather [hbm4b:s17+s14], $0x80, $0x38;
	[tilespmem:$0x13600] =	vst v63  }
0x5d: {  	_ =	swait.ge [sflag:s8], $0x4000  }
0x5e: {  	[sflag:s8] =	ssyncset.done $0x0  }
0x5f: {  	[sflag:s8] =	ssyncadd.s32 $0xFFFFC000  }
0x60: {  	_ =	swait.ge [sflag:s9], $0x80  }
0x61: {  	[sflag:s9] =	ssyncset.done $0x0  }
0x62: {  	[sflag:s9] =	ssyncadd.s32 $0xFFFFFF80  }
0x63: {  	[spmem:s29] =	stream.indirect.scatter.add.f32 [tilespmem:s2], [sflag:$0x7], $0x80, s14, s5, $0xb8;
	[tilespmem:$0x13600] =	vst v63  }
0x64: {  	_ =	swait.ge [sflag:s3], $0x4000  }
0x65: {  	[sflag:s3] =	ssyncset.done $0x0  }
0x66: {  	s17 =	rddreg [dreg:$0x8];
	[sflag:s3] =	ssyncadd.s32 $0xFFFFC000  }
0x67: {  	[tilespmem:s2], [sflag:$0x1] =	stream.linear.gather [hbm4b:s17+s14], $0x4000, $0x38;
	[tilespmem:$0x13600] =	vst v63  }
0x68: {  	_ = 	snop  }
0x69: {  	[tilespmem:s14], [sflag:$0x4] =	stream.linear.gather [hbm4b:s18+s14], $0x80, $0x38;
	[tilespmem:$0x13600] =	vst v63  }
0x6a: {  	_ =	swait.ge [sflag:s10], $0x4000  }
0x6b: {  	[sflag:s10] =	ssyncset.done $0x0  }
0x6c: {  	[sflag:s10] =	ssyncadd.s32 $0xFFFFC000  }
0x6d: {  	_ =	swait.ge [sflag:s11], $0x80  }
0x6e: {  	[sflag:s11] =	ssyncset.done $0x0  }
0x6f: {  	[sflag:s11] =	ssyncadd.s32 $0xFFFFFF80  }
0x70: {  	[spmem:s29] =	stream.indirect.scatter.add.f32 [tilespmem:s4], [sflag:$0x7], $0x80, s5, s5, $0xb8;
	[tilespmem:$0x13600] =	vst v63  }
0x71: {  	_ =	swait.ge [sflag:s3], $0x4000  }
0x72: {  	[sflag:s3] =	ssyncset.done $0x0  }
0x73: {  	s17 =	rddreg [dreg:$0x9];
	[sflag:s3] =	ssyncadd.s32 $0xFFFFC000  }
0x74: {  	[tilespmem:s4], [sflag:$0x2] =	stream.linear.gather [hbm4b:s17+s14], $0x4000, $0x38;
	[tilespmem:$0x13600] =	vst v63  }
0x75: {  	_ = 	snop  }
0x76: {  	[tilespmem:s5], [sflag:$0x5] =	stream.linear.gather [hbm4b:s19+s14], $0x80, $0x38;
	[tilespmem:$0x13600] =	vst v63  }
0x77: {  	_ =	swait.ge [sflag:s12], $0x4000  }
0x78: {  	[sflag:s12] =	ssyncset.done $0x0  }
0x79: {  	[sflag:s12] =	ssyncadd.s32 $0xFFFFC000  }
0x7a: {  	_ =	swait.ge [sflag:s13], $0x80  }
0x7b: {  	[sflag:s13] =	ssyncset.done $0x0  }
0x7c: {  	[sflag:s13] =	ssyncadd.s32 $0xFFFFFF80  }
0x7d: {  	[spmem:s29] =	stream.indirect.scatter.add.f32 [tilespmem:s6], [sflag:$0x7], $0x80, s7, s5, $0xb8;
	[tilespmem:$0x13600] =	vst v63  }
0x7e: {  	_ =	swait.ge [sflag:s3], $0x4000  }
0x7f: {  	[sflag:s3] =	ssyncset.done $0x0  }
0x80: {  	s17 =	rddreg [dreg:$0xa];
	[sflag:s3] =	ssyncadd.s32 $0xFFFFC000  }
0x81: {  	[tilespmem:s6], [sflag:$0x3] =	stream.linear.gather [hbm4b:s17+s14], $0x4000, $0x38;
	[tilespmem:$0x13600] =	vst v63  }
0x82: {  	_ = 	snop  }
0x83: {  	[tilespmem:s7], [sflag:$0x6] =	stream.linear.gather [hbm4b:s20+s14], $0x80, $0x38;
	[tilespmem:$0x13600] =	vst v63  }
0x84: {  	_ =	swait.ge [sflag:s8], $0x4000  }
0x85: {  	[sflag:s8] =	ssyncset.done $0x0  }
0x86: {  	[sflag:s8] =	ssyncadd.s32 $0xFFFFC000  }
0x87: {  	_ =	swait.ge [sflag:s9], $0x80  }
0x88: {  	[sflag:s9] =	ssyncset.done $0x0  }
0x89: {  	[sflag:s9] =	ssyncadd.s32 $0xFFFFFF80  }
0x8a: {  	[spmem:s29] =	stream.indirect.scatter.add.f32 [tilespmem:s2], [sflag:$0x7], $0x80, s14, s5, $0xb8;
	[tilespmem:$0x13600] =	vst v63  }
0x8b: {  	_ =	swait.ge [sflag:s3], $0x4000  }
0x8c: {  	[sflag:s3] =	ssyncset.done $0x0  }
0x8d: {  	s17 =	rddreg [dreg:$0xb];
	[sflag:s3] =	ssyncadd.s32 $0xFFFFC000  }
0x8e: {  	[tilespmem:s2], [sflag:$0x1] =	stream.linear.gather [hbm4b:s17+s14], $0x4000, $0x38;
	[tilespmem:$0x13600] =	vst v63  }
0x8f: {  	_ = 	snop  }
0x90: {  	[tilespmem:s14], [sflag:$0x4] =	stream.linear.gather [hbm4b:s21+s14], $0x80, $0x38;
	[tilespmem:$0x13600] =	vst v63  }
0x91: {  	_ =	swait.ge [sflag:s10], $0x4000  }
0x92: {  	[sflag:s10] =	ssyncset.done $0x0  }
0x93: {  	[sflag:s10] =	ssyncadd.s32 $0xFFFFC000  }
0x94: {  	_ =	swait.ge [sflag:s11], $0x80  }
0x95: {  	[sflag:s11] =	ssyncset.done $0x0  }
0x96: {  	[sflag:s11] =	ssyncadd.s32 $0xFFFFFF80  }
0x97: {  	[spmem:s29] =	stream.indirect.scatter.add.f32 [tilespmem:s4], [sflag:$0x7], $0x80, s5, s5, $0xb8;
	[tilespmem:$0x13600] =	vst v63  }
0x98: {  	_ =	swait.ge [sflag:s3], $0x4000  }
0x99: {  	[sflag:s3] =	ssyncset.done $0x0  }
0x9a: {  	s17 =	rddreg [dreg:$0xc];
	[sflag:s3] =	ssyncadd.s32 $0xFFFFC000  }
0x9b: {  	[tilespmem:s4], [sflag:$0x2] =	stream.linear.gather [hbm4b:s17+s14], $0x4000, $0x38;
	[tilespmem:$0x13600] =	vst v63  }
0x9c: {  	_ = 	snop  }
0x9d: {  	[tilespmem:s5], [sflag:$0x5] =	stream.linear.gather [hbm4b:s22+s14], $0x80, $0x38;
	[tilespmem:$0x13600] =	vst v63  }
0x9e: {  	_ =	swait.ge [sflag:s12], $0x4000  }
0x9f: {  	[sflag:s12] =	ssyncset.done $0x0  }
0xa0: {  	[sflag:s12] =	ssyncadd.s32 $0xFFFFC000  }
0xa1: {  	_ =	swait.ge [sflag:s13], $0x80  }
0xa2: {  	[sflag:s13] =	ssyncset.done $0x0  }
0xa3: {  	[sflag:s13] =	ssyncadd.s32 $0xFFFFFF80  }
0xa4: {  	[spmem:s29] =	stream.indirect.scatter.add.f32 [tilespmem:s6], [sflag:$0x7], $0x80, s7, s5, $0xb8;
	[tilespmem:$0x13600] =	vst v63  }
0xa5: {  	_ =	swait.ge [sflag:s3], $0x4000  }
0xa6: {  	[sflag:s3] =	ssyncset.done $0x0  }
0xa7: {  	s17 =	rddreg [dreg:$0xd];
	[sflag:s3] =	ssyncadd.s32 $0xFFFFC000  }
0xa8: {  	[tilespmem:s6], [sflag:$0x3] =	stream.linear.gather [hbm4b:s17+s14], $0x4000, $0x38;
	[tilespmem:$0x13600] =	vst v63  }
0xa9: {  	_ = 	snop  }
0xaa: {  	[tilespmem:s7], [sflag:$0x6] =	stream.linear.gather [hbm4b:s23+s14], $0x80, $0x38;
	[tilespmem:$0x13600] =	vst v63  }
0xab: {  	_ =	swait.ge [sflag:s8], $0x4000  }
0xac: {  	[sflag:s8] =	ssyncset.done $0x0  }
0xad: {  	[sflag:s8] =	ssyncadd.s32 $0xFFFFC000  }
0xae: {  	_ =	swait.ge [sflag:s9], $0x80  }
0xaf: {  	[sflag:s9] =	ssyncset.done $0x0  }
0xb0: {  	[sflag:s9] =	ssyncadd.s32 $0xFFFFFF80  }
0xb1: {  	[spmem:s29] =	stream.indirect.scatter.add.f32 [tilespmem:s2], [sflag:$0x7], $0x80, s14, s5, $0xb8;
	[tilespmem:$0x13600] =	vst v63  }
0xb2: {  	_ =	swait.ge [sflag:s3], $0x4000  }
0xb3: {  	[sflag:s3] =	ssyncset.done $0x0  }
0xb4: {  	s17 =	rddreg [dreg:$0xe];
	[sflag:s3] =	ssyncadd.s32 $0xFFFFC000  }
0xb5: {  	[tilespmem:s2], [sflag:$0x1] =	stream.linear.gather [hbm4b:s17+s14], $0x4000, $0x38;
	[tilespmem:$0x13600] =	vst v63  }
0xb6: {  	_ = 	snop  }
0xb7: {  	[tilespmem:s14], [sflag:$0x4] =	stream.linear.gather [hbm4b:s24+s14], $0x80, $0x38;
	[tilespmem:$0x13600] =	vst v63  }
0xb8: {  	_ =	swait.ge [sflag:s10], $0x4000  }
0xb9: {  	[sflag:s10] =	ssyncset.done $0x0  }
0xba: {  	[sflag:s10] =	ssyncadd.s32 $0xFFFFC000  }
0xbb: {  	_ =	swait.ge [sflag:s11], $0x80  }
0xbc: {  	[sflag:s11] =	ssyncset.done $0x0  }
0xbd: {  	[sflag:s11] =	ssyncadd.s32 $0xFFFFFF80  }
0xbe: {  	[spmem:s29] =	stream.indirect.scatter.add.f32 [tilespmem:s4], [sflag:$0x7], $0x80, s5, s5, $0xb8;
	[tilespmem:$0x13600] =	vst v63  }
0xbf: {  	_ =	swait.ge [sflag:s3], $0x4000  }
0xc0: {  	[sflag:s3] =	ssyncset.done $0x0  }
0xc1: {  	s17 =	rddreg [dreg:$0xf];
	[sflag:s3] =	ssyncadd.s32 $0xFFFFC000  }
0xc2: {  	[tilespmem:s4], [sflag:$0x2] =	stream.linear.gather [hbm4b:s17+s14], $0x4000, $0x38;
	[tilespmem:$0x13600] =	vst v63  }
0xc3: {  	_ = 	snop  }
0xc4: {  	[tilespmem:s5], [sflag:$0x5] =	stream.linear.gather [hbm4b:s25+s14], $0x80, $0x38;
	[tilespmem:$0x13600] =	vst v63  }
0xc5: {  	_ =	swait.ge [sflag:s12], $0x4000  }
0xc6: {  	[sflag:s12] =	ssyncset.done $0x0  }
0xc7: {  	[sflag:s12] =	ssyncadd.s32 $0xFFFFC000  }
0xc8: {  	_ =	swait.ge [sflag:s13], $0x80  }
0xc9: {  	[sflag:s13] =	ssyncset.done $0x0  }
0xca: {  	[sflag:s13] =	ssyncadd.s32 $0xFFFFFF80  }
0xcb: {  	[spmem:s29] =	stream.indirect.scatter.add.f32 [tilespmem:s6], [sflag:$0x7], $0x80, s7, s5, $0xb8;
	[tilespmem:$0x13600] =	vst v63  }
0xcc: {  	_ =	swait.ge [sflag:s3], $0x4000  }
0xcd: {  	[sflag:s3] =	ssyncset.done $0x0  }
0xce: {  	s17 =	rddreg [dreg:$0x10];
	[sflag:s3] =	ssyncadd.s32 $0xFFFFC000  }
0xcf: {  	[tilespmem:s6], [sflag:$0x3] =	stream.linear.gather [hbm4b:s17+s14], $0x4000, $0x38;
	[tilespmem:$0x13600] =	vst v63  }
0xd0: {  	_ = 	snop  }
0xd1: {  	[tilespmem:s7], [sflag:$0x6] =	stream.linear.gather [hbm4b:s28+s14], $0x80, $0x38;
	[tilespmem:$0x13600] =	vst v63  }
0xd2: {  	_ =	swait.ge [sflag:s8], $0x4000  }
0xd3: {  	[sflag:s8] =	ssyncset.done $0x0  }
0xd4: {  	[sflag:s8] =	ssyncadd.s32 $0xFFFFC000  }
0xd5: {  	_ =	swait.ge [sflag:s9], $0x80  }
0xd6: {  	[sflag:s9] =	ssyncset.done $0x0  }
0xd7: {  	[sflag:s9] =	ssyncadd.s32 $0xFFFFFF80  }
0xd8: {  	[spmem:s29] =	stream.indirect.scatter.add.f32 [tilespmem:s2], [sflag:$0x7], $0x80, s14, s5, $0xb8;
	[tilespmem:$0x13600] =	vst v63  }
0xd9: {  	_ =	swait.ge [sflag:s3], $0x4000  }
0xda: {  	[sflag:s3] =	ssyncset.done $0x0  }
0xdb: {  	s17 =	rddreg [dreg:$0x11];
	[sflag:s3] =	ssyncadd.s32 $0xFFFFC000  }
0xdc: {  	[tilespmem:s2], [sflag:$0x1] =	stream.linear.gather [hbm4b:s17+s14], $0x4000, $0x38;
	[tilespmem:$0x13600] =	vst v63  }
0xdd: {  	_ = 	snop  }
0xde: {  	[tilespmem:s14], [sflag:$0x4] =	stream.linear.gather [hbm4b:s30+s14], $0x80, $0x38;
	[tilespmem:$0x13600] =	vst v63  }
0xdf: {  	_ =	swait.ge [sflag:s10], $0x4000  }
0xe0: {  	[sflag:s10] =	ssyncset.done $0x0  }
0xe1: {  	[sflag:s10] =	ssyncadd.s32 $0xFFFFC000  }
0xe2: {  	_ =	swait.ge [sflag:s11], $0x80  }
0xe3: {  	[sflag:s11] =	ssyncset.done $0x0  }
0xe4: {  	[sflag:s11] =	ssyncadd.s32 $0xFFFFFF80  }
0xe5: {  	[spmem:s29] =	stream.indirect.scatter.add.f32 [tilespmem:s4], [sflag:$0x7], $0x80, s5, s5, $0xb8;
	[tilespmem:$0x13600] =	vst v63  }
0xe6: {  	_ =	swait.ge [sflag:s3], $0x4000  }
0xe7: {  	[sflag:s3] =	ssyncset.done $0x0  }
0xe8: {  	[sflag:s3] =	ssyncadd.s32 $0xFFFFC000  }
0xe9: {  	_ =	swait.ge [sflag:s12], $0x4000  }
0xea: {  	[sflag:s12] =	ssyncset.done $0x0  }
0xeb: {  	[sflag:s12] =	ssyncadd.s32 $0xFFFFC000  }
0xec: {  	_ =	swait.ge [sflag:s13], $0x80  }
0xed: {  	[sflag:s13] =	ssyncset.done $0x0  }
0xee: {  	[sflag:s13] =	ssyncadd.s32 $0xFFFFFF80  }
0xef: {  	[spmem:s29] =	stream.indirect.scatter.add.f32 [tilespmem:s6], [sflag:$0x7], $0x80, s7, s5, $0xb8;
	[tilespmem:$0x13600] =	vst v63  }
0xf0: {  	_ =	swait.ge [sflag:s3], $0x4000  }
0xf1: {  	[sflag:s3] =	ssyncset.done $0x0  }
0xf2: {  	[sflag:s3] =	ssyncadd.s32 $0xFFFFC000  }
0xf3: {  	_ =	swait.ge [sflag:s8], $0x4000  }
0xf4: {  	[sflag:s8] =	ssyncset.done $0x0  }
0xf5: {  	[sflag:s8] =	ssyncadd.s32 $0xFFFFC000  }
0xf6: {  	_ =	swait.ge [sflag:s9], $0x80  }
0xf7: {  	[sflag:s9] =	ssyncset.done $0x0  }
0xf8: {  	[sflag:s9] =	ssyncadd.s32 $0xFFFFFF80  }
0xf9: {  	[spmem:s29] =	stream.indirect.scatter.add.f32 [tilespmem:s2], [sflag:$0x7], $0x80, s14, s5, $0xb8;
	[tilespmem:$0x13600] =	vst v63  }
0xfa: {  	s15 =	sadd.s32 $0x1, s15;
	_ =	swait.ge [sflag:s3], $0x4000  }
0xfb: {  	p0 =	sne.s32 s15, s0;
	s17 =	stileid.u32;
	[sflag:s3] =	ssyncset.done $0x0  }
0xfc: {  	s16 =	sshll.u32 s17, $0x6;
	s17 =	sshrl.u32 s31, $0x3;
	[sflag:s3] =	ssyncadd.s32 $0xFFFFC000  }
.Ltmp1:
0xfd: {  	s16 =	sor.u32 $0x1C07, s16;
	[bflag:$0x0] =	sbarrier.arrive $0xFFFF;
	(pc) =	sbr.rel @p0 .LBB2_1-.Ltmp1, $4  }
0xfe: {  	[hbm:s26], [sflag:s16] =	dma.local [spmem:s17], $0xE80  }
0xff: {  	_ =	swait.ge [sflag:s3], $0xE80  }
0x100: {  	[sflag:s3] =	ssyncset.done $0x0  }
0x101: {  	[sflag:s3] =	ssyncadd.s32 $0xFFFFF180  }
0x102: {  	_ =	sfence.sel $0x180000  }
0x103: {  	[bflag:$0x0] =	sbarrier.arrive $0xFFFF  }
0x104: {  	_ =	strace $0x90000047  }
0x105: {  	s0 =	stileid.u32;
	[bflag:$0x2] =	sbarrier.arrive $0xFFFF  }
0x106: {  	p0 =	sne.s32 s0, $0x0;
	s0 =	rddreg [dreg:$0x4]  }
0x107: {  	s0 =	sadd.s32 @!p0 $0x100000, s0  }
0x108: {  	[sflag:s0] =	ssyncadd.tile.s32 @!p0 $0x1;
	_ =	shalt  }
.Lfunc_end2:
_tile_overlayer_lowered:
.L_overlay_start_2:
0x109: {  	(tag) =	ssettag $0x2  }
0x10a: {  	s0 =	rddreg [dreg:$0x0];
	s2 =	stileid.u32  }
0x10b: {  	s1 =	rddreg [dreg:$0x1];
	p0 =	sne.s32 s2, $0x0  }
0x10c: {  	s3 =	rddreg [dreg:$0x2];
	[bflag:$0x3] =	sbarrier.arrive $0xFFFF;
	s2 =	simm.s32 @!p0 $0x1C07  }
0x10d: {  	[timem:s3], [sflag:s2] =	dma.local @!p0 [hbm:s0], s1  }
0x10e: {  	s0 =	simm.s32 @!p0 $0x7  }
0x10f: {  	_ =	swait.ge @!p0 [sflag:s0], s1  }
0x110: {  	s1 =	ssub.s32 @!p0 $0x0, s1;
	[sflag:s0] =	ssyncset.done @!p0 $0x0  }
0x111: {  	[sflag:s0] =	ssyncadd.s32 @!p0 s1  }
0x112: {  	[bflag:$0x3] =	sbarrier.arrive $0xFFFF  }
0x113: {  	_ =	shalt  }

</sc_bundles>
